<compile_context>
chip_gen: v7x
topology: tpu7x:2x2x1
jax: 0.10.2.dev20260603
libtpu: 0.0.44.dev20260713+nightly
codegen_flags: <defaults>
</compile_context>

<pallas_src>
import functools

import jax
import jax.numpy as jnp
import ml_dtypes
import numpy as np
from jax import lax
from jax.experimental import pallas as pl
from jax.experimental.pallas import tpu as pltpu
from jax.experimental.pallas import tpu_sc as plsc

NC = 2
NS = 16
LANES = 16
NBUF = 3


def _pe_words(seq_len, d):
    pos = np.arange(seq_len, dtype=np.float32)[:, None]
    i = np.arange(0, d, 2, dtype=np.float32)
    div_term = np.exp(-np.log(10000.0) * i / d)
    angles = pos * div_term[None, :]
    pe = np.zeros((seq_len, d), dtype=np.float32)
    pe[:, 0::2] = np.sin(angles)
    pe[:, 1::2] = np.cos(angles)
    bits = pe.astype(ml_dtypes.bfloat16).view(np.uint16)
    bits = bits.astype(np.uint32).reshape(seq_len, d // 32, 2, 16)
    words = bits[:, :, 0, :] | (bits[:, :, 1, :] << 16)
    return words.astype(np.int32).reshape(-1)


def _sc_embed(tok_flat, seg_flat, word_embeddings, pe_words, seg_emb, seq_len):
    n = tok_flat.shape[0]
    d = word_embeddings.shape[1]
    nw = NC * NS
    rows_per_w = n // nw
    ch = 200
    n_chunks = rows_per_w // ch
    n_rounds, n_tail = divmod(n_chunks, NBUF)
    assert rows_per_w % ch == 0 and ch % 8 == 0 and n_chunks >= NBUF

    mesh = plsc.VectorSubcoreMesh(
        core_axis_name="c", subcore_axis_name="s",
        num_cores=NC, num_subcores=NS)

    @functools.partial(
        pl.kernel,
        out_type=jax.ShapeDtypeStruct((n, d), jnp.float32),
        mesh=mesh,
        compiler_params=pltpu.CompilerParams(needs_layout_passes=False),
        scratch_types=[
            pltpu.VMEM((rows_per_w,), jnp.int32),
            pltpu.VMEM((rows_per_w + LANES,), jnp.int32),
            pltpu.VMEM((seq_len * d // 2,), jnp.int32),
            pltpu.VMEM(seg_emb.shape, jnp.float32),
            [pltpu.VMEM((ch, d), jnp.float32) for _ in range(NBUF)],
            [pltpu.SemaphoreType.DMA for _ in range(NBUF)],
            [pltpu.SemaphoreType.DMA for _ in range(NBUF)],
        ],
    )
    def k(tok_hbm, seg_hbm, wtab_hbm, pe_hbm, segemb_hbm, out_hbm,
          tokb, segb, pel, segl, bufs, gsems, wsems):
        wid = lax.axis_index("s") * NC + lax.axis_index("c")
        base = wid * rows_per_w

        def start_gather(b, c):
            pltpu.async_copy(
                wtab_hbm.at[tokb.at[pl.ds(c * ch, ch)]], bufs[b], gsems[b])

        def wait_gather(b):
            pltpu.make_async_copy(
                wtab_hbm.at[pl.ds(0, ch)], bufs[b], gsems[b]).wait()

        def start_write(b, c):
            pltpu.async_copy(
                bufs[b], out_hbm.at[pl.ds(base + c * ch, ch)], wsems[b])

        def wait_write(b):
            pltpu.make_async_copy(
                bufs[b], out_hbm.at[pl.ds(base, ch)], wsems[b]).wait()

        pltpu.sync_copy(tok_hbm.at[pl.ds(base, rows_per_w)], tokb)
        for b in range(NBUF):
            start_gather(b, b)

        pltpu.sync_copy(seg_hbm.at[pl.ds(base, rows_per_w)],
                        segb.at[pl.ds(0, rows_per_w)])
        pltpu.sync_copy(pe_hbm, pel)
        pltpu.sync_copy(segemb_hbm, segl)
        ev = [[segl[t, pl.ds(j * LANES, LANES)] for j in range(d // LANES)]
              for t in range(seg_emb.shape[0])]

        def add_pe_seg(b, c):
            buf = bufs[b]

            @plsc.parallel_loop(0, ch, unroll=8)
            def _(row):
                flat = c * ch + row
                seg_s = segb[pl.ds(flat, LANES)][0]
                poff = lax.rem(flat, seq_len) * (d // 2)
                is1 = seg_s == 1
                for jj in range(d // (2 * LANES)):
                    w = pel[pl.ds(poff + jj * LANES, LANES)]
                    av = plsc.bitcast(w << 16, jnp.float32)
                    bv = plsc.bitcast(w & jnp.int32(-65536), jnp.float32)
                    sa = jnp.where(is1, ev[1][2 * jj], ev[0][2 * jj])
                    sb = jnp.where(is1, ev[1][2 * jj + 1], ev[0][2 * jj + 1])
                    plsc.addupdate(
                        buf.at[row, pl.ds(jj * 2 * LANES, LANES)], av + sa)
                    plsc.addupdate(
                        buf.at[row, pl.ds(jj * 2 * LANES + LANES, LANES)],
                        bv + sb)

        def process(cc, b):
            prev = (b - 1) % NBUF

            def refill():
                wait_write(prev)
                start_gather(prev, cc + NBUF - 1)

            if isinstance(cc, int):
                if 1 <= cc and cc + NBUF - 1 < n_chunks:
                    refill()
            else:
                pl.when(jnp.logical_and(cc >= 1, cc + NBUF - 1 < n_chunks))(refill)

            wait_gather(b)
            add_pe_seg(b, cc)
            start_write(b, cc)

        def round_body(rr, cc):
            for b in range(NBUF):
                process(rr * NBUF + b, b)
            return cc

        lax.fori_loop(0, n_rounds, round_body, 0)
        for t in range(n_tail):
            process(n_rounds * NBUF + t, t)

        for b in range(NBUF):
            wait_write(b)

    return k(tok_flat, seg_flat, word_embeddings, pe_words, seg_emb)


def kernel(input_tokens, input_seg, word_embeddings, segment_embeddings):
    b, s = input_tokens.shape
    pe_words = jnp.asarray(_pe_words(s, word_embeddings.shape[1]))
    tok_flat = input_tokens.reshape(-1).astype(jnp.int32)
    seg_flat = input_seg.reshape(-1).astype(jnp.int32)
    out = _sc_embed(tok_flat, seg_flat, word_embeddings, pe_words,
                    segment_embeddings, s)
    return out.reshape(b, s, word_embeddings.shape[1])

# --- scband reference (transcript-rebuilt; emitter-appended) ---
"""Pipeline reference for scband-bert-embeddings-13769665151255 (READ-ONLY COPY).

The authoritative reference and input builder live on the scoring server;
editing this copy changes nothing except your own understanding.
"""

import jax, jax.numpy as jnp
import numpy as np

VOCAB_SIZE = 100000
HIDDEN_SIZE = 128
BATCH = 1024
SEQ_LEN = 200


def sinusoidal_pe(seq_len, d_model):
    pos = jnp.arange(seq_len, dtype=jnp.float32)[:, None]
    i = jnp.arange(0, d_model, 2, dtype=jnp.float32)
    div_term = jnp.exp(-jnp.log(10000.0) * i / d_model)
    angles = pos * div_term[None, :]
    pe = jnp.zeros((seq_len, d_model), dtype=jnp.float32)
    pe = pe.at[:, 0::2].set(jnp.sin(angles))
    pe = pe.at[:, 1::2].set(jnp.cos(angles))
    return pe


def setup_inputs(seed: int = 0) -> dict:
    key = jax.random.key(seed)
    k_tok, k_seg, k_we, k_se = jax.random.split(key, 4)
    input_tokens = jax.random.randint(k_tok, (BATCH, SEQ_LEN), 0, VOCAB_SIZE, dtype=jnp.int64 if jax.config.jax_enable_x64 else jnp.int32)
    input_seg = jax.random.randint(k_seg, (BATCH, SEQ_LEN), 0, 2, dtype=jnp.int64 if jax.config.jax_enable_x64 else jnp.int32)
    word_embeddings = jax.random.normal(k_we, (VOCAB_SIZE, HIDDEN_SIZE), dtype=jnp.float32) * 0.02
    segment_embeddings = jax.random.normal(k_se, (2, HIDDEN_SIZE), dtype=jnp.float32) * 0.02
    return {
        "input_tokens": input_tokens,
        "input_seg": input_seg,
        "word_embeddings": word_embeddings,
        "segment_embeddings": segment_embeddings,
    }


def reference(input_tokens, input_seg, word_embeddings, segment_embeddings):
    # word embedding lookup (gather)
    word_vec = jnp.take(word_embeddings, input_tokens, axis=0)
    # sinusoidal positional embedding, derived from token positions
    seq_len = input_tokens.shape[1]
    pe = sinusoidal_pe(seq_len, word_embeddings.shape[1])  # [S, D]
    position_vec = pe[None, :, :]  # broadcast over batch
    # segment embedding lookup (gather)
    seg_vec = jnp.take(segment_embeddings, input_seg, axis=0)
    output_vec = word_vec + position_vec + seg_vec
    # dropout is identity in eval / deterministic reference
    return output_vec

if __name__ == "__main__":
    import jax
    _d = setup_inputs()
    print(jax.jit(kernel)(*tuple(_d.values())))

</pallas_src>

<mosaic_0001>
#map = affine_map<(d0, d1) -> (0)>
#map1 = affine_map<(d0, d1) -> (0, 0)>
module attributes {stable_mosaic.version = 14 : i64} {
  func.func @k(%arg0: i32, %arg1: i32, %arg2: memref<204800xi32, #tpu.memory_space<hbm>>, %arg3: memref<204800xi32, #tpu.memory_space<hbm>>, %arg4: memref<100000x128xf32, #tpu.memory_space<hbm>>, %arg5: memref<12800xi32, #tpu.memory_space<hbm>>, %arg6: memref<2x128xf32, #tpu.memory_space<hbm>>, %arg7: memref<204800x128xf32, #tpu.memory_space<hbm>>, %arg8: memref<6400xi32, #tpu.memory_space<vmem>>, %arg9: memref<6416xi32, #tpu.memory_space<vmem>>, %arg10: memref<12800xi32, #tpu.memory_space<vmem>>, %arg11: memref<2x128xf32, #tpu.memory_space<vmem>>, %arg12: memref<200x128xf32, #tpu.memory_space<vmem>>, %arg13: memref<200x128xf32, #tpu.memory_space<vmem>>, %arg14: memref<200x128xf32, #tpu.memory_space<vmem>>, %arg15: memref<!tpu.dma_semaphore, #tpu.memory_space<semaphore_mem>>, %arg16: memref<!tpu.dma_semaphore, #tpu.memory_space<semaphore_mem>>, %arg17: memref<!tpu.dma_semaphore, #tpu.memory_space<semaphore_mem>>, %arg18: memref<!tpu.dma_semaphore, #tpu.memory_space<semaphore_mem>>, %arg19: memref<!tpu.dma_semaphore, #tpu.memory_space<semaphore_mem>>, %arg20: memref<!tpu.dma_semaphore, #tpu.memory_space<semaphore_mem>>) attributes {dimension_semantics = [#tpu.dimension_semantics<core_parallel>, #tpu.dimension_semantics<subcore_parallel>], iteration_bounds = array<i64: 2, 16>, scalar_prefetch = 0 : i64, scratch_operands = 13 : i64, tpu.core_type = #tpu.core_type<sc_vector_subcore>, window_params = [{transform_indices = #map}, {transform_indices = #map}, {transform_indices = #map1}, {transform_indices = #map}, {transform_indices = #map1}, {transform_indices = #map1}]} {
    %mul3A = arith.constant 2 : i32
    %mul3A_0 = arith.muli %arg1, %mul3A : i32
    %add3A = arith.addi %mul3A_0, %arg0 : i32
    %mul3A_1 = arith.constant 6400 : i32
    %mul3A_2 = arith.muli %add3A, %mul3A_1 : i32
    "tpu.region"() ({
      %run_scoped3A = tpu.sem_alloc : memref<!tpu.dma_semaphore, #tpu.memory_space<semaphore_mem>>
      %dma_start3A_125 = tpu.memref_slice %arg2[%mul3A_2] : memref<204800xi32, #tpu.memory_space<hbm>> -> memref<6400xi32, #tpu.memory_space<hbm>>
      %dma_start3A_126 = tpu.memref_slice %arg2[%mul3A_2] : memref<204800xi32, #tpu.memory_space<hbm>> -> memref<6400xi32, #tpu.memory_space<hbm>>
      tpu.enqueue_dma source(%dma_start3A_126 : memref<6400xi32, #tpu.memory_space<hbm>>) target(%arg8 : memref<6400xi32, #tpu.memory_space<vmem>>) target_semaphore(%run_scoped3A : memref<!tpu.dma_semaphore, #tpu.memory_space<semaphore_mem>>)
      %dma_wait3A_127 = tpu.memref_slice %arg2[%mul3A_2] : memref<204800xi32, #tpu.memory_space<hbm>> -> memref<6400xi32, #tpu.memory_space<hbm>>
      %dma_wait3A_128 = tpu.memref_slice %arg2[%mul3A_2] : memref<204800xi32, #tpu.memory_space<hbm>> -> memref<6400xi32, #tpu.memory_space<hbm>>
      tpu.wait_dma2 semaphore(%run_scoped3A : memref<!tpu.dma_semaphore, #tpu.memory_space<semaphore_mem>>) src(%dma_wait3A_128 : memref<6400xi32, #tpu.memory_space<hbm>>) dst(%arg8 : memref<6400xi32, #tpu.memory_space<vmem>>)
      tpu.yield
    }) : () -> ()
    %dma_start3A = arith.constant 0 : i32
    %dma_start3A_3 = tpu.memref_slice %arg8[%dma_start3A] : memref<6400xi32, #tpu.memory_space<vmem>> -> memref<200xi32, #tpu.memory_space<vmem>>
    %dma_start3A_4 = arith.constant 0 : i32
    %dma_start3A_5 = arith.constant 0 : i32
    %dma_start3A_6 = tpu.memref_slice %arg4[%dma_start3A_4, %dma_start3A_5] : memref<100000x128xf32, #tpu.memory_space<hbm>> -> memref<100000x128xf32, #tpu.memory_space<hbm>>
    tpu.enqueue_indirect_dma source(%dma_start3A_6 : memref<100000x128xf32, #tpu.memory_space<hbm>>) target(%arg12 : memref<200x128xf32, #tpu.memory_space<vmem>>) offsets(%dma_start3A_3 : memref<200xi32, #tpu.memory_space<vmem>>) semaphore(%arg15 : memref<!tpu.dma_semaphore, #tpu.memory_space<semaphore_mem>>)
    %dma_start3A_7 = arith.constant 200 : i32
    %dma_start3A_8 = tpu.memref_slice %arg8[%dma_start3A_7] : memref<6400xi32, #tpu.memory_space<vmem>> -> memref<200xi32, #tpu.memory_space<vmem>>
    %dma_start3A_9 = arith.constant 0 : i32
    %dma_start3A_10 = arith.constant 0 : i32
    %dma_start3A_11 = tpu.memref_slice %arg4[%dma_start3A_9, %dma_start3A_10] : memref<100000x128xf32, #tpu.memory_space<hbm>> -> memref<100000x128xf32, #tpu.memory_space<hbm>>
    tpu.enqueue_indirect_dma source(%dma_start3A_11 : memref<100000x128xf32, #tpu.memory_space<hbm>>) target(%arg13 : memref<200x128xf32, #tpu.memory_space<vmem>>) offsets(%dma_start3A_8 : memref<200xi32, #tpu.memory_space<vmem>>) semaphore(%arg16 : memref<!tpu.dma_semaphore, #tpu.memory_space<semaphore_mem>>)
    %dma_start3A_12 = arith.constant 400 : i32
    %dma_start3A_13 = tpu.memref_slice %arg8[%dma_start3A_12] : memref<6400xi32, #tpu.memory_space<vmem>> -> memref<200xi32, #tpu.memory_space<vmem>>
    %dma_start3A_14 = arith.constant 0 : i32
    %dma_start3A_15 = arith.constant 0 : i32
    %dma_start3A_16 = tpu.memref_slice %arg4[%dma_start3A_14, %dma_start3A_15] : memref<100000x128xf32, #tpu.memory_space<hbm>> -> memref<100000x128xf32, #tpu.memory_space<hbm>>
    tpu.enqueue_indirect_dma source(%dma_start3A_16 : memref<100000x128xf32, #tpu.memory_space<hbm>>) target(%arg14 : memref<200x128xf32, #tpu.memory_space<vmem>>) offsets(%dma_start3A_13 : memref<200xi32, #tpu.memory_space<vmem>>) semaphore(%arg17 : memref<!tpu.dma_semaphore, #tpu.memory_space<semaphore_mem>>)
    "tpu.region"() ({
      %run_scoped3A = tpu.sem_alloc : memref<!tpu.dma_semaphore, #tpu.memory_space<semaphore_mem>>
      %dma_start3A_125 = arith.constant 0 : i32
      %dma_start3A_126 = tpu.memref_slice %arg9[%dma_start3A_125] : memref<6416xi32, #tpu.memory_space<vmem>> -> memref<6400xi32, #tpu.memory_space<vmem>>
      %dma_start3A_127 = tpu.memref_slice %arg3[%mul3A_2] : memref<204800xi32, #tpu.memory_space<hbm>> -> memref<6400xi32, #tpu.memory_space<hbm>>
      %dma_start3A_128 = arith.constant 0 : i32
      %dma_start3A_129 = tpu.memref_slice %arg9[%dma_start3A_128] : memref<6416xi32, #tpu.memory_space<vmem>> -> memref<6400xi32, #tpu.memory_space<vmem>>
      %dma_start3A_130 = tpu.memref_slice %arg3[%mul3A_2] : memref<204800xi32, #tpu.memory_space<hbm>> -> memref<6400xi32, #tpu.memory_space<hbm>>
      tpu.enqueue_dma source(%dma_start3A_130 : memref<6400xi32, #tpu.memory_space<hbm>>) target(%dma_start3A_129 : memref<6400xi32, #tpu.memory_space<vmem>>) target_semaphore(%run_scoped3A : memref<!tpu.dma_semaphore, #tpu.memory_space<semaphore_mem>>)
      %dma_wait3A_131 = arith.constant 0 : i32
      %dma_wait3A_132 = tpu.memref_slice %arg9[%dma_wait3A_131] : memref<6416xi32, #tpu.memory_space<vmem>> -> memref<6400xi32, #tpu.memory_space<vmem>>
      %dma_wait3A_133 = tpu.memref_slice %arg3[%mul3A_2] : memref<204800xi32, #tpu.memory_space<hbm>> -> memref<6400xi32, #tpu.memory_space<hbm>>
      %dma_wait3A_134 = arith.constant 0 : i32
      %dma_wait3A_135 = tpu.memref_slice %arg9[%dma_wait3A_134] : memref<6416xi32, #tpu.memory_space<vmem>> -> memref<6400xi32, #tpu.memory_space<vmem>>
      %dma_wait3A_136 = tpu.memref_slice %arg3[%mul3A_2] : memref<204800xi32, #tpu.memory_space<hbm>> -> memref<6400xi32, #tpu.memory_space<hbm>>
      tpu.wait_dma2 semaphore(%run_scoped3A : memref<!tpu.dma_semaphore, #tpu.memory_space<semaphore_mem>>) src(%dma_wait3A_136 : memref<6400xi32, #tpu.memory_space<hbm>>) dst(%dma_wait3A_135 : memref<6400xi32, #tpu.memory_space<vmem>>)
      tpu.yield
    }) : () -> ()
    "tpu.region"() ({
      %run_scoped3A = tpu.sem_alloc : memref<!tpu.dma_semaphore, #tpu.memory_space<semaphore_mem>>
      tpu.enqueue_dma source(%arg5 : memref<12800xi32, #tpu.memory_space<hbm>>) target(%arg10 : memref<12800xi32, #tpu.memory_space<vmem>>) target_semaphore(%run_scoped3A : memref<!tpu.dma_semaphore, #tpu.memory_space<semaphore_mem>>)
      tpu.wait_dma2 semaphore(%run_scoped3A : memref<!tpu.dma_semaphore, #tpu.memory_space<semaphore_mem>>) src(%arg5 : memref<12800xi32, #tpu.memory_space<hbm>>) dst(%arg10 : memref<12800xi32, #tpu.memory_space<vmem>>)
      tpu.yield
    }) : () -> ()
    "tpu.region"() ({
      %run_scoped3A = tpu.sem_alloc : memref<!tpu.dma_semaphore, #tpu.memory_space<semaphore_mem>>
      tpu.enqueue_dma source(%arg6 : memref<2x128xf32, #tpu.memory_space<hbm>>) target(%arg11 : memref<2x128xf32, #tpu.memory_space<vmem>>) target_semaphore(%run_scoped3A : memref<!tpu.dma_semaphore, #tpu.memory_space<semaphore_mem>>)
      tpu.wait_dma2 semaphore(%run_scoped3A : memref<!tpu.dma_semaphore, #tpu.memory_space<semaphore_mem>>) src(%arg6 : memref<2x128xf32, #tpu.memory_space<hbm>>) dst(%arg11 : memref<2x128xf32, #tpu.memory_space<vmem>>)
      tpu.yield
    }) : () -> ()
    %get3A = arith.constant 0 : i32
    %get3A_17 = arith.index_cast %get3A : i32 to index
    %get3A_18 = arith.constant 0 : index
    %get3A_19 = tpu.vector_load %arg11[%get3A_17, %get3A_18] {strides = array<i32>} : memref<2x128xf32, #tpu.memory_space<vmem>>, vector<16xf32>,
    %get3A_20 = arith.constant 0 : i32
    %get3A_21 = arith.index_cast %get3A_20 : i32 to index
    %get3A_22 = arith.constant 16 : index
    %get3A_23 = tpu.vector_load %arg11[%get3A_21, %get3A_22] {strides = array<i32>} : memref<2x128xf32, #tpu.memory_space<vmem>>, vector<16xf32>,
    %get3A_24 = arith.constant 0 : i32
    %get3A_25 = arith.index_cast %get3A_24 : i32 to index
    %get3A_26 = arith.constant 32 : index
    %get3A_27 = tpu.vector_load %arg11[%get3A_25, %get3A_26] {strides = array<i32>} : memref<2x128xf32, #tpu.memory_space<vmem>>, vector<16xf32>,
    %get3A_28 = arith.constant 0 : i32
    %get3A_29 = arith.index_cast %get3A_28 : i32 to index
    %get3A_30 = arith.constant 48 : index
    %get3A_31 = tpu.vector_load %arg11[%get3A_29, %get3A_30] {strides = array<i32>} : memref<2x128xf32, #tpu.memory_space<vmem>>, vector<16xf32>,
    %get3A_32 = arith.constant 0 : i32
    %get3A_33 = arith.index_cast %get3A_32 : i32 to index
    %get3A_34 = arith.constant 64 : index
    %get3A_35 = tpu.vector_load %arg11[%get3A_33, %get3A_34] {strides = array<i32>} : memref<2x128xf32, #tpu.memory_space<vmem>>, vector<16xf32>,
    %get3A_36 = arith.constant 0 : i32
    %get3A_37 = arith.index_cast %get3A_36 : i32 to index
    %get3A_38 = arith.constant 80 : index
    %get3A_39 = tpu.vector_load %arg11[%get3A_37, %get3A_38] {strides = array<i32>} : memref<2x128xf32, #tpu.memory_space<vmem>>, vector<16xf32>,
    %get3A_40 = arith.constant 0 : i32
    %get3A_41 = arith.index_cast %get3A_40 : i32 to index
    %get3A_42 = arith.constant 96 : index
    %get3A_43 = tpu.vector_load %arg11[%get3A_41, %get3A_42] {strides = array<i32>} : memref<2x128xf32, #tpu.memory_space<vmem>>, vector<16xf32>,
    %get3A_44 = arith.constant 0 : i32
    %get3A_45 = arith.index_cast %get3A_44 : i32 to index
    %get3A_46 = arith.constant 112 : index
    %get3A_47 = tpu.vector_load %arg11[%get3A_45, %get3A_46] {strides = array<i32>} : memref<2x128xf32, #tpu.memory_space<vmem>>, vector<16xf32>,
    %get3A_48 = arith.constant 1 : i32
    %get3A_49 = arith.index_cast %get3A_48 : i32 to index
    %get3A_50 = arith.constant 0 : index
    %get3A_51 = tpu.vector_load %arg11[%get3A_49, %get3A_50] {strides = array<i32>} : memref<2x128xf32, #tpu.memory_space<vmem>>, vector<16xf32>,
    %get3A_52 = arith.constant 1 : i32
    %get3A_53 = arith.index_cast %get3A_52 : i32 to index
    %get3A_54 = arith.constant 16 : index
    %get3A_55 = tpu.vector_load %arg11[%get3A_53, %get3A_54] {strides = array<i32>} : memref<2x128xf32, #tpu.memory_space<vmem>>, vector<16xf32>,
    %get3A_56 = arith.constant 1 : i32
    %get3A_57 = arith.index_cast %get3A_56 : i32 to index
    %get3A_58 = arith.constant 32 : index
    %get3A_59 = tpu.vector_load %arg11[%get3A_57, %get3A_58] {strides = array<i32>} : memref<2x128xf32, #tpu.memory_space<vmem>>, vector<16xf32>,
    %get3A_60 = arith.constant 1 : i32
    %get3A_61 = arith.index_cast %get3A_60 : i32 to index
    %get3A_62 = arith.constant 48 : index
    %get3A_63 = tpu.vector_load %arg11[%get3A_61, %get3A_62] {strides = array<i32>} : memref<2x128xf32, #tpu.memory_space<vmem>>, vector<16xf32>,
    %get3A_64 = arith.constant 1 : i32
    %get3A_65 = arith.index_cast %get3A_64 : i32 to index
    %get3A_66 = arith.constant 64 : index
    %get3A_67 = tpu.vector_load %arg11[%get3A_65, %get3A_66] {strides = array<i32>} : memref<2x128xf32, #tpu.memory_space<vmem>>, vector<16xf32>,
    %get3A_68 = arith.constant 1 : i32
    %get3A_69 = arith.index_cast %get3A_68 : i32 to index
    %get3A_70 = arith.constant 80 : index
    %get3A_71 = tpu.vector_load %arg11[%get3A_69, %get3A_70] {strides = array<i32>} : memref<2x128xf32, #tpu.memory_space<vmem>>, vector<16xf32>,
    %get3A_72 = arith.constant 1 : i32
    %get3A_73 = arith.index_cast %get3A_72 : i32 to index
    %get3A_74 = arith.constant 96 : index
    %get3A_75 = tpu.vector_load %arg11[%get3A_73, %get3A_74] {strides = array<i32>} : memref<2x128xf32, #tpu.memory_space<vmem>>, vector<16xf32>,
    %get3A_76 = arith.constant 1 : i32
    %get3A_77 = arith.index_cast %get3A_76 : i32 to index
    %get3A_78 = arith.constant 112 : index
    %get3A_79 = tpu.vector_load %arg11[%get3A_77, %get3A_78] {strides = array<i32>} : memref<2x128xf32, #tpu.memory_space<vmem>>, vector<16xf32>,
    %scan3A = arith.constant 0 : i32
    %scan3A_80 = arith.constant 0 : i32
    %scan3A_81 = arith.constant 10 : i32
    %scan3A_82 = arith.addi %scan3A_80, %scan3A_81 : i32
    %scan3A_83 = arith.constant 1 : i32
    scf.for %scan3A_125 = %scan3A_80 to %scan3A_82 step %scan3A_83  : i32 {
      %mul3A_126 = arith.constant 3 : i32
      %mul3A_127 = arith.muli %scan3A_125, %mul3A_126 : i32
      %add3A_128 = arith.constant 0 : i32
      %add3A_129 = arith.addi %mul3A_127, %add3A_128 : i32
      %ge3A = arith.constant 1 : i32
      %ge3A_130 = arith.cmpi sge, %add3A_129, %ge3A : i32
      %add3A_131 = arith.constant 3 : i32
      %add3A_132 = arith.addi %add3A_129, %add3A_131 : i32
      %sub3A = arith.constant 1 : i32
      %sub3A_133 = arith.subi %add3A_132, %sub3A : i32
      %lt3A = arith.constant 32 : i32
      %lt3A_134 = arith.cmpi slt, %sub3A_133, %lt3A : i32
      %and3A = arith.andi %ge3A_130, %lt3A_134 : i1
      %convert_element_type3A = arith.extui %and3A : i1 to i32
      %cond3A = arith.constant 0 : i32
      %cond3A_135 = arith.cmpi ne, %convert_element_type3A, %cond3A : i32
      scf.if %cond3A_135 {
        %dma_wait3A_216 = arith.constant 0 : i32
        %dma_wait3A_217 = tpu.memref_slice %arg7[%mul3A_2, %dma_wait3A_216] : memref<204800x128xf32, #tpu.memory_space<hbm>> -> memref<200x128xf32, #tpu.memory_space<hbm>>
        %dma_wait3A_218 = arith.constant 0 : i32
        %dma_wait3A_219 = tpu.memref_slice %arg7[%mul3A_2, %dma_wait3A_218] : memref<204800x128xf32, #tpu.memory_space<hbm>> -> memref<200x128xf32, #tpu.memory_space<hbm>>
        tpu.wait_dma2 semaphore(%arg20 : memref<!tpu.dma_semaphore, #tpu.memory_space<semaphore_mem>>) src(%arg14 : memref<200x128xf32, #tpu.memory_space<vmem>>) dst(%dma_wait3A_219 : memref<200x128xf32, #tpu.memory_space<hbm>>)
        %add3A_220 = arith.constant 3 : i32
        %add3A_221 = arith.addi %add3A_129, %add3A_220 : i32
        %sub3A_222 = arith.constant 1 : i32
        %sub3A_223 = arith.subi %add3A_221, %sub3A_222 : i32
        %mul3A_224 = arith.constant 200 : i32
        %mul3A_225 = arith.muli %sub3A_223, %mul3A_224 : i32
        %dma_start3A_226 = tpu.memref_slice %arg8[%mul3A_225] : memref<6400xi32, #tpu.memory_space<vmem>> -> memref<200xi32, #tpu.memory_space<vmem>>
        %dma_start3A_227 = arith.constant 0 : i32
        %dma_start3A_228 = arith.constant 0 : i32
        %dma_start3A_229 = tpu.memref_slice %arg4[%dma_start3A_227, %dma_start3A_228] : memref<100000x128xf32, #tpu.memory_space<hbm>> -> memref<100000x128xf32, #tpu.memory_space<hbm>>
        tpu.enqueue_indirect_dma source(%dma_start3A_229 : memref<100000x128xf32, #tpu.memory_space<hbm>>) target(%arg14 : memref<200x128xf32, #tpu.memory_space<vmem>>) offsets(%dma_start3A_226 : memref<200xi32, #tpu.memory_space<vmem>>) semaphore(%arg17 : memref<!tpu.dma_semaphore, #tpu.memory_space<semaphore_mem>>)
      } else {
      }
      %dma_wait3A_136 = arith.constant 0 : i32
      %dma_wait3A_137 = arith.constant 0 : i32
      %dma_wait3A_138 = tpu.memref_slice %arg4[%dma_wait3A_136, %dma_wait3A_137] : memref<100000x128xf32, #tpu.memory_space<hbm>> -> memref<200x128xf32, #tpu.memory_space<hbm>>
      %dma_wait3A_139 = arith.constant 0 : i32
      %dma_wait3A_140 = arith.constant 0 : i32
      %dma_wait3A_141 = tpu.memref_slice %arg4[%dma_wait3A_139, %dma_wait3A_140] : memref<100000x128xf32, #tpu.memory_space<hbm>> -> memref<200x128xf32, #tpu.memory_space<hbm>>
      tpu.wait_dma2 semaphore(%arg15 : memref<!tpu.dma_semaphore, #tpu.memory_space<semaphore_mem>>) src(%dma_wait3A_141 : memref<200x128xf32, #tpu.memory_space<hbm>>) dst(%arg12 : memref<200x128xf32, #tpu.memory_space<vmem>>)
      %parallel_loop3A_142 = arith.constant 0 : i32
      %parallel_loop3A_143 = arith.constant 200 : i32
      %parallel_loop3A_144 = arith.constant 1 : i32
      scf.for %parallel_loop3A_216 = %parallel_loop3A_142 to %parallel_loop3A_143 step %parallel_loop3A_144  : i32 {
        %parallel_loop3A_217 = arith.constant 200 : i32
        %parallel_loop3A_218 = arith.muli %add3A_129, %parallel_loop3A_217 : i32
        %parallel_loop3A_219 = arith.addi %parallel_loop3A_218, %parallel_loop3A_216 : i32
        %parallel_loop3A_220 = arith.index_cast %parallel_loop3A_219 : i32 to index
        %parallel_loop3A_221 = tpu.vector_load %arg9[%parallel_loop3A_220] {strides = array<i32>} : memref<6416xi32, #tpu.memory_space<vmem>>, vector<16xi32>,
        %parallel_loop3A_222 = vector.extract_strided_slice %parallel_loop3A_221 {offsets = [0], sizes = [1], strides = [1]} : vector<16xi32> to vector<1xi32>
        %parallel_loop3A_223 = vector.extract %parallel_loop3A_222[0] : i32 from vector<1xi32>
        %parallel_loop3A_224 = arith.constant 200 : i32
        %parallel_loop3A_225 = arith.remsi %parallel_loop3A_219, %parallel_loop3A_224 : i32
        %parallel_loop3A_226 = arith.constant 64 : i32
        %parallel_loop3A_227 = arith.muli %parallel_loop3A_225, %parallel_loop3A_226 : i32
        %parallel_loop3A_228 = arith.constant 1 : i32
        %parallel_loop3A_229 = arith.cmpi eq, %parallel_loop3A_223, %parallel_loop3A_228 : i32
        %parallel_loop3A_230 = arith.constant 0 : i32
        %parallel_loop3A_231 = arith.addi %parallel_loop3A_227, %parallel_loop3A_230 : i32
        %parallel_loop3A_232 = arith.index_cast %parallel_loop3A_231 : i32 to index
        %parallel_loop3A_233 = tpu.vector_load %arg10[%parallel_loop3A_232] {strides = array<i32>} : memref<12800xi32, #tpu.memory_space<vmem>>, vector<16xi32>,
        %parallel_loop3A_234 = arith.constant 16 : i32
        %parallel_loop3A_235 = vector.broadcast %parallel_loop3A_234 : i32 to vector<16xi32>
        %parallel_loop3A_236 = arith.shli %parallel_loop3A_233, %parallel_loop3A_235 : vector<16xi32>
        %parallel_loop3A_237 = vector.bitcast %parallel_loop3A_236 : vector<16xi32> to vector<16xf32>
        %parallel_loop3A_238 = arith.constant -65536 : i32
        %parallel_loop3A_239 = vector.broadcast %parallel_loop3A_238 : i32 to vector<16xi32>
        %parallel_loop3A_240 = arith.andi %parallel_loop3A_233, %parallel_loop3A_239 : vector<16xi32>
        %parallel_loop3A_241 = vector.bitcast %parallel_loop3A_240 : vector<16xi32> to vector<16xf32>
        %parallel_loop3A_242 = arith.select %parallel_loop3A_229, %get3A_51, %get3A_19 : vector<16xf32>
        %parallel_loop3A_243 = arith.select %parallel_loop3A_229, %get3A_55, %get3A_23 : vector<16xf32>
        %parallel_loop3A_244 = arith.addf %parallel_loop3A_237, %parallel_loop3A_242 : vector<16xf32>
        %parallel_loop3A_245 = arith.index_cast %parallel_loop3A_216 : i32 to index
        %parallel_loop3A_246 = arith.constant 0 : index
        %parallel_loop3A_247 = tpu.vector_load %arg12[%parallel_loop3A_245, %parallel_loop3A_246] {strides = array<i32>} : memref<200x128xf32, #tpu.memory_space<vmem>>, vector<16xf32>,
        tpu.vector_store %arg12[%parallel_loop3A_245, %parallel_loop3A_246], %parallel_loop3A_244 {add = true, strides = array<i32>} : memref<200x128xf32, #tpu.memory_space<vmem>>, vector<16xf32>,
        %parallel_loop3A_248 = arith.addf %parallel_loop3A_241, %parallel_loop3A_243 : vector<16xf32>
        %parallel_loop3A_249 = arith.index_cast %parallel_loop3A_216 : i32 to index
        %parallel_loop3A_250 = arith.constant 16 : index
        %parallel_loop3A_251 = tpu.vector_load %arg12[%parallel_loop3A_249, %parallel_loop3A_250] {strides = array<i32>} : memref<200x128xf32, #tpu.memory_space<vmem>>, vector<16xf32>,
        tpu.vector_store %arg12[%parallel_loop3A_249, %parallel_loop3A_250], %parallel_loop3A_248 {add = true, strides = array<i32>} : memref<200x128xf32, #tpu.memory_space<vmem>>, vector<16xf32>,
        %parallel_loop3A_252 = arith.constant 16 : i32
        %parallel_loop3A_253 = arith.addi %parallel_loop3A_227, %parallel_loop3A_252 : i32
        %parallel_loop3A_254 = arith.index_cast %parallel_loop3A_253 : i32 to index
        %parallel_loop3A_255 = tpu.vector_load %arg10[%parallel_loop3A_254] {strides = array<i32>} : memref<12800xi32, #tpu.memory_space<vmem>>, vector<16xi32>,
        %parallel_loop3A_256 = arith.constant 16 : i32
        %parallel_loop3A_257 = vector.broadcast %parallel_loop3A_256 : i32 to vector<16xi32>
        %parallel_loop3A_258 = arith.shli %parallel_loop3A_255, %parallel_loop3A_257 : vector<16xi32>
        %parallel_loop3A_259 = vector.bitcast %parallel_loop3A_258 : vector<16xi32> to vector<16xf32>
        %parallel_loop3A_260 = arith.constant -65536 : i32
        %parallel_loop3A_261 = vector.broadcast %parallel_loop3A_260 : i32 to vector<16xi32>
        %parallel_loop3A_262 = arith.andi %parallel_loop3A_255, %parallel_loop3A_261 : vector<16xi32>
        %parallel_loop3A_263 = vector.bitcast %parallel_loop3A_262 : vector<16xi32> to vector<16xf32>
        %parallel_loop3A_264 = arith.select %parallel_loop3A_229, %get3A_59, %get3A_27 : vector<16xf32>
        %parallel_loop3A_265 = arith.select %parallel_loop3A_229, %get3A_63, %get3A_31 : vector<16xf32>
        %parallel_loop3A_266 = arith.addf %parallel_loop3A_259, %parallel_loop3A_264 : vector<16xf32>
        %parallel_loop3A_267 = arith.index_cast %parallel_loop3A_216 : i32 to index
        %parallel_loop3A_268 = arith.constant 32 : index
        %parallel_loop3A_269 = tpu.vector_load %arg12[%parallel_loop3A_267, %parallel_loop3A_268] {strides = array<i32>} : memref<200x128xf32, #tpu.memory_space<vmem>>, vector<16xf32>,
        tpu.vector_store %arg12[%parallel_loop3A_267, %parallel_loop3A_268], %parallel_loop3A_266 {add = true, strides = array<i32>} : memref<200x128xf32, #tpu.memory_space<vmem>>, vector<16xf32>,
        %parallel_loop3A_270 = arith.addf %parallel_loop3A_263, %parallel_loop3A_265 : vector<16xf32>
        %parallel_loop3A_271 = arith.index_cast %parallel_loop3A_216 : i32 to index
        %parallel_loop3A_272 = arith.constant 48 : index
        %parallel_loop3A_273 = tpu.vector_load %arg12[%parallel_loop3A_271, %parallel_loop3A_272] {strides = array<i32>} : memref<200x128xf32, #tpu.memory_space<vmem>>, vector<16xf32>,
        tpu.vector_store %arg12[%parallel_loop3A_271, %parallel_loop3A_272], %parallel_loop3A_270 {add = true, strides = array<i32>} : memref<200x128xf32, #tpu.memory_space<vmem>>, vector<16xf32>,
        %parallel_loop3A_274 = arith.constant 32 : i32
        %parallel_loop3A_275 = arith.addi %parallel_loop3A_227, %parallel_loop3A_274 : i32
        %parallel_loop3A_276 = arith.index_cast %parallel_loop3A_275 : i32 to index
        %parallel_loop3A_277 = tpu.vector_load %arg10[%parallel_loop3A_276] {strides = array<i32>} : memref<12800xi32, #tpu.memory_space<vmem>>, vector<16xi32>,
        %parallel_loop3A_278 = arith.constant 16 : i32
        %parallel_loop3A_279 = vector.broadcast %parallel_loop3A_278 : i32 to vector<16xi32>
        %parallel_loop3A_280 = arith.shli %parallel_loop3A_277, %parallel_loop3A_279 : vector<16xi32>
        %parallel_loop3A_281 = vector.bitcast %parallel_loop3A_280 : vector<16xi32> to vector<16xf32>
        %parallel_loop3A_282 = arith.constant -65536 : i32
        %parallel_loop3A_283 = vector.broadcast %parallel_loop3A_282 : i32 to vector<16xi32>
        %parallel_loop3A_284 = arith.andi %parallel_loop3A_277, %parallel_loop3A_283 : vector<16xi32>
        %parallel_loop3A_285 = vector.bitcast %parallel_loop3A_284 : vector<16xi32> to vector<16xf32>
        %parallel_loop3A_286 = arith.select %parallel_loop3A_229, %get3A_67, %get3A_35 : vector<16xf32>
        %parallel_loop3A_287 = arith.select %parallel_loop3A_229, %get3A_71, %get3A_39 : vector<16xf32>
        %parallel_loop3A_288 = arith.addf %parallel_loop3A_281, %parallel_loop3A_286 : vector<16xf32>
        %parallel_loop3A_289 = arith.index_cast %parallel_loop3A_216 : i32 to index
        %parallel_loop3A_290 = arith.constant 64 : index
        %parallel_loop3A_291 = tpu.vector_load %arg12[%parallel_loop3A_289, %parallel_loop3A_290] {strides = array<i32>} : memref<200x128xf32, #tpu.memory_space<vmem>>, vector<16xf32>,
        tpu.vector_store %arg12[%parallel_loop3A_289, %parallel_loop3A_290], %parallel_loop3A_288 {add = true, strides = array<i32>} : memref<200x128xf32, #tpu.memory_space<vmem>>, vector<16xf32>,
        %parallel_loop3A_292 = arith.addf %parallel_loop3A_285, %parallel_loop3A_287 : vector<16xf32>
        %parallel_loop3A_293 = arith.index_cast %parallel_loop3A_216 : i32 to index
        %parallel_loop3A_294 = arith.constant 80 : index
        %parallel_loop3A_295 = tpu.vector_load %arg12[%parallel_loop3A_293, %parallel_loop3A_294] {strides = array<i32>} : memref<200x128xf32, #tpu.memory_space<vmem>>, vector<16xf32>,
        tpu.vector_store %arg12[%parallel_loop3A_293, %parallel_loop3A_294], %parallel_loop3A_292 {add = true, strides = array<i32>} : memref<200x128xf32, #tpu.memory_space<vmem>>, vector<16xf32>,
        %parallel_loop3A_296 = arith.constant 48 : i32
        %parallel_loop3A_297 = arith.addi %parallel_loop3A_227, %parallel_loop3A_296 : i32
        %parallel_loop3A_298 = arith.index_cast %parallel_loop3A_297 : i32 to index
        %parallel_loop3A_299 = tpu.vector_load %arg10[%parallel_loop3A_298] {strides = array<i32>} : memref<12800xi32, #tpu.memory_space<vmem>>, vector<16xi32>,
        %parallel_loop3A_300 = arith.constant 16 : i32
        %parallel_loop3A_301 = vector.broadcast %parallel_loop3A_300 : i32 to vector<16xi32>
        %parallel_loop3A_302 = arith.shli %parallel_loop3A_299, %parallel_loop3A_301 : vector<16xi32>
        %parallel_loop3A_303 = vector.bitcast %parallel_loop3A_302 : vector<16xi32> to vector<16xf32>
        %parallel_loop3A_304 = arith.constant -65536 : i32
        %parallel_loop3A_305 = vector.broadcast %parallel_loop3A_304 : i32 to vector<16xi32>
        %parallel_loop3A_306 = arith.andi %parallel_loop3A_299, %parallel_loop3A_305 : vector<16xi32>
        %parallel_loop3A_307 = vector.bitcast %parallel_loop3A_306 : vector<16xi32> to vector<16xf32>
        %parallel_loop3A_308 = arith.select %parallel_loop3A_229, %get3A_75, %get3A_43 : vector<16xf32>
        %parallel_loop3A_309 = arith.select %parallel_loop3A_229, %get3A_79, %get3A_47 : vector<16xf32>
        %parallel_loop3A_310 = arith.addf %parallel_loop3A_303, %parallel_loop3A_308 : vector<16xf32>
        %parallel_loop3A_311 = arith.index_cast %parallel_loop3A_216 : i32 to index
        %parallel_loop3A_312 = arith.constant 96 : index
        %parallel_loop3A_313 = tpu.vector_load %arg12[%parallel_loop3A_311, %parallel_loop3A_312] {strides = array<i32>} : memref<200x128xf32, #tpu.memory_space<vmem>>, vector<16xf32>,
        tpu.vector_store %arg12[%parallel_loop3A_311, %parallel_loop3A_312], %parallel_loop3A_310 {add = true, strides = array<i32>} : memref<200x128xf32, #tpu.memory_space<vmem>>, vector<16xf32>,
        %parallel_loop3A_314 = arith.addf %parallel_loop3A_307, %parallel_loop3A_309 : vector<16xf32>
        %parallel_loop3A_315 = arith.index_cast %parallel_loop3A_216 : i32 to index
        %parallel_loop3A_316 = arith.constant 112 : index
        %parallel_loop3A_317 = tpu.vector_load %arg12[%parallel_loop3A_315, %parallel_loop3A_316] {strides = array<i32>} : memref<200x128xf32, #tpu.memory_space<vmem>>, vector<16xf32>,
        tpu.vector_store %arg12[%parallel_loop3A_315, %parallel_loop3A_316], %parallel_loop3A_314 {add = true, strides = array<i32>} : memref<200x128xf32, #tpu.memory_space<vmem>>, vector<16xf32>,
      } {sc.loop_unroll_factor = 8 : i64, sc.parallel_access}
      %mul3A_145 = arith.constant 200 : i32
      %mul3A_146 = arith.muli %add3A_129, %mul3A_145 : i32
      %add3A_147 = arith.addi %mul3A_2, %mul3A_146 : i32
      %dma_start3A_148 = arith.constant 0 : i32
      %dma_start3A_149 = tpu.memref_slice %arg7[%add3A_147, %dma_start3A_148] : memref<204800x128xf32, #tpu.memory_space<hbm>> -> memref<200x128xf32, #tpu.memory_space<hbm>>
      %dma_start3A_150 = arith.constant 0 : i32
      %dma_start3A_151 = tpu.memref_slice %arg7[%add3A_147, %dma_start3A_150] : memref<204800x128xf32, #tpu.memory_space<hbm>> -> memref<200x128xf32, #tpu.memory_space<hbm>>
      tpu.enqueue_dma source(%arg12 : memref<200x128xf32, #tpu.memory_space<vmem>>) target(%dma_start3A_151 : memref<200x128xf32, #tpu.memory_space<hbm>>) target_semaphore(%arg18 : memref<!tpu.dma_semaphore, #tpu.memory_space<semaphore_mem>>)
      %mul3A_152 = arith.constant 3 : i32
      %mul3A_153 = arith.muli %scan3A_125, %mul3A_152 : i32
      %add3A_154 = arith.constant 1 : i32
      %add3A_155 = arith.addi %mul3A_153, %add3A_154 : i32
      %ge3A_156 = arith.constant 1 : i32
      %ge3A_157 = arith.cmpi sge, %add3A_155, %ge3A_156 : i32
      %add3A_158 = arith.constant 3 : i32
      %add3A_159 = arith.addi %add3A_155, %add3A_158 : i32
      %sub3A_160 = arith.constant 1 : i32
      %sub3A_161 = arith.subi %add3A_159, %sub3A_160 : i32
      %lt3A_162 = arith.constant 32 : i32
      %lt3A_163 = arith.cmpi slt, %sub3A_161, %lt3A_162 : i32
      %and3A_164 = arith.andi %ge3A_157, %lt3A_163 : i1
      %convert_element_type3A_165 = arith.extui %and3A_164 : i1 to i32
      %cond3A_166 = arith.constant 0 : i32
      %cond3A_167 = arith.cmpi ne, %convert_element_type3A_165, %cond3A_166 : i32
      scf.if %cond3A_167 {
        %dma_wait3A_216 = arith.constant 0 : i32
        %dma_wait3A_217 = tpu.memref_slice %arg7[%mul3A_2, %dma_wait3A_216] : memref<204800x128xf32, #tpu.memory_space<hbm>> -> memref<200x128xf32, #tpu.memory_space<hbm>>
        %dma_wait3A_218 = arith.constant 0 : i32
        %dma_wait3A_219 = tpu.memref_slice %arg7[%mul3A_2, %dma_wait3A_218] : memref<204800x128xf32, #tpu.memory_space<hbm>> -> memref<200x128xf32, #tpu.memory_space<hbm>>
        tpu.wait_dma2 semaphore(%arg18 : memref<!tpu.dma_semaphore, #tpu.memory_space<semaphore_mem>>) src(%arg12 : memref<200x128xf32, #tpu.memory_space<vmem>>) dst(%dma_wait3A_219 : memref<200x128xf32, #tpu.memory_space<hbm>>)
        %add3A_220 = arith.constant 3 : i32
        %add3A_221 = arith.addi %add3A_155, %add3A_220 : i32
        %sub3A_222 = arith.constant 1 : i32
        %sub3A_223 = arith.subi %add3A_221, %sub3A_222 : i32
        %mul3A_224 = arith.constant 200 : i32
        %mul3A_225 = arith.muli %sub3A_223, %mul3A_224 : i32
        %dma_start3A_226 = tpu.memref_slice %arg8[%mul3A_225] : memref<6400xi32, #tpu.memory_space<vmem>> -> memref<200xi32, #tpu.memory_space<vmem>>
        %dma_start3A_227 = arith.constant 0 : i32
        %dma_start3A_228 = arith.constant 0 : i32
        %dma_start3A_229 = tpu.memref_slice %arg4[%dma_start3A_227, %dma_start3A_228] : memref<100000x128xf32, #tpu.memory_space<hbm>> -> memref<100000x128xf32, #tpu.memory_space<hbm>>
        tpu.enqueue_indirect_dma source(%dma_start3A_229 : memref<100000x128xf32, #tpu.memory_space<hbm>>) target(%arg12 : memref<200x128xf32, #tpu.memory_space<vmem>>) offsets(%dma_start3A_226 : memref<200xi32, #tpu.memory_space<vmem>>) semaphore(%arg15 : memref<!tpu.dma_semaphore, #tpu.memory_space<semaphore_mem>>)
      } else {
      }
      %dma_wait3A_168 = arith.constant 0 : i32
      %dma_wait3A_169 = arith.constant 0 : i32
      %dma_wait3A_170 = tpu.memref_slice %arg4[%dma_wait3A_168, %dma_wait3A_169] : memref<100000x128xf32, #tpu.memory_space<hbm>> -> memref<200x128xf32, #tpu.memory_space<hbm>>
      %dma_wait3A_171 = arith.constant 0 : i32
      %dma_wait3A_172 = arith.constant 0 : i32
      %dma_wait3A_173 = tpu.memref_slice %arg4[%dma_wait3A_171, %dma_wait3A_172] : memref<100000x128xf32, #tpu.memory_space<hbm>> -> memref<200x128xf32, #tpu.memory_space<hbm>>
      tpu.wait_dma2 semaphore(%arg16 : memref<!tpu.dma_semaphore, #tpu.memory_space<semaphore_mem>>) src(%dma_wait3A_173 : memref<200x128xf32, #tpu.memory_space<hbm>>) dst(%arg13 : memref<200x128xf32, #tpu.memory_space<vmem>>)
      %parallel_loop3A_174 = arith.constant 0 : i32
      %parallel_loop3A_175 = arith.constant 200 : i32
      %parallel_loop3A_176 = arith.constant 1 : i32
      scf.for %parallel_loop3A_216 = %parallel_loop3A_174 to %parallel_loop3A_175 step %parallel_loop3A_176  : i32 {
        %parallel_loop3A_217 = arith.constant 200 : i32
        %parallel_loop3A_218 = arith.muli %add3A_155, %parallel_loop3A_217 : i32
        %parallel_loop3A_219 = arith.addi %parallel_loop3A_218, %parallel_loop3A_216 : i32
        %parallel_loop3A_220 = arith.index_cast %parallel_loop3A_219 : i32 to index
        %parallel_loop3A_221 = tpu.vector_load %arg9[%parallel_loop3A_220] {strides = array<i32>} : memref<6416xi32, #tpu.memory_space<vmem>>, vector<16xi32>,
        %parallel_loop3A_222 = vector.extract_strided_slice %parallel_loop3A_221 {offsets = [0], sizes = [1], strides = [1]} : vector<16xi32> to vector<1xi32>
        %parallel_loop3A_223 = vector.extract %parallel_loop3A_222[0] : i32 from vector<1xi32>
        %parallel_loop3A_224 = arith.constant 200 : i32
        %parallel_loop3A_225 = arith.remsi %parallel_loop3A_219, %parallel_loop3A_224 : i32
        %parallel_loop3A_226 = arith.constant 64 : i32
        %parallel_loop3A_227 = arith.muli %parallel_loop3A_225, %parallel_loop3A_226 : i32
        %parallel_loop3A_228 = arith.constant 1 : i32
        %parallel_loop3A_229 = arith.cmpi eq, %parallel_loop3A_223, %parallel_loop3A_228 : i32
        %parallel_loop3A_230 = arith.constant 0 : i32
        %parallel_loop3A_231 = arith.addi %parallel_loop3A_227, %parallel_loop3A_230 : i32
        %parallel_loop3A_232 = arith.index_cast %parallel_loop3A_231 : i32 to index
        %parallel_loop3A_233 = tpu.vector_load %arg10[%parallel_loop3A_232] {strides = array<i32>} : memref<12800xi32, #tpu.memory_space<vmem>>, vector<16xi32>,
        %parallel_loop3A_234 = arith.constant 16 : i32
        %parallel_loop3A_235 = vector.broadcast %parallel_loop3A_234 : i32 to vector<16xi32>
        %parallel_loop3A_236 = arith.shli %parallel_loop3A_233, %parallel_loop3A_235 : vector<16xi32>
        %parallel_loop3A_237 = vector.bitcast %parallel_loop3A_236 : vector<16xi32> to vector<16xf32>
        %parallel_loop3A_238 = arith.constant -65536 : i32
        %parallel_loop3A_239 = vector.broadcast %parallel_loop3A_238 : i32 to vector<16xi32>
        %parallel_loop3A_240 = arith.andi %parallel_loop3A_233, %parallel_loop3A_239 : vector<16xi32>
        %parallel_loop3A_241 = vector.bitcast %parallel_loop3A_240 : vector<16xi32> to vector<16xf32>
        %parallel_loop3A_242 = arith.select %parallel_loop3A_229, %get3A_51, %get3A_19 : vector<16xf32>
        %parallel_loop3A_243 = arith.select %parallel_loop3A_229, %get3A_55, %get3A_23 : vector<16xf32>
        %parallel_loop3A_244 = arith.addf %parallel_loop3A_237, %parallel_loop3A_242 : vector<16xf32>
        %parallel_loop3A_245 = arith.index_cast %parallel_loop3A_216 : i32 to index
        %parallel_loop3A_246 = arith.constant 0 : index
        %parallel_loop3A_247 = tpu.vector_load %arg13[%parallel_loop3A_245, %parallel_loop3A_246] {strides = array<i32>} : memref<200x128xf32, #tpu.memory_space<vmem>>, vector<16xf32>,
        tpu.vector_store %arg13[%parallel_loop3A_245, %parallel_loop3A_246], %parallel_loop3A_244 {add = true, strides = array<i32>} : memref<200x128xf32, #tpu.memory_space<vmem>>, vector<16xf32>,
        %parallel_loop3A_248 = arith.addf %parallel_loop3A_241, %parallel_loop3A_243 : vector<16xf32>
        %parallel_loop3A_249 = arith.index_cast %parallel_loop3A_216 : i32 to index
        %parallel_loop3A_250 = arith.constant 16 : index
        %parallel_loop3A_251 = tpu.vector_load %arg13[%parallel_loop3A_249, %parallel_loop3A_250] {strides = array<i32>} : memref<200x128xf32, #tpu.memory_space<vmem>>, vector<16xf32>,
        tpu.vector_store %arg13[%parallel_loop3A_249, %parallel_loop3A_250], %parallel_loop3A_248 {add = true, strides = array<i32>} : memref<200x128xf32, #tpu.memory_space<vmem>>, vector<16xf32>,
        %parallel_loop3A_252 = arith.constant 16 : i32
        %parallel_loop3A_253 = arith.addi %parallel_loop3A_227, %parallel_loop3A_252 : i32
        %parallel_loop3A_254 = arith.index_cast %parallel_loop3A_253 : i32 to index
        %parallel_loop3A_255 = tpu.vector_load %arg10[%parallel_loop3A_254] {strides = array<i32>} : memref<12800xi32, #tpu.memory_space<vmem>>, vector<16xi32>,
        %parallel_loop3A_256 = arith.constant 16 : i32
        %parallel_loop3A_257 = vector.broadcast %parallel_loop3A_256 : i32 to vector<16xi32>
        %parallel_loop3A_258 = arith.shli %parallel_loop3A_255, %parallel_loop3A_257 : vector<16xi32>
        %parallel_loop3A_259 = vector.bitcast %parallel_loop3A_258 : vector<16xi32> to vector<16xf32>
        %parallel_loop3A_260 = arith.constant -65536 : i32
        %parallel_loop3A_261 = vector.broadcast %parallel_loop3A_260 : i32 to vector<16xi32>
        %parallel_loop3A_262 = arith.andi %parallel_loop3A_255, %parallel_loop3A_261 : vector<16xi32>
        %parallel_loop3A_263 = vector.bitcast %parallel_loop3A_262 : vector<16xi32> to vector<16xf32>
        %parallel_loop3A_264 = arith.select %parallel_loop3A_229, %get3A_59, %get3A_27 : vector<16xf32>
        %parallel_loop3A_265 = arith.select %parallel_loop3A_229, %get3A_63, %get3A_31 : vector<16xf32>
        %parallel_loop3A_266 = arith.addf %parallel_loop3A_259, %parallel_loop3A_264 : vector<16xf32>
        %parallel_loop3A_267 = arith.index_cast %parallel_loop3A_216 : i32 to index
        %parallel_loop3A_268 = arith.constant 32 : index
        %parallel_loop3A_269 = tpu.vector_load %arg13[%parallel_loop3A_267, %parallel_loop3A_268] {strides = array<i32>} : memref<200x128xf32, #tpu.memory_space<vmem>>, vector<16xf32>,
        tpu.vector_store %arg13[%parallel_loop3A_267, %parallel_loop3A_268], %parallel_loop3A_266 {add = true, strides = array<i32>} : memref<200x128xf32, #tpu.memory_space<vmem>>, vector<16xf32>,
        %parallel_loop3A_270 = arith.addf %parallel_loop3A_263, %parallel_loop3A_265 : vector<16xf32>
        %parallel_loop3A_271 = arith.index_cast %parallel_loop3A_216 : i32 to index
        %parallel_loop3A_272 = arith.constant 48 : index
        %parallel_loop3A_273 = tpu.vector_load %arg13[%parallel_loop3A_271, %parallel_loop3A_272] {strides = array<i32>} : memref<200x128xf32, #tpu.memory_space<vmem>>, vector<16xf32>,
        tpu.vector_store %arg13[%parallel_loop3A_271, %parallel_loop3A_272], %parallel_loop3A_270 {add = true, strides = array<i32>} : memref<200x128xf32, #tpu.memory_space<vmem>>, vector<16xf32>,
        %parallel_loop3A_274 = arith.constant 32 : i32
        %parallel_loop3A_275 = arith.addi %parallel_loop3A_227, %parallel_loop3A_274 : i32
        %parallel_loop3A_276 = arith.index_cast %parallel_loop3A_275 : i32 to index
        %parallel_loop3A_277 = tpu.vector_load %arg10[%parallel_loop3A_276] {strides = array<i32>} : memref<12800xi32, #tpu.memory_space<vmem>>, vector<16xi32>,
        %parallel_loop3A_278 = arith.constant 16 : i32
        %parallel_loop3A_279 = vector.broadcast %parallel_loop3A_278 : i32 to vector<16xi32>
        %parallel_loop3A_280 = arith.shli %parallel_loop3A_277, %parallel_loop3A_279 : vector<16xi32>
        %parallel_loop3A_281 = vector.bitcast %parallel_loop3A_280 : vector<16xi32> to vector<16xf32>
        %parallel_loop3A_282 = arith.constant -65536 : i32
        %parallel_loop3A_283 = vector.broadcast %parallel_loop3A_282 : i32 to vector<16xi32>
        %parallel_loop3A_284 = arith.andi %parallel_loop3A_277, %parallel_loop3A_283 : vector<16xi32>
        %parallel_loop3A_285 = vector.bitcast %parallel_loop3A_284 : vector<16xi32> to vector<16xf32>
        %parallel_loop3A_286 = arith.select %parallel_loop3A_229, %get3A_67, %get3A_35 : vector<16xf32>
        %parallel_loop3A_287 = arith.select %parallel_loop3A_229, %get3A_71, %get3A_39 : vector<16xf32>
        %parallel_loop3A_288 = arith.addf %parallel_loop3A_281, %parallel_loop3A_286 : vector<16xf32>
        %parallel_loop3A_289 = arith.index_cast %parallel_loop3A_216 : i32 to index
        %parallel_loop3A_290 = arith.constant 64 : index
        %parallel_loop3A_291 = tpu.vector_load %arg13[%parallel_loop3A_289, %parallel_loop3A_290] {strides = array<i32>} : memref<200x128xf32, #tpu.memory_space<vmem>>, vector<16xf32>,
        tpu.vector_store %arg13[%parallel_loop3A_289, %parallel_loop3A_290], %parallel_loop3A_288 {add = true, strides = array<i32>} : memref<200x128xf32, #tpu.memory_space<vmem>>, vector<16xf32>,
        %parallel_loop3A_292 = arith.addf %parallel_loop3A_285, %parallel_loop3A_287 : vector<16xf32>
        %parallel_loop3A_293 = arith.index_cast %parallel_loop3A_216 : i32 to index
        %parallel_loop3A_294 = arith.constant 80 : index
        %parallel_loop3A_295 = tpu.vector_load %arg13[%parallel_loop3A_293, %parallel_loop3A_294] {strides = array<i32>} : memref<200x128xf32, #tpu.memory_space<vmem>>, vector<16xf32>,
        tpu.vector_store %arg13[%parallel_loop3A_293, %parallel_loop3A_294], %parallel_loop3A_292 {add = true, strides = array<i32>} : memref<200x128xf32, #tpu.memory_space<vmem>>, vector<16xf32>,
        %parallel_loop3A_296 = arith.constant 48 : i32
        %parallel_loop3A_297 = arith.addi %parallel_loop3A_227, %parallel_loop3A_296 : i32
        %parallel_loop3A_298 = arith.index_cast %parallel_loop3A_297 : i32 to index
        %parallel_loop3A_299 = tpu.vector_load %arg10[%parallel_loop3A_298] {strides = array<i32>} : memref<12800xi32, #tpu.memory_space<vmem>>, vector<16xi32>,
        %parallel_loop3A_300 = arith.constant 16 : i32
        %parallel_loop3A_301 = vector.broadcast %parallel_loop3A_300 : i32 to vector<16xi32>
        %parallel_loop3A_302 = arith.shli %parallel_loop3A_299, %parallel_loop3A_301 : vector<16xi32>
        %parallel_loop3A_303 = vector.bitcast %parallel_loop3A_302 : vector<16xi32> to vector<16xf32>
        %parallel_loop3A_304 = arith.constant -65536 : i32
        %parallel_loop3A_305 = vector.broadcast %parallel_loop3A_304 : i32 to vector<16xi32>
        %parallel_loop3A_306 = arith.andi %parallel_loop3A_299, %parallel_loop3A_305 : vector<16xi32>
        %parallel_loop3A_307 = vector.bitcast %parallel_loop3A_306 : vector<16xi32> to vector<16xf32>
        %parallel_loop3A_308 = arith.select %parallel_loop3A_229, %get3A_75, %get3A_43 : vector<16xf32>
        %parallel_loop3A_309 = arith.select %parallel_loop3A_229, %get3A_79, %get3A_47 : vector<16xf32>
        %parallel_loop3A_310 = arith.addf %parallel_loop3A_303, %parallel_loop3A_308 : vector<16xf32>
        %parallel_loop3A_311 = arith.index_cast %parallel_loop3A_216 : i32 to index
        %parallel_loop3A_312 = arith.constant 96 : index
        %parallel_loop3A_313 = tpu.vector_load %arg13[%parallel_loop3A_311, %parallel_loop3A_312] {strides = array<i32>} : memref<200x128xf32, #tpu.memory_space<vmem>>, vector<16xf32>,
        tpu.vector_store %arg13[%parallel_loop3A_311, %parallel_loop3A_312], %parallel_loop3A_310 {add = true, strides = array<i32>} : memref<200x128xf32, #tpu.memory_space<vmem>>, vector<16xf32>,
        %parallel_loop3A_314 = arith.addf %parallel_loop3A_307, %parallel_loop3A_309 : vector<16xf32>
        %parallel_loop3A_315 = arith.index_cast %parallel_loop3A_216 : i32 to index
        %parallel_loop3A_316 = arith.constant 112 : index
        %parallel_loop3A_317 = tpu.vector_load %arg13[%parallel_loop3A_315, %parallel_loop3A_316] {strides = array<i32>} : memref<200x128xf32, #tpu.memory_space<vmem>>, vector<16xf32>,
        tpu.vector_store %arg13[%parallel_loop3A_315, %parallel_loop3A_316], %parallel_loop3A_314 {add = true, strides = array<i32>} : memref<200x128xf32, #tpu.memory_space<vmem>>, vector<16xf32>,
      } {sc.loop_unroll_factor = 8 : i64, sc.parallel_access}
      %mul3A_177 = arith.constant 200 : i32
      %mul3A_178 = arith.muli %add3A_155, %mul3A_177 : i32
      %add3A_179 = arith.addi %mul3A_2, %mul3A_178 : i32
      %dma_start3A_180 = arith.constant 0 : i32
      %dma_start3A_181 = tpu.memref_slice %arg7[%add3A_179, %dma_start3A_180] : memref<204800x128xf32, #tpu.memory_space<hbm>> -> memref<200x128xf32, #tpu.memory_space<hbm>>
      %dma_start3A_182 = arith.constant 0 : i32
      %dma_start3A_183 = tpu.memref_slice %arg7[%add3A_179, %dma_start3A_182] : memref<204800x128xf32, #tpu.memory_space<hbm>> -> memref<200x128xf32, #tpu.memory_space<hbm>>
      tpu.enqueue_dma source(%arg13 : memref<200x128xf32, #tpu.memory_space<vmem>>) target(%dma_start3A_183 : memref<200x128xf32, #tpu.memory_space<hbm>>) target_semaphore(%arg19 : memref<!tpu.dma_semaphore, #tpu.memory_space<semaphore_mem>>)
      %mul3A_184 = arith.constant 3 : i32
      %mul3A_185 = arith.muli %scan3A_125, %mul3A_184 : i32
      %add3A_186 = arith.constant 2 : i32
      %add3A_187 = arith.addi %mul3A_185, %add3A_186 : i32
      %ge3A_188 = arith.constant 1 : i32
      %ge3A_189 = arith.cmpi sge, %add3A_187, %ge3A_188 : i32
      %add3A_190 = arith.constant 3 : i32
      %add3A_191 = arith.addi %add3A_187, %add3A_190 : i32
      %sub3A_192 = arith.constant 1 : i32
      %sub3A_193 = arith.subi %add3A_191, %sub3A_192 : i32
      %lt3A_194 = arith.constant 32 : i32
      %lt3A_195 = arith.cmpi slt, %sub3A_193, %lt3A_194 : i32
      %and3A_196 = arith.andi %ge3A_189, %lt3A_195 : i1
      %convert_element_type3A_197 = arith.extui %and3A_196 : i1 to i32
      %cond3A_198 = arith.constant 0 : i32
      %cond3A_199 = arith.cmpi ne, %convert_element_type3A_197, %cond3A_198 : i32
      scf.if %cond3A_199 {
        %dma_wait3A_216 = arith.constant 0 : i32
        %dma_wait3A_217 = tpu.memref_slice %arg7[%mul3A_2, %dma_wait3A_216] : memref<204800x128xf32, #tpu.memory_space<hbm>> -> memref<200x128xf32, #tpu.memory_space<hbm>>
        %dma_wait3A_218 = arith.constant 0 : i32
        %dma_wait3A_219 = tpu.memref_slice %arg7[%mul3A_2, %dma_wait3A_218] : memref<204800x128xf32, #tpu.memory_space<hbm>> -> memref<200x128xf32, #tpu.memory_space<hbm>>
        tpu.wait_dma2 semaphore(%arg19 : memref<!tpu.dma_semaphore, #tpu.memory_space<semaphore_mem>>) src(%arg13 : memref<200x128xf32, #tpu.memory_space<vmem>>) dst(%dma_wait3A_219 : memref<200x128xf32, #tpu.memory_space<hbm>>)
        %add3A_220 = arith.constant 3 : i32
        %add3A_221 = arith.addi %add3A_187, %add3A_220 : i32
        %sub3A_222 = arith.constant 1 : i32
        %sub3A_223 = arith.subi %add3A_221, %sub3A_222 : i32
        %mul3A_224 = arith.constant 200 : i32
        %mul3A_225 = arith.muli %sub3A_223, %mul3A_224 : i32
        %dma_start3A_226 = tpu.memref_slice %arg8[%mul3A_225] : memref<6400xi32, #tpu.memory_space<vmem>> -> memref<200xi32, #tpu.memory_space<vmem>>
        %dma_start3A_227 = arith.constant 0 : i32
        %dma_start3A_228 = arith.constant 0 : i32
        %dma_start3A_229 = tpu.memref_slice %arg4[%dma_start3A_227, %dma_start3A_228] : memref<100000x128xf32, #tpu.memory_space<hbm>> -> memref<100000x128xf32, #tpu.memory_space<hbm>>
        tpu.enqueue_indirect_dma source(%dma_start3A_229 : memref<100000x128xf32, #tpu.memory_space<hbm>>) target(%arg13 : memref<200x128xf32, #tpu.memory_space<vmem>>) offsets(%dma_start3A_226 : memref<200xi32, #tpu.memory_space<vmem>>) semaphore(%arg16 : memref<!tpu.dma_semaphore, #tpu.memory_space<semaphore_mem>>)
      } else {
      }
      %dma_wait3A_200 = arith.constant 0 : i32
      %dma_wait3A_201 = arith.constant 0 : i32
      %dma_wait3A_202 = tpu.memref_slice %arg4[%dma_wait3A_200, %dma_wait3A_201] : memref<100000x128xf32, #tpu.memory_space<hbm>> -> memref<200x128xf32, #tpu.memory_space<hbm>>
      %dma_wait3A_203 = arith.constant 0 : i32
      %dma_wait3A_204 = arith.constant 0 : i32
      %dma_wait3A_205 = tpu.memref_slice %arg4[%dma_wait3A_203, %dma_wait3A_204] : memref<100000x128xf32, #tpu.memory_space<hbm>> -> memref<200x128xf32, #tpu.memory_space<hbm>>
      tpu.wait_dma2 semaphore(%arg17 : memref<!tpu.dma_semaphore, #tpu.memory_space<semaphore_mem>>) src(%dma_wait3A_205 : memref<200x128xf32, #tpu.memory_space<hbm>>) dst(%arg14 : memref<200x128xf32, #tpu.memory_space<vmem>>)
      %parallel_loop3A_206 = arith.constant 0 : i32
      %parallel_loop3A_207 = arith.constant 200 : i32
      %parallel_loop3A_208 = arith.constant 1 : i32
      scf.for %parallel_loop3A_216 = %parallel_loop3A_206 to %parallel_loop3A_207 step %parallel_loop3A_208  : i32 {
        %parallel_loop3A_217 = arith.constant 200 : i32
        %parallel_loop3A_218 = arith.muli %add3A_187, %parallel_loop3A_217 : i32
        %parallel_loop3A_219 = arith.addi %parallel_loop3A_218, %parallel_loop3A_216 : i32
        %parallel_loop3A_220 = arith.index_cast %parallel_loop3A_219 : i32 to index
        %parallel_loop3A_221 = tpu.vector_load %arg9[%parallel_loop3A_220] {strides = array<i32>} : memref<6416xi32, #tpu.memory_space<vmem>>, vector<16xi32>,
        %parallel_loop3A_222 = vector.extract_strided_slice %parallel_loop3A_221 {offsets = [0], sizes = [1], strides = [1]} : vector<16xi32> to vector<1xi32>
        %parallel_loop3A_223 = vector.extract %parallel_loop3A_222[0] : i32 from vector<1xi32>
        %parallel_loop3A_224 = arith.constant 200 : i32
        %parallel_loop3A_225 = arith.remsi %parallel_loop3A_219, %parallel_loop3A_224 : i32
        %parallel_loop3A_226 = arith.constant 64 : i32
        %parallel_loop3A_227 = arith.muli %parallel_loop3A_225, %parallel_loop3A_226 : i32
        %parallel_loop3A_228 = arith.constant 1 : i32
        %parallel_loop3A_229 = arith.cmpi eq, %parallel_loop3A_223, %parallel_loop3A_228 : i32
        %parallel_loop3A_230 = arith.constant 0 : i32
        %parallel_loop3A_231 = arith.addi %parallel_loop3A_227, %parallel_loop3A_230 : i32
        %parallel_loop3A_232 = arith.index_cast %parallel_loop3A_231 : i32 to index
        %parallel_loop3A_233 = tpu.vector_load %arg10[%parallel_loop3A_232] {strides = array<i32>} : memref<12800xi32, #tpu.memory_space<vmem>>, vector<16xi32>,
        %parallel_loop3A_234 = arith.constant 16 : i32
        %parallel_loop3A_235 = vector.broadcast %parallel_loop3A_234 : i32 to vector<16xi32>
        %parallel_loop3A_236 = arith.shli %parallel_loop3A_233, %parallel_loop3A_235 : vector<16xi32>
        %parallel_loop3A_237 = vector.bitcast %parallel_loop3A_236 : vector<16xi32> to vector<16xf32>
        %parallel_loop3A_238 = arith.constant -65536 : i32
        %parallel_loop3A_239 = vector.broadcast %parallel_loop3A_238 : i32 to vector<16xi32>
        %parallel_loop3A_240 = arith.andi %parallel_loop3A_233, %parallel_loop3A_239 : vector<16xi32>
        %parallel_loop3A_241 = vector.bitcast %parallel_loop3A_240 : vector<16xi32> to vector<16xf32>
        %parallel_loop3A_242 = arith.select %parallel_loop3A_229, %get3A_51, %get3A_19 : vector<16xf32>
        %parallel_loop3A_243 = arith.select %parallel_loop3A_229, %get3A_55, %get3A_23 : vector<16xf32>
        %parallel_loop3A_244 = arith.addf %parallel_loop3A_237, %parallel_loop3A_242 : vector<16xf32>
        %parallel_loop3A_245 = arith.index_cast %parallel_loop3A_216 : i32 to index
        %parallel_loop3A_246 = arith.constant 0 : index
        %parallel_loop3A_247 = tpu.vector_load %arg14[%parallel_loop3A_245, %parallel_loop3A_246] {strides = array<i32>} : memref<200x128xf32, #tpu.memory_space<vmem>>, vector<16xf32>,
        tpu.vector_store %arg14[%parallel_loop3A_245, %parallel_loop3A_246], %parallel_loop3A_244 {add = true, strides = array<i32>} : memref<200x128xf32, #tpu.memory_space<vmem>>, vector<16xf32>,
        %parallel_loop3A_248 = arith.addf %parallel_loop3A_241, %parallel_loop3A_243 : vector<16xf32>
        %parallel_loop3A_249 = arith.index_cast %parallel_loop3A_216 : i32 to index
        %parallel_loop3A_250 = arith.constant 16 : index
        %parallel_loop3A_251 = tpu.vector_load %arg14[%parallel_loop3A_249, %parallel_loop3A_250] {strides = array<i32>} : memref<200x128xf32, #tpu.memory_space<vmem>>, vector<16xf32>,
        tpu.vector_store %arg14[%parallel_loop3A_249, %parallel_loop3A_250], %parallel_loop3A_248 {add = true, strides = array<i32>} : memref<200x128xf32, #tpu.memory_space<vmem>>, vector<16xf32>,
        %parallel_loop3A_252 = arith.constant 16 : i32
        %parallel_loop3A_253 = arith.addi %parallel_loop3A_227, %parallel_loop3A_252 : i32
        %parallel_loop3A_254 = arith.index_cast %parallel_loop3A_253 : i32 to index
        %parallel_loop3A_255 = tpu.vector_load %arg10[%parallel_loop3A_254] {strides = array<i32>} : memref<12800xi32, #tpu.memory_space<vmem>>, vector<16xi32>,
        %parallel_loop3A_256 = arith.constant 16 : i32
        %parallel_loop3A_257 = vector.broadcast %parallel_loop3A_256 : i32 to vector<16xi32>
        %parallel_loop3A_258 = arith.shli %parallel_loop3A_255, %parallel_loop3A_257 : vector<16xi32>
        %parallel_loop3A_259 = vector.bitcast %parallel_loop3A_258 : vector<16xi32> to vector<16xf32>
        %parallel_loop3A_260 = arith.constant -65536 : i32
        %parallel_loop3A_261 = vector.broadcast %parallel_loop3A_260 : i32 to vector<16xi32>
        %parallel_loop3A_262 = arith.andi %parallel_loop3A_255, %parallel_loop3A_261 : vector<16xi32>
        %parallel_loop3A_263 = vector.bitcast %parallel_loop3A_262 : vector<16xi32> to vector<16xf32>
        %parallel_loop3A_264 = arith.select %parallel_loop3A_229, %get3A_59, %get3A_27 : vector<16xf32>
        %parallel_loop3A_265 = arith.select %parallel_loop3A_229, %get3A_63, %get3A_31 : vector<16xf32>
        %parallel_loop3A_266 = arith.addf %parallel_loop3A_259, %parallel_loop3A_264 : vector<16xf32>
        %parallel_loop3A_267 = arith.index_cast %parallel_loop3A_216 : i32 to index
        %parallel_loop3A_268 = arith.constant 32 : index
        %parallel_loop3A_269 = tpu.vector_load %arg14[%parallel_loop3A_267, %parallel_loop3A_268] {strides = array<i32>} : memref<200x128xf32, #tpu.memory_space<vmem>>, vector<16xf32>,
        tpu.vector_store %arg14[%parallel_loop3A_267, %parallel_loop3A_268], %parallel_loop3A_266 {add = true, strides = array<i32>} : memref<200x128xf32, #tpu.memory_space<vmem>>, vector<16xf32>,
        %parallel_loop3A_270 = arith.addf %parallel_loop3A_263, %parallel_loop3A_265 : vector<16xf32>
        %parallel_loop3A_271 = arith.index_cast %parallel_loop3A_216 : i32 to index
        %parallel_loop3A_272 = arith.constant 48 : index
        %parallel_loop3A_273 = tpu.vector_load %arg14[%parallel_loop3A_271, %parallel_loop3A_272] {strides = array<i32>} : memref<200x128xf32, #tpu.memory_space<vmem>>, vector<16xf32>,
        tpu.vector_store %arg14[%parallel_loop3A_271, %parallel_loop3A_272], %parallel_loop3A_270 {add = true, strides = array<i32>} : memref<200x128xf32, #tpu.memory_space<vmem>>, vector<16xf32>,
        %parallel_loop3A_274 = arith.constant 32 : i32
        %parallel_loop3A_275 = arith.addi %parallel_loop3A_227, %parallel_loop3A_274 : i32
        %parallel_loop3A_276 = arith.index_cast %parallel_loop3A_275 : i32 to index
        %parallel_loop3A_277 = tpu.vector_load %arg10[%parallel_loop3A_276] {strides = array<i32>} : memref<12800xi32, #tpu.memory_space<vmem>>, vector<16xi32>,
        %parallel_loop3A_278 = arith.constant 16 : i32
        %parallel_loop3A_279 = vector.broadcast %parallel_loop3A_278 : i32 to vector<16xi32>
        %parallel_loop3A_280 = arith.shli %parallel_loop3A_277, %parallel_loop3A_279 : vector<16xi32>
        %parallel_loop3A_281 = vector.bitcast %parallel_loop3A_280 : vector<16xi32> to vector<16xf32>
        %parallel_loop3A_282 = arith.constant -65536 : i32
        %parallel_loop3A_283 = vector.broadcast %parallel_loop3A_282 : i32 to vector<16xi32>
        %parallel_loop3A_284 = arith.andi %parallel_loop3A_277, %parallel_loop3A_283 : vector<16xi32>
        %parallel_loop3A_285 = vector.bitcast %parallel_loop3A_284 : vector<16xi32> to vector<16xf32>
        %parallel_loop3A_286 = arith.select %parallel_loop3A_229, %get3A_67, %get3A_35 : vector<16xf32>
        %parallel_loop3A_287 = arith.select %parallel_loop3A_229, %get3A_71, %get3A_39 : vector<16xf32>
        %parallel_loop3A_288 = arith.addf %parallel_loop3A_281, %parallel_loop3A_286 : vector<16xf32>
        %parallel_loop3A_289 = arith.index_cast %parallel_loop3A_216 : i32 to index
        %parallel_loop3A_290 = arith.constant 64 : index
        %parallel_loop3A_291 = tpu.vector_load %arg14[%parallel_loop3A_289, %parallel_loop3A_290] {strides = array<i32>} : memref<200x128xf32, #tpu.memory_space<vmem>>, vector<16xf32>,
        tpu.vector_store %arg14[%parallel_loop3A_289, %parallel_loop3A_290], %parallel_loop3A_288 {add = true, strides = array<i32>} : memref<200x128xf32, #tpu.memory_space<vmem>>, vector<16xf32>,
        %parallel_loop3A_292 = arith.addf %parallel_loop3A_285, %parallel_loop3A_287 : vector<16xf32>
        %parallel_loop3A_293 = arith.index_cast %parallel_loop3A_216 : i32 to index
        %parallel_loop3A_294 = arith.constant 80 : index
        %parallel_loop3A_295 = tpu.vector_load %arg14[%parallel_loop3A_293, %parallel_loop3A_294] {strides = array<i32>} : memref<200x128xf32, #tpu.memory_space<vmem>>, vector<16xf32>,
        tpu.vector_store %arg14[%parallel_loop3A_293, %parallel_loop3A_294], %parallel_loop3A_292 {add = true, strides = array<i32>} : memref<200x128xf32, #tpu.memory_space<vmem>>, vector<16xf32>,
        %parallel_loop3A_296 = arith.constant 48 : i32
        %parallel_loop3A_297 = arith.addi %parallel_loop3A_227, %parallel_loop3A_296 : i32
        %parallel_loop3A_298 = arith.index_cast %parallel_loop3A_297 : i32 to index
        %parallel_loop3A_299 = tpu.vector_load %arg10[%parallel_loop3A_298] {strides = array<i32>} : memref<12800xi32, #tpu.memory_space<vmem>>, vector<16xi32>,
        %parallel_loop3A_300 = arith.constant 16 : i32
        %parallel_loop3A_301 = vector.broadcast %parallel_loop3A_300 : i32 to vector<16xi32>
        %parallel_loop3A_302 = arith.shli %parallel_loop3A_299, %parallel_loop3A_301 : vector<16xi32>
        %parallel_loop3A_303 = vector.bitcast %parallel_loop3A_302 : vector<16xi32> to vector<16xf32>
        %parallel_loop3A_304 = arith.constant -65536 : i32
        %parallel_loop3A_305 = vector.broadcast %parallel_loop3A_304 : i32 to vector<16xi32>
        %parallel_loop3A_306 = arith.andi %parallel_loop3A_299, %parallel_loop3A_305 : vector<16xi32>
        %parallel_loop3A_307 = vector.bitcast %parallel_loop3A_306 : vector<16xi32> to vector<16xf32>
        %parallel_loop3A_308 = arith.select %parallel_loop3A_229, %get3A_75, %get3A_43 : vector<16xf32>
        %parallel_loop3A_309 = arith.select %parallel_loop3A_229, %get3A_79, %get3A_47 : vector<16xf32>
        %parallel_loop3A_310 = arith.addf %parallel_loop3A_303, %parallel_loop3A_308 : vector<16xf32>
        %parallel_loop3A_311 = arith.index_cast %parallel_loop3A_216 : i32 to index
        %parallel_loop3A_312 = arith.constant 96 : index
        %parallel_loop3A_313 = tpu.vector_load %arg14[%parallel_loop3A_311, %parallel_loop3A_312] {strides = array<i32>} : memref<200x128xf32, #tpu.memory_space<vmem>>, vector<16xf32>,
        tpu.vector_store %arg14[%parallel_loop3A_311, %parallel_loop3A_312], %parallel_loop3A_310 {add = true, strides = array<i32>} : memref<200x128xf32, #tpu.memory_space<vmem>>, vector<16xf32>,
        %parallel_loop3A_314 = arith.addf %parallel_loop3A_307, %parallel_loop3A_309 : vector<16xf32>
        %parallel_loop3A_315 = arith.index_cast %parallel_loop3A_216 : i32 to index
        %parallel_loop3A_316 = arith.constant 112 : index
        %parallel_loop3A_317 = tpu.vector_load %arg14[%parallel_loop3A_315, %parallel_loop3A_316] {strides = array<i32>} : memref<200x128xf32, #tpu.memory_space<vmem>>, vector<16xf32>,
        tpu.vector_store %arg14[%parallel_loop3A_315, %parallel_loop3A_316], %parallel_loop3A_314 {add = true, strides = array<i32>} : memref<200x128xf32, #tpu.memory_space<vmem>>, vector<16xf32>,
      } {sc.loop_unroll_factor = 8 : i64, sc.parallel_access}
      %mul3A_209 = arith.constant 200 : i32
      %mul3A_210 = arith.muli %add3A_187, %mul3A_209 : i32
      %add3A_211 = arith.addi %mul3A_2, %mul3A_210 : i32
      %dma_start3A_212 = arith.constant 0 : i32
      %dma_start3A_213 = tpu.memref_slice %arg7[%add3A_211, %dma_start3A_212] : memref<204800x128xf32, #tpu.memory_space<hbm>> -> memref<200x128xf32, #tpu.memory_space<hbm>>
      %dma_start3A_214 = arith.constant 0 : i32
      %dma_start3A_215 = tpu.memref_slice %arg7[%add3A_211, %dma_start3A_214] : memref<204800x128xf32, #tpu.memory_space<hbm>> -> memref<200x128xf32, #tpu.memory_space<hbm>>
      tpu.enqueue_dma source(%arg14 : memref<200x128xf32, #tpu.memory_space<vmem>>) target(%dma_start3A_215 : memref<200x128xf32, #tpu.memory_space<hbm>>) target_semaphore(%arg20 : memref<!tpu.dma_semaphore, #tpu.memory_space<semaphore_mem>>)
    }
    %scan3A_84 = arith.constant 10 : i32
    %dma_wait3A = arith.constant 0 : i32
    %dma_wait3A_85 = arith.constant 0 : i32
    %dma_wait3A_86 = tpu.memref_slice %arg4[%dma_wait3A, %dma_wait3A_85] : memref<100000x128xf32, #tpu.memory_space<hbm>> -> memref<200x128xf32, #tpu.memory_space<hbm>>
    %dma_wait3A_87 = arith.constant 0 : i32
    %dma_wait3A_88 = arith.constant 0 : i32
    %dma_wait3A_89 = tpu.memref_slice %arg4[%dma_wait3A_87, %dma_wait3A_88] : memref<100000x128xf32, #tpu.memory_space<hbm>> -> memref<200x128xf32, #tpu.memory_space<hbm>>
    tpu.wait_dma2 semaphore(%arg15 : memref<!tpu.dma_semaphore, #tpu.memory_space<semaphore_mem>>) src(%dma_wait3A_89 : memref<200x128xf32, #tpu.memory_space<hbm>>) dst(%arg12 : memref<200x128xf32, #tpu.memory_space<vmem>>)
    %parallel_loop3A = arith.constant 0 : i32
    %parallel_loop3A_90 = arith.constant 200 : i32
    %parallel_loop3A_91 = arith.constant 1 : i32
    scf.for %parallel_loop3A_125 = %parallel_loop3A to %parallel_loop3A_90 step %parallel_loop3A_91  : i32 {
      %parallel_loop3A_126 = arith.constant 6000 : i32
      %parallel_loop3A_127 = arith.addi %parallel_loop3A_126, %parallel_loop3A_125 : i32
      %parallel_loop3A_128 = arith.index_cast %parallel_loop3A_127 : i32 to index
      %parallel_loop3A_129 = tpu.vector_load %arg9[%parallel_loop3A_128] {strides = array<i32>} : memref<6416xi32, #tpu.memory_space<vmem>>, vector<16xi32>,
      %parallel_loop3A_130 = vector.extract_strided_slice %parallel_loop3A_129 {offsets = [0], sizes = [1], strides = [1]} : vector<16xi32> to vector<1xi32>
      %parallel_loop3A_131 = vector.extract %parallel_loop3A_130[0] : i32 from vector<1xi32>
      %parallel_loop3A_132 = arith.constant 200 : i32
      %parallel_loop3A_133 = arith.remsi %parallel_loop3A_127, %parallel_loop3A_132 : i32
      %parallel_loop3A_134 = arith.constant 64 : i32
      %parallel_loop3A_135 = arith.muli %parallel_loop3A_133, %parallel_loop3A_134 : i32
      %parallel_loop3A_136 = arith.constant 1 : i32
      %parallel_loop3A_137 = arith.cmpi eq, %parallel_loop3A_131, %parallel_loop3A_136 : i32
      %parallel_loop3A_138 = arith.constant 0 : i32
      %parallel_loop3A_139 = arith.addi %parallel_loop3A_135, %parallel_loop3A_138 : i32
      %parallel_loop3A_140 = arith.index_cast %parallel_loop3A_139 : i32 to index
      %parallel_loop3A_141 = tpu.vector_load %arg10[%parallel_loop3A_140] {strides = array<i32>} : memref<12800xi32, #tpu.memory_space<vmem>>, vector<16xi32>,
      %parallel_loop3A_142 = arith.constant 16 : i32
      %parallel_loop3A_143 = vector.broadcast %parallel_loop3A_142 : i32 to vector<16xi32>
      %parallel_loop3A_144 = arith.shli %parallel_loop3A_141, %parallel_loop3A_143 : vector<16xi32>
      %parallel_loop3A_145 = vector.bitcast %parallel_loop3A_144 : vector<16xi32> to vector<16xf32>
      %parallel_loop3A_146 = arith.constant -65536 : i32
      %parallel_loop3A_147 = vector.broadcast %parallel_loop3A_146 : i32 to vector<16xi32>
      %parallel_loop3A_148 = arith.andi %parallel_loop3A_141, %parallel_loop3A_147 : vector<16xi32>
      %parallel_loop3A_149 = vector.bitcast %parallel_loop3A_148 : vector<16xi32> to vector<16xf32>
      %parallel_loop3A_150 = arith.select %parallel_loop3A_137, %get3A_51, %get3A_19 : vector<16xf32>
      %parallel_loop3A_151 = arith.select %parallel_loop3A_137, %get3A_55, %get3A_23 : vector<16xf32>
      %parallel_loop3A_152 = arith.addf %parallel_loop3A_145, %parallel_loop3A_150 : vector<16xf32>
      %parallel_loop3A_153 = arith.index_cast %parallel_loop3A_125 : i32 to index
      %parallel_loop3A_154 = arith.constant 0 : index
      %parallel_loop3A_155 = tpu.vector_load %arg12[%parallel_loop3A_153, %parallel_loop3A_154] {strides = array<i32>} : memref<200x128xf32, #tpu.memory_space<vmem>>, vector<16xf32>,
      tpu.vector_store %arg12[%parallel_loop3A_153, %parallel_loop3A_154], %parallel_loop3A_152 {add = true, strides = array<i32>} : memref<200x128xf32, #tpu.memory_space<vmem>>, vector<16xf32>,
      %parallel_loop3A_156 = arith.addf %parallel_loop3A_149, %parallel_loop3A_151 : vector<16xf32>
      %parallel_loop3A_157 = arith.index_cast %parallel_loop3A_125 : i32 to index
      %parallel_loop3A_158 = arith.constant 16 : index
      %parallel_loop3A_159 = tpu.vector_load %arg12[%parallel_loop3A_157, %parallel_loop3A_158] {strides = array<i32>} : memref<200x128xf32, #tpu.memory_space<vmem>>, vector<16xf32>,
      tpu.vector_store %arg12[%parallel_loop3A_157, %parallel_loop3A_158], %parallel_loop3A_156 {add = true, strides = array<i32>} : memref<200x128xf32, #tpu.memory_space<vmem>>, vector<16xf32>,
      %parallel_loop3A_160 = arith.constant 16 : i32
      %parallel_loop3A_161 = arith.addi %parallel_loop3A_135, %parallel_loop3A_160 : i32
      %parallel_loop3A_162 = arith.index_cast %parallel_loop3A_161 : i32 to index
      %parallel_loop3A_163 = tpu.vector_load %arg10[%parallel_loop3A_162] {strides = array<i32>} : memref<12800xi32, #tpu.memory_space<vmem>>, vector<16xi32>,
      %parallel_loop3A_164 = arith.constant 16 : i32
      %parallel_loop3A_165 = vector.broadcast %parallel_loop3A_164 : i32 to vector<16xi32>
      %parallel_loop3A_166 = arith.shli %parallel_loop3A_163, %parallel_loop3A_165 : vector<16xi32>
      %parallel_loop3A_167 = vector.bitcast %parallel_loop3A_166 : vector<16xi32> to vector<16xf32>
      %parallel_loop3A_168 = arith.constant -65536 : i32
      %parallel_loop3A_169 = vector.broadcast %parallel_loop3A_168 : i32 to vector<16xi32>
      %parallel_loop3A_170 = arith.andi %parallel_loop3A_163, %parallel_loop3A_169 : vector<16xi32>
      %parallel_loop3A_171 = vector.bitcast %parallel_loop3A_170 : vector<16xi32> to vector<16xf32>
      %parallel_loop3A_172 = arith.select %parallel_loop3A_137, %get3A_59, %get3A_27 : vector<16xf32>
      %parallel_loop3A_173 = arith.select %parallel_loop3A_137, %get3A_63, %get3A_31 : vector<16xf32>
      %parallel_loop3A_174 = arith.addf %parallel_loop3A_167, %parallel_loop3A_172 : vector<16xf32>
      %parallel_loop3A_175 = arith.index_cast %parallel_loop3A_125 : i32 to index
      %parallel_loop3A_176 = arith.constant 32 : index
      %parallel_loop3A_177 = tpu.vector_load %arg12[%parallel_loop3A_175, %parallel_loop3A_176] {strides = array<i32>} : memref<200x128xf32, #tpu.memory_space<vmem>>, vector<16xf32>,
      tpu.vector_store %arg12[%parallel_loop3A_175, %parallel_loop3A_176], %parallel_loop3A_174 {add = true, strides = array<i32>} : memref<200x128xf32, #tpu.memory_space<vmem>>, vector<16xf32>,
      %parallel_loop3A_178 = arith.addf %parallel_loop3A_171, %parallel_loop3A_173 : vector<16xf32>
      %parallel_loop3A_179 = arith.index_cast %parallel_loop3A_125 : i32 to index
      %parallel_loop3A_180 = arith.constant 48 : index
      %parallel_loop3A_181 = tpu.vector_load %arg12[%parallel_loop3A_179, %parallel_loop3A_180] {strides = array<i32>} : memref<200x128xf32, #tpu.memory_space<vmem>>, vector<16xf32>,
      tpu.vector_store %arg12[%parallel_loop3A_179, %parallel_loop3A_180], %parallel_loop3A_178 {add = true, strides = array<i32>} : memref<200x128xf32, #tpu.memory_space<vmem>>, vector<16xf32>,
      %parallel_loop3A_182 = arith.constant 32 : i32
      %parallel_loop3A_183 = arith.addi %parallel_loop3A_135, %parallel_loop3A_182 : i32
      %parallel_loop3A_184 = arith.index_cast %parallel_loop3A_183 : i32 to index
      %parallel_loop3A_185 = tpu.vector_load %arg10[%parallel_loop3A_184] {strides = array<i32>} : memref<12800xi32, #tpu.memory_space<vmem>>, vector<16xi32>,
      %parallel_loop3A_186 = arith.constant 16 : i32
      %parallel_loop3A_187 = vector.broadcast %parallel_loop3A_186 : i32 to vector<16xi32>
      %parallel_loop3A_188 = arith.shli %parallel_loop3A_185, %parallel_loop3A_187 : vector<16xi32>
      %parallel_loop3A_189 = vector.bitcast %parallel_loop3A_188 : vector<16xi32> to vector<16xf32>
      %parallel_loop3A_190 = arith.constant -65536 : i32
      %parallel_loop3A_191 = vector.broadcast %parallel_loop3A_190 : i32 to vector<16xi32>
      %parallel_loop3A_192 = arith.andi %parallel_loop3A_185, %parallel_loop3A_191 : vector<16xi32>
      %parallel_loop3A_193 = vector.bitcast %parallel_loop3A_192 : vector<16xi32> to vector<16xf32>
      %parallel_loop3A_194 = arith.select %parallel_loop3A_137, %get3A_67, %get3A_35 : vector<16xf32>
      %parallel_loop3A_195 = arith.select %parallel_loop3A_137, %get3A_71, %get3A_39 : vector<16xf32>
      %parallel_loop3A_196 = arith.addf %parallel_loop3A_189, %parallel_loop3A_194 : vector<16xf32>
      %parallel_loop3A_197 = arith.index_cast %parallel_loop3A_125 : i32 to index
      %parallel_loop3A_198 = arith.constant 64 : index
      %parallel_loop3A_199 = tpu.vector_load %arg12[%parallel_loop3A_197, %parallel_loop3A_198] {strides = array<i32>} : memref<200x128xf32, #tpu.memory_space<vmem>>, vector<16xf32>,
      tpu.vector_store %arg12[%parallel_loop3A_197, %parallel_loop3A_198], %parallel_loop3A_196 {add = true, strides = array<i32>} : memref<200x128xf32, #tpu.memory_space<vmem>>, vector<16xf32>,
      %parallel_loop3A_200 = arith.addf %parallel_loop3A_193, %parallel_loop3A_195 : vector<16xf32>
      %parallel_loop3A_201 = arith.index_cast %parallel_loop3A_125 : i32 to index
      %parallel_loop3A_202 = arith.constant 80 : index
      %parallel_loop3A_203 = tpu.vector_load %arg12[%parallel_loop3A_201, %parallel_loop3A_202] {strides = array<i32>} : memref<200x128xf32, #tpu.memory_space<vmem>>, vector<16xf32>,
      tpu.vector_store %arg12[%parallel_loop3A_201, %parallel_loop3A_202], %parallel_loop3A_200 {add = true, strides = array<i32>} : memref<200x128xf32, #tpu.memory_space<vmem>>, vector<16xf32>,
      %parallel_loop3A_204 = arith.constant 48 : i32
      %parallel_loop3A_205 = arith.addi %parallel_loop3A_135, %parallel_loop3A_204 : i32
      %parallel_loop3A_206 = arith.index_cast %parallel_loop3A_205 : i32 to index
      %parallel_loop3A_207 = tpu.vector_load %arg10[%parallel_loop3A_206] {strides = array<i32>} : memref<12800xi32, #tpu.memory_space<vmem>>, vector<16xi32>,
      %parallel_loop3A_208 = arith.constant 16 : i32
      %parallel_loop3A_209 = vector.broadcast %parallel_loop3A_208 : i32 to vector<16xi32>
      %parallel_loop3A_210 = arith.shli %parallel_loop3A_207, %parallel_loop3A_209 : vector<16xi32>
      %parallel_loop3A_211 = vector.bitcast %parallel_loop3A_210 : vector<16xi32> to vector<16xf32>
      %parallel_loop3A_212 = arith.constant -65536 : i32
      %parallel_loop3A_213 = vector.broadcast %parallel_loop3A_212 : i32 to vector<16xi32>
      %parallel_loop3A_214 = arith.andi %parallel_loop3A_207, %parallel_loop3A_213 : vector<16xi32>
      %parallel_loop3A_215 = vector.bitcast %parallel_loop3A_214 : vector<16xi32> to vector<16xf32>
      %parallel_loop3A_216 = arith.select %parallel_loop3A_137, %get3A_75, %get3A_43 : vector<16xf32>
      %parallel_loop3A_217 = arith.select %parallel_loop3A_137, %get3A_79, %get3A_47 : vector<16xf32>
      %parallel_loop3A_218 = arith.addf %parallel_loop3A_211, %parallel_loop3A_216 : vector<16xf32>
      %parallel_loop3A_219 = arith.index_cast %parallel_loop3A_125 : i32 to index
      %parallel_loop3A_220 = arith.constant 96 : index
      %parallel_loop3A_221 = tpu.vector_load %arg12[%parallel_loop3A_219, %parallel_loop3A_220] {strides = array<i32>} : memref<200x128xf32, #tpu.memory_space<vmem>>, vector<16xf32>,
      tpu.vector_store %arg12[%parallel_loop3A_219, %parallel_loop3A_220], %parallel_loop3A_218 {add = true, strides = array<i32>} : memref<200x128xf32, #tpu.memory_space<vmem>>, vector<16xf32>,
      %parallel_loop3A_222 = arith.addf %parallel_loop3A_215, %parallel_loop3A_217 : vector<16xf32>
      %parallel_loop3A_223 = arith.index_cast %parallel_loop3A_125 : i32 to index
      %parallel_loop3A_224 = arith.constant 112 : index
      %parallel_loop3A_225 = tpu.vector_load %arg12[%parallel_loop3A_223, %parallel_loop3A_224] {strides = array<i32>} : memref<200x128xf32, #tpu.memory_space<vmem>>, vector<16xf32>,
      tpu.vector_store %arg12[%parallel_loop3A_223, %parallel_loop3A_224], %parallel_loop3A_222 {add = true, strides = array<i32>} : memref<200x128xf32, #tpu.memory_space<vmem>>, vector<16xf32>,
    } {sc.loop_unroll_factor = 8 : i64, sc.parallel_access}
    %add3A_92 = arith.constant 6000 : i32
    %add3A_93 = arith.addi %mul3A_2, %add3A_92 : i32
    %dma_start3A_94 = arith.constant 0 : i32
    %dma_start3A_95 = tpu.memref_slice %arg7[%add3A_93, %dma_start3A_94] : memref<204800x128xf32, #tpu.memory_space<hbm>> -> memref<200x128xf32, #tpu.memory_space<hbm>>
    %dma_start3A_96 = arith.constant 0 : i32
    %dma_start3A_97 = tpu.memref_slice %arg7[%add3A_93, %dma_start3A_96] : memref<204800x128xf32, #tpu.memory_space<hbm>> -> memref<200x128xf32, #tpu.memory_space<hbm>>
    tpu.enqueue_dma source(%arg12 : memref<200x128xf32, #tpu.memory_space<vmem>>) target(%dma_start3A_97 : memref<200x128xf32, #tpu.memory_space<hbm>>) target_semaphore(%arg18 : memref<!tpu.dma_semaphore, #tpu.memory_space<semaphore_mem>>)
    %dma_wait3A_98 = arith.constant 0 : i32
    %dma_wait3A_99 = arith.constant 0 : i32
    %dma_wait3A_100 = tpu.memref_slice %arg4[%dma_wait3A_98, %dma_wait3A_99] : memref<100000x128xf32, #tpu.memory_space<hbm>> -> memref<200x128xf32, #tpu.memory_space<hbm>>
    %dma_wait3A_101 = arith.constant 0 : i32
    %dma_wait3A_102 = arith.constant 0 : i32
    %dma_wait3A_103 = tpu.memref_slice %arg4[%dma_wait3A_101, %dma_wait3A_102] : memref<100000x128xf32, #tpu.memory_space<hbm>> -> memref<200x128xf32, #tpu.memory_space<hbm>>
    tpu.wait_dma2 semaphore(%arg16 : memref<!tpu.dma_semaphore, #tpu.memory_space<semaphore_mem>>) src(%dma_wait3A_103 : memref<200x128xf32, #tpu.memory_space<hbm>>) dst(%arg13 : memref<200x128xf32, #tpu.memory_space<vmem>>)
    %parallel_loop3A_104 = arith.constant 0 : i32
    %parallel_loop3A_105 = arith.constant 200 : i32
    %parallel_loop3A_106 = arith.constant 1 : i32
    scf.for %parallel_loop3A_125 = %parallel_loop3A_104 to %parallel_loop3A_105 step %parallel_loop3A_106  : i32 {
      %parallel_loop3A_126 = arith.constant 6200 : i32
      %parallel_loop3A_127 = arith.addi %parallel_loop3A_126, %parallel_loop3A_125 : i32
      %parallel_loop3A_128 = arith.index_cast %parallel_loop3A_127 : i32 to index
      %parallel_loop3A_129 = tpu.vector_load %arg9[%parallel_loop3A_128] {strides = array<i32>} : memref<6416xi32, #tpu.memory_space<vmem>>, vector<16xi32>,
      %parallel_loop3A_130 = vector.extract_strided_slice %parallel_loop3A_129 {offsets = [0], sizes = [1], strides = [1]} : vector<16xi32> to vector<1xi32>
      %parallel_loop3A_131 = vector.extract %parallel_loop3A_130[0] : i32 from vector<1xi32>
      %parallel_loop3A_132 = arith.constant 200 : i32
      %parallel_loop3A_133 = arith.remsi %parallel_loop3A_127, %parallel_loop3A_132 : i32
      %parallel_loop3A_134 = arith.constant 64 : i32
      %parallel_loop3A_135 = arith.muli %parallel_loop3A_133, %parallel_loop3A_134 : i32
      %parallel_loop3A_136 = arith.constant 1 : i32
      %parallel_loop3A_137 = arith.cmpi eq, %parallel_loop3A_131, %parallel_loop3A_136 : i32
      %parallel_loop3A_138 = arith.constant 0 : i32
      %parallel_loop3A_139 = arith.addi %parallel_loop3A_135, %parallel_loop3A_138 : i32
      %parallel_loop3A_140 = arith.index_cast %parallel_loop3A_139 : i32 to index
      %parallel_loop3A_141 = tpu.vector_load %arg10[%parallel_loop3A_140] {strides = array<i32>} : memref<12800xi32, #tpu.memory_space<vmem>>, vector<16xi32>,
      %parallel_loop3A_142 = arith.constant 16 : i32
      %parallel_loop3A_143 = vector.broadcast %parallel_loop3A_142 : i32 to vector<16xi32>
      %parallel_loop3A_144 = arith.shli %parallel_loop3A_141, %parallel_loop3A_143 : vector<16xi32>
      %parallel_loop3A_145 = vector.bitcast %parallel_loop3A_144 : vector<16xi32> to vector<16xf32>
      %parallel_loop3A_146 = arith.constant -65536 : i32
      %parallel_loop3A_147 = vector.broadcast %parallel_loop3A_146 : i32 to vector<16xi32>
      %parallel_loop3A_148 = arith.andi %parallel_loop3A_141, %parallel_loop3A_147 : vector<16xi32>
      %parallel_loop3A_149 = vector.bitcast %parallel_loop3A_148 : vector<16xi32> to vector<16xf32>
      %parallel_loop3A_150 = arith.select %parallel_loop3A_137, %get3A_51, %get3A_19 : vector<16xf32>
      %parallel_loop3A_151 = arith.select %parallel_loop3A_137, %get3A_55, %get3A_23 : vector<16xf32>
      %parallel_loop3A_152 = arith.addf %parallel_loop3A_145, %parallel_loop3A_150 : vector<16xf32>
      %parallel_loop3A_153 = arith.index_cast %parallel_loop3A_125 : i32 to index
      %parallel_loop3A_154 = arith.constant 0 : index
      %parallel_loop3A_155 = tpu.vector_load %arg13[%parallel_loop3A_153, %parallel_loop3A_154] {strides = array<i32>} : memref<200x128xf32, #tpu.memory_space<vmem>>, vector<16xf32>,
      tpu.vector_store %arg13[%parallel_loop3A_153, %parallel_loop3A_154], %parallel_loop3A_152 {add = true, strides = array<i32>} : memref<200x128xf32, #tpu.memory_space<vmem>>, vector<16xf32>,
      %parallel_loop3A_156 = arith.addf %parallel_loop3A_149, %parallel_loop3A_151 : vector<16xf32>
      %parallel_loop3A_157 = arith.index_cast %parallel_loop3A_125 : i32 to index
      %parallel_loop3A_158 = arith.constant 16 : index
      %parallel_loop3A_159 = tpu.vector_load %arg13[%parallel_loop3A_157, %parallel_loop3A_158] {strides = array<i32>} : memref<200x128xf32, #tpu.memory_space<vmem>>, vector<16xf32>,
      tpu.vector_store %arg13[%parallel_loop3A_157, %parallel_loop3A_158], %parallel_loop3A_156 {add = true, strides = array<i32>} : memref<200x128xf32, #tpu.memory_space<vmem>>, vector<16xf32>,
      %parallel_loop3A_160 = arith.constant 16 : i32
      %parallel_loop3A_161 = arith.addi %parallel_loop3A_135, %parallel_loop3A_160 : i32
      %parallel_loop3A_162 = arith.index_cast %parallel_loop3A_161 : i32 to index
      %parallel_loop3A_163 = tpu.vector_load %arg10[%parallel_loop3A_162] {strides = array<i32>} : memref<12800xi32, #tpu.memory_space<vmem>>, vector<16xi32>,
      %parallel_loop3A_164 = arith.constant 16 : i32
      %parallel_loop3A_165 = vector.broadcast %parallel_loop3A_164 : i32 to vector<16xi32>
      %parallel_loop3A_166 = arith.shli %parallel_loop3A_163, %parallel_loop3A_165 : vector<16xi32>
      %parallel_loop3A_167 = vector.bitcast %parallel_loop3A_166 : vector<16xi32> to vector<16xf32>
      %parallel_loop3A_168 = arith.constant -65536 : i32
      %parallel_loop3A_169 = vector.broadcast %parallel_loop3A_168 : i32 to vector<16xi32>
      %parallel_loop3A_170 = arith.andi %parallel_loop3A_163, %parallel_loop3A_169 : vector<16xi32>
      %parallel_loop3A_171 = vector.bitcast %parallel_loop3A_170 : vector<16xi32> to vector<16xf32>
      %parallel_loop3A_172 = arith.select %parallel_loop3A_137, %get3A_59, %get3A_27 : vector<16xf32>
      %parallel_loop3A_173 = arith.select %parallel_loop3A_137, %get3A_63, %get3A_31 : vector<16xf32>
      %parallel_loop3A_174 = arith.addf %parallel_loop3A_167, %parallel_loop3A_172 : vector<16xf32>
      %parallel_loop3A_175 = arith.index_cast %parallel_loop3A_125 : i32 to index
      %parallel_loop3A_176 = arith.constant 32 : index
      %parallel_loop3A_177 = tpu.vector_load %arg13[%parallel_loop3A_175, %parallel_loop3A_176] {strides = array<i32>} : memref<200x128xf32, #tpu.memory_space<vmem>>, vector<16xf32>,
      tpu.vector_store %arg13[%parallel_loop3A_175, %parallel_loop3A_176], %parallel_loop3A_174 {add = true, strides = array<i32>} : memref<200x128xf32, #tpu.memory_space<vmem>>, vector<16xf32>,
      %parallel_loop3A_178 = arith.addf %parallel_loop3A_171, %parallel_loop3A_173 : vector<16xf32>
      %parallel_loop3A_179 = arith.index_cast %parallel_loop3A_125 : i32 to index
      %parallel_loop3A_180 = arith.constant 48 : index
      %parallel_loop3A_181 = tpu.vector_load %arg13[%parallel_loop3A_179, %parallel_loop3A_180] {strides = array<i32>} : memref<200x128xf32, #tpu.memory_space<vmem>>, vector<16xf32>,
      tpu.vector_store %arg13[%parallel_loop3A_179, %parallel_loop3A_180], %parallel_loop3A_178 {add = true, strides = array<i32>} : memref<200x128xf32, #tpu.memory_space<vmem>>, vector<16xf32>,
      %parallel_loop3A_182 = arith.constant 32 : i32
      %parallel_loop3A_183 = arith.addi %parallel_loop3A_135, %parallel_loop3A_182 : i32
      %parallel_loop3A_184 = arith.index_cast %parallel_loop3A_183 : i32 to index
      %parallel_loop3A_185 = tpu.vector_load %arg10[%parallel_loop3A_184] {strides = array<i32>} : memref<12800xi32, #tpu.memory_space<vmem>>, vector<16xi32>,
      %parallel_loop3A_186 = arith.constant 16 : i32
      %parallel_loop3A_187 = vector.broadcast %parallel_loop3A_186 : i32 to vector<16xi32>
      %parallel_loop3A_188 = arith.shli %parallel_loop3A_185, %parallel_loop3A_187 : vector<16xi32>
      %parallel_loop3A_189 = vector.bitcast %parallel_loop3A_188 : vector<16xi32> to vector<16xf32>
      %parallel_loop3A_190 = arith.constant -65536 : i32
      %parallel_loop3A_191 = vector.broadcast %parallel_loop3A_190 : i32 to vector<16xi32>
      %parallel_loop3A_192 = arith.andi %parallel_loop3A_185, %parallel_loop3A_191 : vector<16xi32>
      %parallel_loop3A_193 = vector.bitcast %parallel_loop3A_192 : vector<16xi32> to vector<16xf32>
      %parallel_loop3A_194 = arith.select %parallel_loop3A_137, %get3A_67, %get3A_35 : vector<16xf32>
      %parallel_loop3A_195 = arith.select %parallel_loop3A_137, %get3A_71, %get3A_39 : vector<16xf32>
      %parallel_loop3A_196 = arith.addf %parallel_loop3A_189, %parallel_loop3A_194 : vector<16xf32>
      %parallel_loop3A_197 = arith.index_cast %parallel_loop3A_125 : i32 to index
      %parallel_loop3A_198 = arith.constant 64 : index
      %parallel_loop3A_199 = tpu.vector_load %arg13[%parallel_loop3A_197, %parallel_loop3A_198] {strides = array<i32>} : memref<200x128xf32, #tpu.memory_space<vmem>>, vector<16xf32>,
      tpu.vector_store %arg13[%parallel_loop3A_197, %parallel_loop3A_198], %parallel_loop3A_196 {add = true, strides = array<i32>} : memref<200x128xf32, #tpu.memory_space<vmem>>, vector<16xf32>,
      %parallel_loop3A_200 = arith.addf %parallel_loop3A_193, %parallel_loop3A_195 : vector<16xf32>
      %parallel_loop3A_201 = arith.index_cast %parallel_loop3A_125 : i32 to index
      %parallel_loop3A_202 = arith.constant 80 : index
      %parallel_loop3A_203 = tpu.vector_load %arg13[%parallel_loop3A_201, %parallel_loop3A_202] {strides = array<i32>} : memref<200x128xf32, #tpu.memory_space<vmem>>, vector<16xf32>,
      tpu.vector_store %arg13[%parallel_loop3A_201, %parallel_loop3A_202], %parallel_loop3A_200 {add = true, strides = array<i32>} : memref<200x128xf32, #tpu.memory_space<vmem>>, vector<16xf32>,
      %parallel_loop3A_204 = arith.constant 48 : i32
      %parallel_loop3A_205 = arith.addi %parallel_loop3A_135, %parallel_loop3A_204 : i32
      %parallel_loop3A_206 = arith.index_cast %parallel_loop3A_205 : i32 to index
      %parallel_loop3A_207 = tpu.vector_load %arg10[%parallel_loop3A_206] {strides = array<i32>} : memref<12800xi32, #tpu.memory_space<vmem>>, vector<16xi32>,
      %parallel_loop3A_208 = arith.constant 16 : i32
      %parallel_loop3A_209 = vector.broadcast %parallel_loop3A_208 : i32 to vector<16xi32>
      %parallel_loop3A_210 = arith.shli %parallel_loop3A_207, %parallel_loop3A_209 : vector<16xi32>
      %parallel_loop3A_211 = vector.bitcast %parallel_loop3A_210 : vector<16xi32> to vector<16xf32>
      %parallel_loop3A_212 = arith.constant -65536 : i32
      %parallel_loop3A_213 = vector.broadcast %parallel_loop3A_212 : i32 to vector<16xi32>
      %parallel_loop3A_214 = arith.andi %parallel_loop3A_207, %parallel_loop3A_213 : vector<16xi32>
      %parallel_loop3A_215 = vector.bitcast %parallel_loop3A_214 : vector<16xi32> to vector<16xf32>
      %parallel_loop3A_216 = arith.select %parallel_loop3A_137, %get3A_75, %get3A_43 : vector<16xf32>
      %parallel_loop3A_217 = arith.select %parallel_loop3A_137, %get3A_79, %get3A_47 : vector<16xf32>
      %parallel_loop3A_218 = arith.addf %parallel_loop3A_211, %parallel_loop3A_216 : vector<16xf32>
      %parallel_loop3A_219 = arith.index_cast %parallel_loop3A_125 : i32 to index
      %parallel_loop3A_220 = arith.constant 96 : index
      %parallel_loop3A_221 = tpu.vector_load %arg13[%parallel_loop3A_219, %parallel_loop3A_220] {strides = array<i32>} : memref<200x128xf32, #tpu.memory_space<vmem>>, vector<16xf32>,
      tpu.vector_store %arg13[%parallel_loop3A_219, %parallel_loop3A_220], %parallel_loop3A_218 {add = true, strides = array<i32>} : memref<200x128xf32, #tpu.memory_space<vmem>>, vector<16xf32>,
      %parallel_loop3A_222 = arith.addf %parallel_loop3A_215, %parallel_loop3A_217 : vector<16xf32>
      %parallel_loop3A_223 = arith.index_cast %parallel_loop3A_125 : i32 to index
      %parallel_loop3A_224 = arith.constant 112 : index
      %parallel_loop3A_225 = tpu.vector_load %arg13[%parallel_loop3A_223, %parallel_loop3A_224] {strides = array<i32>} : memref<200x128xf32, #tpu.memory_space<vmem>>, vector<16xf32>,
      tpu.vector_store %arg13[%parallel_loop3A_223, %parallel_loop3A_224], %parallel_loop3A_222 {add = true, strides = array<i32>} : memref<200x128xf32, #tpu.memory_space<vmem>>, vector<16xf32>,
    } {sc.loop_unroll_factor = 8 : i64, sc.parallel_access}
    %add3A_107 = arith.constant 6200 : i32
    %add3A_108 = arith.addi %mul3A_2, %add3A_107 : i32
    %dma_start3A_109 = arith.constant 0 : i32
    %dma_start3A_110 = tpu.memref_slice %arg7[%add3A_108, %dma_start3A_109] : memref<204800x128xf32, #tpu.memory_space<hbm>> -> memref<200x128xf32, #tpu.memory_space<hbm>>
    %dma_start3A_111 = arith.constant 0 : i32
    %dma_start3A_112 = tpu.memref_slice %arg7[%add3A_108, %dma_start3A_111] : memref<204800x128xf32, #tpu.memory_space<hbm>> -> memref<200x128xf32, #tpu.memory_space<hbm>>
    tpu.enqueue_dma source(%arg13 : memref<200x128xf32, #tpu.memory_space<vmem>>) target(%dma_start3A_112 : memref<200x128xf32, #tpu.memory_space<hbm>>) target_semaphore(%arg19 : memref<!tpu.dma_semaphore, #tpu.memory_space<semaphore_mem>>)
    %dma_wait3A_113 = arith.constant 0 : i32
    %dma_wait3A_114 = tpu.memref_slice %arg7[%mul3A_2, %dma_wait3A_113] : memref<204800x128xf32, #tpu.memory_space<hbm>> -> memref<200x128xf32, #tpu.memory_space<hbm>>
    %dma_wait3A_115 = arith.constant 0 : i32
    %dma_wait3A_116 = tpu.memref_slice %arg7[%mul3A_2, %dma_wait3A_115] : memref<204800x128xf32, #tpu.memory_space<hbm>> -> memref<200x128xf32, #tpu.memory_space<hbm>>
    tpu.wait_dma2 semaphore(%arg18 : memref<!tpu.dma_semaphore, #tpu.memory_space<semaphore_mem>>) src(%arg12 : memref<200x128xf32, #tpu.memory_space<vmem>>) dst(%dma_wait3A_116 : memref<200x128xf32, #tpu.memory_space<hbm>>)
    %dma_wait3A_117 = arith.constant 0 : i32
    %dma_wait3A_118 = tpu.memref_slice %arg7[%mul3A_2, %dma_wait3A_117] : memref<204800x128xf32, #tpu.memory_space<hbm>> -> memref<200x128xf32, #tpu.memory_space<hbm>>
    %dma_wait3A_119 = arith.constant 0 : i32
    %dma_wait3A_120 = tpu.memref_slice %arg7[%mul3A_2, %dma_wait3A_119] : memref<204800x128xf32, #tpu.memory_space<hbm>> -> memref<200x128xf32, #tpu.memory_space<hbm>>
    tpu.wait_dma2 semaphore(%arg19 : memref<!tpu.dma_semaphore, #tpu.memory_space<semaphore_mem>>) src(%arg13 : memref<200x128xf32, #tpu.memory_space<vmem>>) dst(%dma_wait3A_120 : memref<200x128xf32, #tpu.memory_space<hbm>>)
    %dma_wait3A_121 = arith.constant 0 : i32
    %dma_wait3A_122 = tpu.memref_slice %arg7[%mul3A_2, %dma_wait3A_121] : memref<204800x128xf32, #tpu.memory_space<hbm>> -> memref<200x128xf32, #tpu.memory_space<hbm>>
    %dma_wait3A_123 = arith.constant 0 : i32
    %dma_wait3A_124 = tpu.memref_slice %arg7[%mul3A_2, %dma_wait3A_123] : memref<204800x128xf32, #tpu.memory_space<hbm>> -> memref<200x128xf32, #tpu.memory_space<hbm>>
    tpu.wait_dma2 semaphore(%arg20 : memref<!tpu.dma_semaphore, #tpu.memory_space<semaphore_mem>>) src(%arg14 : memref<200x128xf32, #tpu.memory_space<vmem>>) dst(%dma_wait3A_124 : memref<200x128xf32, #tpu.memory_space<hbm>>)
    return
  }
}

</mosaic_0001>

<sc_bundles>
// kernel: kernel.3.cloned.1.call-start
scs
__scs_entry_jumppad:
0x0: {  	(pc) =	sbr.rel $0x88, $3  }
0x1: {  	(tag) =	ssettag $0x0;
	lr =	simm.s32 $0x1  }
0x2: {  	[smem:$0x3F9D] =	sst lr;
	_ =	strace $0xD0000000  }
0x3: {  	_ = 	snop  }
0x4: {  	_ = 	snop  }
0x5: {  	_ = 	snop  }
0x6: {  	_ = 	snop  }
0x7: {  	_ = 	snop  }
__scs_overlays_trampoline_lowered:
0x8: {  	[smem:$0x3FAC] =	sst s0  }
0x9: {  	[smem:$0x3FAD] =	sst s1  }
0xa: {  	[smem:$0x3FAE] =	sst s2  }
0xb: {  	[smem:$0x3FAF] =	sst s3  }
0xc: {  	[smem:$0x3FB0] =	sst s4  }
0xd: {  	[smem:$0x3FB1] =	sst s5  }
0xe: {  	[smem:$0x3FB2] =	sst s6  }
0xf: {  	[smem:$0x3FB3] =	sst s7  }
0x10: {  	[smem:$0x3FB4] =	sst s8  }
0x11: {  	[smem:$0x3FB5] =	sst s9;
	s0 =	simm.s32 @!p0 $0x0  }
0x12: {  	s1 =	sld [smem:$0x3F9B];
	s0 =	simm.s32 @p0 $0x1  }
0x13: {  	[smem:$0x3FB6] =	sst s0;
	s0 =	simm.s32 @!p1 $0x0  }
0x14: {  	s2 =	sld [smem:$0x3F9A];
	s0 =	simm.s32 @p1 $0x1  }
0x15: {  	[smem:$0x3FB7] =	sst s0;
	s0 =	simm.s32 @!p2 $0x0  }
0x16: {  	s3 =	sld [smem:$0x3FDB];
	s0 =	simm.s32 @p2 $0x1  }
0x17: {  	s4 =	simm.s32 $0x1BF5;
	[smem:$0x3FB9] =	sst s0  }
0x18: {  	s0 =	sld [smem:$0x3F9C];
	_ =	swait.ge [sflag:s4], $0x0  }
0x19: {  	s7 =	sld [smem:$0x3F9D]  }
0x1a: {  	s8 =	sadd.s32 $0xFFFFE003, lr  }
0x1b: {  	s9 =	sadd.s32 $0xFFFFFEF7, lr;
	s5 =	simm.s32 $0xFFFFFFFF;
	p2 =	slt.u32 s8, $0xFFFFF086  }
0x1c: {  	p1 =	slt.u32 s9, $0xF7A;
	s5 =	simm.s32 @!p2 $0x0  }
0x1d: {  	s5 =	simm.s32 @p1 $0x1;
	p0 =	seq.s32 s7, s2  }
0x1e: {  	s7 =	smul.u32 @!p0 $0xF7A, s2;
	p2 =	seq.s32 @!p0 s5, $0x0  }
0x1f: {  	s9 =	smul.u32 $0xF7A, s1;
	s8 =	simm.s32 @!p0 $0x1BF5;
	p2 =	por !p2, p0  }
0x20: {  	[sflag:s8] =	ssyncset.s32 @!p0 $0xFFFFF086;
	s6 =	sadd.s32 @!p0 s3, s7;
	s7 =	simm.s32 @!p0 $0x108  }
0x21: {  	s3 =	sadd.s32 s3, s9;
	s6 =	sadd.s32 @!p0 $0x88, s6;
	s7 =	simm.s32 @p2 $0x1082  }
0x22: {  	[simem:s7], [sflag:s8] =	dma.local @!p0 [hbm:s6], $0xF7A  }
0x23: {  	s9 =	sor.u32 $0xD0000000, s2;
	s6 =	simm.s32 $0x108;
	_ =	swait.ge @!p0 [sflag:s8], $0x0  }
0x24: {  	s3 =	sadd.s32 $0x88, s3;
	s6 =	simm.s32 @!p1 $0x1082;
	[sflag:s4] =	ssyncset.s32 $0xFFFFF086  }
0x25: {  	[simem:s6], [sflag:s4] =	dma.local [hbm:s3], $0xF7A  }
0x26: {  	[smem:$0x3F9D] =	sst s1;
	(tag) =	ssettag s2;
	_ =	strace s9  }
0x27: {  	s1 =	sld [smem:$0x3FAD]  }
0x28: {  	s2 =	sld [smem:$0x3FAE]  }
0x29: {  	s4 =	sld [smem:$0x3FB0]  }
0x2a: {  	p0 =	seq.s32 s5, $0x0;
	s5 =	sld [smem:$0x3FB1]  }
0x2b: {  	s6 =	sld [smem:$0x3FB2]  }
0x2c: {  	s7 =	sld [smem:$0x3FB3]  }
0x2d: {  	s3 =	simm.s32 $0x108;
	s8 =	sld [smem:$0x3FB4]  }
0x2e: {  	s3 =	simm.s32 @!p0 $0x1082;
	s9 =	sld [smem:$0x3FB5]  }
0x2f: {  	lr =	sadd.s32 s0, s3;
	s0 =	sld [smem:$0x3FAC]  }
0x30: {  	s3 =	sld [smem:$0x3FAF]  }
0x31: {  	[smem:$0x3FB8] =	sst s10  }
0x32: {  	s10 =	sld [smem:$0x3FB6];
	_ =	sdelay $0x3  }
0x33: {  	p0 =	seq.s32 s10, $0x1;
	s10 =	sld [smem:$0x3FB8];
	_ =	sdelay $0x3  }
0x34: {  	[smem:$0x3FB8] =	sst s10  }
0x35: {  	s10 =	sld [smem:$0x3FB7];
	_ =	sdelay $0x3  }
0x36: {  	p1 =	seq.s32 s10, $0x1;
	s10 =	sld [smem:$0x3FB8];
	_ =	sdelay $0x3  }
0x37: {  	[smem:$0x3FB8] =	sst s10  }
0x38: {  	s10 =	sld [smem:$0x3FB9]  }
0x39: {  	_ = 	snop;
	(pc) =	sbr.ind lr, $3  }
0x3a: {  	_ = 	snop  }
0x3b: {  	_ = 	snop  }
0x3c: {  	p2 =	seq.s32 s10, $0x1;
	s10 =	sld [smem:$0x3FB8]  }
0x3d: {  	_ =	shalt  }
0x3e: {  	_ =	shalt  }
0x3f: {  	_ =	shalt  }
0x40: {  	_ =	shalt  }
0x41: {  	_ =	shalt  }
0x42: {  	_ =	shalt  }
0x43: {  	_ =	shalt  }
0x44: {  	_ =	shalt  }
0x45: {  	_ =	shalt  }
0x46: {  	_ =	shalt  }
0x47: {  	_ =	shalt  }
0x48: {  	_ =	shalt  }
0x49: {  	_ =	shalt  }
0x4a: {  	_ =	shalt  }
0x4b: {  	_ =	shalt  }
0x4c: {  	_ =	shalt  }
0x4d: {  	_ =	shalt  }
0x4e: {  	_ =	shalt  }
0x4f: {  	_ =	shalt  }
0x50: {  	_ =	shalt  }
0x51: {  	_ =	shalt  }
0x52: {  	_ =	shalt  }
0x53: {  	_ =	shalt  }
0x54: {  	_ =	shalt  }
0x55: {  	_ =	shalt  }
0x56: {  	_ =	shalt  }
0x57: {  	_ =	shalt  }
0x58: {  	_ =	shalt  }
0x59: {  	_ =	shalt  }
0x5a: {  	_ =	shalt  }
0x5b: {  	_ =	shalt  }
0x5c: {  	_ =	shalt  }
0x5d: {  	_ =	shalt  }
0x5e: {  	_ =	shalt  }
0x5f: {  	_ =	shalt  }
0x60: {  	_ =	shalt  }
0x61: {  	_ =	shalt  }
0x62: {  	_ =	shalt  }
0x63: {  	_ =	shalt  }
0x64: {  	_ =	shalt  }
0x65: {  	_ =	shalt  }
0x66: {  	_ =	shalt  }
0x67: {  	_ =	shalt  }
0x68: {  	_ =	shalt  }
0x69: {  	_ =	shalt  }
0x6a: {  	_ =	shalt  }
0x6b: {  	_ =	shalt  }
0x6c: {  	_ =	shalt  }
0x6d: {  	_ =	shalt  }
0x6e: {  	_ =	shalt  }
0x6f: {  	_ =	shalt  }
0x70: {  	_ =	shalt  }
0x71: {  	_ =	shalt  }
0x72: {  	_ =	shalt  }
0x73: {  	_ =	shalt  }
0x74: {  	_ =	shalt  }
0x75: {  	_ =	shalt  }
0x76: {  	_ =	shalt  }
0x77: {  	_ =	shalt  }
0x78: {  	_ =	shalt  }
0x79: {  	_ =	shalt  }
0x7a: {  	_ =	shalt  }
0x7b: {  	_ =	shalt  }
0x7c: {  	_ =	shalt  }
0x7d: {  	_ =	shalt  }
0x7e: {  	_ =	shalt  }
0x7f: {  	_ =	shalt  }
0x80: {  	_ =	shalt  }
0x81: {  	_ =	shalt  }
0x82: {  	_ =	shalt  }
0x83: {  	_ =	shalt  }
0x84: {  	_ =	shalt  }
0x85: {  	_ =	shalt  }
0x86: {  	_ =	shalt  }
0x87: {  	_ =	shalt  }
.Lfunc_end0:
.L_simem_size_0:
called_computation_lowered:
.L_overlay_start_0:
0x88: {  	s2 =	sld [smem:$0x3FD9]  }
0x89: {  	s3 =	sld [smem:$0x3FFE];
	_ =	sdelay $0x1  }
0x8a: {  	s1 =	srdreg.scid  }
0x8b: {  	s0 =	sand.u32 $0x1, s1  }
0x8c: {  	s17 =	sshll.u32 s0, $0xA;
	s2 =	sadd.s32 s3, s2  }
0x8d: {  	s2 =	sadd.s32 s2, s17  }
0x8e: {  	[smem:$0x3FC4] =	sst s2  }
0x8f: {  	_ = 	snop  }
0x90: {  	s2 =	sld [smem:$0x3FC7]  }
0x91: {  	s18 =	sld [smem:$0x3FC6]  }
0x92: {  	s4 =	sld [smem:$0x3FD0];
	(tm) =	ssettm $0x1  }
0x93: {  	s5 =	sld [smem:$0x3FFB];
	_ =	sdelay $0x3  }
0x94: {  	_ =	strace s5  }
0x95: {  	s5 =	sld [smem:$0x3FFC];
	_ =	sdelay $0x3  }
0x96: {  	_ =	strace s5  }
0x97: {  	s5 =	sld [smem:$0x3FFD];
	_ =	sdelay $0x3  }
0x98: {  	_ =	strace s5  }
0x99: {  	_ =	strace $0x8FFFFFFF  }
0x9a: {  	s19 =	sld [smem:$0x3FDB];
	_ =	sdelay $0x1  }
0x9b: {  	s6 =	simm.s32 $_scs_section_size  }
0x9c: {  	s7 =	simm.s32 $_size__tile_overlayer_lowered;
	s8 =	simm.s32 $_tile_overlayer_lowered  }
0x9d: {  	s22 =	simm.s32 $0x1BFF;
	s21 =	sshll.u32 s8, $0x1;
	s5 =	sadd.s32 s6, s19  }
0x9e: {  	s9 =	simm.s32 $0x0;
	s20 =	sshll.u32 s7, $0x1;
	s7 =	sadd.s32 s21, s5  }
0x9f: {  	[timem:s9], [sflag:s22] =	dma.local [hbm:s7], s20  }
0xa0: {  	_ =	swait.ge [sflag:s22], s20  }
0xa1: {  	s6 =	ssub.s32 $0x0, s20;
	[sflag:s22] =	ssyncset.done $0x0  }
0xa2: {  	[sflag:s22] =	ssyncadd.s32 s6;
	_ =	sdelay $0x1  }
0xa3: {  	s23 =	simm.s32 $0x1B8B  }
0xa4: {  	_ =	swait.ge [sflag:s23], $0x1  }
0xa5: {  	[sflag:s23] =	ssyncset.done $0x0  }
0xa6: {  	s25 =	simm.s32 $0x1B8E;
	s24 =	sld [smem:$0x3FFE];
	[sflag:s23] =	ssyncadd.s32 $0xFFFFFFFF  }
0xa7: {  	s26 =	simm.s32 $execute0_lowered;
	[smem:$0x3FD2] =	sst s25  }
0xa8: {  	s7 =	sshll.u32 s26, $0x1;
	_ =	strace $0x80000046;
	[dreg:$0x1] =	wrdreg $0xFFFFFFFF  }
0xa9: {  	s28 =	simm.s32 $_size_execute0_lowered;
	s5 =	sadd.s32 s5, s7;
	[dreg:$0x0] =	wrdreg $0x0  }
0xaa: {  	s7 =	sshll.u32 s28, $0x1;
	[dreg:$0x2] =	wrdreg s5  }
0xab: {  	[dreg:$0x3] =	wrdreg s7  }
0xac: {  	[dreg:$0x4] =	wrdreg $0xC0  }
0xad: {  	_ =	task [dreg:s9], $0x5FFFF  }
0xae: {  	[dreg:$0x1] =	wrdreg $0xFFFFFFFF  }
0xaf: {  	[dreg:$0x0] =	wrdreg $0x60  }
0xb0: {  	[dreg:$0x2] =	wrdreg s24  }
0xb1: {  	[dreg:$0x3] =	wrdreg s2  }
0xb2: {  	[dreg:$0x4] =	wrdreg s18  }
0xb3: {  	[dreg:$0x5] =	wrdreg s4  }
0xb4: {  	[dreg:$0x6] =	wrdreg $0x9  }
0xb5: {  	_ =	task.clear_ibuf [dreg:s9], $0x7FFFF;
	_ =	strace $0x90000046  }
0xb6: {  	s29 =	simm.s32 $0x9;
	_ =	strace $0x80000048  }
0xb7: {  	_ =	swait.ge [sflag:s29], $0x1  }
0xb8: {  	[sflag:s29] =	ssyncadd.s32 $0xFFFFFFFF  }
0xb9: {  	_ =	strace $0x90000048  }
0xba: {  	_ =	sfence  }
0xbb: {  	s30 =	sld [smem:$0x0];
	_ =	sdelay $0x2  }
0xbc: {  	s31 =	sshll.u32 s1, $0xD;
	s1 =	sshrl.u32 s1, $0x2  }
0xbd: {  	s3 =	sand.u32 $0x4000, s31;
	s1 =	sadd.s32 s1, s30  }
0xbe: {  	s0 =	sor.u32 s3, s0;
	s1 =	sshll.u32 s1, $0x11  }
0xbf: {  	s0 =	sor.u32 s1, s0  }
0xc0: {  	s0 =	sadd.s32 $0x8F2B, s0  }
0xc1: {  	[sflag:s0] =	ssyncadd.remote.s32 $0x1  }
0xc2: {  	_ =	sfence.sel $0xFFFF  }
0xc3: {  	[dreg:$0x0] =	wrdreg $0xFFFFFFFF;
	(pc) =	sbr.abs _section_cstart, $3  }
0xc4: {  	[dreg:$0x1] =	wrdreg $0xFFFFFFFF  }
0xc5: {  	_ =	task.clear_ibuf [dreg:s9], $0x2FFFF;
	_ =	strace $0x9FFFFFFF  }
0xc6: {  	(tm) =	ssettm $0x7FFFFFFF  }
0xc7: {  	_ =	shalt  }
tec
execute0_lowered:
.L_overlay_start_1:
0x0: {  	(tag) =	ssettag $0x1  }
0x1: {  	s1 =	srdreg.scid;
	s2 =	stileid.u32  }
0x2: {  	s1 =	sand.u32 $0x1, s1;
	s2 =	sshll.u32 s2, $0x1  }
0x3: {  	s0 =	rddreg [dreg:$0x0];
	s2 =	sor.u32 s1, s2  }
0x4: {  	s4 =	rddreg [dreg:$0x3];
	s6 =	simm.s32 $0x0;
	s5 =	smul.u32 $0x1900, s2  }
0x5: {  	s23 =	simm.s32 $0x5;
	[smem:$0x7FF] =	sst s6  }
0x6: {  	_ =	strace $0x80000047;
	s2 =	smul.u32 $0xC8000, s2;
	s3 =	sshrl.u32 s5, $0x3  }
0x7: {  	s1 =	ssub.s32 $0x2, s1;
	s3 =	sadd.s32 s3, s0;
	s0 =	sadd.s32 $0xCC00, s0  }
0x8: {  	s2 =	sshrl.u32 s2, $0x3;
	[dreg:$0x5] =	wrdreg s0;
	s28 =	sadd.s32 $0x400, s3  }
0x9: {  	s29 =	sadd.s32 s4, s2;
	s30 =	sadd.s32 $0x6800, s3;
	[dreg:$0x6] =	wrdreg s28  }
0xa: {  	s26 =	sshrl.u32 s1, $0x1;
	s31 =	sadd.s32 $0x17700, s29;
	[dreg:$0x7] =	wrdreg s30  }
0xb: {  	s0 =	ssub.s32 s1, s26;
	s1 =	sadd.s32 $0x18380, s29;
	[dreg:$0x8] =	wrdreg s31  }
0xc: {  	s22 =	simm.s32 $0xC8;
	[dreg:$0x9] =	wrdreg s1;
	s0 =	smax.u32 s0, $0x1  }
0xd: {  	s2 =	simm.s32 $0x0;
	s26 =	simm.s32 $0xC980;
	[dreg:$0xa] =	wrdreg s0  }
.LBB2_1:
0xe: {  	[dreg:$0xb] =	wrdreg s2  }
0xf: {  	s0 =	rddreg [dreg:$0x6];
	s1 =	simm.s32 $0x7  }
0x10: {  	[tilespmem:s6], [sflag:$0x7] =	stream.linear.gather [hbm4b:s0+s6], $0x1900, $0x38;
	[tilespmem:$0x19180] =	vst v63  }
0x11: {  	_ =	swait.ge [sflag:s1], $0x1900  }
0x12: {  	[sflag:s1] =	ssyncset.done $0x0  }
0x13: {  	[sflag:s1] =	ssyncadd.s32 $0xFFFFE700  }
0x14: {  	s19 =	simm.s32 $0x6580;
	s3 =	simm.s32 $0xC8;
	s18 =	rddreg [dreg:$0x1]  }
0x15: {  	[tilespmem:s19], [sflag:$0x1] =	stream.indirect.gather [hbm4b:s18+s3], $0x80, s6, s3, $0xb8;
	[tilespmem:$0x19180] =	vst v63  }
0x16: {  	_ = 	snop  }
0x17: {  	[tilespmem:s26], [sflag:$0x2] =	stream.indirect.gather [hbm4b:s18+s3], $0x80, s3, s3, $0xb8;
	[tilespmem:$0x19180] =	vst v63  }
0x18: {  	s28 =	simm.s32 $0x190;
	s20 =	simm.s32 $0x12D80  }
0x19: {  	[tilespmem:s20], [sflag:$0x3] =	stream.indirect.gather [hbm4b:s18+s3], $0x80, s28, s3, $0xb8;
	[tilespmem:$0x19180] =	vst v63  }
0x1a: {  	s24 =	simm.s32 $0x1900;
	s21 =	rddreg [dreg:$0x7]  }
0x1b: {  	[tilespmem:s24], [sflag:$0x7] =	stream.linear.gather [hbm4b:s21+s6], $0x1900, $0x38;
	[tilespmem:$0x19180] =	vst v63  }
0x1c: {  	_ =	swait.ge [sflag:s1], $0x1900  }
0x1d: {  	[sflag:s1] =	ssyncset.done $0x0  }
0x1e: {  	s15 =	simm.s32 $0x3280;
	s25 =	rddreg [dreg:$0x5];
	[sflag:s1] =	ssyncadd.s32 $0xFFFFE700  }
0x1f: {  	[tilespmem:s15], [sflag:$0x7] =	stream.linear.gather [hbm4b:s25+s6], $0x3200, $0x38;
	[tilespmem:$0x19180] =	vst v63  }
0x20: {  	_ =	swait.ge [sflag:s1], $0x3200  }
0x21: {  	[sflag:s1] =	ssyncset.done $0x0  }
0x22: {  	[sflag:s1] =	ssyncadd.s32 $0xFFFFCE00  }
0x23: {  	s29 =	simm.s32 $0x6480;
	s26 =	rddreg [dreg:$0x2]  }
0x24: {  	[tilespmem:s29], [sflag:$0x7] =	stream.linear.gather [hbm4b:s26+s6], $0x100, $0x38;
	[tilespmem:$0x19180] =	vst v63  }
0x25: {  	_ =	swait.ge [sflag:s1], $0x100  }
0x26: {  	[sflag:s1] =	ssyncset.done $0x0  }
0x27: {  	[sflag:s1] =	ssyncadd.s32 $0xFFFFFF00  }
0x28: {  	v0 =	vld [tilespmem:$0x6490]  }
0x29: {  	v57 =	vld [tilespmem:$0x64B0]  }
0x2a: {  	v58 =	vld [tilespmem:$0x64D0]  }
0x2b: {  	v59 =	vld [tilespmem:$0x6510]  }
0x2c: {  	v60 =	vld [tilespmem:$0x6530]  }
0x2d: {  	v61 =	vld [tilespmem:$0x6550];
	[tilespmem:$0x1FF50] =	vst v0  }
0x2e: {  	v62 =	vld [tilespmem:$0x6560];
	[tilespmem:$0x1FF60] =	vst v57  }
0x2f: {  	v63 =	vld [tilespmem:$0x64F0];
	[tilespmem:$0x1FF70] =	vst v58  }
0x30: {  	v45 =	vld [tilespmem:$0x6480];
	[tilespmem:$0x1FF80] =	vst v59  }
0x31: {  	v46 =	vld [tilespmem:$0x6500];
	[tilespmem:$0x1FF90] =	vst v60  }
0x32: {  	v5 =	vld [tilespmem:$0x64A0];
	[tilespmem:$0x1FFA0] =	vst v61  }
0x33: {  	v8 =	vld [tilespmem:$0x64C0];
	[tilespmem:$0x1FFB0] =	vst v62  }
0x34: {  	v4 =	vld [tilespmem:$0x64E0];
	[tilespmem:$0x1FFC0] =	vst v63  }
0x35: {  	s30 =	simm.s32 $0x1904;
	s31 =	simm.s32 $0x19CF;
	v14 =	vld [tilespmem:$0x6520];
	[tilespmem:$0x1FFD0] =	vst v45  }
0x36: {  	s2 =	simm.s32 $0x1A97;
	s14 =	simm.s32 $0xC8;
	s17 =	simm.s32 $0x0;
	v10 =	vld [tilespmem:$0x6540];
	[tilespmem:$0x1FFE0] =	vst v46  }
0x37: {  	s7 =	simm.s32 $0x0;
	s0 =	simm.s32 $0x9680;
	s21 =	simm.s32 $0x0;
	v6 =	vld [tilespmem:$0x6570];
	[tilespmem:$0x1FFF0] =	vst v5  }
.LBB2_2:
0x38: {  	s1 =	smul.u32 $0x3, s7;
	p0 =	seq.s32 s7, $0x0  }
0x39: {  	s3 =	simm.s32 @!p0 $0x6  }
0x3a: {  	s8 =	sadd.s32 $0x2, s1;
	_ =	swait.ge @!p0 [sflag:s3], $0x6400  }
0x3b: {  	[sflag:s3] =	ssyncset.done @!p0 $0x0;
	s1 =	smul.u32 @!p0 $0x320, s8  }
0x3c: {  	s10 =	simm.s32 $0x1;
	s4 =	simm.s32 @!p0 $0x12D80;
	[sflag:s3] =	ssyncadd.s32 @!p0 $0xFFFF9C00  }
0x3d: {  	s3 =	simm.s32 @!p0 $0xC8;
	s1 =	sshra.s32 @!p0 s1, $0x2;
	s9 =	rddreg [dreg:$0x1]  }
0x3e: {  	[tilespmem:s4], [sflag:$0x3] =	stream.indirect.gather @!p0 [hbm4b:s9+s3], $0x80, s1, s3, $0xb8;
	[tilespmem:$0x19180] =	vst v63  }
0x3f: {  	_ =	swait.ge [sflag:s10], $0x6400  }
0x40: {  	[sflag:s10] =	ssyncset.done $0x0  }
0x41: {  	[sflag:s10] =	ssyncadd.s32 $0xFFFF9C00  }
0x42: {  	v16 =	vld [tilespmem:s30+$0x3];
	_ =	sdelay $0x4  }
0x43: {  	(v2sf) =	vpush v16, $0x0;
	_ =	sdelay $0x4  }
0x44: {  	s11 =	smulhi.u32 $0x51EB851F, s17  }
0x45: {  	v16 =	vld [tilespmem:s30+$0xFFFFFFFC]  }
0x46: {  	s1 =	sshrl.u32 s11, $0x6  }
0x47: {  	s12 =	smul.u32 $0xFFFF3800, s1  }
0x48: {  	v17 =	vld [tilespmem:s30+$0xFFFFFFFD]  }
0x49: {  	v12 =	vld [tilespmem:$0x1FF50];
	s3 =	sshra.s32 s12, $0x2  }
0x4a: {  	v18 =	vld [tilespmem:s30+$0xFFFFFFFE];
	s11 =	sadd.s32 s3, s15;
	(v2sf) =	vpush v16, $0x0  }
0x4b: {  	v19 =	vld [tilespmem:s11+$0x1C0]  }
0x4c: {  	v15 =	vld [tilespmem:$0x1FF80]  }
0x4d: {  	v16 =	vld [tilespmem:s30+$0xFFFFFFFF];
	(v2sf) =	vpush v17, $0x0  }
0x4e: {  	s13 =	spop (v2sf)  }
0x4f: {  	p4 =	seq.s32 s13, $0x1  }
0x50: {  	s1 =	smul.u32 $0x3200, s1;
	v21 =	vld [tilespmem:s30+$0x1];
	(v2sf) =	vpush v18, $0x0;
	v18 =	vshll.u32 v19, $0x10;
	v20 =	vpsel p4, v46, v45  }
0x51: {  	v24 =	vld [tilespmem:s11+$0x140];
	v19 =	vand.u32 $0xFFFF0000, v19;
	v22 =	vpsel p4, v15, v12;
	v18 =	vadd.f32 v18, v20  }
0x52: {  	s10 =	simm.s32 $0x6970;
	s1 =	ssub.s32 s21, s1;
	v17 =	vld [tilespmem:s30+$0x0];
	(v2sf) =	vpush v16, $0x0;
	v16 =	vadd.f32 v19, v22  }
0x53: {  	s16 =	sadd.s32 $0x1C0, s1;
	[tilespmem:s10+$0xFFFFFF90] =	vst.add.f32.msk $0xffff, v18  }
0x54: {  	s18 =	sor.u32 $0x50, s16;
	[tilespmem:s10+$0xFFFFFFA0] =	vst.add.f32.msk $0xffff, v16  }
0x55: {  	v16 =	vld [tilespmem:s18+$0x3280]  }
0x56: {  	v11 =	vld [tilespmem:$0x1FF60]  }
0x57: {  	v13 =	vld [tilespmem:$0x1FF90]  }
0x58: {  	v20 =	vld [tilespmem:s30+$0x2]  }
0x59: {  	v18 =	vld [tilespmem:s11+$0x0];
	s19 =	spop (v2sf)  }
0x5a: {  	(v2sf) =	vpush v17, $0x0;
	v17 =	vld [tilespmem:s11+$0x40];
	p0 =	seq.s32 s19, $0x1  }
0x5b: {  	v23 =	vpsel p4, v14, v5;
	v19 =	vld [tilespmem:s11+$0x80];
	(v2sf) =	vpush v21, $0x0;
	s4 =	simm.s32 @!p0 $0x0;
	v22 =	vshll.u32 v16, $0x10  }
0x5c: {  	v21 =	vld [tilespmem:s11+$0xC0];
	s20 =	spop (v2sf);
	s4 =	simm.s32 @p0 $0x1;
	v16 =	vand.u32 $0xFFFF0000, v16;
	v25 =	vpsel p4, v13, v11;
	v22 =	vadd.f32 v22, v23  }
0x5d: {  	p1 =	seq.s32 s20, $0x1;
	(v2sf) =	vpush v20, $0x0;
	v20 =	vld [tilespmem:s11+$0x100];
	[smem:$0x7FD] =	sst s4;
	v16 =	vadd.f32 v16, v25  }
0x5e: {  	s12 =	simm.s32 @!p1 $0x0;
	v26 =	vshll.u32 v18, $0x10;
	v25 =	vpsel p0, v46, v45;
	[tilespmem:s10+$0xFFFFFFB0] =	vst.add.f32.msk $0xffff, v22  }
0x5f: {  	v27 =	vpsel p1, v15, v12;
	s12 =	simm.s32 @p1 $0x1;
	v18 =	vand.u32 $0xFFFF0000, v18;
	v25 =	vadd.f32 v26, v25;
	[tilespmem:s10+$0xFFFFFFC0] =	vst.add.f32.msk $0xffff, v16  }
0x60: {  	s24 =	sor.u32 $0x60, s16;
	v23 =	vld [tilespmem:s11+$0x180];
	v26 =	vshll.u32 v17, $0x10;
	v17 =	vand.u32 $0xFFFF0000, v17;
	v22 =	vpsel p0, v15, v12;
	[smem:$0x7FC] =	sst s12  }
0x61: {  	v17 =	vadd.f32 v17, v27;
	s25 =	spop (v2sf);
	v18 =	vadd.f32 v18, v22;
	v22 =	vld [tilespmem:s24+$0x3280]  }
0x62: {  	v16 =	vpsel p1, v46, v45;
	p2 =	seq.s32 s25, $0x1;
	[tilespmem:s10+$0xFFFFFC10] =	vst.add.f32.msk $0xffff, v25  }
0x63: {  	v16 =	vadd.f32 v26, v16;
	v26 =	vshll.u32 v19, $0x10;
	[tilespmem:s10+$0xFFFFFCA0] =	vst.add.f32.msk $0xffff, v17;
	v25 =	vpsel p2, v46, v45  }
0x64: {  	v19 =	vand.u32 $0xFFFF0000, v19;
	[tilespmem:s10+$0xFFFFFC20] =	vst.add.f32.msk $0xffff, v18;
	v18 =	vpsel p2, v15, v12;
	v25 =	vadd.f32 v26, v25  }
0x65: {  	[tilespmem:s10+$0xFFFFFC90] =	vst.add.f32.msk $0xffff, v16;
	v18 =	vadd.f32 v19, v18  }
0x66: {  	[tilespmem:s10+$0xFFFFFD10] =	vst.add.f32.msk $0xffff, v25  }
0x67: {  	[tilespmem:s10+$0xFFFFFD20] =	vst.add.f32.msk $0xffff, v18  }
0x68: {  	v7 =	vld [tilespmem:$0x1FF70]  }
0x69: {  	s26 =	spop (v2sf);
	v9 =	vld [tilespmem:$0x1FFA0]  }
0x6a: {  	p3 =	seq.s32 s26, $0x1;
	v19 =	vpsel p4, v10, v8;
	v17 =	vshll.u32 v22, $0x10  }
0x6b: {  	s9 =	spop (v2sf);
	v16 =	vpsel p3, v46, v45;
	v26 =	vshll.u32 v21, $0x10;
	v17 =	vadd.f32 v17, v19  }
0x6c: {  	p5 =	seq.s32 s9, $0x1;
	v16 =	vadd.f32 v26, v16  }
0x6d: {  	v19 =	vand.u32 $0xFFFF0000, v21;
	v21 =	vshll.u32 v20, $0x10;
	[tilespmem:s10+$0xFFFFFFD0] =	vst.add.f32.msk $0xffff, v17;
	v17 =	vpsel p5, v46, v45  }
0x6e: {  	v18 =	vand.u32 $0xFFFF0000, v22;
	v17 =	vadd.f32 v21, v17;
	v22 =	vpsel p4, v9, v7  }
0x6f: {  	s12 =	spop (v2sf);
	[tilespmem:s10+$0xFFFFFD90] =	vst.add.f32.msk $0xffff, v16;
	v16 =	vadd.f32 v18, v22  }
0x70: {  	p6 =	seq.s32 s12, $0x1;
	v18 =	vpsel p3, v15, v12;
	[tilespmem:s10+$0xFFFFFE10] =	vst.add.f32.msk $0xffff, v17  }
0x71: {  	s3 =	sor.u32 $0x70, s16;
	s13 =	spop (v2sf);
	v21 =	vpsel p6, v46, v45;
	v22 =	vshll.u32 v24, $0x10;
	v18 =	vadd.f32 v19, v18;
	[tilespmem:s10+$0xFFFFFFE0] =	vst.add.f32.msk $0xffff, v16  }
0x72: {  	p1 =	seq.s32 s13, $0x1;
	v19 =	vand.u32 $0xFFFF0000, v20;
	v21 =	vadd.f32 v22, v21;
	v16 =	vpsel p5, v15, v12;
	v20 =	vld [tilespmem:s3+$0x3280]  }
0x73: {  	v17 =	vpsel p1, v46, v45;
	v22 =	vshll.u32 v23, $0x10;
	v16 =	vadd.f32 v19, v16;
	[tilespmem:s10+$0xFFFFFDA0] =	vst.add.f32.msk $0xffff, v18  }
0x74: {  	v17 =	vadd.f32 v22, v17;
	v18 =	vpsel p6, v15, v12;
	v19 =	vand.u32 $0xFFFF0000, v24;
	[tilespmem:s10+$0xFFFFFE90] =	vst.add.f32.msk $0xffff, v21  }
0x75: {  	v18 =	vadd.f32 v19, v18;
	v19 =	vand.u32 $0xFFFF0000, v23;
	[tilespmem:s10+$0xFFFFFE20] =	vst.add.f32.msk $0xffff, v16;
	v16 =	vpsel p1, v15, v12  }
0x76: {  	[tilespmem:s10+$0xFFFFFF10] =	vst.add.f32.msk $0xffff, v17;
	v16 =	vadd.f32 v19, v16  }
0x77: {  	[tilespmem:s10+$0xFFFFFEA0] =	vst.add.f32.msk $0xffff, v18;
	v19 =	vpsel p4, v6, v63;
	v18 =	vand.u32 $0xFFFF0000, v20  }
0x78: {  	[tilespmem:s10+$0xFFFFFF20] =	vst.add.f32.msk $0xffff, v16;
	v17 =	vadd.f32 v18, v19  }
0x79: {  	v16 =	vld [tilespmem:s11+$0x10]  }
0x7a: {  	s16 =	sadd.s32 $0x40, s1;
	[tilespmem:s10+$0x0] =	vst.add.f32.msk $0xffff, v17  }
0x7b: {  	s18 =	sand.u32 $0x3E00, s16;
	s20 =	sld [smem:$0x7FD]  }
0x7c: {  	v17 =	vld [tilespmem:s18+$0x32D0]  }
0x7d: {  	s19 =	sadd.s32 $0xC0, s1;
	s1 =	sadd.s32 $0x140, s1;
	v22 =	vld [tilespmem:s11+$0x110];
	s24 =	sld [smem:$0x7FC]  }
0x7e: {  	s25 =	sand.u32 $0x3F00, s1;
	v18 =	vld [tilespmem:s11+$0x90];
	p0 =	seq.s32 s20, $0x1  }
0x7f: {  	s3 =	sand.u32 $0x3E80, s19;
	v25 =	vld [tilespmem:s25+$0x32D0];
	v23 =	vshll.u32 v16, $0x10;
	v21 =	vpsel p0, v14, v5  }
0x80: {  	v19 =	vld [tilespmem:s3+$0x32D0];
	v16 =	vand.u32 $0xFFFF0000, v16;
	v24 =	vpsel p0, v13, v11;
	p0 =	seq.s32 s24, $0x1;
	v21 =	vadd.f32 v23, v21  }
0x81: {  	v27 =	vld [tilespmem:s11+$0x190];
	v26 =	vshll.u32 v17, $0x10;
	v23 =	vpsel p0, v14, v5;
	v16 =	vadd.f32 v16, v24  }
0x82: {  	v17 =	vand.u32 $0xFFFF0000, v17;
	v24 =	vpsel p0, v13, v11;
	[tilespmem:s10+$0xFFFFFC30] =	vst.add.f32.msk $0xffff, v21;
	v21 =	vadd.f32 v26, v23  }
0x83: {  	v23 =	vpsel p2, v14, v5;
	v26 =	vshll.u32 v18, $0x10;
	[tilespmem:s10+$0xFFFFFC40] =	vst.add.f32.msk $0xffff, v16;
	v16 =	vadd.f32 v17, v24  }
0x84: {  	v17 =	vpsel p2, v13, v11;
	v18 =	vand.u32 $0xFFFF0000, v18;
	[tilespmem:s10+$0xFFFFFCB0] =	vst.add.f32.msk $0xffff, v21;
	v21 =	vadd.f32 v26, v23  }
0x85: {  	v24 =	vshll.u32 v19, $0x10;
	v23 =	vpsel p3, v14, v5;
	[tilespmem:s10+$0xFFFFFCC0] =	vst.add.f32.msk $0xffff, v16;
	v16 =	vadd.f32 v18, v17  }
0x86: {  	v17 =	vpsel p3, v13, v11;
	v18 =	vand.u32 $0xFFFF0000, v19;
	v19 =	vadd.f32 v24, v23;
	[tilespmem:s10+$0xFFFFFD30] =	vst.add.f32.msk $0xffff, v21  }
0x87: {  	v23 =	vshll.u32 v22, $0x10;
	v17 =	vadd.f32 v18, v17;
	v21 =	vpsel p5, v14, v5;
	[tilespmem:s10+$0xFFFFFD40] =	vst.add.f32.msk $0xffff, v16  }
0x88: {  	v18 =	vand.u32 $0xFFFF0000, v22;
	v16 =	vpsel p5, v13, v11;
	v21 =	vadd.f32 v23, v21;
	[tilespmem:s10+$0xFFFFFDB0] =	vst.add.f32.msk $0xffff, v19  }
0x89: {  	v22 =	vshll.u32 v25, $0x10;
	v19 =	vpsel p6, v14, v5;
	v16 =	vadd.f32 v18, v16;
	[tilespmem:s10+$0xFFFFFDC0] =	vst.add.f32.msk $0xffff, v17  }
0x8a: {  	v17 =	vpsel p6, v13, v11;
	v18 =	vand.u32 $0xFFFF0000, v25;
	v19 =	vadd.f32 v22, v19;
	[tilespmem:s10+$0xFFFFFE30] =	vst.add.f32.msk $0xffff, v21  }
0x8b: {  	v22 =	vshll.u32 v27, $0x10;
	v17 =	vadd.f32 v18, v17;
	v21 =	vpsel p1, v14, v5;
	[tilespmem:s10+$0xFFFFFE40] =	vst.add.f32.msk $0xffff, v16  }
0x8c: {  	v18 =	vand.u32 $0xFFFF0000, v27;
	v16 =	vpsel p1, v13, v11;
	v21 =	vadd.f32 v22, v21;
	[tilespmem:s10+$0xFFFFFEB0] =	vst.add.f32.msk $0xffff, v19  }
0x8d: {  	v16 =	vadd.f32 v18, v16;
	[tilespmem:s10+$0xFFFFFEC0] =	vst.add.f32.msk $0xffff, v17  }
0x8e: {  	[tilespmem:s10+$0xFFFFFF30] =	vst.add.f32.msk $0xffff, v21  }
0x8f: {  	[tilespmem:s10+$0xFFFFFF40] =	vst.add.f32.msk $0xffff, v16  }
0x90: {  	v5 =	vld [tilespmem:$0x1FFB0]  }
0x91: {  	v16 =	vld [tilespmem:s11+$0x20]  }
0x92: {  	v17 =	vld [tilespmem:s18+$0x32E0];
	s26 =	sld [smem:$0x7FD]  }
0x93: {  	v18 =	vld [tilespmem:s11+$0xA0]  }
0x94: {  	v19 =	vld [tilespmem:s3+$0x32E0]  }
0x95: {  	v20 =	vshll.u32 v20, $0x10;
	v22 =	vld [tilespmem:s11+$0x120];
	v21 =	vpsel p4, v5, v4;
	p4 =	seq.s32 s26, $0x1  }
0x96: {  	v24 =	vld [tilespmem:s25+$0x32E0];
	v23 =	vpsel p4, v10, v8;
	v20 =	vadd.f32 v20, v21;
	v21 =	vshll.u32 v16, $0x10  }
0x97: {  	v25 =	vpsel p4, v9, v7;
	v16 =	vand.u32 $0xFFFF0000, v16;
	v21 =	vadd.f32 v21, v23;
	v23 =	vld [tilespmem:s11+$0x1A0]  }
0x98: {  	v16 =	vadd.f32 v16, v25;
	[tilespmem:s10+$0xFFFFFFF0] =	vst.add.f32.msk $0xffff, v20  }
0x99: {  	v26 =	vpsel p0, v10, v8;
	v27 =	vshll.u32 v17, $0x10;
	[tilespmem:s10+$0xFFFFFC50] =	vst.add.f32.msk $0xffff, v21  }
0x9a: {  	v17 =	vand.u32 $0xFFFF0000, v17;
	v20 =	vpsel p0, v9, v7;
	v21 =	vadd.f32 v27, v26;
	[tilespmem:s10+$0xFFFFFC60] =	vst.add.f32.msk $0xffff, v16  }
0x9b: {  	v25 =	vpsel p2, v10, v8;
	v26 =	vshll.u32 v18, $0x10;
	v16 =	vadd.f32 v17, v20;
	v33 =	vld [tilespmem:s11+$0x30]  }
0x9c: {  	v20 =	vadd.f32 v26, v25;
	[tilespmem:s10+$0xFFFFFCD0] =	vst.add.f32.msk $0xffff, v21  }
0x9d: {  	v17 =	vpsel p2, v9, v7;
	v18 =	vand.u32 $0xFFFF0000, v18;
	[tilespmem:s10+$0xFFFFFCE0] =	vst.add.f32.msk $0xffff, v16  }
0x9e: {  	v25 =	vshll.u32 v19, $0x10;
	v21 =	vpsel p3, v10, v8;
	v16 =	vadd.f32 v18, v17;
	[tilespmem:s10+$0xFFFFFD50] =	vst.add.f32.msk $0xffff, v20  }
0x9f: {  	v17 =	vpsel p3, v9, v7;
	v18 =	vand.u32 $0xFFFF0000, v19;
	v19 =	vadd.f32 v25, v21;
	v32 =	vld [tilespmem:s18+$0x32F0]  }
0xa0: {  	v28 =	vpsel p0, v5, v4;
	v29 =	vpsel p4, v5, v4;
	v17 =	vadd.f32 v18, v17;
	[tilespmem:s10+$0xFFFFFD60] =	vst.add.f32.msk $0xffff, v16  }
0xa1: {  	v30 =	vpsel p4, v6, v63;
	v20 =	vpsel p5, v10, v8;
	v21 =	vshll.u32 v22, $0x10;
	[tilespmem:s10+$0xFFFFFDD0] =	vst.add.f32.msk $0xffff, v19  }
0xa2: {  	v27 =	vpsel p0, v6, v63;
	v26 =	vpsel p2, v5, v4;
	v20 =	vadd.f32 v21, v20;
	[tilespmem:s10+$0xFFFFFDE0] =	vst.add.f32.msk $0xffff, v17  }
0xa3: {  	v18 =	vand.u32 $0xFFFF0000, v22;
	v22 =	vpsel p3, v6, v63;
	v16 =	vpsel p5, v9, v7;
	v31 =	vld [tilespmem:s11+$0xB0]  }
0xa4: {  	v21 =	vshll.u32 v24, $0x10;
	v19 =	vpsel p6, v10, v8;
	v16 =	vadd.f32 v18, v16;
	[tilespmem:s10+$0xFFFFFE50] =	vst.add.f32.msk $0xffff, v20  }
0xa5: {  	v17 =	vpsel p6, v9, v7;
	v18 =	vand.u32 $0xFFFF0000, v24;
	v19 =	vadd.f32 v21, v19;
	v25 =	vld [tilespmem:s3+$0x32F0]  }
0xa6: {  	v20 =	vpsel p1, v10, v8;
	v21 =	vshll.u32 v23, $0x10;
	v17 =	vadd.f32 v18, v17;
	[tilespmem:s10+$0xFFFFFE60] =	vst.add.f32.msk $0xffff, v16  }
0xa7: {  	v18 =	vand.u32 $0xFFFF0000, v23;
	v16 =	vpsel p1, v9, v7;
	v20 =	vadd.f32 v21, v20;
	[tilespmem:s10+$0xFFFFFED0] =	vst.add.f32.msk $0xffff, v19  }
0xa8: {  	s29 =	smov.u32 s21;
	v24 =	vpsel p2, v6, v63;
	v23 =	vpsel p3, v5, v4;
	v16 =	vadd.f32 v18, v16;
	[tilespmem:s10+$0xFFFFFEE0] =	vst.add.f32.msk $0xffff, v17  }
0xa9: {  	s16 =	smov.u32 s17;
	s9 =	smul.u32 $0x258, s7;
	s12 =	simm.s32 $0x6970;
	v21 =	vpsel p5, v5, v4;
	v19 =	vpsel p6, v5, v4;
	v18 =	vpsel p6, v6, v63;
	[tilespmem:s10+$0xFFFFFF50] =	vst.add.f32.msk $0xffff, v20  }
0xaa: {  	s13 =	simm.s32 $0x0;
	s26 =	sadd.s32 $0x8, s30;
	s3 =	smov.u32 s15;
	v17 =	vpsel p1, v5, v4;
	v20 =	vpsel p5, v6, v63;
	[tilespmem:s10+$0xFFFFFF60] =	vst.add.f32.msk $0xffff, v16;
	v16 =	vpsel p1, v6, v63  }
.LBB2_3:
0xab: {  	v34 =	vld [tilespmem:s26+$0x3]  }
0xac: {  	v35 =	vld [tilespmem:s26+$0xFFFFFFFC]  }
0xad: {  	v37 =	vld [tilespmem:s26+$0xFFFFFFFD]  }
0xae: {  	v38 =	vld [tilespmem:s26+$0xFFFFFFFE]  }
0xaf: {  	v39 =	vld [tilespmem:s26+$0xFFFFFFFF]  }
0xb0: {  	v40 =	vld [tilespmem:s26+$0x0]  }
0xb1: {  	v55 =	vld [tilespmem:s26+$0x1]  }
0xb2: {  	v56 =	vld [tilespmem:s26+$0x2]  }
0xb3: {  	v57 =	vld [tilespmem:s11+$0x1B0]  }
0xb4: {  	v0 =	vld [tilespmem:$0x1FFD0]  }
0xb5: {  	v1 =	vld [tilespmem:$0x1FFE0];
	v36 =	vshll.u32 v33, $0x10;
	v50 =	vand.u32 $0xFFFF0000, v33  }
0xb6: {  	s13 =	sadd.s32 $0x8, s13;
	v62 =	vld [tilespmem:$0x1FFF0];
	v53 =	vshll.u32 v31, $0x10;
	v31 =	vand.u32 $0xFFFF0000, v31;
	v54 =	vshll.u32 v25, $0x10  }
0xb7: {  	s16 =	sadd.s32 $0x8, s16;
	p0 =	slt.u32 s13, $0xC0;
	v25 =	vand.u32 $0xFFFF0000, v25;
	v29 =	vadd.f32 v36, v29;
	v24 =	vadd.f32 v31, v24;
	v31 =	vld [tilespmem:s11+$0x130]  }
0xb8: {  	s4 =	smulhi.u32 $0x51EB851F, s16;
	s1 =	simm.s32 @!p0 $0x0;
	v51 =	vshll.u32 v32, $0x10;
	v30 =	vadd.f32 v50, v30;
	v22 =	vadd.f32 v25, v22;
	v25 =	vld [tilespmem:s25+$0x32F0]  }
0xb9: {  	s1 =	simm.s32 @p0 $0x1;
	v52 =	vand.u32 $0xFFFF0000, v32;
	v28 =	vadd.f32 v51, v28;
	[tilespmem:s10+$0xFFFFFC70] =	vst.add.f32.msk $0xffff, v29  }
0xba: {  	[smem:$0x7FB] =	sst s1;
	s1 =	sshrl.u32 s4, $0x6;
	(v2sf) =	vpush v34, $0x0;
	v27 =	vadd.f32 v52, v27;
	[tilespmem:s10+$0xFFFFFC80] =	vst.add.f32.msk $0xffff, v30  }
0xbb: {  	v26 =	vadd.f32 v53, v26;
	s4 =	smul.u32 $0xFFFF3800, s1;
	[tilespmem:s10+$0xFFFFFCF0] =	vst.add.f32.msk $0xffff, v28  }
0xbc: {  	(v2sf) =	vpush v35, $0x0;
	[tilespmem:s10+$0xFFFFFD00] =	vst.add.f32.msk $0xffff, v27  }
0xbd: {  	s3 =	sadd.s32 $0x200, s3;
	s4 =	sshra.s32 s4, $0x2;
	[tilespmem:s10+$0xFFFFFD70] =	vst.add.f32.msk $0xffff, v26  }
0xbe: {  	(v2sf) =	vpush v37, $0x0;
	[tilespmem:s10+$0xFFFFFD80] =	vst.add.f32.msk $0xffff, v24;
	s11 =	sadd.s32 s4, s3  }
0xbf: {  	v26 =	vshll.u32 v57, $0x10;
	(v2sf) =	vpush v38, $0x0;
	v24 =	vld [tilespmem:s11+$0x1C0]  }
0xc0: {  	v17 =	vadd.f32 v26, v17;
	(v2sf) =	vpush v39, $0x0;
	v26 =	vld [tilespmem:s11+$0x40]  }
0xc1: {  	v33 =	vld [tilespmem:s11+$0x140]  }
0xc2: {  	v23 =	vadd.f32 v54, v23;
	v61 =	vld [tilespmem:s11+$0x180];
	(v2sf) =	vpush v40, $0x0  }
0xc3: {  	v28 =	vshll.u32 v31, $0x10;
	v29 =	vand.u32 $0xFFFF0000, v31;
	v27 =	vshll.u32 v25, $0x10;
	[tilespmem:s12+$0xFFFFFF70] =	vst.add.f32.msk $0xffff, v17  }
0xc4: {  	v25 =	vand.u32 $0xFFFF0000, v25;
	(v2sf) =	vpush v55, $0x0;
	v19 =	vadd.f32 v27, v19;
	v27 =	vld [tilespmem:s11+$0x80]  }
0xc5: {  	v21 =	vadd.f32 v28, v21;
	v20 =	vadd.f32 v29, v20;
	v28 =	vand.u32 $0xFFFF0000, v57;
	v29 =	vld [tilespmem:s11+$0x100]  }
0xc6: {  	v18 =	vadd.f32 v25, v18;
	v25 =	vadd.f32 v28, v16;
	v16 =	vld [tilespmem:s11+$0x0]  }
0xc7: {  	v28 =	vld [tilespmem:s11+$0xC0]  }
0xc8: {  	[tilespmem:s12+$0xFFFFFDF0] =	vst.add.f32.msk $0xffff, v23  }
0xc9: {  	(v2sf) =	vpush v56, $0x0;
	[tilespmem:s12+$0xFFFFFE00] =	vst.add.f32.msk $0xffff, v22;
	s18 =	spop (v2sf)  }
0xca: {  	[tilespmem:s12+$0xFFFFFE70] =	vst.add.f32.msk $0xffff, v21;
	p0 =	seq.s32 s18, $0x1  }
0xcb: {  	[tilespmem:s12+$0xFFFFFE80] =	vst.add.f32.msk $0xffff, v20;
	v30 =	vshll.u32 v24, $0x10;
	s19 =	spop (v2sf);
	v58 =	vpsel p0, v46, v45  }
0xcc: {  	[tilespmem:s12+$0xFFFFFEF0] =	vst.add.f32.msk $0xffff, v19;
	v24 =	vand.u32 $0xFFFF0000, v24;
	p3 =	seq.s32 s19, $0x1;
	v59 =	vpsel p0, v15, v12;
	v30 =	vadd.f32 v30, v58  }
0xcd: {  	s1 =	smul.u32 $0x3200, s1;
	s10 =	sadd.s32 $0x400, s10;
	[tilespmem:s12+$0xFFFFFF00] =	vst.add.f32.msk $0xffff, v18;
	v52 =	vshll.u32 v16, $0x10;
	s20 =	spop (v2sf);
	v60 =	vpsel p3, v46, v45;
	v24 =	vadd.f32 v24, v59  }
0xce: {  	s29 =	sadd.s32 $0x200, s29;
	v16 =	vand.u32 $0xFFFF0000, v16;
	p2 =	seq.s32 s20, $0x1;
	s24 =	spop (v2sf);
	v35 =	vpsel p3, v15, v12;
	v17 =	vadd.f32 v52, v60;
	[tilespmem:s10+$0xFFFFFF90] =	vst.add.f32.msk $0xffff, v30  }
0xcf: {  	s1 =	ssub.s32 s29, s1;
	v22 =	vand.u32 $0xFFFF0000, v26;
	s18 =	spop (v2sf);
	s19 =	simm.s32 @!p2 $0x0;
	v53 =	vpsel p2, v46, v45;
	v16 =	vadd.f32 v16, v35;
	[tilespmem:s10+$0xFFFFFFA0] =	vst.add.f32.msk $0xffff, v24  }
0xd0: {  	v54 =	vpsel p2, v15, v12;
	s19 =	simm.s32 @p2 $0x1;
	p2 =	seq.s32 s24, $0x1;
	s24 =	sadd.s32 $0x1C0, s1;
	v24 =	vshll.u32 v26, $0x10;
	v26 =	vshll.u32 v27, $0x10;
	[tilespmem:s10+$0xFFFFFC10] =	vst.add.f32.msk $0xffff, v17  }
0xd1: {  	p4 =	seq.s32 s18, $0x1;
	v27 =	vand.u32 $0xFFFF0000, v27;
	[smem:$0x7FA] =	sst s19;
	v55 =	vpsel p2, v15, v12;
	s19 =	sor.u32 $0x50, s24;
	v24 =	vadd.f32 v24, v53;
	[tilespmem:s10+$0xFFFFFC20] =	vst.add.f32.msk $0xffff, v16  }
0xd2: {  	v21 =	vshll.u32 v28, $0x10;
	s25 =	spop (v2sf);
	v56 =	vpsel p4, v46, v45;
	v42 =	vld [tilespmem:s19+$0x3280];
	v17 =	vadd.f32 v27, v55  }
0xd3: {  	v28 =	vand.u32 $0xFFFF0000, v28;
	v41 =	vpsel p4, v15, v12;
	p1 =	seq.s32 s25, $0x1;
	v21 =	vadd.f32 v21, v56;
	[tilespmem:s10+$0xFFFFFC90] =	vst.add.f32.msk $0xffff, v24  }
0xd4: {  	v48 =	vshll.u32 v29, $0x10;
	s20 =	spop (v2sf);
	v43 =	vpsel p1, v46, v45;
	v16 =	vadd.f32 v28, v41;
	[tilespmem:s10+$0xFFFFFD20] =	vst.add.f32.msk $0xffff, v17  }
0xd5: {  	v20 =	vand.u32 $0xFFFF0000, v29;
	p5 =	seq.s32 s20, $0x1;
	v44 =	vpsel p1, v15, v12;
	v27 =	vadd.f32 v48, v43;
	[tilespmem:s10+$0xFFFFFD90] =	vst.add.f32.msk $0xffff, v21  }
0xd6: {  	v18 =	vshll.u32 v33, $0x10;
	v57 =	vpsel p5, v46, v45;
	v20 =	vadd.f32 v20, v44;
	[tilespmem:s10+$0xFFFFFDA0] =	vst.add.f32.msk $0xffff, v16  }
0xd7: {  	v18 =	vadd.f32 v18, v57;
	[tilespmem:s10+$0xFFFFFE10] =	vst.add.f32.msk $0xffff, v27  }
0xd8: {  	v49 =	vpsel p0, v14, v62;
	s18 =	spop (v2sf);
	[tilespmem:s10+$0xFFFFFE20] =	vst.add.f32.msk $0xffff, v20;
	v29 =	vshll.u32 v42, $0x10  }
0xd9: {  	v59 =	vpsel p0, v13, v11;
	p6 =	seq.s32 s18, $0x1;
	[tilespmem:s10+$0xFFFFFE90] =	vst.add.f32.msk $0xffff, v18;
	v19 =	vand.u32 $0xFFFF0000, v42;
	v29 =	vadd.f32 v29, v49  }
0xda: {  	s19 =	sadd.s32 $0x40, s1;
	s20 =	sadd.s32 $0xC0, s1;
	s1 =	sadd.s32 $0x140, s1;
	v58 =	vpsel p6, v1, v0;
	v0 =	vld [tilespmem:s11+$0x110];
	v19 =	vadd.f32 v19, v59  }
0xdb: {  	v33 =	vand.u32 $0xFFFF0000, v33;
	s4 =	sand.u32 $0x3E00, s19;
	s18 =	sand.u32 $0x3E80, s20;
	s20 =	sld [smem:$0x7FA];
	[tilespmem:s10+$0xFFFFFFB0] =	vst.add.f32.msk $0xffff, v29  }
0xdc: {  	v31 =	vpsel p0, v5, v4;
	v30 =	vpsel p2, v46, v45;
	s25 =	sand.u32 $0x3F00, s1;
	s1 =	simm.s32 @!p0 $0x0;
	s19 =	sor.u32 $0x60, s24;
	[tilespmem:s10+$0xFFFFFFC0] =	vst.add.f32.msk $0xffff, v19;
	v19 =	vadd.f32 v22, v54  }
0xdd: {  	v60 =	vshll.u32 v61, $0x10;
	v61 =	vand.u32 $0xFFFF0000, v61;
	s1 =	simm.s32 @p0 $0x1;
	v22 =	vadd.f32 v26, v30;
	v26 =	vld [tilespmem:s19+$0x3280]  }
0xde: {  	v23 =	vpsel p5, v15, v12;
	v48 =	vpsel p2, v14, v62;
	v46 =	vpsel p4, v14, v62;
	[smem:$0x7F9] =	sst s1;
	p0 =	seq.s32 s20, $0x1;
	[tilespmem:s10+$0xFFFFFCA0] =	vst.add.f32.msk $0xffff, v19  }
0xdf: {  	v56 =	vpsel p5, v14, v62;
	v47 =	vpsel p6, v15, v12;
	v51 =	vpsel p0, v14, v62;
	s19 =	sld [smem:$0x7F9];
	[tilespmem:s10+$0xFFFFFD10] =	vst.add.f32.msk $0xffff, v22  }
0xe0: {  	v49 =	vpsel p3, v14, v62;
	v19 =	vadd.f32 v33, v23;
	v22 =	vadd.f32 v61, v47;
	v61 =	vld [tilespmem:s11+$0x10]  }
0xe1: {  	v54 =	vpsel p1, v14, v62;
	v23 =	vadd.f32 v60, v58;
	v58 =	vpsel p6, v14, v62;
	v62 =	vld [tilespmem:s4+$0x32D0]  }
0xe2: {  	v52 =	vpsel p0, v13, v11;
	p0 =	seq.s32 s19, $0x1;
	[tilespmem:s10+$0xFFFFFEA0] =	vst.add.f32.msk $0xffff, v19  }
0xe3: {  	[tilespmem:s10+$0xFFFFFF10] =	vst.add.f32.msk $0xffff, v23;
	v28 =	vpsel p0, v10, v8;
	v24 =	vshll.u32 v26, $0x10  }
0xe4: {  	[tilespmem:s10+$0xFFFFFF20] =	vst.add.f32.msk $0xffff, v22;
	v17 =	vand.u32 $0xFFFF0000, v26;
	v26 =	vpsel p0, v9, v7;
	v24 =	vadd.f32 v24, v28  }
0xe5: {  	v2 =	vld [tilespmem:s25+$0x32D0];
	v17 =	vadd.f32 v17, v26  }
0xe6: {  	v50 =	vpsel p3, v13, v11;
	s19 =	sld [smem:$0x7FA];
	[tilespmem:s10+$0xFFFFFFD0] =	vst.add.f32.msk $0xffff, v24  }
0xe7: {  	v55 =	vpsel p1, v13, v11;
	v45 =	vpsel p3, v10, v8;
	v44 =	vpsel p3, v9, v7;
	s20 =	sor.u32 $0x70, s24;
	[tilespmem:s10+$0xFFFFFFE0] =	vst.add.f32.msk $0xffff, v17  }
0xe8: {  	v20 =	vpsel p1, v6, v63;
	v18 =	vpsel p5, v6, v63;
	v1 =	vshll.u32 v61, $0x10;
	v17 =	vld [tilespmem:s20+$0x3280]  }
0xe9: {  	s1 =	simm.s32 @!p6 $0x0;
	v59 =	vpsel p6, v13, v11;
	v3 =	vld [tilespmem:s11+$0x190];
	p0 =	seq.s32 s19, $0x1;
	s19 =	sld [smem:$0x7F9];
	v61 =	vand.u32 $0xFFFF0000, v61;
	v1 =	vadd.f32 v1, v49  }
0xea: {  	s1 =	simm.s32 @p6 $0x1;
	p6 =	por p3, p3;
	[tilespmem:s12+$0xFFFFFF80] =	vst.add.f32.msk $0xffff, v25;
	v49 =	vshll.u32 v62, $0x10;
	v62 =	vand.u32 $0xFFFF0000, v62;
	v50 =	vadd.f32 v61, v50  }
0xeb: {  	[smem:$0x7F8] =	sst s1;
	v29 =	vpsel p3, v5, v4;
	v30 =	vpsel p6, v6, v63;
	v62 =	vadd.f32 v62, v52;
	[tilespmem:s10+$0xFFFFFC30] =	vst.add.f32.msk $0xffff, v1  }
0xec: {  	s24 =	sld [smem:$0x7F8];
	v22 =	vpsel p4, v6, v63;
	v43 =	vpsel p0, v10, v8;
	p3 =	seq.s32 s19, $0x1;
	v1 =	vadd.f32 v49, v51;
	[tilespmem:s10+$0xFFFFFC40] =	vst.add.f32.msk $0xffff, v50  }
0xed: {  	s20 =	sld [smem:$0x7FA];
	[tilespmem:s10+$0xFFFFFCC0] =	vst.add.f32.msk $0xffff, v62;
	v60 =	vshll.u32 v17, $0x10;
	v16 =	vand.u32 $0xFFFF0000, v17;
	v17 =	vpsel p3, v6, v63  }
0xee: {  	v42 =	vpsel p0, v9, v7;
	v24 =	vpsel p2, v6, v63;
	[tilespmem:s10+$0xFFFFFCB0] =	vst.add.f32.msk $0xffff, v1;
	v16 =	vadd.f32 v16, v17  }
0xef: {  	v51 =	vshll.u32 v0, $0x10;
	v0 =	vand.u32 $0xFFFF0000, v0;
	v31 =	vadd.f32 v60, v31;
	v60 =	vld [tilespmem:s11+$0x90]  }
0xf0: {  	p0 =	seq.s32 s24, $0x1;
	v62 =	vshll.u32 v3, $0x10;
	v3 =	vand.u32 $0xFFFF0000, v3;
	v54 =	vadd.f32 v51, v54;
	p6 =	seq.s32 s20, $0x1;
	[tilespmem:s10+$0x0] =	vst.add.f32.msk $0xffff, v16  }
0xf1: {  	v0 =	vadd.f32 v0, v55;
	v27 =	vpsel p6, v6, v63;
	v16 =	vpsel p0, v6, v63;
	v63 =	vld [tilespmem:s18+$0x32D0]  }
0xf2: {  	v3 =	vadd.f32 v3, v59;
	[tilespmem:s10+$0xFFFFFE30] =	vst.add.f32.msk $0xffff, v54  }
0xf3: {  	[tilespmem:s10+$0xFFFFFE40] =	vst.add.f32.msk $0xffff, v0  }
0xf4: {  	[tilespmem:s10+$0xFFFFFF40] =	vst.add.f32.msk $0xffff, v3;
	v61 =	vshll.u32 v60, $0x10  }
0xf5: {  	v53 =	vpsel p2, v13, v11;
	v57 =	vpsel p5, v13, v11;
	[tilespmem:s10+$0xFFFFFFF0] =	vst.add.f32.msk $0xffff, v31;
	v1 =	vadd.f32 v61, v48  }
0xf6: {  	v48 =	vshll.u32 v2, $0x10;
	v25 =	vshll.u32 v63, $0x10;
	v49 =	vand.u32 $0xFFFF0000, v63;
	v63 =	vld [tilespmem:$0x1FFC0]  }
0xf7: {  	v60 =	vand.u32 $0xFFFF0000, v60;
	v2 =	vand.u32 $0xFFFF0000, v2;
	v55 =	vadd.f32 v48, v56;
	v56 =	vld [tilespmem:s11+$0x20]  }
0xf8: {  	v61 =	vadd.f32 v60, v53;
	v2 =	vadd.f32 v2, v57;
	v57 =	vld [tilespmem:s4+$0x32E0]  }
0xf9: {  	[tilespmem:s10+$0xFFFFFD30] =	vst.add.f32.msk $0xffff, v1  }
0xfa: {  	[tilespmem:s10+$0xFFFFFD40] =	vst.add.f32.msk $0xffff, v61  }
0xfb: {  	v53 =	vadd.f32 v25, v46;
	v46 =	vld [tilespmem:$0x1FFE0]  }
0xfc: {  	v47 =	vpsel p4, v13, v11;
	[tilespmem:s10+$0xFFFFFEB0] =	vst.add.f32.msk $0xffff, v55  }
0xfd: {  	v25 =	vadd.f32 v49, v47;
	[tilespmem:s10+$0xFFFFFEC0] =	vst.add.f32.msk $0xffff, v2  }
0xfe: {  	[tilespmem:s10+$0xFFFFFDB0] =	vst.add.f32.msk $0xffff, v53  }
0xff: {  	[tilespmem:s10+$0xFFFFFDC0] =	vst.add.f32.msk $0xffff, v25  }
0x100: {  	v25 =	vadd.f32 v62, v58;
	v58 =	vld [tilespmem:s11+$0xA0]  }
0x101: {  	v60 =	vld [tilespmem:s25+$0x32E0]  }
0x102: {  	v3 =	vld [tilespmem:s18+$0x32E0]  }
0x103: {  	[tilespmem:s10+$0xFFFFFF30] =	vst.add.f32.msk $0xffff, v25;
	v59 =	vshll.u32 v56, $0x10  }
0x104: {  	v40 =	vpsel p2, v9, v7;
	v25 =	vld [tilespmem:s11+$0x120];
	v45 =	vadd.f32 v59, v45  }
0x105: {  	v35 =	vpsel p4, v10, v8;
	v36 =	vpsel p4, v9, v7;
	v0 =	vand.u32 $0xFFFF0000, v56;
	v62 =	vld [tilespmem:s11+$0x1A0]  }
0x106: {  	v41 =	vpsel p2, v10, v8;
	v61 =	vshll.u32 v57, $0x10;
	v0 =	vadd.f32 v0, v44;
	[tilespmem:s10+$0xFFFFFC50] =	vst.add.f32.msk $0xffff, v45  }
0x107: {  	v32 =	vpsel p1, v10, v8;
	v1 =	vand.u32 $0xFFFF0000, v57;
	v31 =	vadd.f32 v61, v43;
	v45 =	vld [tilespmem:$0x1FFD0]  }
0x108: {  	v39 =	vpsel p1, v9, v7;
	v54 =	vadd.f32 v1, v42;
	v52 =	vshll.u32 v58, $0x10;
	[tilespmem:s10+$0xFFFFFC60] =	vst.add.f32.msk $0xffff, v0  }
0x109: {  	v33 =	vpsel p5, v10, v8;
	v2 =	vand.u32 $0xFFFF0000, v58;
	[tilespmem:s10+$0xFFFFFCD0] =	vst.add.f32.msk $0xffff, v31;
	v31 =	vadd.f32 v52, v41  }
0x10a: {  	v56 =	vshll.u32 v60, $0x10;
	v57 =	vand.u32 $0xFFFF0000, v60;
	[tilespmem:s10+$0xFFFFFCE0] =	vst.add.f32.msk $0xffff, v54;
	v58 =	vadd.f32 v2, v40  }
0x10b: {  	v53 =	vshll.u32 v3, $0x10;
	v3 =	vand.u32 $0xFFFF0000, v3;
	v55 =	vshll.u32 v25, $0x10;
	[tilespmem:s10+$0xFFFFFD50] =	vst.add.f32.msk $0xffff, v31  }
0x10c: {  	v25 =	vand.u32 $0xFFFF0000, v25;
	v3 =	vadd.f32 v3, v36;
	v59 =	vshll.u32 v62, $0x10;
	[tilespmem:s10+$0xFFFFFD60] =	vst.add.f32.msk $0xffff, v58  }
0x10d: {  	v60 =	vand.u32 $0xFFFF0000, v62;
	v62 =	vadd.f32 v25, v39;
	v25 =	vadd.f32 v56, v33;
	v33 =	vld [tilespmem:s11+$0x30]  }
0x10e: {  	v31 =	vadd.f32 v53, v35;
	v61 =	vadd.f32 v55, v32;
	v32 =	vld [tilespmem:s4+$0x32F0]  }
0x10f: {  	[tilespmem:s10+$0xFFFFFDE0] =	vst.add.f32.msk $0xffff, v3  }
0x110: {  	s24 =	sld [smem:$0x7FB];
	[tilespmem:s10+$0xFFFFFDD0] =	vst.add.f32.msk $0xffff, v31  }
0x111: {  	v37 =	vpsel p0, v10, v8;
	[tilespmem:s10+$0xFFFFFE50] =	vst.add.f32.msk $0xffff, v61  }
0x112: {  	v38 =	vpsel p0, v9, v7;
	v2 =	vadd.f32 v59, v37;
	[tilespmem:s10+$0xFFFFFE60] =	vst.add.f32.msk $0xffff, v62  }
0x113: {  	v17 =	vpsel p0, v5, v4;
	p0 =	seq.s32 s24, $0x1;
	v3 =	vadd.f32 v60, v38;
	[tilespmem:s10+$0xFFFFFED0] =	vst.add.f32.msk $0xffff, v25  }
.Ltmp0:
0x114: {  	v34 =	vpsel p5, v9, v7;
	[tilespmem:s10+$0xFFFFFF50] =	vst.add.f32.msk $0xffff, v2;
	(pc) =	sbr.rel @p0 .LBB2_3-.Ltmp0, $4  }
0x115: {  	v31 =	vadd.f32 v57, v34;
	[tilespmem:s10+$0xFFFFFF60] =	vst.add.f32.msk $0xffff, v3  }
0x116: {  	v25 =	vld [tilespmem:s18+$0x32F0]  }
0x117: {  	v21 =	vpsel p1, v5, v4;
	v23 =	vpsel p4, v5, v4;
	[tilespmem:s10+$0xFFFFFEE0] =	vst.add.f32.msk $0xffff, v31  }
0x118: {  	s26 =	sadd.s32 $0x8, s26;
	v19 =	vpsel p5, v5, v4;
	s12 =	smov.u32 s10;
	v26 =	vpsel p2, v5, v4;
	v28 =	vpsel p6, v5, v4;
	v31 =	vld [tilespmem:s11+$0xB0]  }
0x119: {  	v0 =	vshll.u32 v33, $0x10  }
0x11a: {  	v1 =	vand.u32 $0xFFFF0000, v33;
	v2 =	vld [tilespmem:s11+$0x130];
	v0 =	vadd.f32 v0, v29  }
0x11b: {  	v3 =	vld [tilespmem:s25+$0x32F0];
	v1 =	vadd.f32 v1, v30  }
0x11c: {  	v61 =	vshll.u32 v32, $0x10;
	[tilespmem:s10+$0xFFFFFC70] =	vst.add.f32.msk $0xffff, v0  }
0x11d: {  	v0 =	vadd.f32 v61, v28;
	v28 =	vand.u32 $0xFFFF0000, v32;
	[tilespmem:s10+$0xFFFFFC80] =	vst.add.f32.msk $0xffff, v1  }
0x11e: {  	v32 =	vshll.u32 v25, $0x10;
	v25 =	vand.u32 $0xFFFF0000, v25;
	v27 =	vadd.f32 v28, v27;
	v28 =	vld [tilespmem:s11+$0x1B0]  }
0x11f: {  	v62 =	vshll.u32 v31, $0x10;
	v33 =	vadd.f32 v25, v22;
	[tilespmem:s10+$0xFFFFFCF0] =	vst.add.f32.msk $0xffff, v0  }
0x120: {  	v29 =	vand.u32 $0xFFFF0000, v31;
	v1 =	vadd.f32 v62, v26;
	[tilespmem:s10+$0xFFFFFD00] =	vst.add.f32.msk $0xffff, v27  }
0x121: {  	v24 =	vadd.f32 v29, v24;
	[tilespmem:s12+$0xFFFFFE00] =	vst.add.f32.msk $0xffff, v33  }
0x122: {  	v0 =	vadd.f32 v32, v23;
	v22 =	vshll.u32 v2, $0x10;
	[tilespmem:s10+$0xFFFFFD70] =	vst.add.f32.msk $0xffff, v1  }
0x123: {  	v2 =	vand.u32 $0xFFFF0000, v2;
	v21 =	vadd.f32 v22, v21;
	[tilespmem:s10+$0xFFFFFD80] =	vst.add.f32.msk $0xffff, v24  }
0x124: {  	v34 =	vshll.u32 v3, $0x10;
	v2 =	vadd.f32 v2, v20;
	[tilespmem:s12+$0xFFFFFDF0] =	vst.add.f32.msk $0xffff, v0  }
0x125: {  	v35 =	vand.u32 $0xFFFF0000, v3;
	v0 =	vadd.f32 v34, v19;
	[tilespmem:s12+$0xFFFFFE70] =	vst.add.f32.msk $0xffff, v21  }
0x126: {  	v1 =	vadd.f32 v35, v18;
	[tilespmem:s12+$0xFFFFFE80] =	vst.add.f32.msk $0xffff, v2;
	v3 =	vshll.u32 v28, $0x10  }
0x127: {  	v36 =	vand.u32 $0xFFFF0000, v28;
	[tilespmem:s12+$0xFFFFFEF0] =	vst.add.f32.msk $0xffff, v0;
	v3 =	vadd.f32 v3, v17  }
0x128: {  	s1 =	sadd.s32 s5, s9;
	[tilespmem:s12+$0xFFFFFF00] =	vst.add.f32.msk $0xffff, v1;
	v37 =	vadd.f32 v36, v16  }
0x129: {  	s3 =	rddreg [dreg:$0x3];
	s1 =	sshll.u32 s1, $0x4;
	[tilespmem:s12+$0xFFFFFF70] =	vst.add.f32.msk $0xffff, v3  }
0x12a: {  	s4 =	simm.s32 $0x6580;
	s26 =	simm.s32 $0x4;
	s1 =	sadd.s32 s3, s1;
	[tilespmem:s12+$0xFFFFFF80] =	vst.add.f32.msk $0xffff, v37  }
0x12b: {  	[hbm4b:s1+s6] =	stream.linear.scatter [tilespmem:s4], [sflag:$0x4], $0x6400, $0x38;
	[tilespmem:$0x19180] =	vst v63  }
0x12c: {  	s25 =	smul.u32 $0x960, s7;
	_ =	swait.ge [sflag:s26], $0x6400  }
0x12d: {  	[sflag:s26] =	ssyncset.done $0x0  }
0x12e: {  	s10 =	sshra.s32 s25, $0x2;
	[sflag:s26] =	ssyncadd.s32 $0xFFFF9C00  }
0x12f: {  	s11 =	simm.s32 $0x2;
	s1 =	sadd.s32 $0x258, s10;
	s3 =	rddreg [dreg:$0x1]  }
0x130: {  	[tilespmem:s4], [sflag:$0x1] =	stream.indirect.gather [hbm4b:s3+s22], $0x80, s1, s22, $0xb8;
	[tilespmem:$0x19180] =	vst v63  }
0x131: {  	_ =	swait.ge [sflag:s11], $0x6400  }
0x132: {  	[sflag:s11] =	ssyncset.done $0x0  }
0x133: {  	[sflag:s11] =	ssyncadd.s32 $0xFFFF9C00  }
0x134: {  	v38 =	vld [tilespmem:s31+$0x0];
	_ =	sdelay $0x4  }
0x135: {  	(v2sf) =	vpush v38, $0x0;
	_ =	sdelay $0x4  }
0x136: {  	s12 =	smulhi.u32 $0x51EB851F, s14  }
0x137: {  	v39 =	vld [tilespmem:s31+$0xFFFFFFF9]  }
0x138: {  	s1 =	sshrl.u32 s12, $0x6  }
0x139: {  	s13 =	smul.u32 $0xFFFF3800, s1  }
0x13a: {  	v40 =	vld [tilespmem:s31+$0xFFFFFFFA]  }
0x13b: {  	s3 =	sshra.s32 s13, $0x2  }
0x13c: {  	s12 =	sadd.s32 s3, s15;
	(v2sf) =	vpush v39, $0x0  }
0x13d: {  	v3 =	vld [tilespmem:s12+$0x33C0];
	_ =	sdelay $0x1  }
0x13e: {  	(v2sf) =	vpush v40, $0x0  }
0x13f: {  	v41 =	vld [tilespmem:s31+$0xFFFFFFFB];
	s16 =	spop (v2sf)  }
0x140: {  	p4 =	seq.s32 s16, $0x1  }
0x141: {  	s1 =	smul.u32 $0x3200, s1;
	v42 =	vld [tilespmem:s31+$0xFFFFFFFC];
	v44 =	vshll.u32 v3, $0x10;
	v16 =	vpsel p4, v46, v45  }
0x142: {  	v43 =	vld [tilespmem:s31+$0xFFFFFFFD];
	v3 =	vand.u32 $0xFFFF0000, v3;
	v18 =	vpsel p4, v15, v12;
	v2 =	vadd.f32 v44, v16  }
0x143: {  	s11 =	simm.s32 $0xCD70;
	s1 =	ssub.s32 s21, s1;
	v17 =	vld [tilespmem:s31+$0xFFFFFFFE];
	v47 =	vadd.f32 v3, v18  }
0x144: {  	s3 =	sadd.s32 $0x33C0, s1;
	(v2sf) =	vpush v41, $0x0;
	[tilespmem:s11+$0xFFFFFF90] =	vst.add.f32.msk $0xffff, v2  }
0x145: {  	s18 =	sor.u32 $0x50, s3;
	[tilespmem:s11+$0xFFFFFFA0] =	vst.add.f32.msk $0xffff, v47  }
0x146: {  	(v2sf) =	vpush v42, $0x0;
	v0 =	vld [tilespmem:s18+$0x3280]  }
0x147: {  	v24 =	vld [tilespmem:$0x1FFF0]  }
0x148: {  	v48 =	vld [tilespmem:s12+$0x3200]  }
0x149: {  	v16 =	vld [tilespmem:s31+$0xFFFFFFFF]  }
0x14a: {  	v49 =	vld [tilespmem:s12+$0x3240];
	s19 =	spop (v2sf)  }
0x14b: {  	v20 =	vld [tilespmem:s12+$0x3340];
	(v2sf) =	vpush v43, $0x0;
	p0 =	seq.s32 s19, $0x1  }
0x14c: {  	v21 =	vpsel p4, v13, v11;
	v3 =	vld [tilespmem:s12+$0x3280];
	s4 =	simm.s32 @!p0 $0x0;
	v18 =	vshll.u32 v0, $0x10;
	v19 =	vpsel p4, v14, v24  }
0x14d: {  	s20 =	spop (v2sf);
	(v2sf) =	vpush v17, $0x0;
	v17 =	vld [tilespmem:s12+$0x32C0];
	s4 =	simm.s32 @p0 $0x1;
	v0 =	vand.u32 $0xFFFF0000, v0;
	v18 =	vadd.f32 v18, v19  }
0x14e: {  	p1 =	seq.s32 s20, $0x1;
	(v2sf) =	vpush v16, $0x0;
	v16 =	vld [tilespmem:s12+$0x3300];
	[smem:$0x7F7] =	sst s4;
	v0 =	vadd.f32 v0, v21  }
0x14f: {  	v22 =	vshll.u32 v48, $0x10;
	v1 =	vand.u32 $0xFFFF0000, v49;
	s16 =	simm.s32 @!p1 $0x0;
	[tilespmem:s11+$0xFFFFFFB0] =	vst.add.f32.msk $0xffff, v18  }
0x150: {  	v50 =	vpsel p1, v46, v45;
	v2 =	vand.u32 $0xFFFF0000, v48;
	s16 =	simm.s32 @p1 $0x1;
	v21 =	vpsel p0, v46, v45;
	[tilespmem:s11+$0xFFFFFFC0] =	vst.add.f32.msk $0xffff, v0  }
0x151: {  	s24 =	sor.u32 $0x60, s3;
	v19 =	vld [tilespmem:s12+$0x3380];
	v21 =	vadd.f32 v22, v21;
	v22 =	vshll.u32 v49, $0x10;
	v18 =	vpsel p0, v15, v12;
	[smem:$0x7F6] =	sst s16  }
0x152: {  	v23 =	vpsel p1, v15, v12;
	v0 =	vadd.f32 v22, v50;
	v2 =	vadd.f32 v2, v18;
	v18 =	vld [tilespmem:s24+$0x3280]  }
0x153: {  	v1 =	vadd.f32 v1, v23;
	s13 =	spop (v2sf);
	[tilespmem:s11+$0xFFFFFC10] =	vst.add.f32.msk $0xffff, v21  }
0x154: {  	p2 =	seq.s32 s13, $0x1;
	[tilespmem:s11+$0xFFFFFC90] =	vst.add.f32.msk $0xffff, v0  }
0x155: {  	v22 =	vshll.u32 v3, $0x10;
	s25 =	spop (v2sf);
	[tilespmem:s11+$0xFFFFFCA0] =	vst.add.f32.msk $0xffff, v1;
	v21 =	vpsel p2, v46, v45  }
0x156: {  	v3 =	vand.u32 $0xFFFF0000, v3;
	[tilespmem:s11+$0xFFFFFC20] =	vst.add.f32.msk $0xffff, v2;
	v51 =	vpsel p2, v15, v12;
	p3 =	seq.s32 s25, $0x1;
	v21 =	vadd.f32 v22, v21  }
0x157: {  	v52 =	vpsel p3, v46, v45;
	v22 =	vshll.u32 v17, $0x10;
	v2 =	vadd.f32 v3, v51;
	v33 =	vld [tilespmem:s12+$0x3210]  }
0x158: {  	v0 =	vadd.f32 v22, v52;
	[tilespmem:s11+$0xFFFFFD10] =	vst.add.f32.msk $0xffff, v21  }
0x159: {  	v3 =	vpsel p4, v10, v8;
	[tilespmem:s11+$0xFFFFFD20] =	vst.add.f32.msk $0xffff, v2;
	v53 =	vshll.u32 v18, $0x10  }
0x15a: {  	v54 =	vand.u32 $0xFFFF0000, v18;
	v18 =	vpsel p4, v9, v7;
	[tilespmem:s11+$0xFFFFFD90] =	vst.add.f32.msk $0xffff, v0;
	v1 =	vadd.f32 v53, v3  }
0x15b: {  	s26 =	spop (v2sf);
	v35 =	vld [tilespmem:s12+$0x3290];
	v55 =	vadd.f32 v54, v18  }
0x15c: {  	v56 =	vpsel p3, v15, v12;
	p5 =	seq.s32 s26, $0x1;
	v3 =	vand.u32 $0xFFFF0000, v17;
	[tilespmem:s11+$0xFFFFFFD0] =	vst.add.f32.msk $0xffff, v1  }
0x15d: {  	s3 =	sor.u32 $0x70, s3;
	s13 =	spop (v2sf);
	v57 =	vpsel p5, v46, v45;
	v17 =	vshll.u32 v16, $0x10;
	v2 =	vadd.f32 v3, v56;
	[tilespmem:s11+$0xFFFFFFE0] =	vst.add.f32.msk $0xffff, v55  }
0x15e: {  	p6 =	seq.s32 s13, $0x1;
	v58 =	vpsel p5, v15, v12;
	v3 =	vand.u32 $0xFFFF0000, v16;
	v1 =	vadd.f32 v17, v57;
	v16 =	vld [tilespmem:s3+$0x3280]  }
0x15f: {  	v18 =	vshll.u32 v20, $0x10;
	s16 =	spop (v2sf);
	v17 =	vpsel p6, v46, v45;
	v0 =	vadd.f32 v3, v58;
	[tilespmem:s11+$0xFFFFFDA0] =	vst.add.f32.msk $0xffff, v2  }
0x160: {  	v59 =	vpsel p6, v15, v12;
	v3 =	vand.u32 $0xFFFF0000, v20;
	p1 =	seq.s32 s16, $0x1;
	v17 =	vadd.f32 v18, v17;
	[tilespmem:s11+$0xFFFFFE10] =	vst.add.f32.msk $0xffff, v1  }
0x161: {  	v60 =	vpsel p1, v46, v45;
	v18 =	vshll.u32 v19, $0x10;
	v2 =	vadd.f32 v3, v59;
	[tilespmem:s11+$0xFFFFFE20] =	vst.add.f32.msk $0xffff, v0  }
0x162: {  	v61 =	vpsel p1, v15, v12;
	v3 =	vand.u32 $0xFFFF0000, v19;
	v1 =	vadd.f32 v18, v60;
	[tilespmem:s11+$0xFFFFFE90] =	vst.add.f32.msk $0xffff, v17  }
0x163: {  	v0 =	vadd.f32 v3, v61;
	v3 =	vpsel p4, v6, v63;
	[tilespmem:s11+$0xFFFFFEA0] =	vst.add.f32.msk $0xffff, v2;
	v62 =	vand.u32 $0xFFFF0000, v16  }
0x164: {  	[tilespmem:s11+$0xFFFFFF10] =	vst.add.f32.msk $0xffff, v1;
	v32 =	vadd.f32 v62, v3  }
0x165: {  	[tilespmem:s11+$0xFFFFFF20] =	vst.add.f32.msk $0xffff, v0  }
0x166: {  	s18 =	sadd.s32 $0x3240, s1;
	[tilespmem:s11+$0x0] =	vst.add.f32.msk $0xffff, v32  }
0x167: {  	s20 =	sadd.s32 $0x32C0, s1;
	s19 =	sand.u32 $0x3E00, s18;
	s24 =	sld [smem:$0x7F7]  }
0x168: {  	v34 =	vld [tilespmem:s19+$0x32D0];
	s3 =	sand.u32 $0x3E80, s20  }
0x169: {  	s1 =	sadd.s32 $0x3340, s1;
	v3 =	vld [tilespmem:s3+$0x32D0];
	s25 =	sld [smem:$0x7F6]  }
0x16a: {  	v37 =	vpsel p2, v13, v11;
	s13 =	sand.u32 $0x3F00, s1;
	v18 =	vld [tilespmem:s12+$0x3310];
	v2 =	vand.u32 $0xFFFF0000, v35;
	p0 =	seq.s32 s24, $0x1  }
0x16b: {  	v19 =	vshll.u32 v33, $0x10;
	v21 =	vld [tilespmem:s13+$0x32D0];
	v38 =	vadd.f32 v2, v37;
	v17 =	vpsel p0, v14, v24  }
0x16c: {  	v0 =	vand.u32 $0xFFFF0000, v33;
	v23 =	vld [tilespmem:s12+$0x3390];
	v20 =	vpsel p0, v13, v11;
	p0 =	seq.s32 s25, $0x1;
	v17 =	vadd.f32 v19, v17  }
0x16d: {  	v1 =	vand.u32 $0xFFFF0000, v34;
	[tilespmem:s11+$0xFFFFFD40] =	vst.add.f32.msk $0xffff, v38;
	v0 =	vadd.f32 v0, v20;
	v20 =	vpsel p0, v13, v11  }
0x16e: {  	v39 =	vpsel p3, v13, v11;
	v40 =	vand.u32 $0xFFFF0000, v3;
	v36 =	vadd.f32 v1, v20;
	[tilespmem:s11+$0xFFFFFC30] =	vst.add.f32.msk $0xffff, v17  }
0x16f: {  	v1 =	vadd.f32 v40, v39;
	[tilespmem:s11+$0xFFFFFC40] =	vst.add.f32.msk $0xffff, v0  }
0x170: {  	v22 =	vshll.u32 v34, $0x10;
	v19 =	vpsel p0, v14, v24;
	[tilespmem:s11+$0xFFFFFCC0] =	vst.add.f32.msk $0xffff, v36  }
0x171: {  	v41 =	vpsel p5, v13, v11;
	v42 =	vand.u32 $0xFFFF0000, v18;
	v17 =	vadd.f32 v22, v19;
	[tilespmem:s11+$0xFFFFFDC0] =	vst.add.f32.msk $0xffff, v1  }
0x172: {  	v43 =	vpsel p6, v13, v11;
	v44 =	vand.u32 $0xFFFF0000, v21;
	v0 =	vadd.f32 v42, v41;
	v49 =	vld [tilespmem:s12+$0x3220]  }
0x173: {  	v1 =	vadd.f32 v44, v43;
	[tilespmem:s11+$0xFFFFFCB0] =	vst.add.f32.msk $0xffff, v17  }
0x174: {  	v19 =	vpsel p2, v14, v24;
	v22 =	vshll.u32 v35, $0x10;
	[tilespmem:s11+$0xFFFFFE40] =	vst.add.f32.msk $0xffff, v0  }
0x175: {  	v47 =	vpsel p1, v13, v11;
	v48 =	vand.u32 $0xFFFF0000, v23;
	v17 =	vadd.f32 v22, v19;
	[tilespmem:s11+$0xFFFFFEC0] =	vst.add.f32.msk $0xffff, v1  }
0x176: {  	v20 =	vshll.u32 v3, $0x10;
	v19 =	vpsel p3, v14, v24;
	v0 =	vadd.f32 v48, v47;
	v50 =	vld [tilespmem:s19+$0x32E0]  }
0x177: {  	v3 =	vadd.f32 v20, v19;
	[tilespmem:s11+$0xFFFFFD30] =	vst.add.f32.msk $0xffff, v17  }
0x178: {  	v19 =	vshll.u32 v18, $0x10;
	v17 =	vpsel p5, v14, v24;
	[tilespmem:s11+$0xFFFFFF40] =	vst.add.f32.msk $0xffff, v0  }
0x179: {  	v18 =	vshll.u32 v21, $0x10;
	v17 =	vadd.f32 v19, v17;
	[tilespmem:s11+$0xFFFFFDB0] =	vst.add.f32.msk $0xffff, v3;
	v3 =	vpsel p6, v14, v24  }
0x17a: {  	v51 =	vld [tilespmem:s12+$0x32A0];
	v3 =	vadd.f32 v18, v3  }
0x17b: {  	v18 =	vshll.u32 v23, $0x10;
	[tilespmem:s11+$0xFFFFFE30] =	vst.add.f32.msk $0xffff, v17;
	v17 =	vpsel p1, v14, v24  }
0x17c: {  	v17 =	vadd.f32 v18, v17;
	[tilespmem:s11+$0xFFFFFEB0] =	vst.add.f32.msk $0xffff, v3  }
0x17d: {  	v3 =	vld [tilespmem:s3+$0x32E0]  }
0x17e: {  	[tilespmem:s11+$0xFFFFFF30] =	vst.add.f32.msk $0xffff, v17  }
0x17f: {  	v16 =	vshll.u32 v16, $0x10;
	v17 =	vpsel p4, v5, v4;
	s26 =	sld [smem:$0x7F7]  }
0x180: {  	v53 =	vpsel p2, v9, v7;
	v18 =	vld [tilespmem:s12+$0x3320];
	v2 =	vand.u32 $0xFFFF0000, v51;
	v16 =	vadd.f32 v16, v17  }
0x181: {  	v55 =	vpsel p3, v9, v7;
	v20 =	vld [tilespmem:s13+$0x32E0];
	v54 =	vadd.f32 v2, v53  }
0x182: {  	v1 =	vand.u32 $0xFFFF0000, v50;
	v17 =	vshll.u32 v49, $0x10;
	[tilespmem:s11+$0xFFFFFFF0] =	vst.add.f32.msk $0xffff, v16;
	v16 =	vpsel p0, v9, v7;
	p4 =	seq.s32 s26, $0x1  }
0x183: {  	v56 =	vand.u32 $0xFFFF0000, v3;
	[tilespmem:s11+$0xFFFFFD60] =	vst.add.f32.msk $0xffff, v54;
	v52 =	vadd.f32 v1, v16;
	v19 =	vpsel p4, v10, v8  }
0x184: {  	v1 =	vadd.f32 v56, v55;
	v17 =	vadd.f32 v17, v19;
	v19 =	vld [tilespmem:s12+$0x33A0]  }
0x185: {  	v0 =	vand.u32 $0xFFFF0000, v49;
	v21 =	vpsel p4, v9, v7;
	[tilespmem:s11+$0xFFFFFCE0] =	vst.add.f32.msk $0xffff, v52  }
0x186: {  	v59 =	vpsel p6, v9, v7;
	v60 =	vand.u32 $0xFFFF0000, v20;
	v0 =	vadd.f32 v0, v21;
	[tilespmem:s11+$0xFFFFFDE0] =	vst.add.f32.msk $0xffff, v1  }
0x187: {  	v1 =	vadd.f32 v60, v59;
	[tilespmem:s11+$0xFFFFFC50] =	vst.add.f32.msk $0xffff, v17  }
0x188: {  	v22 =	vpsel p0, v10, v8;
	v23 =	vshll.u32 v50, $0x10;
	[tilespmem:s11+$0xFFFFFC60] =	vst.add.f32.msk $0xffff, v0  }
0x189: {  	v57 =	vpsel p5, v9, v7;
	v58 =	vand.u32 $0xFFFF0000, v18;
	v17 =	vadd.f32 v23, v22;
	[tilespmem:s11+$0xFFFFFEE0] =	vst.add.f32.msk $0xffff, v1  }
0x18a: {  	v21 =	vpsel p2, v10, v8;
	v22 =	vshll.u32 v51, $0x10;
	v0 =	vadd.f32 v58, v57;
	v33 =	vld [tilespmem:s12+$0x3230]  }
0x18b: {  	v16 =	vadd.f32 v22, v21;
	[tilespmem:s11+$0xFFFFFCD0] =	vst.add.f32.msk $0xffff, v17  }
0x18c: {  	v26 =	vpsel p2, v5, v4;
	v61 =	vpsel p1, v9, v7;
	[tilespmem:s11+$0xFFFFFE60] =	vst.add.f32.msk $0xffff, v0  }
0x18d: {  	v28 =	vpsel p0, v5, v4;
	v21 =	vshll.u32 v3, $0x10;
	v17 =	vpsel p3, v10, v8;
	[tilespmem:s11+$0xFFFFFD50] =	vst.add.f32.msk $0xffff, v16  }
0x18e: {  	v3 =	vadd.f32 v21, v17;
	v16 =	vpsel p5, v10, v8;
	v17 =	vshll.u32 v18, $0x10;
	v32 =	vld [tilespmem:s19+$0x32F0]  }
0x18f: {  	v27 =	vpsel p0, v6, v63;
	v62 =	vand.u32 $0xFFFF0000, v19;
	v16 =	vadd.f32 v17, v16;
	v31 =	vld [tilespmem:s12+$0x32B0]  }
0x190: {  	v24 =	vpsel p2, v6, v63;
	v29 =	vpsel p4, v5, v4;
	v0 =	vadd.f32 v62, v61;
	[tilespmem:s11+$0xFFFFFDD0] =	vst.add.f32.msk $0xffff, v3  }
0x191: {  	v30 =	vpsel p4, v6, v63;
	v17 =	vshll.u32 v20, $0x10;
	v3 =	vpsel p6, v10, v8;
	[tilespmem:s11+$0xFFFFFE50] =	vst.add.f32.msk $0xffff, v16  }
0x192: {  	v3 =	vadd.f32 v17, v3;
	v16 =	vpsel p1, v10, v8;
	v17 =	vshll.u32 v19, $0x10;
	[tilespmem:s11+$0xFFFFFF60] =	vst.add.f32.msk $0xffff, v0  }
0x193: {  	s9 =	sadd.s32 $0xC8, s9;
	v23 =	vpsel p3, v5, v4;
	v22 =	vpsel p3, v6, v63;
	v25 =	vld [tilespmem:s3+$0x32F0];
	v16 =	vadd.f32 v17, v16  }
0x194: {  	s29 =	smov.u32 s15;
	s18 =	smov.u32 s21;
	s16 =	sadd.s32 $0x8, s31;
	v21 =	vpsel p5, v5, v4;
	v18 =	vpsel p6, v6, v63;
	v20 =	vpsel p5, v6, v63;
	[tilespmem:s11+$0xFFFFFED0] =	vst.add.f32.msk $0xffff, v3  }
0x195: {  	s25 =	simm.s32 $0xCD70;
	s26 =	simm.s32 $0x0;
	v19 =	vpsel p6, v5, v4;
	s3 =	smov.u32 s14;
	v17 =	vpsel p1, v5, v4;
	[tilespmem:s11+$0xFFFFFF50] =	vst.add.f32.msk $0xffff, v16;
	v16 =	vpsel p1, v6, v63  }
.LBB2_5:
0x196: {  	v0 =	vld [tilespmem:s16+$0x0]  }
0x197: {  	v1 =	vld [tilespmem:s16+$0xFFFFFFF9]  }
0x198: {  	v54 =	vld [tilespmem:s16+$0xFFFFFFFA]  }
0x199: {  	v34 =	vld [tilespmem:s16+$0xFFFFFFFB]  }
0x19a: {  	v35 =	vld [tilespmem:s16+$0xFFFFFFFC]  }
0x19b: {  	v55 =	vand.u32 $0xFFFF0000, v32;
	v36 =	vld [tilespmem:s16+$0xFFFFFFFD]  }
0x19c: {  	v56 =	vadd.f32 v55, v27;
	v27 =	vld [tilespmem:s16+$0xFFFFFFFE]  }
0x19d: {  	v55 =	vld [tilespmem:$0x1FFF0];
	v3 =	vand.u32 $0xFFFF0000, v33  }
0x19e: {  	[tilespmem:s11+$0xFFFFFD00] =	vst.add.f32.msk $0xffff, v56;
	v2 =	vshll.u32 v33, $0x10;
	v3 =	vadd.f32 v3, v30;
	v30 =	vshll.u32 v31, $0x10  }
0x19f: {  	s26 =	sadd.s32 $0x8, s26;
	v2 =	vadd.f32 v2, v29;
	v29 =	vshll.u32 v32, $0x10;
	v57 =	vadd.f32 v30, v26;
	v26 =	vld [tilespmem:s16+$0xFFFFFFFF]  }
0x1a0: {  	s3 =	sadd.s32 $0x8, s3;
	p0 =	slt.u32 s26, $0xC0;
	v28 =	vadd.f32 v29, v28;
	v29 =	vshll.u32 v25, $0x10;
	v30 =	vld [tilespmem:s12+$0x33B0]  }
0x1a1: {  	s19 =	smulhi.u32 $0x51EB851F, s3;
	s1 =	simm.s32 @!p0 $0x0;
	v25 =	vand.u32 $0xFFFF0000, v25;
	v23 =	vadd.f32 v29, v23;
	v29 =	vld [tilespmem:s12+$0x3330]  }
0x1a2: {  	s1 =	simm.s32 @p0 $0x1;
	(v2sf) =	vpush v0, $0x0;
	v22 =	vadd.f32 v25, v22;
	v25 =	vld [tilespmem:s13+$0x32F0]  }
0x1a3: {  	[smem:$0x7F5] =	sst s1;
	s1 =	sshrl.u32 s19, $0x6;
	(v2sf) =	vpush v1, $0x0;
	[tilespmem:s11+$0xFFFFFC70] =	vst.add.f32.msk $0xffff, v2  }
0x1a4: {  	v31 =	vand.u32 $0xFFFF0000, v31;
	s4 =	smul.u32 $0xFFFF3800, s1;
	(v2sf) =	vpush v54, $0x0;
	[tilespmem:s11+$0xFFFFFC80] =	vst.add.f32.msk $0xffff, v3  }
0x1a5: {  	v24 =	vadd.f32 v31, v24;
	[tilespmem:s11+$0xFFFFFCF0] =	vst.add.f32.msk $0xffff, v28  }
0x1a6: {  	s29 =	sadd.s32 $0x200, s29;
	s4 =	sshra.s32 s4, $0x2;
	[tilespmem:s11+$0xFFFFFD70] =	vst.add.f32.msk $0xffff, v57  }
0x1a7: {  	s12 =	sadd.s32 s4, s29;
	[tilespmem:s11+$0xFFFFFD80] =	vst.add.f32.msk $0xffff, v24  }
0x1a8: {  	(v2sf) =	vpush v34, $0x0;
	v24 =	vld [tilespmem:s12+$0x3300]  }
0x1a9: {  	(v2sf) =	vpush v35, $0x0;
	v28 =	vld [tilespmem:s12+$0x3340];
	v58 =	vshll.u32 v29, $0x10  }
0x1aa: {  	v48 =	vld [tilespmem:s12+$0x3380];
	v3 =	vand.u32 $0xFFFF0000, v29;
	v61 =	vshll.u32 v25, $0x10;
	v59 =	vadd.f32 v58, v21  }
0x1ab: {  	v62 =	vadd.f32 v3, v20;
	v20 =	vand.u32 $0xFFFF0000, v30;
	v2 =	vadd.f32 v61, v19;
	v19 =	vld [tilespmem:s12+$0x33C0]  }
0x1ac: {  	v21 =	vand.u32 $0xFFFF0000, v25;
	v3 =	vshll.u32 v30, $0x10;
	v25 =	vadd.f32 v20, v16;
	v16 =	vld [tilespmem:s12+$0x3200]  }
0x1ad: {  	v3 =	vadd.f32 v3, v17;
	v17 =	vld [tilespmem:s12+$0x3240]  }
0x1ae: {  	v20 =	vld [tilespmem:s12+$0x3280]  }
0x1af: {  	v18 =	vadd.f32 v21, v18;
	v21 =	vld [tilespmem:s12+$0x32C0]  }
0x1b0: {  	(v2sf) =	vpush v36, $0x0;
	[tilespmem:s25+$0xFFFFFDF0] =	vst.add.f32.msk $0xffff, v23  }
0x1b1: {  	(v2sf) =	vpush v27, $0x0;
	[tilespmem:s25+$0xFFFFFE00] =	vst.add.f32.msk $0xffff, v22;
	s20 =	spop (v2sf)  }
0x1b2: {  	[tilespmem:s25+$0xFFFFFE70] =	vst.add.f32.msk $0xffff, v59;
	s24 =	spop (v2sf)  }
0x1b3: {  	s1 =	smul.u32 $0x3200, s1;
	(v2sf) =	vpush v26, $0x0;
	[tilespmem:s25+$0xFFFFFE80] =	vst.add.f32.msk $0xffff, v62;
	p0 =	seq.s32 s20, $0x1;
	s13 =	spop (v2sf)  }
0x1b4: {  	s18 =	sadd.s32 $0x200, s18;
	[tilespmem:s25+$0xFFFFFEF0] =	vst.add.f32.msk $0xffff, v2;
	v26 =	vshll.u32 v19, $0x10;
	v27 =	vpsel p0, v46, v45;
	p2 =	seq.s32 s13, $0x1  }
0x1b5: {  	[tilespmem:s25+$0xFFFFFF00] =	vst.add.f32.msk $0xffff, v18;
	v19 =	vand.u32 $0xFFFF0000, v19;
	v29 =	vpsel p0, v15, v12;
	v26 =	vadd.f32 v26, v27;
	s13 =	ssub.s32 s18, s1;
	s1 =	simm.s32 @!p2 $0x0  }
0x1b6: {  	s11 =	sadd.s32 $0x400, s11;
	v44 =	vshll.u32 v24, $0x10;
	[tilespmem:s25+$0xFFFFFF70] =	vst.add.f32.msk $0xffff, v3;
	p3 =	seq.s32 s24, $0x1;
	v19 =	vadd.f32 v19, v29;
	s1 =	simm.s32 @p2 $0x1  }
0x1b7: {  	v62 =	vand.u32 $0xFFFF0000, v24;
	v27 =	vpsel p3, v46, v45;
	v29 =	vshll.u32 v16, $0x10;
	[tilespmem:s11+$0xFFFFFF90] =	vst.add.f32.msk $0xffff, v26;
	[smem:$0x7F4] =	sst s1;
	s1 =	sadd.s32 $0x33C0, s13  }
0x1b8: {  	v30 =	vpsel p3, v15, v12;
	v16 =	vand.u32 $0xFFFF0000, v16;
	v3 =	vadd.f32 v29, v27;
	[tilespmem:s11+$0xFFFFFFA0] =	vst.add.f32.msk $0xffff, v19;
	s20 =	sor.u32 $0x50, s1  }
0x1b9: {  	s19 =	spop (v2sf);
	v49 =	vpsel p2, v46, v45;
	v16 =	vadd.f32 v16, v30;
	v19 =	vshll.u32 v17, $0x10;
	v38 =	vld [tilespmem:s20+$0x3280]  }
0x1ba: {  	v50 =	vpsel p2, v15, v12;
	p2 =	seq.s32 s19, $0x1;
	v17 =	vand.u32 $0xFFFF0000, v17;
	v19 =	vadd.f32 v19, v49;
	[tilespmem:s11+$0xFFFFFC10] =	vst.add.f32.msk $0xffff, v3  }
0x1bb: {  	v22 =	vshll.u32 v20, $0x10;
	s24 =	spop (v2sf);
	v26 =	vpsel p2, v46, v45;
	v17 =	vadd.f32 v17, v50;
	[tilespmem:s11+$0xFFFFFC20] =	vst.add.f32.msk $0xffff, v16  }
0x1bc: {  	v20 =	vand.u32 $0xFFFF0000, v20;
	p4 =	seq.s32 s24, $0x1;
	v51 =	vpsel p2, v15, v12;
	v22 =	vadd.f32 v22, v26;
	[tilespmem:s11+$0xFFFFFC90] =	vst.add.f32.msk $0xffff, v19  }
0x1bd: {  	v61 =	vshll.u32 v21, $0x10;
	v60 =	vpsel p4, v46, v45;
	v20 =	vadd.f32 v20, v51;
	[tilespmem:s11+$0xFFFFFCA0] =	vst.add.f32.msk $0xffff, v17  }
0x1be: {  	v57 =	vpsel p0, v14, v55;
	v0 =	vadd.f32 v61, v60;
	[tilespmem:s11+$0xFFFFFD10] =	vst.add.f32.msk $0xffff, v22;
	v24 =	vshll.u32 v38, $0x10  }
0x1bf: {  	v59 =	vpsel p0, v13, v11;
	s4 =	spop (v2sf);
	[tilespmem:s11+$0xFFFFFD20] =	vst.add.f32.msk $0xffff, v20;
	v58 =	vand.u32 $0xFFFF0000, v38;
	v24 =	vadd.f32 v24, v57  }
0x1c0: {  	s19 =	spop (v2sf);
	[tilespmem:s11+$0xFFFFFD90] =	vst.add.f32.msk $0xffff, v0;
	v2 =	vadd.f32 v58, v59  }
0x1c1: {  	v21 =	vand.u32 $0xFFFF0000, v21;
	v37 =	vpsel p4, v15, v12;
	p1 =	seq.s32 s4, $0x1;
	p5 =	seq.s32 s19, $0x1;
	s20 =	sadd.s32 $0x32C0, s13;
	[tilespmem:s11+$0xFFFFFFB0] =	vst.add.f32.msk $0xffff, v24  }
0x1c2: {  	s19 =	spop (v2sf);
	v39 =	vpsel p1, v46, v45;
	v16 =	vadd.f32 v21, v37;
	s4 =	sand.u32 $0x3E80, s20;
	s20 =	sor.u32 $0x60, s1;
	[tilespmem:s11+$0xFFFFFFC0] =	vst.add.f32.msk $0xffff, v2  }
0x1c3: {  	v18 =	vshll.u32 v28, $0x10;
	v40 =	vpsel p1, v15, v12;
	p6 =	seq.s32 s19, $0x1;
	s19 =	simm.s32 @!p0 $0x0;
	v21 =	vadd.f32 v44, v39;
	v24 =	vld [tilespmem:s20+$0x3280];
	s20 =	sld [smem:$0x7F4]  }
0x1c4: {  	v28 =	vand.u32 $0xFFFF0000, v28;
	v41 =	vpsel p5, v46, v45;
	v1 =	vadd.f32 v62, v40;
	s19 =	simm.s32 @p0 $0x1;
	[tilespmem:s11+$0xFFFFFDA0] =	vst.add.f32.msk $0xffff, v16  }
0x1c5: {  	v31 =	vpsel p0, v5, v4;
	v23 =	vpsel p5, v15, v12;
	v18 =	vadd.f32 v18, v41;
	[smem:$0x7F3] =	sst s19;
	[tilespmem:s11+$0xFFFFFE10] =	vst.add.f32.msk $0xffff, v21  }
0x1c6: {  	v27 =	vshll.u32 v48, $0x10;
	v42 =	vpsel p6, v46, v45;
	v17 =	vadd.f32 v28, v23;
	[tilespmem:s11+$0xFFFFFE20] =	vst.add.f32.msk $0xffff, v1;
	p0 =	seq.s32 s20, $0x1;
	s20 =	sld [smem:$0x7F3]  }
0x1c7: {  	v19 =	vadd.f32 v27, v42;
	[tilespmem:s11+$0xFFFFFE90] =	vst.add.f32.msk $0xffff, v18  }
0x1c8: {  	v29 =	vand.u32 $0xFFFF0000, v48;
	v43 =	vpsel p6, v15, v12;
	[tilespmem:s11+$0xFFFFFEA0] =	vst.add.f32.msk $0xffff, v17  }
0x1c9: {  	v22 =	vadd.f32 v29, v43;
	[tilespmem:s11+$0xFFFFFF10] =	vst.add.f32.msk $0xffff, v19;
	v3 =	vpsel p0, v14, v55;
	v47 =	vpsel p0, v13, v11;
	p0 =	seq.s32 s20, $0x1  }
0x1ca: {  	s24 =	sadd.s32 $0x3240, s13;
	v57 =	vld [tilespmem:s12+$0x3210];
	v23 =	vshll.u32 v24, $0x10;
	v26 =	vpsel p0, v10, v8  }
0x1cb: {  	s24 =	sand.u32 $0x3E00, s24;
	s19 =	simm.s32 @!p6 $0x0;
	[tilespmem:s11+$0xFFFFFF20] =	vst.add.f32.msk $0xffff, v22;
	v20 =	vand.u32 $0xFFFF0000, v24;
	v24 =	vpsel p0, v9, v7;
	v23 =	vadd.f32 v23, v26  }
0x1cc: {  	s19 =	simm.s32 @p6 $0x1;
	v58 =	vld [tilespmem:s24+$0x32D0];
	v20 =	vadd.f32 v20, v24  }
0x1cd: {  	v48 =	vpsel p2, v14, v55;
	v51 =	vpsel p1, v14, v55;
	[smem:$0x7F2] =	sst s19;
	[tilespmem:s11+$0xFFFFFFD0] =	vst.add.f32.msk $0xffff, v23  }
0x1ce: {  	s13 =	sadd.s32 $0x3340, s13;
	v53 =	vpsel p5, v14, v55;
	v44 =	vpsel p3, v9, v7;
	v46 =	vpsel p3, v14, v55;
	s1 =	sor.u32 $0x70, s1;
	s20 =	sld [smem:$0x7F4];
	[tilespmem:s11+$0xFFFFFFE0] =	vst.add.f32.msk $0xffff, v20  }
0x1cf: {  	s13 =	sand.u32 $0x3F00, s13;
	v0 =	vpsel p4, v14, v55;
	v56 =	vpsel p6, v13, v11;
	s19 =	sld [smem:$0x7F3];
	v61 =	vshll.u32 v57, $0x10;
	v20 =	vld [tilespmem:s1+$0x3280]  }
0x1d0: {  	v62 =	vld [tilespmem:s13+$0x32D0];
	v2 =	vpsel p3, v13, v11;
	v57 =	vand.u32 $0xFFFF0000, v57;
	v46 =	vadd.f32 v61, v46  }
0x1d1: {  	v45 =	vpsel p3, v10, v8;
	v59 =	vld [tilespmem:s4+$0x32D0];
	v61 =	vshll.u32 v58, $0x10;
	v2 =	vadd.f32 v57, v2;
	p0 =	seq.s32 s20, $0x1;
	s20 =	sld [smem:$0x7F2]  }
0x1d2: {  	v29 =	vpsel p3, v5, v4;
	v55 =	vpsel p6, v14, v55;
	p6 =	por p3, p3;
	p3 =	seq.s32 s19, $0x1;
	[tilespmem:s11+$0xFFFFFC30] =	vst.add.f32.msk $0xffff, v46;
	v3 =	vadd.f32 v61, v3  }
0x1d3: {  	v17 =	vpsel p3, v6, v63;
	[tilespmem:s11+$0xFFFFFC40] =	vst.add.f32.msk $0xffff, v2;
	v43 =	vpsel p0, v10, v8  }
0x1d4: {  	[tilespmem:s11+$0xFFFFFCB0] =	vst.add.f32.msk $0xffff, v3;
	v42 =	vpsel p0, v9, v7;
	p0 =	seq.s32 s20, $0x1;
	s20 =	sld [smem:$0x7F4];
	v60 =	vshll.u32 v20, $0x10;
	v16 =	vand.u32 $0xFFFF0000, v20  }
0x1d5: {  	v16 =	vadd.f32 v16, v17;
	v1 =	vadd.f32 v60, v31;
	v31 =	vld [tilespmem:s12+$0x3290]  }
0x1d6: {  	v18 =	vpsel p5, v6, v63;
	v22 =	vpsel p4, v6, v63;
	v58 =	vand.u32 $0xFFFF0000, v58;
	v60 =	vld [tilespmem:s12+$0x3310]  }
0x1d7: {  	v30 =	vpsel p6, v6, v63;
	v61 =	vadd.f32 v58, v47;
	v24 =	vpsel p2, v6, v63;
	p6 =	seq.s32 s20, $0x1;
	[tilespmem:s11+$0x0] =	vst.add.f32.msk $0xffff, v16  }
0x1d8: {  	v27 =	vpsel p6, v6, v63;
	v20 =	vpsel p1, v6, v63;
	v16 =	vpsel p0, v6, v63;
	v63 =	vld [tilespmem:s12+$0x3390]  }
0x1d9: {  	[tilespmem:s25+$0xFFFFFF80] =	vst.add.f32.msk $0xffff, v25;
	v25 =	vshll.u32 v59, $0x10  }
0x1da: {  	v49 =	vpsel p2, v13, v11;
	[tilespmem:s11+$0xFFFFFCC0] =	vst.add.f32.msk $0xffff, v61;
	v0 =	vadd.f32 v25, v0  }
0x1db: {  	v52 =	vpsel p1, v13, v11;
	v54 =	vpsel p5, v13, v11;
	v46 =	vand.u32 $0xFFFF0000, v59;
	[tilespmem:s11+$0xFFFFFFF0] =	vst.add.f32.msk $0xffff, v1  }
0x1dc: {  	v57 =	vshll.u32 v31, $0x10;
	v31 =	vand.u32 $0xFFFF0000, v31;
	v58 =	vand.u32 $0xFFFF0000, v60;
	[tilespmem:s11+$0xFFFFFDB0] =	vst.add.f32.msk $0xffff, v0  }
0x1dd: {  	v3 =	vadd.f32 v57, v48;
	v57 =	vand.u32 $0xFFFF0000, v62;
	v25 =	vadd.f32 v58, v52;
	v58 =	vld [tilespmem:s24+$0x32E0]  }
0x1de: {  	v2 =	vadd.f32 v31, v49;
	v31 =	vshll.u32 v63, $0x10;
	v59 =	vand.u32 $0xFFFF0000, v63;
	v63 =	vld [tilespmem:$0x1FFC0]  }
0x1df: {  	v47 =	vshll.u32 v60, $0x10;
	v54 =	vadd.f32 v57, v54;
	v57 =	vld [tilespmem:s12+$0x3220]  }
0x1e0: {  	v51 =	vadd.f32 v47, v51;
	[tilespmem:s11+$0xFFFFFD30] =	vst.add.f32.msk $0xffff, v3  }
0x1e1: {  	[tilespmem:s11+$0xFFFFFD40] =	vst.add.f32.msk $0xffff, v2  }
0x1e2: {  	v48 =	vshll.u32 v62, $0x10;
	[tilespmem:s11+$0xFFFFFE30] =	vst.add.f32.msk $0xffff, v51  }
0x1e3: {  	v50 =	vpsel p4, v13, v11;
	v53 =	vadd.f32 v48, v53;
	[tilespmem:s11+$0xFFFFFE40] =	vst.add.f32.msk $0xffff, v25  }
0x1e4: {  	v3 =	vadd.f32 v46, v50;
	v46 =	vld [tilespmem:$0x1FFE0]  }
0x1e5: {  	[tilespmem:s11+$0xFFFFFEB0] =	vst.add.f32.msk $0xffff, v53  }
0x1e6: {  	[tilespmem:s11+$0xFFFFFEC0] =	vst.add.f32.msk $0xffff, v54  }
0x1e7: {  	[tilespmem:s11+$0xFFFFFDC0] =	vst.add.f32.msk $0xffff, v3  }
0x1e8: {  	v3 =	vadd.f32 v31, v55;
	v60 =	vld [tilespmem:s13+$0x32E0]  }
0x1e9: {  	v31 =	vadd.f32 v59, v56;
	v25 =	vld [tilespmem:s4+$0x32E0]  }
0x1ea: {  	[tilespmem:s11+$0xFFFFFF30] =	vst.add.f32.msk $0xffff, v3  }
0x1eb: {  	[tilespmem:s11+$0xFFFFFF40] =	vst.add.f32.msk $0xffff, v31  }
0x1ec: {  	v61 =	vshll.u32 v58, $0x10;
	v3 =	vld [tilespmem:s12+$0x32A0]  }
0x1ed: {  	v35 =	vpsel p4, v10, v8;
	v2 =	vand.u32 $0xFFFF0000, v58;
	v31 =	vld [tilespmem:s12+$0x3320];
	v50 =	vadd.f32 v61, v43  }
0x1ee: {  	v36 =	vpsel p4, v9, v7;
	v59 =	vshll.u32 v57, $0x10;
	v52 =	vadd.f32 v2, v42;
	v62 =	vld [tilespmem:s12+$0x33A0]  }
0x1ef: {  	v32 =	vpsel p1, v10, v8;
	v40 =	vpsel p2, v9, v7;
	v45 =	vadd.f32 v59, v45;
	[tilespmem:s11+$0xFFFFFCD0] =	vst.add.f32.msk $0xffff, v50  }
0x1f0: {  	v33 =	vpsel p5, v10, v8;
	v41 =	vpsel p2, v10, v8;
	v0 =	vand.u32 $0xFFFF0000, v57;
	[tilespmem:s11+$0xFFFFFCE0] =	vst.add.f32.msk $0xffff, v52  }
0x1f1: {  	v0 =	vadd.f32 v0, v44;
	[tilespmem:s11+$0xFFFFFC50] =	vst.add.f32.msk $0xffff, v45;
	v55 =	vshll.u32 v60, $0x10;
	v51 =	vshll.u32 v25, $0x10  }
0x1f2: {  	v45 =	vld [tilespmem:$0x1FFD0];
	v25 =	vand.u32 $0xFFFF0000, v25;
	v49 =	vshll.u32 v3, $0x10;
	v3 =	vand.u32 $0xFFFF0000, v3  }
0x1f3: {  	[tilespmem:s11+$0xFFFFFC60] =	vst.add.f32.msk $0xffff, v0;
	v53 =	vshll.u32 v31, $0x10;
	v59 =	vadd.f32 v51, v35;
	v57 =	vadd.f32 v3, v40  }
0x1f4: {  	v3 =	vshll.u32 v62, $0x10;
	v58 =	vand.u32 $0xFFFF0000, v62;
	v62 =	vadd.f32 v55, v33;
	v33 =	vld [tilespmem:s12+$0x3230]  }
0x1f5: {  	v56 =	vand.u32 $0xFFFF0000, v60;
	v25 =	vadd.f32 v25, v36;
	v60 =	vadd.f32 v53, v32;
	v32 =	vld [tilespmem:s24+$0x32F0]  }
0x1f6: {  	v54 =	vadd.f32 v49, v41;
	[tilespmem:s11+$0xFFFFFDD0] =	vst.add.f32.msk $0xffff, v59  }
0x1f7: {  	[tilespmem:s11+$0xFFFFFDE0] =	vst.add.f32.msk $0xffff, v25  }
0x1f8: {  	v39 =	vpsel p1, v9, v7;
	v31 =	vand.u32 $0xFFFF0000, v31;
	[tilespmem:s11+$0xFFFFFD50] =	vst.add.f32.msk $0xffff, v54  }
0x1f9: {  	v61 =	vadd.f32 v31, v39;
	s24 =	sld [smem:$0x7F5];
	[tilespmem:s11+$0xFFFFFD60] =	vst.add.f32.msk $0xffff, v57  }
0x1fa: {  	v34 =	vpsel p5, v9, v7;
	[tilespmem:s11+$0xFFFFFE50] =	vst.add.f32.msk $0xffff, v60  }
0x1fb: {  	v37 =	vpsel p0, v10, v8;
	v31 =	vadd.f32 v56, v34;
	[tilespmem:s11+$0xFFFFFE60] =	vst.add.f32.msk $0xffff, v61  }
0x1fc: {  	v38 =	vpsel p0, v9, v7;
	v17 =	vpsel p0, v5, v4;
	v3 =	vadd.f32 v3, v37;
	[tilespmem:s11+$0xFFFFFED0] =	vst.add.f32.msk $0xffff, v62;
	p0 =	seq.s32 s24, $0x1  }
.Ltmp1:
0x1fd: {  	v25 =	vadd.f32 v58, v38;
	[tilespmem:s11+$0xFFFFFEE0] =	vst.add.f32.msk $0xffff, v31;
	(pc) =	sbr.rel @p0 .LBB2_5-.Ltmp1, $4  }
0x1fe: {  	[tilespmem:s11+$0xFFFFFF50] =	vst.add.f32.msk $0xffff, v3  }
0x1ff: {  	[tilespmem:s11+$0xFFFFFF60] =	vst.add.f32.msk $0xffff, v25  }
0x200: {  	v21 =	vpsel p1, v5, v4;
	v19 =	vpsel p5, v5, v4;
	v31 =	vld [tilespmem:s12+$0x32B0]  }
0x201: {  	s16 =	sadd.s32 $0x8, s16;
	v26 =	vpsel p2, v5, v4;
	v23 =	vpsel p4, v5, v4;
	v28 =	vpsel p6, v5, v4;
	s25 =	smov.u32 s11;
	v25 =	vld [tilespmem:s4+$0x32F0]  }
0x202: {  	v0 =	vshll.u32 v33, $0x10  }
0x203: {  	v1 =	vand.u32 $0xFFFF0000, v33;
	v2 =	vld [tilespmem:s12+$0x3330];
	v0 =	vadd.f32 v0, v29  }
0x204: {  	v3 =	vld [tilespmem:s13+$0x32F0];
	v1 =	vadd.f32 v1, v30  }
0x205: {  	v61 =	vshll.u32 v32, $0x10;
	[tilespmem:s11+$0xFFFFFC70] =	vst.add.f32.msk $0xffff, v0  }
0x206: {  	v0 =	vadd.f32 v61, v28;
	v28 =	vand.u32 $0xFFFF0000, v32;
	[tilespmem:s11+$0xFFFFFC80] =	vst.add.f32.msk $0xffff, v1  }
0x207: {  	v62 =	vshll.u32 v31, $0x10;
	v27 =	vadd.f32 v28, v27;
	v28 =	vld [tilespmem:s12+$0x33B0]  }
0x208: {  	v29 =	vand.u32 $0xFFFF0000, v31;
	v1 =	vadd.f32 v62, v26;
	[tilespmem:s11+$0xFFFFFCF0] =	vst.add.f32.msk $0xffff, v0  }
0x209: {  	v32 =	vshll.u32 v25, $0x10;
	v24 =	vadd.f32 v29, v24;
	[tilespmem:s11+$0xFFFFFD00] =	vst.add.f32.msk $0xffff, v27  }
0x20a: {  	v25 =	vand.u32 $0xFFFF0000, v25;
	v0 =	vadd.f32 v32, v23;
	[tilespmem:s11+$0xFFFFFD70] =	vst.add.f32.msk $0xffff, v1  }
0x20b: {  	v33 =	vadd.f32 v25, v22;
	v22 =	vshll.u32 v2, $0x10;
	[tilespmem:s11+$0xFFFFFD80] =	vst.add.f32.msk $0xffff, v24  }
0x20c: {  	v2 =	vand.u32 $0xFFFF0000, v2;
	v21 =	vadd.f32 v22, v21;
	[tilespmem:s25+$0xFFFFFDF0] =	vst.add.f32.msk $0xffff, v0  }
0x20d: {  	v35 =	vand.u32 $0xFFFF0000, v3;
	v2 =	vadd.f32 v2, v20;
	[tilespmem:s25+$0xFFFFFE00] =	vst.add.f32.msk $0xffff, v33  }
0x20e: {  	v34 =	vshll.u32 v3, $0x10;
	v1 =	vadd.f32 v35, v18;
	[tilespmem:s25+$0xFFFFFE70] =	vst.add.f32.msk $0xffff, v21  }
0x20f: {  	v0 =	vadd.f32 v34, v19;
	[tilespmem:s25+$0xFFFFFE80] =	vst.add.f32.msk $0xffff, v2;
	v3 =	vshll.u32 v28, $0x10  }
0x210: {  	[tilespmem:s25+$0xFFFFFF00] =	vst.add.f32.msk $0xffff, v1;
	v36 =	vand.u32 $0xFFFF0000, v28;
	v3 =	vadd.f32 v3, v17  }
0x211: {  	s1 =	sadd.s32 s5, s9;
	[tilespmem:s25+$0xFFFFFEF0] =	vst.add.f32.msk $0xffff, v0;
	v37 =	vadd.f32 v36, v16  }
0x212: {  	s3 =	rddreg [dreg:$0x3];
	s1 =	sshll.u32 s1, $0x4;
	[tilespmem:s25+$0xFFFFFF70] =	vst.add.f32.msk $0xffff, v3  }
0x213: {  	s26 =	simm.s32 $0xC980;
	s1 =	sadd.s32 s3, s1;
	[tilespmem:s25+$0xFFFFFF80] =	vst.add.f32.msk $0xffff, v37  }
0x214: {  	[hbm4b:s1+s6] =	stream.linear.scatter [tilespmem:s26], [sflag:$0x5], $0x6400, $0x38;
	[tilespmem:$0x19180] =	vst v63  }
0x215: {  	_ =	swait.ge [sflag:s23], $0x6400  }
0x216: {  	[sflag:s23] =	ssyncset.done $0x0  }
0x217: {  	[sflag:s23] =	ssyncadd.s32 $0xFFFF9C00  }
0x218: {  	s10 =	sadd.s32 $0x320, s10;
	s12 =	simm.s32 $0x3;
	s11 =	rddreg [dreg:$0x1]  }
0x219: {  	[tilespmem:s26], [sflag:$0x2] =	stream.indirect.gather [hbm4b:s11+s22], $0x80, s10, s22, $0xb8;
	[tilespmem:$0x19180] =	vst v63  }
0x21a: {  	_ =	swait.ge [sflag:s12], $0x6400  }
0x21b: {  	[sflag:s12] =	ssyncset.done $0x0  }
0x21c: {  	[sflag:s12] =	ssyncadd.s32 $0xFFFF9C00  }
0x21d: {  	v38 =	vld [tilespmem:s2+$0x0];
	_ =	sdelay $0x4  }
0x21e: {  	(v2sf) =	vpush v38, $0x0;
	_ =	sdelay $0x4  }
0x21f: {  	s13 =	smulhi.u32 $0x51EB851F, s28  }
0x220: {  	v39 =	vld [tilespmem:s2+$0xFFFFFFF9]  }
0x221: {  	s1 =	sshrl.u32 s13, $0x6  }
0x222: {  	s16 =	smul.u32 $0xFFFF3800, s1  }
0x223: {  	v40 =	vld [tilespmem:s2+$0xFFFFFFFA]  }
0x224: {  	s3 =	sshra.s32 s16, $0x2  }
0x225: {  	s10 =	sadd.s32 s3, s0;
	(v2sf) =	vpush v39, $0x0  }
0x226: {  	v3 =	vld [tilespmem:s10+$0x1C0];
	_ =	sdelay $0x1  }
0x227: {  	(v2sf) =	vpush v40, $0x0  }
0x228: {  	v41 =	vld [tilespmem:s2+$0xFFFFFFFB];
	s18 =	spop (v2sf)  }
0x229: {  	p4 =	seq.s32 s18, $0x1  }
0x22a: {  	s1 =	smul.u32 $0x3200, s1;
	v42 =	vld [tilespmem:s2+$0xFFFFFFFC];
	v44 =	vshll.u32 v3, $0x10;
	v16 =	vpsel p4, v46, v45  }
0x22b: {  	v43 =	vld [tilespmem:s2+$0xFFFFFFFD];
	v3 =	vand.u32 $0xFFFF0000, v3;
	v18 =	vpsel p4, v15, v12;
	v2 =	vadd.f32 v44, v16  }
0x22c: {  	s9 =	simm.s32 $0x13170;
	s1 =	ssub.s32 s21, s1;
	v17 =	vld [tilespmem:s2+$0xFFFFFFFE];
	v47 =	vadd.f32 v3, v18  }
0x22d: {  	s19 =	sadd.s32 $0x65C0, s1;
	(v2sf) =	vpush v41, $0x0;
	[tilespmem:s9+$0xFFFFFF90] =	vst.add.f32.msk $0xffff, v2  }
0x22e: {  	s4 =	sor.u32 $0x50, s19;
	[tilespmem:s9+$0xFFFFFFA0] =	vst.add.f32.msk $0xffff, v47  }
0x22f: {  	(v2sf) =	vpush v42, $0x0;
	v0 =	vld [tilespmem:s4+$0x3280]  }
0x230: {  	v24 =	vld [tilespmem:$0x1FFF0]  }
0x231: {  	v48 =	vld [tilespmem:s10+$0x0]  }
0x232: {  	v16 =	vld [tilespmem:s2+$0xFFFFFFFF]  }
0x233: {  	v49 =	vld [tilespmem:s10+$0x40];
	s20 =	spop (v2sf)  }
0x234: {  	v20 =	vld [tilespmem:s10+$0x140];
	(v2sf) =	vpush v43, $0x0;
	p0 =	seq.s32 s20, $0x1  }
0x235: {  	v21 =	vpsel p4, v13, v11;
	v3 =	vld [tilespmem:s10+$0x80];
	s4 =	simm.s32 @!p0 $0x0;
	v18 =	vshll.u32 v0, $0x10;
	v19 =	vpsel p4, v14, v24  }
0x236: {  	s24 =	spop (v2sf);
	(v2sf) =	vpush v17, $0x0;
	v17 =	vld [tilespmem:s10+$0xC0];
	s4 =	simm.s32 @p0 $0x1;
	v0 =	vand.u32 $0xFFFF0000, v0;
	v18 =	vadd.f32 v18, v19  }
0x237: {  	p1 =	seq.s32 s24, $0x1;
	(v2sf) =	vpush v16, $0x0;
	v16 =	vld [tilespmem:s10+$0x100];
	[smem:$0x7F1] =	sst s4;
	v0 =	vadd.f32 v0, v21  }
0x238: {  	v22 =	vshll.u32 v48, $0x10;
	v1 =	vand.u32 $0xFFFF0000, v49;
	s12 =	simm.s32 @!p1 $0x0;
	[tilespmem:s9+$0xFFFFFFB0] =	vst.add.f32.msk $0xffff, v18  }
0x239: {  	v50 =	vpsel p1, v46, v45;
	v2 =	vand.u32 $0xFFFF0000, v48;
	s12 =	simm.s32 @p1 $0x1;
	v21 =	vpsel p0, v46, v45;
	[tilespmem:s9+$0xFFFFFFC0] =	vst.add.f32.msk $0xffff, v0  }
0x23a: {  	s25 =	sor.u32 $0x60, s19;
	v19 =	vld [tilespmem:s10+$0x180];
	v21 =	vadd.f32 v22, v21;
	v22 =	vshll.u32 v49, $0x10;
	v18 =	vpsel p0, v15, v12;
	[smem:$0x7F0] =	sst s12  }
0x23b: {  	v23 =	vpsel p1, v15, v12;
	v0 =	vadd.f32 v22, v50;
	v2 =	vadd.f32 v2, v18;
	v18 =	vld [tilespmem:s25+$0x3280]  }
0x23c: {  	v1 =	vadd.f32 v1, v23;
	s29 =	spop (v2sf);
	[tilespmem:s9+$0xFFFFFC10] =	vst.add.f32.msk $0xffff, v21  }
0x23d: {  	p2 =	seq.s32 s29, $0x1;
	[tilespmem:s9+$0xFFFFFC90] =	vst.add.f32.msk $0xffff, v0  }
0x23e: {  	v22 =	vshll.u32 v3, $0x10;
	s11 =	spop (v2sf);
	[tilespmem:s9+$0xFFFFFCA0] =	vst.add.f32.msk $0xffff, v1;
	v21 =	vpsel p2, v46, v45  }
0x23f: {  	v3 =	vand.u32 $0xFFFF0000, v3;
	[tilespmem:s9+$0xFFFFFC20] =	vst.add.f32.msk $0xffff, v2;
	v51 =	vpsel p2, v15, v12;
	p3 =	seq.s32 s11, $0x1;
	v21 =	vadd.f32 v22, v21  }
0x240: {  	v52 =	vpsel p3, v46, v45;
	v22 =	vshll.u32 v17, $0x10;
	v2 =	vadd.f32 v3, v51;
	v33 =	vld [tilespmem:s10+$0x10]  }
0x241: {  	v0 =	vadd.f32 v22, v52;
	[tilespmem:s9+$0xFFFFFD10] =	vst.add.f32.msk $0xffff, v21  }
0x242: {  	v3 =	vpsel p4, v10, v8;
	[tilespmem:s9+$0xFFFFFD20] =	vst.add.f32.msk $0xffff, v2;
	v53 =	vshll.u32 v18, $0x10  }
0x243: {  	v54 =	vand.u32 $0xFFFF0000, v18;
	v18 =	vpsel p4, v9, v7;
	[tilespmem:s9+$0xFFFFFD90] =	vst.add.f32.msk $0xffff, v0;
	v1 =	vadd.f32 v53, v3  }
0x244: {  	s12 =	spop (v2sf);
	v35 =	vld [tilespmem:s10+$0x90];
	v55 =	vadd.f32 v54, v18  }
0x245: {  	v56 =	vpsel p3, v15, v12;
	p5 =	seq.s32 s12, $0x1;
	v3 =	vand.u32 $0xFFFF0000, v17;
	[tilespmem:s9+$0xFFFFFFD0] =	vst.add.f32.msk $0xffff, v1  }
0x246: {  	s3 =	sor.u32 $0x70, s19;
	s13 =	spop (v2sf);
	v57 =	vpsel p5, v46, v45;
	v17 =	vshll.u32 v16, $0x10;
	v2 =	vadd.f32 v3, v56;
	[tilespmem:s9+$0xFFFFFFE0] =	vst.add.f32.msk $0xffff, v55  }
0x247: {  	p6 =	seq.s32 s13, $0x1;
	v58 =	vpsel p5, v15, v12;
	v3 =	vand.u32 $0xFFFF0000, v16;
	v1 =	vadd.f32 v17, v57;
	v16 =	vld [tilespmem:s3+$0x3280]  }
0x248: {  	v18 =	vshll.u32 v20, $0x10;
	s16 =	spop (v2sf);
	v17 =	vpsel p6, v46, v45;
	v0 =	vadd.f32 v3, v58;
	[tilespmem:s9+$0xFFFFFDA0] =	vst.add.f32.msk $0xffff, v2  }
0x249: {  	v59 =	vpsel p6, v15, v12;
	v3 =	vand.u32 $0xFFFF0000, v20;
	p1 =	seq.s32 s16, $0x1;
	v17 =	vadd.f32 v18, v17;
	[tilespmem:s9+$0xFFFFFE10] =	vst.add.f32.msk $0xffff, v1  }
0x24a: {  	v60 =	vpsel p1, v46, v45;
	v18 =	vshll.u32 v19, $0x10;
	v2 =	vadd.f32 v3, v59;
	[tilespmem:s9+$0xFFFFFE20] =	vst.add.f32.msk $0xffff, v0  }
0x24b: {  	v61 =	vpsel p1, v15, v12;
	v3 =	vand.u32 $0xFFFF0000, v19;
	v1 =	vadd.f32 v18, v60;
	[tilespmem:s9+$0xFFFFFE90] =	vst.add.f32.msk $0xffff, v17  }
0x24c: {  	v0 =	vadd.f32 v3, v61;
	v3 =	vpsel p4, v6, v63;
	[tilespmem:s9+$0xFFFFFEA0] =	vst.add.f32.msk $0xffff, v2;
	v62 =	vand.u32 $0xFFFF0000, v16  }
0x24d: {  	[tilespmem:s9+$0xFFFFFF10] =	vst.add.f32.msk $0xffff, v1;
	v32 =	vadd.f32 v62, v3  }
0x24e: {  	[tilespmem:s9+$0xFFFFFF20] =	vst.add.f32.msk $0xffff, v0  }
0x24f: {  	s18 =	sadd.s32 $0x6440, s1;
	[tilespmem:s9+$0x0] =	vst.add.f32.msk $0xffff, v32  }
0x250: {  	s19 =	sand.u32 $0x3E00, s18;
	s20 =	sadd.s32 $0x64C0, s1;
	s24 =	sld [smem:$0x7F1]  }
0x251: {  	v34 =	vld [tilespmem:s19+$0x32D0];
	s3 =	sand.u32 $0x3E80, s20  }
0x252: {  	s1 =	sadd.s32 $0x6540, s1;
	v3 =	vld [tilespmem:s3+$0x32D0];
	s25 =	sld [smem:$0x7F0]  }
0x253: {  	v37 =	vpsel p2, v13, v11;
	s12 =	sand.u32 $0x3F00, s1;
	v18 =	vld [tilespmem:s10+$0x110];
	v2 =	vand.u32 $0xFFFF0000, v35;
	p0 =	seq.s32 s24, $0x1  }
0x254: {  	v19 =	vshll.u32 v33, $0x10;
	v21 =	vld [tilespmem:s12+$0x32D0];
	v38 =	vadd.f32 v2, v37;
	v17 =	vpsel p0, v14, v24  }
0x255: {  	v0 =	vand.u32 $0xFFFF0000, v33;
	v23 =	vld [tilespmem:s10+$0x190];
	v20 =	vpsel p0, v13, v11;
	p0 =	seq.s32 s25, $0x1;
	v17 =	vadd.f32 v19, v17  }
0x256: {  	v1 =	vand.u32 $0xFFFF0000, v34;
	[tilespmem:s9+$0xFFFFFD40] =	vst.add.f32.msk $0xffff, v38;
	v0 =	vadd.f32 v0, v20;
	v20 =	vpsel p0, v13, v11  }
0x257: {  	v39 =	vpsel p3, v13, v11;
	v40 =	vand.u32 $0xFFFF0000, v3;
	v36 =	vadd.f32 v1, v20;
	[tilespmem:s9+$0xFFFFFC30] =	vst.add.f32.msk $0xffff, v17  }
0x258: {  	v1 =	vadd.f32 v40, v39;
	[tilespmem:s9+$0xFFFFFC40] =	vst.add.f32.msk $0xffff, v0  }
0x259: {  	v22 =	vshll.u32 v34, $0x10;
	v19 =	vpsel p0, v14, v24;
	[tilespmem:s9+$0xFFFFFCC0] =	vst.add.f32.msk $0xffff, v36  }
0x25a: {  	v41 =	vpsel p5, v13, v11;
	v42 =	vand.u32 $0xFFFF0000, v18;
	v17 =	vadd.f32 v22, v19;
	[tilespmem:s9+$0xFFFFFDC0] =	vst.add.f32.msk $0xffff, v1  }
0x25b: {  	v43 =	vpsel p6, v13, v11;
	v44 =	vand.u32 $0xFFFF0000, v21;
	v0 =	vadd.f32 v42, v41;
	v49 =	vld [tilespmem:s10+$0x20]  }
0x25c: {  	v1 =	vadd.f32 v44, v43;
	[tilespmem:s9+$0xFFFFFCB0] =	vst.add.f32.msk $0xffff, v17  }
0x25d: {  	v19 =	vpsel p2, v14, v24;
	v22 =	vshll.u32 v35, $0x10;
	[tilespmem:s9+$0xFFFFFE40] =	vst.add.f32.msk $0xffff, v0  }
0x25e: {  	v47 =	vpsel p1, v13, v11;
	v48 =	vand.u32 $0xFFFF0000, v23;
	v17 =	vadd.f32 v22, v19;
	[tilespmem:s9+$0xFFFFFEC0] =	vst.add.f32.msk $0xffff, v1  }
0x25f: {  	v20 =	vshll.u32 v3, $0x10;
	v19 =	vpsel p3, v14, v24;
	v0 =	vadd.f32 v48, v47;
	v50 =	vld [tilespmem:s19+$0x32E0]  }
0x260: {  	v3 =	vadd.f32 v20, v19;
	[tilespmem:s9+$0xFFFFFD30] =	vst.add.f32.msk $0xffff, v17  }
0x261: {  	v19 =	vshll.u32 v18, $0x10;
	v17 =	vpsel p5, v14, v24;
	[tilespmem:s9+$0xFFFFFF40] =	vst.add.f32.msk $0xffff, v0  }
0x262: {  	v18 =	vshll.u32 v21, $0x10;
	v17 =	vadd.f32 v19, v17;
	[tilespmem:s9+$0xFFFFFDB0] =	vst.add.f32.msk $0xffff, v3;
	v3 =	vpsel p6, v14, v24  }
0x263: {  	v51 =	vld [tilespmem:s10+$0xA0];
	v3 =	vadd.f32 v18, v3  }
0x264: {  	v18 =	vshll.u32 v23, $0x10;
	[tilespmem:s9+$0xFFFFFE30] =	vst.add.f32.msk $0xffff, v17;
	v17 =	vpsel p1, v14, v24  }
0x265: {  	v17 =	vadd.f32 v18, v17;
	[tilespmem:s9+$0xFFFFFEB0] =	vst.add.f32.msk $0xffff, v3  }
0x266: {  	v3 =	vld [tilespmem:s3+$0x32E0]  }
0x267: {  	[tilespmem:s9+$0xFFFFFF30] =	vst.add.f32.msk $0xffff, v17  }
0x268: {  	v16 =	vshll.u32 v16, $0x10;
	v17 =	vpsel p4, v5, v4;
	s29 =	sld [smem:$0x7F1]  }
0x269: {  	v53 =	vpsel p2, v9, v7;
	v18 =	vld [tilespmem:s10+$0x120];
	v2 =	vand.u32 $0xFFFF0000, v51;
	v16 =	vadd.f32 v16, v17  }
0x26a: {  	v55 =	vpsel p3, v9, v7;
	v20 =	vld [tilespmem:s12+$0x32E0];
	v54 =	vadd.f32 v2, v53  }
0x26b: {  	v1 =	vand.u32 $0xFFFF0000, v50;
	v17 =	vshll.u32 v49, $0x10;
	[tilespmem:s9+$0xFFFFFFF0] =	vst.add.f32.msk $0xffff, v16;
	v16 =	vpsel p0, v9, v7;
	p4 =	seq.s32 s29, $0x1  }
0x26c: {  	v56 =	vand.u32 $0xFFFF0000, v3;
	[tilespmem:s9+$0xFFFFFD60] =	vst.add.f32.msk $0xffff, v54;
	v52 =	vadd.f32 v1, v16;
	v19 =	vpsel p4, v10, v8  }
0x26d: {  	v1 =	vadd.f32 v56, v55;
	v17 =	vadd.f32 v17, v19;
	v19 =	vld [tilespmem:s10+$0x1A0]  }
0x26e: {  	v0 =	vand.u32 $0xFFFF0000, v49;
	v21 =	vpsel p4, v9, v7;
	[tilespmem:s9+$0xFFFFFCE0] =	vst.add.f32.msk $0xffff, v52  }
0x26f: {  	v59 =	vpsel p6, v9, v7;
	v60 =	vand.u32 $0xFFFF0000, v20;
	v0 =	vadd.f32 v0, v21;
	[tilespmem:s9+$0xFFFFFDE0] =	vst.add.f32.msk $0xffff, v1  }
0x270: {  	v1 =	vadd.f32 v60, v59;
	[tilespmem:s9+$0xFFFFFC50] =	vst.add.f32.msk $0xffff, v17  }
0x271: {  	v22 =	vpsel p0, v10, v8;
	v23 =	vshll.u32 v50, $0x10;
	[tilespmem:s9+$0xFFFFFC60] =	vst.add.f32.msk $0xffff, v0  }
0x272: {  	v57 =	vpsel p5, v9, v7;
	v58 =	vand.u32 $0xFFFF0000, v18;
	v17 =	vadd.f32 v23, v22;
	[tilespmem:s9+$0xFFFFFEE0] =	vst.add.f32.msk $0xffff, v1  }
0x273: {  	v21 =	vpsel p2, v10, v8;
	v22 =	vshll.u32 v51, $0x10;
	v0 =	vadd.f32 v58, v57;
	v33 =	vld [tilespmem:s10+$0x30]  }
0x274: {  	v16 =	vadd.f32 v22, v21;
	[tilespmem:s9+$0xFFFFFCD0] =	vst.add.f32.msk $0xffff, v17  }
0x275: {  	v26 =	vpsel p2, v5, v4;
	v61 =	vpsel p1, v9, v7;
	[tilespmem:s9+$0xFFFFFE60] =	vst.add.f32.msk $0xffff, v0  }
0x276: {  	v28 =	vpsel p0, v5, v4;
	v21 =	vshll.u32 v3, $0x10;
	v17 =	vpsel p3, v10, v8;
	[tilespmem:s9+$0xFFFFFD50] =	vst.add.f32.msk $0xffff, v16  }
0x277: {  	v3 =	vadd.f32 v21, v17;
	v16 =	vpsel p5, v10, v8;
	v17 =	vshll.u32 v18, $0x10;
	v32 =	vld [tilespmem:s19+$0x32F0]  }
0x278: {  	v27 =	vpsel p0, v6, v63;
	v62 =	vand.u32 $0xFFFF0000, v19;
	v16 =	vadd.f32 v17, v16;
	v31 =	vld [tilespmem:s10+$0xB0]  }
0x279: {  	v24 =	vpsel p2, v6, v63;
	v29 =	vpsel p4, v5, v4;
	v0 =	vadd.f32 v62, v61;
	[tilespmem:s9+$0xFFFFFDD0] =	vst.add.f32.msk $0xffff, v3  }
0x27a: {  	v30 =	vpsel p4, v6, v63;
	v17 =	vshll.u32 v20, $0x10;
	v3 =	vpsel p6, v10, v8;
	[tilespmem:s9+$0xFFFFFE50] =	vst.add.f32.msk $0xffff, v16  }
0x27b: {  	v3 =	vadd.f32 v17, v3;
	v16 =	vpsel p1, v10, v8;
	v17 =	vshll.u32 v19, $0x10;
	[tilespmem:s9+$0xFFFFFF60] =	vst.add.f32.msk $0xffff, v0  }
0x27c: {  	s8 =	smul.u32 $0xC8, s8;
	v23 =	vpsel p3, v5, v4;
	v22 =	vpsel p3, v6, v63;
	v25 =	vld [tilespmem:s3+$0x32F0];
	v16 =	vadd.f32 v17, v16  }
0x27d: {  	s18 =	smov.u32 s21;
	s11 =	simm.s32 $0x13170;
	s13 =	simm.s32 $0x0;
	v21 =	vpsel p5, v5, v4;
	v18 =	vpsel p6, v6, v63;
	v20 =	vpsel p5, v6, v63;
	[tilespmem:s9+$0xFFFFFED0] =	vst.add.f32.msk $0xffff, v3  }
0x27e: {  	s16 =	sadd.s32 $0x8, s2;
	s25 =	smov.u32 s0;
	v19 =	vpsel p6, v5, v4;
	s3 =	smov.u32 s28;
	v17 =	vpsel p1, v5, v4;
	[tilespmem:s9+$0xFFFFFF50] =	vst.add.f32.msk $0xffff, v16;
	v16 =	vpsel p1, v6, v63  }
.LBB2_7:
0x27f: {  	v0 =	vld [tilespmem:s16+$0x0]  }
0x280: {  	v1 =	vld [tilespmem:s16+$0xFFFFFFF9]  }
0x281: {  	v54 =	vld [tilespmem:s16+$0xFFFFFFFA]  }
0x282: {  	v34 =	vld [tilespmem:s16+$0xFFFFFFFB]  }
0x283: {  	v35 =	vld [tilespmem:s16+$0xFFFFFFFC]  }
0x284: {  	v36 =	vld [tilespmem:s16+$0xFFFFFFFD];
	v55 =	vand.u32 $0xFFFF0000, v32  }
0x285: {  	v3 =	vand.u32 $0xFFFF0000, v33;
	v56 =	vadd.f32 v55, v27;
	v27 =	vld [tilespmem:s16+$0xFFFFFFFE]  }
0x286: {  	v2 =	vshll.u32 v33, $0x10;
	v3 =	vadd.f32 v3, v30;
	v30 =	vshll.u32 v31, $0x10;
	v55 =	vld [tilespmem:$0x1FFF0]  }
0x287: {  	v2 =	vadd.f32 v2, v29;
	v29 =	vshll.u32 v32, $0x10;
	v57 =	vadd.f32 v30, v26;
	v26 =	vld [tilespmem:s16+$0xFFFFFFFF]  }
0x288: {  	s13 =	sadd.s32 $0x8, s13;
	v28 =	vadd.f32 v29, v28;
	v29 =	vshll.u32 v25, $0x10;
	v30 =	vld [tilespmem:s10+$0x1B0]  }
0x289: {  	s3 =	sadd.s32 $0x8, s3;
	p0 =	slt.u32 s13, $0xC0;
	v25 =	vand.u32 $0xFFFF0000, v25;
	v23 =	vadd.f32 v29, v23;
	v29 =	vld [tilespmem:s10+$0x130]  }
0x28a: {  	s24 =	smulhi.u32 $0x51EB851F, s3;
	s1 =	simm.s32 @!p0 $0x0;
	v22 =	vadd.f32 v25, v22;
	v25 =	vld [tilespmem:s12+$0x32F0]  }
0x28b: {  	s1 =	simm.s32 @p0 $0x1;
	[tilespmem:s9+$0xFFFFFC70] =	vst.add.f32.msk $0xffff, v2  }
0x28c: {  	[smem:$0x7EF] =	sst s1;
	s1 =	sshrl.u32 s24, $0x6;
	(v2sf) =	vpush v0, $0x0;
	[tilespmem:s9+$0xFFFFFC80] =	vst.add.f32.msk $0xffff, v3  }
0x28d: {  	v31 =	vand.u32 $0xFFFF0000, v31;
	s4 =	smul.u32 $0xFFFF3800, s1;
	[tilespmem:s9+$0xFFFFFD00] =	vst.add.f32.msk $0xffff, v56  }
0x28e: {  	(v2sf) =	vpush v1, $0x0;
	v24 =	vadd.f32 v31, v24;
	[tilespmem:s9+$0xFFFFFCF0] =	vst.add.f32.msk $0xffff, v28  }
0x28f: {  	s25 =	sadd.s32 $0x200, s25;
	(v2sf) =	vpush v54, $0x0;
	s4 =	sshra.s32 s4, $0x2;
	[tilespmem:s9+$0xFFFFFD70] =	vst.add.f32.msk $0xffff, v57  }
0x290: {  	s10 =	sadd.s32 s4, s25;
	[tilespmem:s9+$0xFFFFFD80] =	vst.add.f32.msk $0xffff, v24  }
0x291: {  	(v2sf) =	vpush v34, $0x0;
	v24 =	vld [tilespmem:s10+$0x100]  }
0x292: {  	(v2sf) =	vpush v35, $0x0;
	v28 =	vld [tilespmem:s10+$0x140];
	v58 =	vshll.u32 v29, $0x10  }
0x293: {  	v48 =	vld [tilespmem:s10+$0x180];
	v3 =	vand.u32 $0xFFFF0000, v29;
	v61 =	vshll.u32 v25, $0x10;
	v59 =	vadd.f32 v58, v21  }
0x294: {  	v62 =	vadd.f32 v3, v20;
	v20 =	vand.u32 $0xFFFF0000, v30;
	v2 =	vadd.f32 v61, v19;
	v19 =	vld [tilespmem:s10+$0x1C0]  }
0x295: {  	v21 =	vand.u32 $0xFFFF0000, v25;
	v3 =	vshll.u32 v30, $0x10;
	v25 =	vadd.f32 v20, v16;
	v16 =	vld [tilespmem:s10+$0x0]  }
0x296: {  	v3 =	vadd.f32 v3, v17;
	v17 =	vld [tilespmem:s10+$0x40]  }
0x297: {  	(v2sf) =	vpush v36, $0x0;
	v20 =	vld [tilespmem:s10+$0x80]  }
0x298: {  	v18 =	vadd.f32 v21, v18;
	v21 =	vld [tilespmem:s10+$0xC0]  }
0x299: {  	[tilespmem:s11+$0xFFFFFDF0] =	vst.add.f32.msk $0xffff, v23  }
0x29a: {  	[tilespmem:s11+$0xFFFFFE00] =	vst.add.f32.msk $0xffff, v22  }
0x29b: {  	[tilespmem:s11+$0xFFFFFE70] =	vst.add.f32.msk $0xffff, v59;
	s29 =	spop (v2sf)  }
0x29c: {  	(v2sf) =	vpush v27, $0x0;
	[tilespmem:s11+$0xFFFFFE80] =	vst.add.f32.msk $0xffff, v62;
	p0 =	seq.s32 s29, $0x1  }
0x29d: {  	(v2sf) =	vpush v26, $0x0;
	[tilespmem:s11+$0xFFFFFEF0] =	vst.add.f32.msk $0xffff, v2;
	v26 =	vshll.u32 v19, $0x10;
	s12 =	spop (v2sf);
	v27 =	vpsel p0, v46, v45  }
0x29e: {  	s1 =	smul.u32 $0x3200, s1;
	[tilespmem:s11+$0xFFFFFF00] =	vst.add.f32.msk $0xffff, v18;
	v19 =	vand.u32 $0xFFFF0000, v19;
	p3 =	seq.s32 s12, $0x1;
	s19 =	spop (v2sf);
	v29 =	vpsel p0, v15, v12;
	v26 =	vadd.f32 v26, v27  }
0x29f: {  	s18 =	sadd.s32 $0x200, s18;
	s9 =	sadd.s32 $0x400, s9;
	[tilespmem:s11+$0xFFFFFF70] =	vst.add.f32.msk $0xffff, v3;
	p2 =	seq.s32 s19, $0x1;
	v27 =	vpsel p3, v46, v45;
	v19 =	vadd.f32 v19, v29;
	v29 =	vshll.u32 v16, $0x10  }
0x2a0: {  	s12 =	ssub.s32 s18, s1;
	v30 =	vpsel p3, v15, v12;
	v16 =	vand.u32 $0xFFFF0000, v16;
	s1 =	simm.s32 @!p2 $0x0;
	v3 =	vadd.f32 v29, v27;
	[tilespmem:s9+$0xFFFFFF90] =	vst.add.f32.msk $0xffff, v26  }
0x2a1: {  	v16 =	vadd.f32 v16, v30;
	s1 =	simm.s32 @p2 $0x1;
	[tilespmem:s9+$0xFFFFFFA0] =	vst.add.f32.msk $0xffff, v19  }
0x2a2: {  	v44 =	vshll.u32 v24, $0x10;
	s20 =	spop (v2sf);
	v49 =	vpsel p2, v46, v45;
	v19 =	vshll.u32 v17, $0x10;
	[smem:$0x7EE] =	sst s1;
	s1 =	sadd.s32 $0x65C0, s12;
	[tilespmem:s9+$0xFFFFFC10] =	vst.add.f32.msk $0xffff, v3  }
0x2a3: {  	v50 =	vpsel p2, v15, v12;
	p2 =	seq.s32 s20, $0x1;
	v17 =	vand.u32 $0xFFFF0000, v17;
	v19 =	vadd.f32 v19, v49;
	[tilespmem:s9+$0xFFFFFC20] =	vst.add.f32.msk $0xffff, v16;
	s29 =	sor.u32 $0x50, s1  }
0x2a4: {  	v22 =	vshll.u32 v20, $0x10;
	s19 =	spop (v2sf);
	v26 =	vpsel p2, v46, v45;
	v17 =	vadd.f32 v17, v50;
	v38 =	vld [tilespmem:s29+$0x3280]  }
0x2a5: {  	v20 =	vand.u32 $0xFFFF0000, v20;
	p4 =	seq.s32 s19, $0x1;
	v51 =	vpsel p2, v15, v12;
	v22 =	vadd.f32 v22, v26;
	[tilespmem:s9+$0xFFFFFC90] =	vst.add.f32.msk $0xffff, v19  }
0x2a6: {  	v61 =	vshll.u32 v21, $0x10;
	s24 =	spop (v2sf);
	v60 =	vpsel p4, v46, v45;
	v20 =	vadd.f32 v20, v51;
	[tilespmem:s9+$0xFFFFFCA0] =	vst.add.f32.msk $0xffff, v17  }
0x2a7: {  	v21 =	vand.u32 $0xFFFF0000, v21;
	v37 =	vpsel p4, v15, v12;
	p1 =	seq.s32 s24, $0x1;
	v0 =	vadd.f32 v61, v60;
	[tilespmem:s9+$0xFFFFFD10] =	vst.add.f32.msk $0xffff, v22  }
0x2a8: {  	v62 =	vand.u32 $0xFFFF0000, v24;
	v39 =	vpsel p1, v46, v45;
	v16 =	vadd.f32 v21, v37;
	[tilespmem:s9+$0xFFFFFD20] =	vst.add.f32.msk $0xffff, v20  }
0x2a9: {  	v57 =	vpsel p0, v14, v55;
	v21 =	vadd.f32 v44, v39;
	[tilespmem:s9+$0xFFFFFD90] =	vst.add.f32.msk $0xffff, v0;
	v24 =	vshll.u32 v38, $0x10  }
0x2aa: {  	v59 =	vpsel p0, v13, v11;
	s19 =	simm.s32 @!p0 $0x0;
	[tilespmem:s9+$0xFFFFFDA0] =	vst.add.f32.msk $0xffff, v16;
	v58 =	vand.u32 $0xFFFF0000, v38;
	v24 =	vadd.f32 v24, v57  }
0x2ab: {  	s20 =	spop (v2sf);
	s19 =	simm.s32 @p0 $0x1;
	[tilespmem:s9+$0xFFFFFE10] =	vst.add.f32.msk $0xffff, v21;
	v2 =	vadd.f32 v58, v59  }
0x2ac: {  	p5 =	seq.s32 s20, $0x1;
	s20 =	spop (v2sf);
	v40 =	vpsel p1, v15, v12;
	s29 =	sadd.s32 $0x64C0, s12;
	[tilespmem:s9+$0xFFFFFFB0] =	vst.add.f32.msk $0xffff, v24  }
0x2ad: {  	v18 =	vshll.u32 v28, $0x10;
	[smem:$0x7ED] =	sst s19;
	v41 =	vpsel p5, v46, v45;
	v1 =	vadd.f32 v62, v40;
	s4 =	sand.u32 $0x3E80, s29;
	s29 =	sor.u32 $0x60, s1;
	[tilespmem:s9+$0xFFFFFFC0] =	vst.add.f32.msk $0xffff, v2  }
0x2ae: {  	v28 =	vand.u32 $0xFFFF0000, v28;
	p6 =	seq.s32 s20, $0x1;
	v23 =	vpsel p5, v15, v12;
	s20 =	sld [smem:$0x7EE];
	v18 =	vadd.f32 v18, v41;
	v24 =	vld [tilespmem:s29+$0x3280]  }
0x2af: {  	v27 =	vshll.u32 v48, $0x10;
	v42 =	vpsel p6, v46, v45;
	v17 =	vadd.f32 v28, v23;
	[tilespmem:s9+$0xFFFFFE20] =	vst.add.f32.msk $0xffff, v1;
	s29 =	sld [smem:$0x7ED]  }
0x2b0: {  	v19 =	vadd.f32 v27, v42;
	[tilespmem:s9+$0xFFFFFE90] =	vst.add.f32.msk $0xffff, v18  }
0x2b1: {  	v31 =	vpsel p0, v5, v4;
	v29 =	vand.u32 $0xFFFF0000, v48;
	v43 =	vpsel p6, v15, v12;
	p0 =	seq.s32 s20, $0x1;
	[tilespmem:s9+$0xFFFFFEA0] =	vst.add.f32.msk $0xffff, v17  }
0x2b2: {  	v22 =	vadd.f32 v29, v43;
	v3 =	vpsel p0, v14, v55;
	v47 =	vpsel p0, v13, v11;
	[tilespmem:s9+$0xFFFFFF10] =	vst.add.f32.msk $0xffff, v19;
	p0 =	seq.s32 s29, $0x1  }
0x2b3: {  	s24 =	sadd.s32 $0x6440, s12;
	v57 =	vld [tilespmem:s10+$0x10];
	v26 =	vpsel p0, v10, v8;
	v23 =	vshll.u32 v24, $0x10  }
0x2b4: {  	s24 =	sand.u32 $0x3E00, s24;
	[tilespmem:s9+$0xFFFFFF20] =	vst.add.f32.msk $0xffff, v22;
	v20 =	vand.u32 $0xFFFF0000, v24;
	v24 =	vpsel p0, v9, v7;
	v23 =	vadd.f32 v23, v26  }
0x2b5: {  	v58 =	vld [tilespmem:s24+$0x32D0];
	v20 =	vadd.f32 v20, v24  }
0x2b6: {  	s19 =	simm.s32 @!p6 $0x0;
	[tilespmem:s9+$0xFFFFFFD0] =	vst.add.f32.msk $0xffff, v23  }
0x2b7: {  	v48 =	vpsel p2, v14, v55;
	v51 =	vpsel p1, v14, v55;
	s12 =	sadd.s32 $0x6540, s12;
	v53 =	vpsel p5, v14, v55;
	s1 =	sor.u32 $0x70, s1;
	s19 =	simm.s32 @p6 $0x1;
	[tilespmem:s9+$0xFFFFFFE0] =	vst.add.f32.msk $0xffff, v20  }
0x2b8: {  	v44 =	vpsel p3, v9, v7;
	s12 =	sand.u32 $0x3F00, s12;
	v46 =	vpsel p3, v14, v55;
	[smem:$0x7EC] =	sst s19;
	v61 =	vshll.u32 v57, $0x10;
	v20 =	vld [tilespmem:s1+$0x3280]  }
0x2b9: {  	s19 =	sld [smem:$0x7ED];
	v62 =	vld [tilespmem:s12+$0x32D0];
	v2 =	vpsel p3, v13, v11;
	v57 =	vand.u32 $0xFFFF0000, v57;
	v46 =	vadd.f32 v61, v46  }
0x2ba: {  	v0 =	vpsel p4, v14, v55;
	s20 =	sld [smem:$0x7EE];
	v59 =	vld [tilespmem:s4+$0x32D0];
	v61 =	vshll.u32 v58, $0x10;
	v2 =	vadd.f32 v57, v2  }
0x2bb: {  	v56 =	vpsel p6, v13, v11;
	v45 =	vpsel p3, v10, v8;
	v3 =	vadd.f32 v61, v3;
	[tilespmem:s9+$0xFFFFFC30] =	vst.add.f32.msk $0xffff, v46  }
0x2bc: {  	v29 =	vpsel p3, v5, v4;
	v18 =	vpsel p5, v6, v63;
	v55 =	vpsel p6, v14, v55;
	p6 =	por p3, p3;
	p3 =	seq.s32 s19, $0x1;
	s29 =	sld [smem:$0x7EC];
	[tilespmem:s9+$0xFFFFFC40] =	vst.add.f32.msk $0xffff, v2  }
0x2bd: {  	v17 =	vpsel p3, v6, v63;
	p0 =	seq.s32 s20, $0x1;
	s20 =	sld [smem:$0x7EE];
	[tilespmem:s9+$0xFFFFFCB0] =	vst.add.f32.msk $0xffff, v3;
	v60 =	vshll.u32 v20, $0x10;
	v16 =	vand.u32 $0xFFFF0000, v20  }
0x2be: {  	v58 =	vand.u32 $0xFFFF0000, v58;
	v16 =	vadd.f32 v16, v17;
	v1 =	vadd.f32 v60, v31;
	v31 =	vld [tilespmem:s10+$0x90]  }
0x2bf: {  	v22 =	vpsel p4, v6, v63;
	v30 =	vpsel p6, v6, v63;
	v61 =	vadd.f32 v58, v47;
	v60 =	vld [tilespmem:s10+$0x110]  }
0x2c0: {  	v43 =	vpsel p0, v10, v8;
	v42 =	vpsel p0, v9, v7;
	p0 =	seq.s32 s29, $0x1;
	v24 =	vpsel p2, v6, v63;
	p6 =	seq.s32 s20, $0x1;
	[tilespmem:s9+$0x0] =	vst.add.f32.msk $0xffff, v16  }
0x2c1: {  	v27 =	vpsel p6, v6, v63;
	v20 =	vpsel p1, v6, v63;
	v16 =	vpsel p0, v6, v63;
	v63 =	vld [tilespmem:s10+$0x190]  }
0x2c2: {  	[tilespmem:s11+$0xFFFFFF80] =	vst.add.f32.msk $0xffff, v25;
	v25 =	vshll.u32 v59, $0x10  }
0x2c3: {  	v49 =	vpsel p2, v13, v11;
	[tilespmem:s9+$0xFFFFFCC0] =	vst.add.f32.msk $0xffff, v61;
	v0 =	vadd.f32 v25, v0  }
0x2c4: {  	v52 =	vpsel p1, v13, v11;
	v54 =	vpsel p5, v13, v11;
	v46 =	vand.u32 $0xFFFF0000, v59;
	[tilespmem:s9+$0xFFFFFFF0] =	vst.add.f32.msk $0xffff, v1  }
0x2c5: {  	v57 =	vshll.u32 v31, $0x10;
	v31 =	vand.u32 $0xFFFF0000, v31;
	v58 =	vand.u32 $0xFFFF0000, v60;
	[tilespmem:s9+$0xFFFFFDB0] =	vst.add.f32.msk $0xffff, v0  }
0x2c6: {  	v3 =	vadd.f32 v57, v48;
	v57 =	vand.u32 $0xFFFF0000, v62;
	v25 =	vadd.f32 v58, v52;
	v58 =	vld [tilespmem:s24+$0x32E0]  }
0x2c7: {  	v2 =	vadd.f32 v31, v49;
	v31 =	vshll.u32 v63, $0x10;
	v59 =	vand.u32 $0xFFFF0000, v63;
	v63 =	vld [tilespmem:$0x1FFC0]  }
0x2c8: {  	v47 =	vshll.u32 v60, $0x10;
	v54 =	vadd.f32 v57, v54;
	v57 =	vld [tilespmem:s10+$0x20]  }
0x2c9: {  	v51 =	vadd.f32 v47, v51;
	[tilespmem:s9+$0xFFFFFD30] =	vst.add.f32.msk $0xffff, v3  }
0x2ca: {  	[tilespmem:s9+$0xFFFFFD40] =	vst.add.f32.msk $0xffff, v2  }
0x2cb: {  	v48 =	vshll.u32 v62, $0x10;
	[tilespmem:s9+$0xFFFFFE30] =	vst.add.f32.msk $0xffff, v51  }
0x2cc: {  	v50 =	vpsel p4, v13, v11;
	v53 =	vadd.f32 v48, v53;
	[tilespmem:s9+$0xFFFFFE40] =	vst.add.f32.msk $0xffff, v25  }
0x2cd: {  	v3 =	vadd.f32 v46, v50;
	v46 =	vld [tilespmem:$0x1FFE0]  }
0x2ce: {  	[tilespmem:s9+$0xFFFFFEB0] =	vst.add.f32.msk $0xffff, v53  }
0x2cf: {  	[tilespmem:s9+$0xFFFFFEC0] =	vst.add.f32.msk $0xffff, v54  }
0x2d0: {  	[tilespmem:s9+$0xFFFFFDC0] =	vst.add.f32.msk $0xffff, v3  }
0x2d1: {  	v3 =	vadd.f32 v31, v55;
	v60 =	vld [tilespmem:s12+$0x32E0]  }
0x2d2: {  	v31 =	vadd.f32 v59, v56;
	v25 =	vld [tilespmem:s4+$0x32E0]  }
0x2d3: {  	[tilespmem:s9+$0xFFFFFF30] =	vst.add.f32.msk $0xffff, v3  }
0x2d4: {  	[tilespmem:s9+$0xFFFFFF40] =	vst.add.f32.msk $0xffff, v31  }
0x2d5: {  	v61 =	vshll.u32 v58, $0x10;
	v3 =	vld [tilespmem:s10+$0xA0]  }
0x2d6: {  	v35 =	vpsel p4, v10, v8;
	v2 =	vand.u32 $0xFFFF0000, v58;
	v31 =	vld [tilespmem:s10+$0x120];
	v50 =	vadd.f32 v61, v43  }
0x2d7: {  	v36 =	vpsel p4, v9, v7;
	v59 =	vshll.u32 v57, $0x10;
	v52 =	vadd.f32 v2, v42;
	v62 =	vld [tilespmem:s10+$0x1A0]  }
0x2d8: {  	v32 =	vpsel p1, v10, v8;
	v40 =	vpsel p2, v9, v7;
	v45 =	vadd.f32 v59, v45;
	[tilespmem:s9+$0xFFFFFCD0] =	vst.add.f32.msk $0xffff, v50  }
0x2d9: {  	v33 =	vpsel p5, v10, v8;
	v41 =	vpsel p2, v10, v8;
	v0 =	vand.u32 $0xFFFF0000, v57;
	[tilespmem:s9+$0xFFFFFCE0] =	vst.add.f32.msk $0xffff, v52  }
0x2da: {  	v0 =	vadd.f32 v0, v44;
	[tilespmem:s9+$0xFFFFFC50] =	vst.add.f32.msk $0xffff, v45;
	v55 =	vshll.u32 v60, $0x10;
	v51 =	vshll.u32 v25, $0x10  }
0x2db: {  	v45 =	vld [tilespmem:$0x1FFD0];
	v25 =	vand.u32 $0xFFFF0000, v25;
	v49 =	vshll.u32 v3, $0x10;
	v3 =	vand.u32 $0xFFFF0000, v3  }
0x2dc: {  	[tilespmem:s9+$0xFFFFFC60] =	vst.add.f32.msk $0xffff, v0;
	v53 =	vshll.u32 v31, $0x10;
	v59 =	vadd.f32 v51, v35;
	v57 =	vadd.f32 v3, v40  }
0x2dd: {  	v3 =	vshll.u32 v62, $0x10;
	v58 =	vand.u32 $0xFFFF0000, v62;
	v62 =	vadd.f32 v55, v33;
	v33 =	vld [tilespmem:s10+$0x30]  }
0x2de: {  	v56 =	vand.u32 $0xFFFF0000, v60;
	v25 =	vadd.f32 v25, v36;
	v60 =	vadd.f32 v53, v32;
	v32 =	vld [tilespmem:s24+$0x32F0]  }
0x2df: {  	v54 =	vadd.f32 v49, v41;
	[tilespmem:s9+$0xFFFFFDD0] =	vst.add.f32.msk $0xffff, v59  }
0x2e0: {  	[tilespmem:s9+$0xFFFFFDE0] =	vst.add.f32.msk $0xffff, v25  }
0x2e1: {  	v39 =	vpsel p1, v9, v7;
	v31 =	vand.u32 $0xFFFF0000, v31;
	[tilespmem:s9+$0xFFFFFD50] =	vst.add.f32.msk $0xffff, v54  }
0x2e2: {  	s29 =	sld [smem:$0x7EF];
	v61 =	vadd.f32 v31, v39;
	[tilespmem:s9+$0xFFFFFD60] =	vst.add.f32.msk $0xffff, v57  }
0x2e3: {  	v34 =	vpsel p5, v9, v7;
	[tilespmem:s9+$0xFFFFFE50] =	vst.add.f32.msk $0xffff, v60  }
0x2e4: {  	v37 =	vpsel p0, v10, v8;
	v31 =	vadd.f32 v56, v34;
	[tilespmem:s9+$0xFFFFFE60] =	vst.add.f32.msk $0xffff, v61  }
0x2e5: {  	v38 =	vpsel p0, v9, v7;
	v17 =	vpsel p0, v5, v4;
	p0 =	seq.s32 s29, $0x1;
	v3 =	vadd.f32 v3, v37;
	[tilespmem:s9+$0xFFFFFED0] =	vst.add.f32.msk $0xffff, v62  }
.Ltmp2:
0x2e6: {  	v25 =	vadd.f32 v58, v38;
	[tilespmem:s9+$0xFFFFFEE0] =	vst.add.f32.msk $0xffff, v31;
	(pc) =	sbr.rel @p0 .LBB2_7-.Ltmp2, $4  }
0x2e7: {  	[tilespmem:s9+$0xFFFFFF50] =	vst.add.f32.msk $0xffff, v3  }
0x2e8: {  	[tilespmem:s9+$0xFFFFFF60] =	vst.add.f32.msk $0xffff, v25  }
0x2e9: {  	v21 =	vpsel p1, v5, v4;
	v19 =	vpsel p5, v5, v4;
	v31 =	vld [tilespmem:s10+$0xB0]  }
0x2ea: {  	s16 =	sadd.s32 $0x8, s16;
	v26 =	vpsel p2, v5, v4;
	v23 =	vpsel p4, v5, v4;
	v28 =	vpsel p6, v5, v4;
	s11 =	smov.u32 s9;
	v25 =	vld [tilespmem:s4+$0x32F0]  }
0x2eb: {  	v0 =	vshll.u32 v33, $0x10;
	v1 =	vld [tilespmem:s10+$0x130]  }
0x2ec: {  	v2 =	vand.u32 $0xFFFF0000, v33;
	v3 =	vld [tilespmem:s12+$0x32F0];
	v0 =	vadd.f32 v0, v29  }
0x2ed: {  	v51 =	vand.u32 $0xFFFF0000, v32;
	v52 =	vld [tilespmem:s10+$0x1B0];
	v2 =	vadd.f32 v2, v30  }
0x2ee: {  	v50 =	vshll.u32 v32, $0x10;
	v27 =	vadd.f32 v51, v27;
	[tilespmem:s9+$0xFFFFFC70] =	vst.add.f32.msk $0xffff, v0  }
0x2ef: {  	v0 =	vadd.f32 v50, v28;
	v53 =	vshll.u32 v31, $0x10;
	[tilespmem:s9+$0xFFFFFC80] =	vst.add.f32.msk $0xffff, v2  }
0x2f0: {  	v54 =	vand.u32 $0xFFFF0000, v31;
	[tilespmem:s9+$0xFFFFFD00] =	vst.add.f32.msk $0xffff, v27;
	v26 =	vadd.f32 v53, v26  }
0x2f1: {  	v55 =	vshll.u32 v25, $0x10;
	v2 =	vadd.f32 v54, v24;
	[tilespmem:s9+$0xFFFFFCF0] =	vst.add.f32.msk $0xffff, v0  }
0x2f2: {  	v56 =	vand.u32 $0xFFFF0000, v25;
	v0 =	vadd.f32 v55, v23;
	[tilespmem:s9+$0xFFFFFD70] =	vst.add.f32.msk $0xffff, v26  }
0x2f3: {  	v22 =	vadd.f32 v56, v22;
	v57 =	vshll.u32 v1, $0x10;
	[tilespmem:s9+$0xFFFFFD80] =	vst.add.f32.msk $0xffff, v2  }
0x2f4: {  	v1 =	vand.u32 $0xFFFF0000, v1;
	v58 =	vadd.f32 v57, v21;
	[tilespmem:s11+$0xFFFFFDF0] =	vst.add.f32.msk $0xffff, v0  }
0x2f5: {  	v59 =	vshll.u32 v3, $0x10;
	v3 =	vand.u32 $0xFFFF0000, v3;
	v1 =	vadd.f32 v1, v20;
	[tilespmem:s11+$0xFFFFFE00] =	vst.add.f32.msk $0xffff, v22  }
0x2f6: {  	s1 =	sadd.s32 s5, s8;
	s7 =	sadd.s32 $0x1, s7;
	v60 =	vshll.u32 v52, $0x10;
	v3 =	vadd.f32 v3, v18;
	[tilespmem:s11+$0xFFFFFE70] =	vst.add.f32.msk $0xffff, v58  }
0x2f7: {  	s3 =	rddreg [dreg:$0x3];
	s29 =	simm.s32 $0x12D80;
	p0 =	sne.s32 s7, $0xA;
	v61 =	vand.u32 $0xFFFF0000, v52;
	v2 =	vadd.f32 v60, v17;
	[tilespmem:s11+$0xFFFFFE80] =	vst.add.f32.msk $0xffff, v1  }
.Ltmp3:
0x2f8: {  	s21 =	sadd.s32 $0x9600, s21;
	s17 =	sadd.s32 $0x258, s17;
	v62 =	vadd.f32 v61, v16;
	[tilespmem:s11+$0xFFFFFF00] =	vst.add.f32.msk $0xffff, v3;
	(pc) =	sbr.rel @p0 .LBB2_2-.Ltmp3, $4  }
0x2f9: {  	s15 =	sadd.s32 $0x9600, s15;
	s30 =	sadd.s32 $0x258, s30;
	s14 =	sadd.s32 $0x258, s14;
	v0 =	vadd.f32 v59, v19;
	[tilespmem:s11+$0xFFFFFF70] =	vst.add.f32.msk $0xffff, v2  }
0x2fa: {  	s31 =	sadd.s32 $0x258, s31;
	s28 =	sadd.s32 $0x258, s28;
	s1 =	sshll.u32 s1, $0x4;
	[tilespmem:s11+$0xFFFFFF80] =	vst.add.f32.msk $0xffff, v62  }
0x2fb: {  	s2 =	sadd.s32 $0x258, s2;
	s0 =	sadd.s32 $0x9600, s0;
	s1 =	sadd.s32 s3, s1;
	[tilespmem:s11+$0xFFFFFEF0] =	vst.add.f32.msk $0xffff, v0  }
0x2fc: {  	[hbm4b:s1+s6] =	stream.linear.scatter [tilespmem:s29], [sflag:$0x6], $0x6400, $0x38;
	v5 =	vld [tilespmem:$0x1FFF0]  }
0x2fd: {  	s0 =	simm.s32 $0x1  }
0x2fe: {  	_ =	swait.ge [sflag:s0], $0x6400  }
0x2ff: {  	[sflag:s0] =	ssyncset.done $0x0  }
0x300: {  	s1 =	simm.s32 $0x3077;
	[sflag:s0] =	ssyncadd.s32 $0xFFFF9C00  }
0x301: {  	v0 =	vld [tilespmem:s1+$0x0];
	_ =	sdelay $0x4  }
0x302: {  	(v2sf) =	vpush v0, $0x0  }
0x303: {  	s2 =	simm.s32 $0x1777  }
0x304: {  	s2 =	sand.u32 $0xFFF8, s2  }
0x305: {  	s2 =	sshrl.u32 s2, $0x3  }
0x306: {  	v15 =	vld [tilespmem:$0x1FF50];
	s2 =	smul.u32 $0x147B, s2  }
0x307: {  	v34 =	vld [tilespmem:s1+$0xFFFFFFFA]  }
0x308: {  	v1 =	vld [tilespmem:s1+$0xFFFFFFFB];
	s2 =	sshrl.u32 s2, $0x11  }
0x309: {  	s25 =	simm.s32 $0x1770;
	v2 =	vld [tilespmem:s1+$0xFFFFFFFC];
	s2 =	smul.u32 $0xC8, s2  }
0x30a: {  	s3 =	simm.s32 $0x1771;
	s7 =	simm.s32 $0x1772;
	s30 =	simm.s32 $0x1773;
	v3 =	vld [tilespmem:s1+$0xFFFFFFFD]  }
0x30b: {  	s8 =	simm.s32 $0x1775;
	s9 =	simm.s32 $0x1776;
	v16 =	vld [tilespmem:s1+$0xFFFFFFFE];
	s2 =	ssub.s32 $0x1777, s2  }
0x30c: {  	s28 =	sand.u32 $0xFFF8, s3;
	s7 =	sand.u32 $0xFFF8, s7;
	v17 =	vld [tilespmem:s1+$0xFFFFFFFF];
	s2 =	sshll.u32 s2, $0x6  }
0x30d: {  	s8 =	sand.u32 $0xFFF8, s8;
	s7 =	sshrl.u32 s7, $0x3;
	v35 =	vld [tilespmem:s1+$0xFFFFFFF9];
	(v2sf) =	vpush v34, $0x0;
	s11 =	sand.u32 $0xFFC0, s2  }
0x30e: {  	s8 =	sshrl.u32 s8, $0x3;
	s0 =	sand.u32 $0xFFF8, s25;
	s10 =	smul.u32 $0x147B, s7;
	(v2sf) =	vpush v1, $0x0;
	v36 =	vld [tilespmem:s11+$0x3280]  }
0x30f: {  	s9 =	sand.u32 $0xFFF8, s9;
	v23 =	vld [tilespmem:$0x1FF80];
	s13 =	smul.u32 $0x147B, s8;
	s0 =	sshrl.u32 s0, $0x3;
	(v2sf) =	vpush v2, $0x0  }
0x310: {  	s14 =	sshrl.u32 s9, $0x3;
	s1 =	sand.u32 $0xFFF8, s30;
	s0 =	smul.u32 $0x147B, s0;
	(v2sf) =	vpush v3, $0x0  }
0x311: {  	s16 =	smul.u32 $0x147B, s14;
	s1 =	sshrl.u32 s1, $0x3;
	(v2sf) =	vpush v16, $0x0;
	s12 =	spop (v2sf)  }
0x312: {  	s1 =	smul.u32 $0x147B, s1;
	s0 =	sshrl.u32 s0, $0x11;
	(v2sf) =	vpush v17, $0x0;
	p6 =	seq.s32 s12, $0x1  }
0x313: {  	s31 =	simm.s32 $0x1774;
	s4 =	smul.u32 $0xC8, s0;
	s0 =	sshrl.u32 s28, $0x3;
	(v2sf) =	vpush v35, $0x0;
	v37 =	vshll.u32 v36, $0x10;
	v38 =	vpsel p6, v46, v45  }
0x314: {  	s15 =	sshrl.u32 s10, $0x11;
	s17 =	sshrl.u32 s13, $0x11;
	s29 =	smul.u32 $0x147B, s0;
	v1 =	vand.u32 $0xFFFF0000, v36;
	v3 =	vpsel p6, v23, v15;
	v0 =	vadd.f32 v37, v38  }
0x315: {  	s9 =	smul.u32 $0xC8, s15;
	s1 =	sshrl.u32 s1, $0x11;
	s0 =	simm.s32 $0x6580;
	v1 =	vadd.f32 v1, v3  }
0x316: {  	s1 =	smul.u32 $0xC8, s1;
	s2 =	sand.u32 $0xFFF8, s31;
	s3 =	sshrl.u32 s29, $0x11;
	[tilespmem:s0+$0x380] =	vst.add.f32.msk $0xffff, v0  }
0x317: {  	s2 =	sshrl.u32 s2, $0x3;
	s3 =	smul.u32 $0xC8, s3;
	s12 =	sor.u32 $0x50, s11;
	[tilespmem:s0+$0x390] =	vst.add.f32.msk $0xffff, v1  }
0x318: {  	s19 =	ssub.s32 $0x1772, s9;
	s4 =	ssub.s32 $0x1770, s4;
	s2 =	smul.u32 $0x147B, s2;
	v0 =	vld [tilespmem:s12+$0x3280]  }
0x319: {  	s4 =	sshll.u32 s4, $0x6;
	s1 =	ssub.s32 $0x1773, s1;
	s3 =	ssub.s32 $0x1771, s3;
	v11 =	vld [tilespmem:$0x1FF60]  }
0x31a: {  	s7 =	sand.u32 $0xFFC0, s4;
	s2 =	sshrl.u32 s2, $0x11;
	s3 =	sshll.u32 s3, $0x6;
	v13 =	vld [tilespmem:$0x1FF90]  }
0x31b: {  	s4 =	sshll.u32 s19, $0x6;
	s2 =	smul.u32 $0xC8, s2;
	s8 =	sand.u32 $0xFFC0, s3  }
0x31c: {  	s18 =	sshrl.u32 s16, $0x11;
	s1 =	sshll.u32 s1, $0x6;
	s10 =	sand.u32 $0xFFC0, s4;
	v40 =	vld [tilespmem:s8+$0x3280]  }
0x31d: {  	s3 =	smul.u32 $0xC8, s17;
	s2 =	ssub.s32 $0x1774, s2;
	s21 =	spop (v2sf);
	v3 =	vld [tilespmem:s10+$0x3280]  }
0x31e: {  	v39 =	vld [tilespmem:s7+$0x3280];
	s9 =	sand.u32 $0xFFC0, s1;
	s20 =	sshll.u32 s2, $0x6;
	s13 =	spop (v2sf);
	v18 =	vpsel p6, v14, v5;
	v17 =	vshll.u32 v0, $0x10  }
0x31f: {  	v16 =	vld [tilespmem:s9+$0x3280];
	s3 =	ssub.s32 $0x1775, s3;
	s4 =	sand.u32 $0xFFC0, s20;
	s14 =	spop (v2sf);
	v0 =	vand.u32 $0xFFFF0000, v0;
	v20 =	vpsel p6, v13, v11;
	v17 =	vadd.f32 v17, v18  }
0x320: {  	s24 =	sshll.u32 s3, $0x6;
	v19 =	vld [tilespmem:s4+$0x3280];
	p0 =	seq.s32 s13, $0x1;
	s15 =	spop (v2sf);
	v0 =	vadd.f32 v0, v20  }
0x321: {  	v41 =	vand.u32 $0xFFFF0000, v40;
	p3 =	seq.s32 s21, $0x1;
	s13 =	simm.s32 @!p0 $0x0;
	s28 =	spop (v2sf);
	[tilespmem:s0+$0x3A0] =	vst.add.f32.msk $0xffff, v17  }
0x322: {  	s3 =	sand.u32 $0xFFC0, s24;
	v42 =	vpsel p3, v23, v15;
	v43 =	vpsel p0, v46, v45;
	s13 =	simm.s32 @p0 $0x1;
	s30 =	spop (v2sf);
	v22 =	vshll.u32 v3, $0x10;
	[tilespmem:s0+$0x3B0] =	vst.add.f32.msk $0xffff, v0  }
0x323: {  	s16 =	sor.u32 $0x60, s11;
	s31 =	spop (v2sf);
	v18 =	vld [tilespmem:s3+$0x3280];
	v20 =	vpsel p3, v46, v45;
	v17 =	vshll.u32 v40, $0x10;
	v0 =	vadd.f32 v41, v42;
	[smem:$0x7EA] =	sst s13  }
0x324: {  	p1 =	seq.s32 s31, $0x1;
	v2 =	vadd.f32 v22, v43;
	v17 =	vadd.f32 v17, v20;
	v20 =	vld [tilespmem:s16+$0x3280]  }
0x325: {  	v1 =	vand.u32 $0xFFFF0000, v39;
	v47 =	vpsel p1, v23, v15;
	[tilespmem:s0+$0x90] =	vst.add.f32.msk $0xffff, v0  }
0x326: {  	p4 =	seq.s32 s14, $0x1;
	v49 =	vpsel p0, v23, v15;
	v48 =	vand.u32 $0xFFFF0000, v3;
	v0 =	vadd.f32 v1, v47;
	[tilespmem:s0+$0x100] =	vst.add.f32.msk $0xffff, v2  }
0x327: {  	v50 =	vshll.u32 v16, $0x10;
	v3 =	vpsel p4, v46, v45;
	v1 =	vadd.f32 v48, v49;
	[tilespmem:s0+$0x80] =	vst.add.f32.msk $0xffff, v17  }
0x328: {  	v44 =	vpsel p1, v46, v45;
	v2 =	vadd.f32 v50, v3;
	v17 =	vshll.u32 v39, $0x10;
	[tilespmem:s0+$0x10] =	vst.add.f32.msk $0xffff, v0  }
0x329: {  	p5 =	seq.s32 s15, $0x1;
	v51 =	vpsel p4, v23, v15;
	v3 =	vand.u32 $0xFFFF0000, v16;
	v17 =	vadd.f32 v17, v44;
	[tilespmem:s0+$0x110] =	vst.add.f32.msk $0xffff, v1  }
0x32a: {  	v52 =	vpsel p5, v46, v45;
	v0 =	vadd.f32 v3, v51;
	v3 =	vshll.u32 v19, $0x10;
	[tilespmem:s0+$0x180] =	vst.add.f32.msk $0xffff, v2  }
0x32b: {  	v16 =	vand.u32 $0xFFFF0000, v19;
	v1 =	vadd.f32 v3, v52;
	v3 =	vpsel p5, v23, v15;
	[tilespmem:s0+$0x0] =	vst.add.f32.msk $0xffff, v17  }
0x32c: {  	v3 =	vadd.f32 v16, v3;
	[tilespmem:s0+$0x190] =	vst.add.f32.msk $0xffff, v0  }
0x32d: {  	[tilespmem:s0+$0x200] =	vst.add.f32.msk $0xffff, v1  }
0x32e: {  	[tilespmem:s0+$0x210] =	vst.add.f32.msk $0xffff, v3  }
0x32f: {  	v7 =	vld [tilespmem:$0x1FF70]  }
0x330: {  	s12 =	smul.u32 $0xC8, s18;
	v9 =	vld [tilespmem:$0x1FFA0];
	_ =	sdelay $0x1  }
0x331: {  	p2 =	seq.s32 s28, $0x1;
	s25 =	ssub.s32 $0x1776, s12  }
0x332: {  	s29 =	sshll.u32 s25, $0x6;
	v53 =	vshll.u32 v18, $0x10;
	v16 =	vpsel p2, v46, v45  }
0x333: {  	v56 =	vpsel p6, v10, v8;
	s2 =	sand.u32 $0xFFC0, s29;
	v54 =	vadd.f32 v53, v16;
	v55 =	vshll.u32 v20, $0x10  }
0x334: {  	v21 =	vld [tilespmem:s2+$0x3280];
	v3 =	vand.u32 $0xFFFF0000, v20;
	v1 =	vadd.f32 v55, v56;
	v16 =	vpsel p6, v9, v7  }
0x335: {  	p0 =	seq.s32 s30, $0x1;
	[tilespmem:s0+$0x280] =	vst.add.f32.msk $0xffff, v54;
	v57 =	vadd.f32 v3, v16  }
0x336: {  	s1 =	simm.s32 @!p0 $0x0;
	[tilespmem:s0+$0x3C0] =	vst.add.f32.msk $0xffff, v1  }
0x337: {  	s1 =	simm.s32 @p0 $0x1;
	[tilespmem:s0+$0x3D0] =	vst.add.f32.msk $0xffff, v57  }
0x338: {  	s11 =	sor.u32 $0x70, s11;
	v59 =	vpsel p2, v23, v15;
	[smem:$0x7EB] =	sst s1  }
0x339: {  	v58 =	vand.u32 $0xFFFF0000, v18;
	v60 =	vshll.u32 v21, $0x10;
	v3 =	vpsel p0, v46, v45;
	v61 =	vld [tilespmem:s11+$0x3280]  }
0x33a: {  	v1 =	vadd.f32 v58, v59;
	v0 =	vadd.f32 v60, v3;
	v3 =	vld [tilespmem:s7+$0x3290];
	_ =	sdelay $0x1  }
0x33b: {  	v17 =	vpsel p0, v23, v15;
	v16 =	vand.u32 $0xFFFF0000, v21;
	[tilespmem:s0+$0x290] =	vst.add.f32.msk $0xffff, v1  }
0x33c: {  	s12 =	sor.u32 $0x50, s8;
	v62 =	vadd.f32 v16, v17;
	[tilespmem:s0+$0x300] =	vst.add.f32.msk $0xffff, v0  }
0x33d: {  	v16 =	vpsel p6, v6, v63;
	v21 =	vld [tilespmem:s12+$0x3280];
	v22 =	vand.u32 $0xFFFF0000, v61  }
0x33e: {  	v17 =	vpsel p1, v14, v5;
	[tilespmem:s0+$0x310] =	vst.add.f32.msk $0xffff, v62;
	v1 =	vadd.f32 v22, v16;
	v16 =	vshll.u32 v3, $0x10  }
0x33f: {  	v18 =	vld [tilespmem:s10+$0x3290];
	v3 =	vand.u32 $0xFFFF0000, v3;
	v16 =	vadd.f32 v16, v17;
	v17 =	vpsel p1, v13, v11  }
0x340: {  	[tilespmem:s0+$0x3F0] =	vst.add.f32.msk $0xffff, v1;
	v3 =	vadd.f32 v3, v17  }
0x341: {  	[tilespmem:s0+$0x20] =	vst.add.f32.msk $0xffff, v16  }
0x342: {  	[tilespmem:s0+$0x30] =	vst.add.f32.msk $0xffff, v3  }
0x343: {  	s14 =	sld [smem:$0x7EA]  }
0x344: {  	s13 =	sor.u32 $0x50, s9  }
0x345: {  	v24 =	vpsel p3, v14, v5;
	s15 =	sor.u32 $0x50, s3;
	v19 =	vld [tilespmem:s13+$0x3280];
	v17 =	vshll.u32 v21, $0x10  }
0x346: {  	v25 =	vld [tilespmem:s15+$0x3280];
	v0 =	vand.u32 $0xFFFF0000, v21;
	v1 =	vadd.f32 v17, v24;
	v17 =	vpsel p3, v13, v11;
	p0 =	seq.s32 s14, $0x1  }
0x347: {  	v16 =	vld [tilespmem:s4+$0x3290];
	v0 =	vadd.f32 v0, v17;
	v17 =	vshll.u32 v18, $0x10;
	v3 =	vpsel p0, v14, v5  }
0x348: {  	[tilespmem:s0+$0xA0] =	vst.add.f32.msk $0xffff, v1;
	v3 =	vadd.f32 v17, v3  }
0x349: {  	v18 =	vand.u32 $0xFFFF0000, v18;
	[tilespmem:s0+$0xB0] =	vst.add.f32.msk $0xffff, v0;
	v17 =	vpsel p0, v13, v11  }
0x34a: {  	v26 =	vpsel p4, v14, v5;
	v17 =	vadd.f32 v18, v17;
	v18 =	vshll.u32 v19, $0x10;
	[tilespmem:s0+$0x120] =	vst.add.f32.msk $0xffff, v3  }
0x34b: {  	v19 =	vand.u32 $0xFFFF0000, v19;
	v3 =	vpsel p4, v13, v11;
	v0 =	vadd.f32 v18, v26;
	v18 =	vld [tilespmem:s2+$0x3290]  }
0x34c: {  	v3 =	vadd.f32 v19, v3;
	v19 =	vpsel p5, v14, v5;
	[tilespmem:s0+$0x130] =	vst.add.f32.msk $0xffff, v17;
	v17 =	vshll.u32 v16, $0x10  }
0x34d: {  	v27 =	vpsel p5, v13, v11;
	v16 =	vand.u32 $0xFFFF0000, v16;
	v17 =	vadd.f32 v17, v19;
	[tilespmem:s0+$0x1A0] =	vst.add.f32.msk $0xffff, v0  }
0x34e: {  	v0 =	vadd.f32 v16, v27;
	[tilespmem:s0+$0x1B0] =	vst.add.f32.msk $0xffff, v3  }
0x34f: {  	[tilespmem:s0+$0x220] =	vst.add.f32.msk $0xffff, v17  }
0x350: {  	[tilespmem:s0+$0x230] =	vst.add.f32.msk $0xffff, v0  }
0x351: {  	s16 =	sld [smem:$0x7EB]  }
0x352: {  	v16 =	vpsel p2, v14, v5;
	v3 =	vshll.u32 v25, $0x10  }
0x353: {  	v3 =	vadd.f32 v3, v16  }
0x354: {  	v1 =	vand.u32 $0xFFFF0000, v25;
	p0 =	por p2, p2;
	v16 =	vpsel p2, v13, v11;
	p2 =	seq.s32 s16, $0x1  }
0x355: {  	v17 =	vshll.u32 v18, $0x10;
	v1 =	vadd.f32 v1, v16;
	[tilespmem:s0+$0x2A0] =	vst.add.f32.msk $0xffff, v3;
	v32 =	vpsel p2, v14, v5  }
0x356: {  	v3 =	vld [tilespmem:s7+$0x32A0];
	v0 =	vadd.f32 v17, v32  }
0x357: {  	[tilespmem:s0+$0x2B0] =	vst.add.f32.msk $0xffff, v1  }
0x358: {  	[tilespmem:s0+$0x320] =	vst.add.f32.msk $0xffff, v0  }
0x359: {  	v12 =	vmov v5;
	v5 =	vld [tilespmem:$0x1FFB0]  }
0x35a: {  	v16 =	vpsel p2, v13, v11;
	v17 =	vand.u32 $0xFFFF0000, v18  }
0x35b: {  	s17 =	sor.u32 $0x60, s8;
	v35 =	vpsel p1, v10, v8;
	v33 =	vadd.f32 v17, v16;
	v17 =	vshll.u32 v3, $0x10  }
0x35c: {  	v34 =	vld [tilespmem:s17+$0x3280];
	v3 =	vand.u32 $0xFFFF0000, v3;
	v1 =	vadd.f32 v17, v35;
	v17 =	vpsel p1, v9, v7  }
0x35d: {  	[tilespmem:s0+$0x330] =	vst.add.f32.msk $0xffff, v33;
	v3 =	vadd.f32 v3, v17  }
0x35e: {  	v2 =	vshll.u32 v61, $0x10;
	[tilespmem:s0+$0x40] =	vst.add.f32.msk $0xffff, v1;
	v16 =	vpsel p6, v5, v4  }
0x35f: {  	[tilespmem:s0+$0x50] =	vst.add.f32.msk $0xffff, v3;
	v2 =	vadd.f32 v2, v16  }
0x360: {  	v16 =	vld [tilespmem:s10+$0x32A0]  }
0x361: {  	s11 =	simm.s32 $0x307F;
	[tilespmem:s0+$0x3E0] =	vst.add.f32.msk $0xffff, v2  }
0x362: {  	v60 =	vld [tilespmem:s11+$0xFFFFFFFC];
	s19 =	sld [smem:$0x7EA]  }
0x363: {  	s18 =	sor.u32 $0x60, s9;
	v62 =	vld [tilespmem:s11+$0xFFFFFFFE]  }
0x364: {  	v36 =	vpsel p3, v10, v8;
	v18 =	vld [tilespmem:s18+$0x3280];
	v17 =	vshll.u32 v34, $0x10  }
0x365: {  	s20 =	sor.u32 $0x60, s3;
	v37 =	vld [tilespmem:s4+$0x32A0];
	v0 =	vand.u32 $0xFFFF0000, v34;
	v2 =	vadd.f32 v17, v36;
	v17 =	vpsel p3, v9, v7;
	p2 =	seq.s32 s19, $0x1  }
0x366: {  	v38 =	vld [tilespmem:s20+$0x3280];
	v0 =	vadd.f32 v0, v17;
	v17 =	vshll.u32 v16, $0x10;
	v3 =	vpsel p2, v10, v8  }
0x367: {  	[tilespmem:s0+$0xC0] =	vst.add.f32.msk $0xffff, v2;
	v3 =	vadd.f32 v17, v3  }
0x368: {  	v16 =	vand.u32 $0xFFFF0000, v16;
	[tilespmem:s0+$0xD0] =	vst.add.f32.msk $0xffff, v0;
	v17 =	vpsel p2, v9, v7  }
0x369: {  	v39 =	vpsel p4, v10, v8;
	v16 =	vadd.f32 v16, v17;
	v17 =	vshll.u32 v18, $0x10;
	[tilespmem:s0+$0x140] =	vst.add.f32.msk $0xffff, v3  }
0x36a: {  	v18 =	vand.u32 $0xFFFF0000, v18;
	v3 =	vpsel p4, v9, v7;
	v0 =	vadd.f32 v17, v39;
	v17 =	vld [tilespmem:s2+$0x32A0]  }
0x36b: {  	v3 =	vadd.f32 v18, v3;
	v18 =	vpsel p5, v10, v8;
	[tilespmem:s0+$0x150] =	vst.add.f32.msk $0xffff, v16;
	v16 =	vshll.u32 v37, $0x10  }
0x36c: {  	v40 =	vpsel p5, v9, v7;
	v1 =	vand.u32 $0xFFFF0000, v37;
	v16 =	vadd.f32 v16, v18;
	[tilespmem:s0+$0x1C0] =	vst.add.f32.msk $0xffff, v0  }
0x36d: {  	v0 =	vadd.f32 v1, v40;
	[tilespmem:s0+$0x1D0] =	vst.add.f32.msk $0xffff, v3  }
0x36e: {  	[tilespmem:s0+$0x240] =	vst.add.f32.msk $0xffff, v16  }
0x36f: {  	[tilespmem:s0+$0x250] =	vst.add.f32.msk $0xffff, v0  }
0x370: {  	s24 =	sor.u32 $0x70, s8;
	v61 =	vld [tilespmem:s11+$0xFFFFFFFD];
	s21 =	sld [smem:$0x7EB]  }
0x371: {  	v41 =	vshll.u32 v38, $0x10;
	v43 =	vld [tilespmem:s24+$0x3280];
	v3 =	vpsel p0, v10, v8  }
0x372: {  	s25 =	sor.u32 $0x70, s9;
	v2 =	vand.u32 $0xFFFF0000, v38;
	v1 =	vadd.f32 v41, v3;
	v3 =	vld [tilespmem:s7+$0x32B0];
	v16 =	vpsel p0, v9, v7  }
0x373: {  	v49 =	vld [tilespmem:s25+$0x3280];
	v2 =	vadd.f32 v2, v16;
	p6 =	seq.s32 s21, $0x1  }
0x374: {  	v16 =	vshll.u32 v17, $0x10;
	[tilespmem:s0+$0x2C0] =	vst.add.f32.msk $0xffff, v1;
	v42 =	vpsel p6, v10, v8  }
0x375: {  	s3 =	sor.u32 $0x70, s3;
	v17 =	vand.u32 $0xFFFF0000, v17;
	[tilespmem:s0+$0x2D0] =	vst.add.f32.msk $0xffff, v2;
	v0 =	vadd.f32 v16, v42;
	v16 =	vpsel p6, v9, v7  }
0x376: {  	v52 =	vld [tilespmem:s3+$0x3280];
	v16 =	vadd.f32 v17, v16  }
0x377: {  	v48 =	vpsel p1, v6, v63;
	v47 =	vshll.u32 v3, $0x10;
	v3 =	vand.u32 $0xFFFF0000, v3;
	v17 =	vld [tilespmem:s10+$0x32B0]  }
0x378: {  	v2 =	vadd.f32 v3, v48;
	v3 =	vshll.u32 v43, $0x10;
	[tilespmem:s0+$0x350] =	vst.add.f32.msk $0xffff, v16;
	v16 =	vpsel p3, v5, v4  }
0x379: {  	s28 =	simm.s32 $0x1778;
	[tilespmem:s0+$0x340] =	vst.add.f32.msk $0xffff, v0;
	v3 =	vadd.f32 v3, v16  }
0x37a: {  	s29 =	sand.u32 $0xFFF8, s28;
	v44 =	vpsel p1, v5, v4;
	[tilespmem:s0+$0x70] =	vst.add.f32.msk $0xffff, v2  }
0x37b: {  	s1 =	sshrl.u32 s29, $0x3;
	v1 =	vand.u32 $0xFFFF0000, v43;
	v0 =	vadd.f32 v47, v44;
	v16 =	vpsel p3, v6, v63;
	[tilespmem:s0+$0xE0] =	vst.add.f32.msk $0xffff, v3  }
0x37c: {  	s1 =	smul.u32 $0x147B, s1;
	v50 =	vpsel p2, v5, v4;
	v1 =	vadd.f32 v1, v16;
	v16 =	vshll.u32 v17, $0x10;
	v3 =	vld [tilespmem:s4+$0x32B0]  }
0x37d: {  	[tilespmem:s0+$0x60] =	vst.add.f32.msk $0xffff, v0;
	v17 =	vand.u32 $0xFFFF0000, v17;
	v2 =	vadd.f32 v16, v50;
	v16 =	vpsel p2, v6, v63  }
0x37e: {  	s1 =	sshrl.u32 s1, $0x11;
	v51 =	vpsel p4, v5, v4;
	[tilespmem:s0+$0xF0] =	vst.add.f32.msk $0xffff, v1;
	v16 =	vadd.f32 v17, v16;
	v17 =	vshll.u32 v49, $0x10  }
0x37f: {  	s1 =	smul.u32 $0xC8, s1;
	[tilespmem:s0+$0x160] =	vst.add.f32.msk $0xffff, v2;
	v1 =	vadd.f32 v17, v51  }
0x380: {  	s30 =	simm.s32 $0x1779;
	s8 =	simm.s32 $0x177C;
	s9 =	simm.s32 $0x177D;
	v0 =	vand.u32 $0xFFFF0000, v49;
	v17 =	vpsel p4, v6, v63;
	[tilespmem:s0+$0x170] =	vst.add.f32.msk $0xffff, v16  }
0x381: {  	s15 =	sand.u32 $0xFFF8, s9;
	s1 =	ssub.s32 $0x1778, s1;
	s4 =	sand.u32 $0xFFF8, s30;
	v16 =	vpsel p5, v5, v4;
	v0 =	vadd.f32 v0, v17;
	v17 =	vshll.u32 v3, $0x10;
	[tilespmem:s0+$0x1E0] =	vst.add.f32.msk $0xffff, v1  }
0x382: {  	v53 =	vpsel p5, v6, v63;
	s20 =	simm.s32 $0x177F;
	s10 =	simm.s32 $0x177E;
	s4 =	sshrl.u32 s4, $0x3;
	v3 =	vand.u32 $0xFFFF0000, v3;
	v16 =	vadd.f32 v17, v16;
	v17 =	vld [tilespmem:s2+$0x32B0]  }
0x383: {  	v54 =	vpsel p0, v5, v4;
	s9 =	sand.u32 $0xFFF8, s10;
	s10 =	sand.u32 $0xFFF8, s20;
	s31 =	smul.u32 $0x147B, s4;
	v1 =	vadd.f32 v3, v53;
	[tilespmem:s0+$0x1F0] =	vst.add.f32.msk $0xffff, v0;
	v3 =	vshll.u32 v52, $0x10  }
0x384: {  	s7 =	simm.s32 $0x177B;
	s24 =	sshrl.u32 s10, $0x3;
	s4 =	simm.s32 $0x177A;
	v0 =	vadd.f32 v3, v54;
	v3 =	vld [tilespmem:s11+$0x0]  }
0x385: {  	s10 =	smul.u32 $0x147B, s24;
	s3 =	sshrl.u32 s31, $0x11;
	s2 =	sand.u32 $0xFFF8, s4;
	[tilespmem:s0+$0x260] =	vst.add.f32.msk $0xffff, v16  }
0x386: {  	s3 =	smul.u32 $0xC8, s3;
	s4 =	sand.u32 $0xFFF8, s7;
	s2 =	sshrl.u32 s2, $0x3;
	[tilespmem:s0+$0x270] =	vst.add.f32.msk $0xffff, v1  }
0x387: {  	v55 =	vpsel p0, v6, v63;
	v2 =	vand.u32 $0xFFFF0000, v52;
	s7 =	sand.u32 $0xFFF8, s8;
	s13 =	sshrl.u32 s4, $0x3;
	s12 =	smul.u32 $0x147B, s2;
	v16 =	vld [tilespmem:s11+$0xFFFFFFFA]  }
0x388: {  	s14 =	sshrl.u32 s7, $0x3;
	s3 =	ssub.s32 $0x1779, s3;
	v1 =	vadd.f32 v2, v55;
	s4 =	smul.u32 $0x147B, s13;
	[tilespmem:s0+$0x2E0] =	vst.add.f32.msk $0xffff, v0  }
0x389: {  	s7 =	sshrl.u32 s15, $0x3;
	s16 =	smul.u32 $0x147B, s14;
	s3 =	sshll.u32 s3, $0x6;
	v57 =	vshll.u32 v17, $0x10;
	v59 =	vand.u32 $0xFFFF0000, v17;
	v17 =	vld [tilespmem:s11+$0xFFFFFFFB]  }
0x38a: {  	s18 =	sshrl.u32 s9, $0x3;
	s17 =	smul.u32 $0x147B, s7;
	s3 =	sand.u32 $0xFFC0, s3;
	[tilespmem:s0+$0x2F0] =	vst.add.f32.msk $0xffff, v1  }
0x38b: {  	s1 =	sshll.u32 s1, $0x6;
	s7 =	smul.u32 $0x147B, s18;
	s19 =	sshrl.u32 s12, $0x11;
	v30 =	vld [tilespmem:s3+$0x3280]  }
0x38c: {  	v56 =	vpsel p6, v5, v4;
	s2 =	sand.u32 $0xFFC0, s1;
	s4 =	sshrl.u32 s4, $0x11;
	s9 =	smul.u32 $0xC8, s19;
	(v2sf) =	vpush v3, $0x0;
	v3 =	vld [tilespmem:s11+$0xFFFFFFFF]  }
0x38d: {  	v58 =	vpsel p6, v6, v63;
	s8 =	sshrl.u32 s16, $0x11;
	s1 =	sshrl.u32 s17, $0x11;
	s4 =	smul.u32 $0xC8, s4;
	v0 =	vadd.f32 v57, v56;
	(v2sf) =	vpush v16, $0x0;
	v16 =	vld [tilespmem:s2+$0x3280]  }
0x38e: {  	s7 =	sshrl.u32 s7, $0x11;
	s8 =	smul.u32 $0xC8, s8;
	v1 =	vadd.f32 v59, v58;
	s9 =	ssub.s32 $0x177A, s9;
	(v2sf) =	vpush v17, $0x0;
	v17 =	vld [tilespmem:s11+$0xFFFFFFF9]  }
0x38f: {  	s21 =	smul.u32 $0xC8, s7;
	s4 =	ssub.s32 $0x177B, s4;
	[tilespmem:s0+$0x360] =	vst.add.f32.msk $0xffff, v0;
	s25 =	sshll.u32 s9, $0x6;
	(v2sf) =	vpush v60, $0x0  }
0x390: {  	s28 =	ssub.s32 $0x177C, s8;
	[tilespmem:s0+$0x370] =	vst.add.f32.msk $0xffff, v1;
	s4 =	sshll.u32 s4, $0x6;
	s7 =	sand.u32 $0xFFC0, s25;
	(v2sf) =	vpush v61, $0x0  }
0x391: {  	s1 =	smul.u32 $0xC8, s1;
	s29 =	sshll.u32 s28, $0x6;
	s8 =	sand.u32 $0xFFC0, s4;
	v19 =	vld [tilespmem:s7+$0x3280];
	(v2sf) =	vpush v62, $0x0  }
0x392: {  	s10 =	sshrl.u32 s10, $0x11;
	s9 =	sand.u32 $0xFFC0, s29;
	v18 =	vld [tilespmem:s8+$0x3280];
	(v2sf) =	vpush v3, $0x0  }
0x393: {  	s30 =	smul.u32 $0xC8, s10;
	s1 =	ssub.s32 $0x177D, s1;
	(v2sf) =	vpush v17, $0x0;
	v17 =	vld [tilespmem:s9+$0x3280];
	[tilespmem:$0x1FF40] =	vst v4;
	v4 =	vmov v5;
	v5 =	vmov v6  }
0x394: {  	s12 =	simm.s32 $0x8;
	s31 =	ssub.s32 $0x177E, s21;
	s1 =	sshll.u32 s1, $0x6;
	v6 =	vmovc v7;
	v7 =	vmovc v8;
	v8 =	vmov v9;
	v9 =	vmov v10;
	v10 =	vmov v11  }
0x395: {  	s10 =	sand.u32 $0xFFC0, s1;
	s4 =	sshll.u32 s31, $0x6;
	s1 =	ssub.s32 $0x177F, s30;
	v11 =	vmovc v12;
	v12 =	vmovc v13;
	v13 =	vmov v14;
	v14 =	vmov v15;
	v15 =	vmov v23  }
.LBB2_10:
0x396: {  	_ = 	snop  }
0x397: {  	s16 =	sadd.s32 $0x1778, s12  }
0x398: {  	s1 =	sshll.u32 s1, $0x6;
	s18 =	sand.u32 $0xFFF8, s16  }
0x399: {  	s15 =	sand.u32 $0xFFC0, s1;
	s19 =	sshrl.u32 s18, $0x3  }
0x39a: {  	v2 =	vshll.u32 v16, $0x10;
	v3 =	vand.u32 $0xFFFF0000, v16;
	v16 =	vld [tilespmem:s15+$0x3280];
	s1 =	smul.u32 $0x147B, s19;
	_ =	sdelay $0x1  }
0x39b: {  	v60 =	vld [tilespmem:$0x1FF40];
	s1 =	sshrl.u32 s1, $0x11  }
0x39c: {  	s14 =	sand.u32 $0xFFC0, s4;
	s1 =	smul.u32 $0xC8, s1;
	s20 =	spop (v2sf)  }
0x39d: {  	s0 =	sadd.s32 $0x400, s0;
	p0 =	seq.s32 s20, $0x1;
	s21 =	spop (v2sf)  }
0x39e: {  	s30 =	sor.u32 $0x50, s15;
	v27 =	vshll.u32 v16, $0x10;
	s1 =	ssub.s32 s16, s1;
	v28 =	vpsel p0, v46, v45;
	s24 =	spop (v2sf)  }
0x39f: {  	v0 =	vld [tilespmem:s10+$0x3280];
	v16 =	vand.u32 $0xFFFF0000, v16;
	s4 =	simm.s32 @!p0 $0x0;
	p3 =	seq.s32 s21, $0x1;
	v29 =	vpsel p0, v15, v14;
	v27 =	vadd.f32 v27, v28;
	s25 =	spop (v2sf)  }
0x3a0: {  	v1 =	vld [tilespmem:s14+$0x3280];
	v31 =	vpsel p0, v4, v60;
	s1 =	sshll.u32 s1, $0x6;
	s4 =	simm.s32 @p0 $0x1;
	v16 =	vadd.f32 v16, v29;
	p0 =	seq.s32 s25, $0x1  }
0x3a1: {  	p2 =	seq.s32 s24, $0x1;
	s28 =	spop (v2sf);
	s16 =	simm.s32 @!p0 $0x0;
	[tilespmem:s0+$0x380] =	vst.add.f32.msk $0xffff, v27  }
0x3a2: {  	v20 =	vshll.u32 v30, $0x10;
	v21 =	vand.u32 $0xFFFF0000, v30;
	v28 =	vpsel p3, v46, v45;
	[smem:$0x7E9] =	sst s4;
	s29 =	spop (v2sf);
	[tilespmem:s0+$0x390] =	vst.add.f32.msk $0xffff, v16;
	s16 =	simm.s32 @p0 $0x1  }
0x3a3: {  	v22 =	vshll.u32 v19, $0x10;
	v30 =	vpsel p3, v15, v14;
	s4 =	sand.u32 $0xFFC0, s1;
	v20 =	vadd.f32 v20, v28;
	s17 =	spop (v2sf);
	v37 =	vld [tilespmem:s30+$0x3280];
	[smem:$0x7E8] =	sst s16  }
0x3a4: {  	v19 =	vand.u32 $0xFFFF0000, v19;
	v32 =	vpsel p2, v15, v14;
	v21 =	vadd.f32 v21, v30;
	v16 =	vld [tilespmem:s4+$0x3280];
	s31 =	spop (v2sf);
	s16 =	sld [smem:$0x7E9]  }
0x3a5: {  	v23 =	vshll.u32 v18, $0x10;
	v18 =	vand.u32 $0xFFFF0000, v18;
	v19 =	vadd.f32 v19, v32;
	[tilespmem:s0+$0x80] =	vst.add.f32.msk $0xffff, v20;
	p1 =	seq.s32 s31, $0x1  }
0x3a6: {  	v29 =	vpsel p2, v46, v45;
	v33 =	vpsel p0, v46, v45;
	[tilespmem:s0+$0x90] =	vst.add.f32.msk $0xffff, v21;
	v40 =	vpsel p1, v15, v14  }
0x3a7: {  	s24 =	sor.u32 $0x50, s3;
	v58 =	vpsel p0, v15, v14;
	v20 =	vadd.f32 v22, v29;
	[tilespmem:s0+$0x110] =	vst.add.f32.msk $0xffff, v19;
	v3 =	vadd.f32 v3, v40;
	p0 =	seq.s32 s16, $0x1  }
0x3a8: {  	v59 =	vadd.f32 v18, v58;
	v58 =	vld [tilespmem:s24+$0x3280];
	v18 =	vshll.u32 v37, $0x10;
	v61 =	vpsel p0, v13, v11  }
0x3a9: {  	v62 =	vpsel p0, v12, v10;
	[tilespmem:s0+$0x10] =	vst.add.f32.msk $0xffff, v3;
	v3 =	vand.u32 $0xFFFF0000, v37;
	v18 =	vadd.f32 v18, v61  }
0x3aa: {  	[tilespmem:s0+$0x100] =	vst.add.f32.msk $0xffff, v20;
	v3 =	vadd.f32 v3, v62  }
0x3ab: {  	p4 =	seq.s32 s28, $0x1;
	[tilespmem:s0+$0x3A0] =	vst.add.f32.msk $0xffff, v18  }
0x3ac: {  	v24 =	vshll.u32 v17, $0x10;
	v17 =	vand.u32 $0xFFFF0000, v17;
	v34 =	vpsel p4, v46, v45;
	p6 =	seq.s32 s17, $0x1;
	s17 =	sor.u32 $0x60, s15;
	[tilespmem:s0+$0x3B0] =	vst.add.f32.msk $0xffff, v3  }
0x3ad: {  	v25 =	vshll.u32 v0, $0x10;
	v35 =	vpsel p4, v15, v14;
	v19 =	vadd.f32 v24, v34;
	s18 =	sld [smem:$0x7E8];
	v27 =	vld [tilespmem:s17+$0x3280]  }
0x3ae: {  	v0 =	vand.u32 $0xFFFF0000, v0;
	v26 =	vshll.u32 v1, $0x10;
	s19 =	sld [smem:$0x7E9];
	p5 =	seq.s32 s29, $0x1;
	v17 =	vadd.f32 v17, v35;
	[tilespmem:s0+$0x190] =	vst.add.f32.msk $0xffff, v59  }
0x3af: {  	v1 =	vand.u32 $0xFFFF0000, v1;
	v28 =	vpsel p5, v46, v45;
	v20 =	vadd.f32 v23, v33;
	[tilespmem:s0+$0x200] =	vst.add.f32.msk $0xffff, v19  }
0x3b0: {  	v36 =	vpsel p5, v15, v14;
	v38 =	vpsel p6, v15, v14;
	v25 =	vadd.f32 v25, v28;
	[tilespmem:s0+$0x210] =	vst.add.f32.msk $0xffff, v17;
	p0 =	seq.s32 s18, $0x1  }
0x3b1: {  	v0 =	vadd.f32 v0, v36;
	[tilespmem:s0+$0x180] =	vst.add.f32.msk $0xffff, v20;
	v51 =	vpsel p0, v13, v11;
	v52 =	vpsel p0, v12, v10;
	p0 =	seq.s32 s19, $0x1  }
0x3b2: {  	v1 =	vadd.f32 v1, v38;
	[tilespmem:s0+$0x280] =	vst.add.f32.msk $0xffff, v25;
	v19 =	vpsel p0, v9, v7;
	v17 =	vshll.u32 v27, $0x10  }
0x3b3: {  	[tilespmem:s0+$0x290] =	vst.add.f32.msk $0xffff, v0;
	v20 =	vpsel p0, v8, v6;
	v59 =	vand.u32 $0xFFFF0000, v27;
	v17 =	vadd.f32 v17, v19  }
0x3b4: {  	[tilespmem:s0+$0x310] =	vst.add.f32.msk $0xffff, v1;
	v0 =	vadd.f32 v59, v20  }
0x3b5: {  	v22 =	vpsel p2, v5, v63;
	v39 =	vpsel p1, v46, v45;
	[tilespmem:s0+$0x3C0] =	vst.add.f32.msk $0xffff, v17  }
0x3b6: {  	s21 =	sor.u32 $0x70, s15;
	v21 =	vpsel p4, v4, v60;
	v30 =	vpsel p6, v46, v45;
	s20 =	sld [smem:$0x7E8];
	v2 =	vadd.f32 v2, v39;
	[tilespmem:s0+$0x3D0] =	vst.add.f32.msk $0xffff, v0  }
0x3b7: {  	v56 =	vpsel p6, v13, v11;
	v57 =	vpsel p6, v12, v10;
	v35 =	vpsel p6, v9, v7;
	v0 =	vld [tilespmem:s21+$0x3280]  }
0x3b8: {  	s28 =	sld [smem:$0x7E9];
	v36 =	vpsel p6, v8, v6;
	v28 =	vpsel p3, v4, v60;
	[tilespmem:s0+$0x0] =	vst.add.f32.msk $0xffff, v2;
	v18 =	vadd.f32 v26, v30  }
0x3b9: {  	v29 =	vpsel p1, v5, v63;
	v25 =	vpsel p4, v5, v63;
	p0 =	seq.s32 s20, $0x1;
	v1 =	vld [tilespmem:s2+$0x3290];
	v30 =	vpsel p1, v4, v60  }
0x3ba: {  	v26 =	vpsel p2, v4, v60;
	v23 =	vpsel p0, v4, v60;
	v24 =	vpsel p0, v5, v63;
	[tilespmem:s0+$0x300] =	vst.add.f32.msk $0xffff, v18  }
0x3bb: {  	s25 =	sor.u32 $0x50, s8;
	v18 =	vpsel p6, v5, v63;
	v19 =	vpsel p5, v4, v60;
	v59 =	vld [tilespmem:s7+$0x3290];
	v17 =	vpsel p6, v4, v60;
	p6 =	seq.s32 s28, $0x1  }
0x3bc: {  	v60 =	vld [tilespmem:s25+$0x3280];
	v62 =	vpsel p6, v5, v63;
	v61 =	vshll.u32 v0, $0x10;
	v0 =	vand.u32 $0xFFFF0000, v0  }
0x3bd: {  	s29 =	sor.u32 $0x50, s10;
	v27 =	vpsel p3, v5, v63;
	v20 =	vpsel p5, v5, v63;
	v63 =	vld [tilespmem:s9+$0x3290];
	v0 =	vadd.f32 v0, v62  }
0x3be: {  	v46 =	vpsel p1, v13, v11;
	v31 =	vadd.f32 v61, v31;
	v61 =	vshll.u32 v1, $0x10;
	v62 =	vld [tilespmem:s29+$0x3280]  }
0x3bf: {  	v47 =	vpsel p1, v12, v10;
	v1 =	vand.u32 $0xFFFF0000, v1;
	v46 =	vadd.f32 v61, v46;
	[tilespmem:s0+$0x3F0] =	vst.add.f32.msk $0xffff, v0  }
0x3c0: {  	v0 =	vadd.f32 v1, v47;
	v1 =	vshll.u32 v59, $0x10;
	v47 =	vand.u32 $0xFFFF0000, v59;
	v59 =	vld [tilespmem:s14+$0x3290]  }
0x3c1: {  	v48 =	vpsel p3, v13, v11;
	[tilespmem:s0+$0x3E0] =	vst.add.f32.msk $0xffff, v31  }
0x3c2: {  	v49 =	vpsel p3, v12, v10;
	v50 =	vpsel p2, v13, v11;
	v61 =	vshll.u32 v58, $0x10;
	[tilespmem:s0+$0x20] =	vst.add.f32.msk $0xffff, v46  }
0x3c3: {  	v58 =	vand.u32 $0xFFFF0000, v58;
	v46 =	vadd.f32 v61, v48;
	v1 =	vadd.f32 v1, v50;
	[tilespmem:s0+$0x30] =	vst.add.f32.msk $0xffff, v0  }
0x3c4: {  	v0 =	vadd.f32 v58, v49;
	v49 =	vshll.u32 v63, $0x10;
	v58 =	vand.u32 $0xFFFF0000, v63;
	v63 =	vld [tilespmem:$0x1FFC0]  }
0x3c5: {  	v48 =	vshll.u32 v60, $0x10;
	v60 =	vand.u32 $0xFFFF0000, v60;
	[tilespmem:s0+$0xA0] =	vst.add.f32.msk $0xffff, v46  }
0x3c6: {  	v60 =	vadd.f32 v60, v52;
	[tilespmem:s0+$0x120] =	vst.add.f32.msk $0xffff, v1  }
0x3c7: {  	v53 =	vpsel p4, v13, v11;
	v54 =	vpsel p4, v12, v10;
	[tilespmem:s0+$0xB0] =	vst.add.f32.msk $0xffff, v0  }
0x3c8: {  	v2 =	vpsel p5, v13, v11;
	v46 =	vshll.u32 v62, $0x10;
	v52 =	vadd.f32 v49, v53;
	[tilespmem:s0+$0x1B0] =	vst.add.f32.msk $0xffff, v60  }
0x3c9: {  	v3 =	vpsel p2, v12, v10;
	v53 =	vadd.f32 v58, v54;
	v2 =	vadd.f32 v46, v2;
	v46 =	vld [tilespmem:$0x1FFE0]  }
0x3ca: {  	v0 =	vadd.f32 v47, v3;
	[tilespmem:s0+$0x220] =	vst.add.f32.msk $0xffff, v52  }
0x3cb: {  	v3 =	vadd.f32 v48, v51;
	[tilespmem:s0+$0x230] =	vst.add.f32.msk $0xffff, v53  }
0x3cc: {  	[tilespmem:s0+$0x130] =	vst.add.f32.msk $0xffff, v0  }
0x3cd: {  	[tilespmem:s0+$0x1A0] =	vst.add.f32.msk $0xffff, v3  }
0x3ce: {  	v55 =	vpsel p5, v12, v10;
	v61 =	vshll.u32 v59, $0x10;
	[tilespmem:s0+$0x2A0] =	vst.add.f32.msk $0xffff, v2  }
0x3cf: {  	s30 =	sor.u32 $0x60, s3;
	v50 =	vand.u32 $0xFFFF0000, v62;
	v62 =	vand.u32 $0xFFFF0000, v59;
	v54 =	vadd.f32 v61, v56;
	v56 =	vld [tilespmem:s2+$0x32A0]  }
0x3d0: {  	v3 =	vadd.f32 v50, v55;
	v55 =	vadd.f32 v62, v57;
	v57 =	vld [tilespmem:s30+$0x3280]  }
0x3d1: {  	v59 =	vld [tilespmem:s9+$0x32A0]  }
0x3d2: {  	v58 =	vld [tilespmem:s7+$0x32A0]  }
0x3d3: {  	[tilespmem:s0+$0x2B0] =	vst.add.f32.msk $0xffff, v3  }
0x3d4: {  	[tilespmem:s0+$0x320] =	vst.add.f32.msk $0xffff, v54  }
0x3d5: {  	s31 =	sor.u32 $0x60, s8;
	[tilespmem:s0+$0x330] =	vst.add.f32.msk $0xffff, v55  }
0x3d6: {  	s15 =	sor.u32 $0x60, s10;
	v45 =	vpsel p1, v9, v7;
	v3 =	vld [tilespmem:s31+$0x3280];
	v60 =	vshll.u32 v56, $0x10  }
0x3d7: {  	v44 =	vpsel p1, v8, v6;
	v61 =	vld [tilespmem:s15+$0x3280];
	v0 =	vand.u32 $0xFFFF0000, v56;
	v45 =	vadd.f32 v60, v45  }
0x3d8: {  	v52 =	vld [tilespmem:s14+$0x32A0];
	v0 =	vadd.f32 v0, v44  }
0x3d9: {  	v43 =	vpsel p3, v9, v7;
	v32 =	vpsel p2, v8, v6;
	v62 =	vshll.u32 v57, $0x10;
	[tilespmem:s0+$0x40] =	vst.add.f32.msk $0xffff, v45  }
0x3da: {  	v39 =	vpsel p3, v8, v6;
	v1 =	vand.u32 $0xFFFF0000, v57;
	v31 =	vadd.f32 v62, v43;
	[tilespmem:s0+$0x50] =	vst.add.f32.msk $0xffff, v0  }
0x3db: {  	v41 =	vpsel p4, v8, v6;
	v33 =	vpsel p2, v9, v7;
	v55 =	vadd.f32 v1, v39;
	v45 =	vld [tilespmem:$0x1FFD0]  }
0x3dc: {  	v38 =	vpsel p0, v8, v6;
	v57 =	vand.u32 $0xFFFF0000, v59;
	v2 =	vand.u32 $0xFFFF0000, v58;
	[tilespmem:s0+$0xC0] =	vst.add.f32.msk $0xffff, v31  }
0x3dd: {  	s11 =	sadd.s32 $0x8, s11;
	v54 =	vshll.u32 v3, $0x10;
	v3 =	vand.u32 $0xFFFF0000, v3;
	v60 =	vadd.f32 v2, v32;
	[tilespmem:s0+$0xD0] =	vst.add.f32.msk $0xffff, v55  }
0x3de: {  	v53 =	vshll.u32 v58, $0x10;
	v3 =	vadd.f32 v3, v38;
	v38 =	vadd.f32 v57, v41;
	v57 =	vld [tilespmem:s11+$0x0]  }
0x3df: {  	s18 =	sor.u32 $0x70, s3;
	v31 =	vadd.f32 v53, v33;
	[tilespmem:s0+$0x150] =	vst.add.f32.msk $0xffff, v60  }
0x3e0: {  	v41 =	vld [tilespmem:s18+$0x3280]  }
0x3e1: {  	v42 =	vpsel p5, v8, v6;
	v40 =	vpsel p4, v9, v7;
	v56 =	vshll.u32 v59, $0x10;
	[tilespmem:s0+$0x140] =	vst.add.f32.msk $0xffff, v31  }
0x3e2: {  	v58 =	vshll.u32 v61, $0x10;
	v59 =	vand.u32 $0xFFFF0000, v61;
	v61 =	vshll.u32 v52, $0x10;
	[tilespmem:s0+$0x1D0] =	vst.add.f32.msk $0xffff, v3  }
0x3e3: {  	v37 =	vpsel p0, v9, v7;
	v39 =	vadd.f32 v59, v42;
	v2 =	vadd.f32 v61, v35;
	[tilespmem:s0+$0x250] =	vst.add.f32.msk $0xffff, v38  }
0x3e4: {  	v31 =	vadd.f32 v54, v37;
	v37 =	vadd.f32 v56, v40;
	v40 =	vld [tilespmem:s2+$0x32B0]  }
0x3e5: {  	[tilespmem:s0+$0x2D0] =	vst.add.f32.msk $0xffff, v39  }
0x3e6: {  	[tilespmem:s0+$0x340] =	vst.add.f32.msk $0xffff, v2  }
0x3e7: {  	s16 =	sadd.s32 $0x1779, s12;
	v62 =	vand.u32 $0xFFFF0000, v52;
	v42 =	vld [tilespmem:s7+$0x32B0]  }
0x3e8: {  	s17 =	sand.u32 $0xFFF8, s16;
	v3 =	vadd.f32 v62, v36;
	[tilespmem:s0+$0x1C0] =	vst.add.f32.msk $0xffff, v31  }
0x3e9: {  	s15 =	sshrl.u32 s17, $0x3;
	[tilespmem:s0+$0x240] =	vst.add.f32.msk $0xffff, v37  }
0x3ea: {  	s21 =	sor.u32 $0x70, s8;
	s15 =	smul.u32 $0x147B, s15;
	[tilespmem:s0+$0x350] =	vst.add.f32.msk $0xffff, v3  }
0x3eb: {  	v34 =	vpsel p5, v9, v7;
	v3 =	vld [tilespmem:s21+$0x3280]  }
0x3ec: {  	s19 =	sshrl.u32 s15, $0x11;
	v31 =	vadd.f32 v58, v34;
	v47 =	vld [tilespmem:s14+$0x32B0]  }
0x3ed: {  	s20 =	smul.u32 $0xC8, s19;
	v61 =	vld [tilespmem:s11+$0xFFFFFFFF]  }
0x3ee: {  	[tilespmem:s0+$0x2C0] =	vst.add.f32.msk $0xffff, v31  }
0x3ef: {  	s24 =	sor.u32 $0x70, s10;
	s1 =	ssub.s32 s16, s20;
	v31 =	vld [tilespmem:s9+$0x32B0]  }
0x3f0: {  	s1 =	sshll.u32 s1, $0x6;
	v44 =	vshll.u32 v41, $0x10;
	v33 =	vld [tilespmem:s24+$0x3280]  }
0x3f1: {  	s3 =	sand.u32 $0xFFC0, s1;
	v1 =	vand.u32 $0xFFFF0000, v41;
	v43 =	vshll.u32 v40, $0x10;
	v28 =	vadd.f32 v44, v28;
	v60 =	vld [tilespmem:s11+$0xFFFFFFFE]  }
0x3f2: {  	v49 =	vadd.f32 v1, v27;
	v32 =	vadd.f32 v43, v30;
	v30 =	vld [tilespmem:s3+$0x3280]  }
0x3f3: {  	s25 =	sadd.s32 $0x177A, s12;
	v0 =	vand.u32 $0xFFFF0000, v40;
	[tilespmem:s0+$0xE0] =	vst.add.f32.msk $0xffff, v28  }
0x3f4: {  	s30 =	sand.u32 $0xFFF8, s25;
	v0 =	vadd.f32 v0, v29;
	[tilespmem:s0+$0xF0] =	vst.add.f32.msk $0xffff, v49  }
0x3f5: {  	s10 =	sshrl.u32 s30, $0x3;
	v29 =	vshll.u32 v42, $0x10;
	[tilespmem:s0+$0x60] =	vst.add.f32.msk $0xffff, v32  }
0x3f6: {  	s13 =	smov.u32 s12;
	s10 =	smul.u32 $0x147B, s10;
	v2 =	vand.u32 $0xFFFF0000, v42;
	v26 =	vadd.f32 v29, v26;
	[tilespmem:s0+$0x70] =	vst.add.f32.msk $0xffff, v0  }
0x3f7: {  	s13 =	sadd.s32 $0x177F, s13;
	v52 =	vadd.f32 v2, v22;
	v58 =	vld [tilespmem:s11+$0xFFFFFFFA]  }
0x3f8: {  	s28 =	sadd.s32 $0x177B, s12;
	s29 =	sadd.s32 $0x177C, s12;
	s10 =	sshrl.u32 s10, $0x11;
	v48 =	vshll.u32 v3, $0x10;
	[tilespmem:s0+$0x160] =	vst.add.f32.msk $0xffff, v26  }
0x3f9: {  	s31 =	sadd.s32 $0x177D, s12;
	s10 =	smul.u32 $0xC8, s10;
	s20 =	sand.u32 $0xFFF8, s29;
	v3 =	vand.u32 $0xFFFF0000, v3;
	v53 =	vshll.u32 v47, $0x10;
	v23 =	vadd.f32 v48, v23;
	[tilespmem:s0+$0x170] =	vst.add.f32.msk $0xffff, v52  }
0x3fa: {  	s19 =	sand.u32 $0xFFF8, s28;
	s18 =	sand.u32 $0xFFF8, s13;
	s15 =	sshrl.u32 s20, $0x3;
	v50 =	vshll.u32 v31, $0x10;
	v3 =	vadd.f32 v3, v24;
	v2 =	vadd.f32 v53, v17;
	v17 =	vld [tilespmem:s11+$0xFFFFFFFB]  }
0x3fb: {  	s18 =	sshrl.u32 s18, $0x3;
	s1 =	sadd.s32 $0x177E, s12;
	s15 =	smul.u32 $0x147B, s15;
	v51 =	vand.u32 $0xFFFF0000, v31;
	v55 =	vadd.f32 v50, v21;
	[tilespmem:s0+$0x1E0] =	vst.add.f32.msk $0xffff, v23  }
0x3fc: {  	s7 =	ssub.s32 s25, s10;
	s25 =	smul.u32 $0x147B, s18;
	s14 =	sshrl.u32 s19, $0x3;
	v56 =	vadd.f32 v51, v25;
	[tilespmem:s0+$0x1F0] =	vst.add.f32.msk $0xffff, v3  }
0x3fd: {  	s21 =	sand.u32 $0xFFF8, s31;
	s15 =	sshrl.u32 s15, $0x11;
	s14 =	smul.u32 $0x147B, s14;
	[tilespmem:s0+$0x260] =	vst.add.f32.msk $0xffff, v55  }
0x3fe: {  	s16 =	sshrl.u32 s21, $0x3;
	s15 =	smul.u32 $0xC8, s15;
	s24 =	sand.u32 $0xFFF8, s1;
	v54 =	vand.u32 $0xFFFF0000, v47;
	[tilespmem:s0+$0x270] =	vst.add.f32.msk $0xffff, v56  }
0x3ff: {  	s16 =	smul.u32 $0x147B, s16;
	s17 =	sshrl.u32 s24, $0x3;
	v3 =	vadd.f32 v54, v18;
	v18 =	vld [tilespmem:s11+$0xFFFFFFFC]  }
0x400: {  	s2 =	smov.u32 s4;
	s14 =	sshrl.u32 s14, $0x11;
	s17 =	smul.u32 $0x147B, s17;
	v28 =	vshll.u32 v33, $0x10;
	v59 =	vld [tilespmem:s11+$0xFFFFFFFD]  }
0x401: {  	(v2sf) =	vpush v57, $0x0;
	s4 =	ssub.s32 s29, s15;
	s29 =	sshrl.u32 s25, $0x11;
	s14 =	smul.u32 $0xC8, s14;
	v62 =	vld [tilespmem:s11+$0xFFFFFFF9];
	v29 =	vand.u32 $0xFFFF0000, v33;
	v19 =	vadd.f32 v28, v19  }
0x402: {  	s12 =	sadd.s32 $0x8, s12;
	s16 =	sshrl.u32 s16, $0x11;
	s30 =	smul.u32 $0xC8, s29;
	v20 =	vadd.f32 v29, v20;
	[tilespmem:s0+$0x360] =	vst.add.f32.msk $0xffff, v2;
	(v2sf) =	vpush v58, $0x0  }
0x403: {  	p0 =	slt.u32 s12, $0xC0;
	s7 =	sshll.u32 s7, $0x6;
	s16 =	smul.u32 $0xC8, s16;
	[tilespmem:s0+$0x2E0] =	vst.add.f32.msk $0xffff, v19;
	(v2sf) =	vpush v17, $0x0  }
.Ltmp4:
0x404: {  	s7 =	sand.u32 $0xFFC0, s7;
	s17 =	sshrl.u32 s17, $0x11;
	[tilespmem:s0+$0x2F0] =	vst.add.f32.msk $0xffff, v20;
	(v2sf) =	vpush v18, $0x0;
	(pc) =	sbr.rel @p0 .LBB2_10-.Ltmp4, $4  }
0x405: {  	s4 =	sshll.u32 s4, $0x6;
	s8 =	ssub.s32 s28, s14;
	s17 =	smul.u32 $0xC8, s17;
	[tilespmem:s0+$0x370] =	vst.add.f32.msk $0xffff, v3;
	(v2sf) =	vpush v59, $0x0  }
0x406: {  	s9 =	sand.u32 $0xFFC0, s4;
	s28 =	ssub.s32 s31, s16;
	s8 =	sshll.u32 s8, $0x6;
	v19 =	vld [tilespmem:s7+$0x3280];
	(v2sf) =	vpush v60, $0x0  }
0x407: {  	s8 =	sand.u32 $0xFFC0, s8;
	s31 =	sshll.u32 s28, $0x6;
	s1 =	ssub.s32 s1, s17;
	v17 =	vld [tilespmem:s9+$0x3280];
	(v2sf) =	vpush v61, $0x0  }
0x408: {  	s10 =	sand.u32 $0xFFC0, s31;
	s4 =	sshll.u32 s1, $0x6;
	s1 =	ssub.s32 s13, s30;
	v18 =	vld [tilespmem:s8+$0x3280];
	(v2sf) =	vpush v62, $0x0  }
0x409: {  	_ =	sdelay $0x2  }
0x40a: {  	s1 =	sshll.u32 s1, $0x6  }
0x40b: {  	s1 =	sand.u32 $0xFFC0, s1  }
0x40c: {  	v0 =	vld [tilespmem:s1+$0x3280];
	_ =	sdelay $0x1  }
0x40d: {  	s11 =	spop (v2sf)  }
0x40e: {  	s29 =	spop (v2sf)  }
0x40f: {  	p1 =	seq.s32 s11, $0x1;
	p2 =	seq.s32 s29, $0x1  }
0x410: {  	v1 =	vshll.u32 v0, $0x10;
	v2 =	vpsel p1, v46, v45;
	s12 =	spop (v2sf);
	s11 =	simm.s32 @!p2 $0x0  }
0x411: {  	v0 =	vand.u32 $0xFFFF0000, v0;
	v3 =	vpsel p1, v15, v14;
	v1 =	vadd.f32 v1, v2;
	s13 =	spop (v2sf);
	s11 =	simm.s32 @p2 $0x1  }
0x412: {  	v55 =	vld [tilespmem:s10+$0x3280];
	s0 =	sadd.s32 $0x400, s0;
	v0 =	vadd.f32 v0, v3;
	s14 =	spop (v2sf);
	[smem:$0x7E5] =	sst s11  }
0x413: {  	s30 =	spop (v2sf);
	[tilespmem:s0+$0x380] =	vst.add.f32.msk $0xffff, v1  }
0x414: {  	v56 =	vshll.u32 v30, $0x10;
	s15 =	sor.u32 $0x50, s1;
	v3 =	vpsel p2, v46, v45;
	p0 =	seq.s32 s12, $0x1;
	[tilespmem:s0+$0x390] =	vst.add.f32.msk $0xffff, v0;
	s16 =	spop (v2sf)  }
0x415: {  	v57 =	vand.u32 $0xFFFF0000, v30;
	v1 =	vadd.f32 v56, v3;
	v3 =	vld [tilespmem:s15+$0x3280];
	s31 =	spop (v2sf);
	s15 =	simm.s32 @!p0 $0x0  }
0x416: {  	s4 =	sand.u32 $0xFFC0, s4;
	v58 =	vshll.u32 v16, $0x10;
	v16 =	vand.u32 $0xFFFF0000, v16;
	v20 =	vpsel p2, v15, v14;
	s15 =	simm.s32 @p0 $0x1;
	p5 =	seq.s32 s31, $0x1  }
0x417: {  	v22 =	vshll.u32 v19, $0x10;
	v21 =	vld [tilespmem:s4+$0x3280];
	v0 =	vadd.f32 v57, v20;
	[smem:$0x7E4] =	sst s15;
	v59 =	vpsel p5, v46, v45  }
0x418: {  	v61 =	vand.u32 $0xFFFF0000, v19;
	v60 =	vpsel p5, v15, v14;
	[tilespmem:s0+$0x80] =	vst.add.f32.msk $0xffff, v1;
	v1 =	vadd.f32 v58, v59  }
0x419: {  	v19 =	vpsel p0, v15, v14;
	v20 =	vpsel p0, v46, v45;
	[tilespmem:s0+$0x90] =	vst.add.f32.msk $0xffff, v0;
	v16 =	vadd.f32 v16, v60  }
0x41a: {  	v0 =	vadd.f32 v61, v19;
	v19 =	vpsel p1, v13, v11;
	[tilespmem:s0+$0x0] =	vst.add.f32.msk $0xffff, v1;
	v62 =	vshll.u32 v3, $0x10  }
0x41b: {  	[tilespmem:s0+$0x10] =	vst.add.f32.msk $0xffff, v16;
	v3 =	vand.u32 $0xFFFF0000, v3;
	v16 =	vpsel p1, v12, v10;
	v1 =	vadd.f32 v62, v19  }
0x41c: {  	v20 =	vadd.f32 v22, v20;
	v22 =	vadd.f32 v3, v16  }
0x41d: {  	v23 =	vand.u32 $0xFFFF0000, v18;
	p3 =	seq.s32 s13, $0x1;
	[tilespmem:s0+$0x3A0] =	vst.add.f32.msk $0xffff, v1  }
0x41e: {  	s17 =	sor.u32 $0x60, s1;
	v3 =	vshll.u32 v18, $0x10;
	v16 =	vpsel p3, v46, v45;
	v18 =	vpsel p3, v15, v14;
	[tilespmem:s0+$0x3B0] =	vst.add.f32.msk $0xffff, v22  }
0x41f: {  	p2 =	seq.s32 s14, $0x1;
	v3 =	vadd.f32 v3, v16;
	v1 =	vadd.f32 v23, v18;
	v18 =	vld [tilespmem:s17+$0x3280]  }
0x420: {  	v30 =	vshll.u32 v17, $0x10;
	p4 =	seq.s32 s30, $0x1;
	[tilespmem:s0+$0x110] =	vst.add.f32.msk $0xffff, v0;
	v16 =	vpsel p2, v46, v45  }
0x421: {  	v0 =	vadd.f32 v30, v16;
	v16 =	vpsel p4, v46, v45;
	[tilespmem:s0+$0x180] =	vst.add.f32.msk $0xffff, v3;
	v3 =	vshll.u32 v55, $0x10  }
0x422: {  	p6 =	seq.s32 s16, $0x1;
	v3 =	vadd.f32 v3, v16  }
0x423: {  	v33 =	vshll.u32 v21, $0x10;
	[tilespmem:s0+$0x200] =	vst.add.f32.msk $0xffff, v0;
	v16 =	vpsel p6, v46, v45  }
0x424: {  	v0 =	vadd.f32 v33, v16;
	[tilespmem:s0+$0x280] =	vst.add.f32.msk $0xffff, v3;
	v3 =	vpsel p1, v9, v7;
	v34 =	vshll.u32 v18, $0x10  }
0x425: {  	s18 =	sor.u32 $0x50, s3;
	[tilespmem:s0+$0x100] =	vst.add.f32.msk $0xffff, v20;
	v16 =	vpsel p1, v8, v6;
	v35 =	vand.u32 $0xFFFF0000, v18;
	v2 =	vadd.f32 v34, v3  }
0x426: {  	v42 =	vld [tilespmem:s18+$0x3280];
	v36 =	vadd.f32 v35, v16  }
0x427: {  	[tilespmem:s0+$0x3C0] =	vst.add.f32.msk $0xffff, v2  }
0x428: {  	s1 =	sor.u32 $0x70, s1;
	v38 =	vpsel p6, v15, v14;
	v37 =	vand.u32 $0xFFFF0000, v21;
	[tilespmem:s0+$0x3D0] =	vst.add.f32.msk $0xffff, v36  }
0x429: {  	v39 =	vadd.f32 v37, v38;
	v40 =	vld [tilespmem:s1+$0x3280]  }
0x42a: {  	v17 =	vand.u32 $0xFFFF0000, v17;
	v19 =	vpsel p2, v15, v14;
	v41 =	vld [tilespmem:s2+$0x3290]  }
0x42b: {  	v31 =	vand.u32 $0xFFFF0000, v55;
	v32 =	vpsel p4, v15, v14;
	v17 =	vadd.f32 v17, v19;
	[tilespmem:s0+$0x310] =	vst.add.f32.msk $0xffff, v39  }
0x42c: {  	[tilespmem:s0+$0x190] =	vst.add.f32.msk $0xffff, v1;
	v1 =	vadd.f32 v31, v32  }
0x42d: {  	[tilespmem:s0+$0x210] =	vst.add.f32.msk $0xffff, v17  }
0x42e: {  	[tilespmem:s0+$0x290] =	vst.add.f32.msk $0xffff, v1;
	v18 =	vpsel p1, v5, v63;
	v17 =	vand.u32 $0xFFFF0000, v40  }
0x42f: {  	v19 =	vpsel p5, v13, v11;
	[tilespmem:s0+$0x300] =	vst.add.f32.msk $0xffff, v0;
	v17 =	vadd.f32 v17, v18;
	v18 =	vshll.u32 v41, $0x10  }
0x430: {  	v43 =	vpsel p5, v12, v10;
	v3 =	vld [tilespmem:s7+$0x3290];
	v2 =	vand.u32 $0xFFFF0000, v41;
	v18 =	vadd.f32 v18, v19  }
0x431: {  	v2 =	vadd.f32 v2, v43;
	[tilespmem:s0+$0x3F0] =	vst.add.f32.msk $0xffff, v17  }
0x432: {  	s21 =	sld [smem:$0x7E5];
	[tilespmem:s0+$0x20] =	vst.add.f32.msk $0xffff, v18  }
0x433: {  	[tilespmem:s0+$0x30] =	vst.add.f32.msk $0xffff, v2  }
0x434: {  	s20 =	sor.u32 $0x50, s10;
	v20 =	vld [tilespmem:s9+$0x3290];
	s24 =	sld [smem:$0x7E4]  }
0x435: {  	s19 =	sor.u32 $0x50, s8;
	v44 =	vld [tilespmem:s20+$0x3280];
	p0 =	seq.s32 s21, $0x1  }
0x436: {  	v16 =	vld [tilespmem:s19+$0x3280];
	v19 =	vshll.u32 v42, $0x10;
	v17 =	vpsel p0, v13, v11  }
0x437: {  	v0 =	vand.u32 $0xFFFF0000, v42;
	v48 =	vld [tilespmem:s4+$0x3290];
	v18 =	vpsel p0, v12, v10;
	p0 =	seq.s32 s24, $0x1;
	v17 =	vadd.f32 v19, v17  }
0x438: {  	v54 =	vld [tilespmem:s2+$0x32A0];
	v47 =	vpsel p0, v13, v11;
	v19 =	vshll.u32 v3, $0x10;
	v0 =	vadd.f32 v0, v18  }
0x439: {  	v18 =	vpsel p0, v12, v10;
	v3 =	vand.u32 $0xFFFF0000, v3;
	v2 =	vadd.f32 v19, v47;
	[tilespmem:s0+$0xA0] =	vst.add.f32.msk $0xffff, v17  }
0x43a: {  	v49 =	vadd.f32 v3, v18;
	[tilespmem:s0+$0xB0] =	vst.add.f32.msk $0xffff, v0  }
0x43b: {  	v19 =	vshll.u32 v16, $0x10;
	v3 =	vpsel p3, v12, v10;
	v16 =	vand.u32 $0xFFFF0000, v16;
	[tilespmem:s0+$0x120] =	vst.add.f32.msk $0xffff, v2  }
0x43c: {  	s25 =	sor.u32 $0x60, s3;
	v17 =	vpsel p3, v13, v11;
	v3 =	vadd.f32 v16, v3;
	[tilespmem:s0+$0x130] =	vst.add.f32.msk $0xffff, v49  }
0x43d: {  	v50 =	vpsel p2, v13, v11;
	v18 =	vshll.u32 v20, $0x10;
	v17 =	vadd.f32 v19, v17;
	v55 =	vld [tilespmem:s25+$0x3280]  }
0x43e: {  	v51 =	vpsel p2, v12, v10;
	v16 =	vand.u32 $0xFFFF0000, v20;
	v2 =	vadd.f32 v18, v50;
	[tilespmem:s0+$0x1B0] =	vst.add.f32.msk $0xffff, v3  }
0x43f: {  	v0 =	vadd.f32 v16, v51;
	[tilespmem:s0+$0x1A0] =	vst.add.f32.msk $0xffff, v17  }
0x440: {  	v16 =	vand.u32 $0xFFFF0000, v44;
	v3 =	vpsel p4, v12, v10;
	[tilespmem:s0+$0x220] =	vst.add.f32.msk $0xffff, v2  }
0x441: {  	s28 =	sor.u32 $0x60, s8;
	v53 =	vpsel p6, v12, v10;
	v3 =	vadd.f32 v16, v3;
	[tilespmem:s0+$0x230] =	vst.add.f32.msk $0xffff, v0;
	v16 =	vand.u32 $0xFFFF0000, v48  }
0x442: {  	v0 =	vadd.f32 v16, v53;
	v16 =	vld [tilespmem:s28+$0x3280]  }
0x443: {  	v18 =	vshll.u32 v44, $0x10;
	v17 =	vpsel p4, v13, v11;
	[tilespmem:s0+$0x2B0] =	vst.add.f32.msk $0xffff, v3  }
0x444: {  	v52 =	vpsel p6, v13, v11;
	v17 =	vadd.f32 v18, v17;
	v18 =	vshll.u32 v48, $0x10;
	v3 =	vld [tilespmem:s7+$0x32A0]  }
0x445: {  	v2 =	vadd.f32 v18, v52;
	v18 =	vld [tilespmem:s9+$0x32A0]  }
0x446: {  	[tilespmem:s0+$0x2A0] =	vst.add.f32.msk $0xffff, v17  }
0x447: {  	[tilespmem:s0+$0x330] =	vst.add.f32.msk $0xffff, v0  }
0x448: {  	v56 =	vpsel p5, v8, v6;
	v0 =	vand.u32 $0xFFFF0000, v54;
	[tilespmem:s0+$0x320] =	vst.add.f32.msk $0xffff, v2  }
0x449: {  	s29 =	sor.u32 $0x60, s10;
	v60 =	vpsel p0, v9, v7;
	v0 =	vadd.f32 v0, v56;
	v23 =	vld [tilespmem:$0x1FF40];
	v61 =	vshll.u32 v3, $0x10  }
0x44a: {  	v30 =	vpsel p0, v8, v6;
	v20 =	vld [tilespmem:s29+$0x3280];
	v31 =	vand.u32 $0xFFFF0000, v3;
	v3 =	vadd.f32 v61, v60  }
0x44b: {  	v36 =	vpsel p2, v8, v6;
	s30 =	sld [smem:$0x7E5];
	[tilespmem:s0+$0x50] =	vst.add.f32.msk $0xffff, v0;
	v37 =	vand.u32 $0xFFFF0000, v18;
	v33 =	vadd.f32 v31, v30  }
0x44c: {  	v0 =	vadd.f32 v37, v36;
	[tilespmem:s0+$0x140] =	vst.add.f32.msk $0xffff, v3  }
0x44d: {  	[tilespmem:s0+$0x150] =	vst.add.f32.msk $0xffff, v33  }
0x44e: {  	v1 =	vshll.u32 v40, $0x10;
	v17 =	vpsel p1, v4, v23;
	[tilespmem:s0+$0x250] =	vst.add.f32.msk $0xffff, v0  }
0x44f: {  	v19 =	vpsel p5, v9, v7;
	p1 =	seq.s32 s30, $0x1;
	v1 =	vadd.f32 v1, v17;
	v17 =	vshll.u32 v54, $0x10;
	v47 =	vld [tilespmem:s7+$0x32B0]  }
0x450: {  	v2 =	vand.u32 $0xFFFF0000, v55;
	v59 =	vpsel p1, v8, v6;
	v17 =	vadd.f32 v17, v19;
	v19 =	vld [tilespmem:s4+$0x32A0]  }
0x451: {  	v34 =	vpsel p3, v8, v6;
	v35 =	vand.u32 $0xFFFF0000, v16;
	v62 =	vadd.f32 v2, v59;
	[tilespmem:s0+$0x3E0] =	vst.add.f32.msk $0xffff, v1  }
0x452: {  	v1 =	vadd.f32 v35, v34;
	[tilespmem:s0+$0x40] =	vst.add.f32.msk $0xffff, v17  }
0x453: {  	v58 =	vshll.u32 v55, $0x10;
	v57 =	vpsel p1, v9, v7;
	[tilespmem:s0+$0xD0] =	vst.add.f32.msk $0xffff, v62  }
0x454: {  	v38 =	vpsel p4, v8, v6;
	v39 =	vand.u32 $0xFFFF0000, v20;
	v17 =	vadd.f32 v58, v57;
	[tilespmem:s0+$0x1D0] =	vst.add.f32.msk $0xffff, v1  }
0x455: {  	v1 =	vadd.f32 v39, v38;
	v43 =	vld [tilespmem:s2+$0x32B0]  }
0x456: {  	v32 =	vshll.u32 v16, $0x10;
	[tilespmem:s0+$0xC0] =	vst.add.f32.msk $0xffff, v17;
	v17 =	vpsel p3, v9, v7  }
0x457: {  	s31 =	sor.u32 $0x70, s3;
	v52 =	vpsel p0, v5, v63;
	v2 =	vand.u32 $0xFFFF0000, v47;
	v3 =	vadd.f32 v32, v17;
	[tilespmem:s0+$0x2D0] =	vst.add.f32.msk $0xffff, v1  }
0x458: {  	v16 =	vpsel p2, v9, v7;
	v17 =	vshll.u32 v18, $0x10;
	v44 =	vld [tilespmem:s31+$0x3280];
	v53 =	vadd.f32 v2, v52  }
0x459: {  	v16 =	vadd.f32 v17, v16;
	[tilespmem:s0+$0x1C0] =	vst.add.f32.msk $0xffff, v3  }
0x45a: {  	v17 =	vshll.u32 v20, $0x10;
	v3 =	vpsel p4, v9, v7;
	[tilespmem:s0+$0x170] =	vst.add.f32.msk $0xffff, v53  }
0x45b: {  	v3 =	vadd.f32 v17, v3;
	[tilespmem:s0+$0x240] =	vst.add.f32.msk $0xffff, v16;
	v16 =	vpsel p6, v9, v7;
	v17 =	vshll.u32 v19, $0x10  }
0x45c: {  	v40 =	vadd.f32 v17, v16;
	v17 =	vld [tilespmem:s9+$0x32B0]  }
0x45d: {  	v41 =	vpsel p6, v8, v6;
	[tilespmem:s0+$0x2C0] =	vst.add.f32.msk $0xffff, v3  }
0x45e: {  	s2 =	sor.u32 $0x70, s8;
	v18 =	vshll.u32 v43, $0x10;
	v16 =	vpsel p5, v4, v23;
	v3 =	vand.u32 $0xFFFF0000, v19;
	[tilespmem:s0+$0x340] =	vst.add.f32.msk $0xffff, v40  }
0x45f: {  	s3 =	sor.u32 $0x70, s10;
	v16 =	vadd.f32 v18, v16;
	v42 =	vadd.f32 v3, v41;
	v3 =	vld [tilespmem:s2+$0x3280]  }
0x460: {  	v0 =	vand.u32 $0xFFFF0000, v43;
	v19 =	vpsel p5, v5, v63;
	v20 =	vld [tilespmem:s3+$0x3280]  }
0x461: {  	v0 =	vadd.f32 v0, v19;
	[tilespmem:s0+$0x60] =	vst.add.f32.msk $0xffff, v16  }
0x462: {  	v18 =	vpsel p1, v4, v23;
	v48 =	vshll.u32 v44, $0x10;
	[tilespmem:s0+$0x350] =	vst.add.f32.msk $0xffff, v42  }
0x463: {  	v1 =	vand.u32 $0xFFFF0000, v44;
	v19 =	vpsel p1, v5, v63;
	v16 =	vadd.f32 v48, v18;
	[tilespmem:s0+$0x70] =	vst.add.f32.msk $0xffff, v0  }
0x464: {  	v50 =	vshll.u32 v47, $0x10;
	v18 =	vpsel p0, v4, v23;
	v51 =	vadd.f32 v1, v19;
	v49 =	vld [tilespmem:s4+$0x32B0]  }
0x465: {  	v56 =	vpsel p2, v5, v63;
	[tilespmem:s0+$0xE0] =	vst.add.f32.msk $0xffff, v16;
	v16 =	vadd.f32 v50, v18;
	v57 =	vand.u32 $0xFFFF0000, v17  }
0x466: {  	v18 =	vpsel p3, v4, v23;
	[tilespmem:s0+$0xF0] =	vst.add.f32.msk $0xffff, v51;
	v0 =	vadd.f32 v57, v56;
	v19 =	vshll.u32 v3, $0x10  }
0x467: {  	v54 =	vpsel p3, v5, v63;
	v55 =	vand.u32 $0xFFFF0000, v3;
	[tilespmem:s0+$0x160] =	vst.add.f32.msk $0xffff, v16;
	v3 =	vadd.f32 v19, v18  }
0x468: {  	v16 =	vpsel p2, v4, v23;
	v18 =	vshll.u32 v17, $0x10;
	v1 =	vadd.f32 v55, v54;
	[tilespmem:s0+$0x270] =	vst.add.f32.msk $0xffff, v0  }
0x469: {  	v58 =	vpsel p4, v5, v63;
	v59 =	vand.u32 $0xFFFF0000, v20;
	v16 =	vadd.f32 v18, v16;
	[tilespmem:s0+$0x1E0] =	vst.add.f32.msk $0xffff, v3  }
0x46a: {  	v17 =	vshll.u32 v20, $0x10;
	v3 =	vpsel p4, v4, v23;
	[tilespmem:s0+$0x1F0] =	vst.add.f32.msk $0xffff, v1;
	v1 =	vadd.f32 v59, v58  }
0x46b: {  	v60 =	vpsel p6, v5, v63;
	v61 =	vand.u32 $0xFFFF0000, v49;
	v3 =	vadd.f32 v17, v3;
	[tilespmem:s0+$0x260] =	vst.add.f32.msk $0xffff, v16  }
0x46c: {  	v16 =	vpsel p6, v4, v23;
	v17 =	vshll.u32 v49, $0x10;
	v0 =	vadd.f32 v61, v60;
	[tilespmem:s0+$0x2F0] =	vst.add.f32.msk $0xffff, v1  }
0x46d: {  	v16 =	vadd.f32 v17, v16;
	[tilespmem:s0+$0x2E0] =	vst.add.f32.msk $0xffff, v3  }
0x46e: {  	[tilespmem:s0+$0x370] =	vst.add.f32.msk $0xffff, v0  }
0x46f: {  	[tilespmem:s0+$0x360] =	vst.add.f32.msk $0xffff, v16  }
0x470: {  	s7 =	simm.s32 $0x6580;
	s8 =	simm.s32 $0x2;
	s0 =	rddreg [dreg:$0x8]  }
0x471: {  	[hbm4b:s0+s6] =	stream.linear.scatter [tilespmem:s7], [sflag:$0x4], $0x6400, $0x38;
	[tilespmem:$0x19180] =	vst v63  }
0x472: {  	_ =	swait.ge [sflag:s8], $0x6400  }
0x473: {  	[sflag:s8] =	ssyncset.done $0x0  }
0x474: {  	s9 =	simm.s32 $0x313F;
	[sflag:s8] =	ssyncadd.s32 $0xFFFF9C00  }
0x475: {  	v62 =	vld [tilespmem:s9+$0x0];
	_ =	sdelay $0x4  }
0x476: {  	s11 =	simm.s32 $0x183F;
	(v2sf) =	vpush v62, $0x0  }
0x477: {  	s2 =	sand.u32 $0xFFF8, s11  }
0x478: {  	s2 =	sshrl.u32 s2, $0x3  }
0x479: {  	s2 =	smul.u32 $0x147B, s2  }
0x47a: {  	s17 =	simm.s32 $0x183B  }
0x47b: {  	s1 =	sand.u32 $0xFFF8, s17;
	s2 =	sshrl.u32 s2, $0x11  }
0x47c: {  	s1 =	sshrl.u32 s1, $0x3;
	s2 =	smul.u32 $0xC8, s2  }
0x47d: {  	s12 =	simm.s32 $0x1839;
	s1 =	smul.u32 $0x147B, s1;
	v21 =	vld [tilespmem:s9+$0xFFFFFFFA]  }
0x47e: {  	s14 =	sand.u32 $0xFFF8, s12;
	s16 =	simm.s32 $0x183A;
	s2 =	ssub.s32 $0x183F, s2;
	v22 =	vld [tilespmem:s9+$0xFFFFFFFB]  }
0x47f: {  	s18 =	simm.s32 $0x183C;
	s1 =	sshrl.u32 s1, $0x11;
	s2 =	sshll.u32 s2, $0x6;
	v30 =	vld [tilespmem:s9+$0xFFFFFFFC]  }
0x480: {  	s1 =	smul.u32 $0xC8, s1;
	s11 =	sand.u32 $0xFFC0, s2;
	s2 =	sand.u32 $0xFFF8, s18;
	v3 =	vld [tilespmem:s9+$0xFFFFFFFD]  }
0x481: {  	s10 =	simm.s32 $0x1838;
	s20 =	simm.s32 $0x183E;
	s2 =	sshrl.u32 s2, $0x3;
	v32 =	vld [tilespmem:s11+$0x3280]  }
0x482: {  	s1 =	ssub.s32 $0x183B, s1;
	s2 =	smul.u32 $0x147B, s2;
	s0 =	sand.u32 $0xFFF8, s10;
	v16 =	vld [tilespmem:s9+$0xFFFFFFFE];
	(v2sf) =	vpush v21, $0x0  }
0x483: {  	s19 =	simm.s32 $0x183D;
	s1 =	sshll.u32 s1, $0x6;
	s0 =	sshrl.u32 s0, $0x3;
	v17 =	vld [tilespmem:s9+$0xFFFFFFFF];
	(v2sf) =	vpush v22, $0x0  }
0x484: {  	s2 =	sshrl.u32 s2, $0x11;
	s7 =	sand.u32 $0xFFF8, s16;
	s0 =	smul.u32 $0x147B, s0;
	v31 =	vld [tilespmem:s9+$0xFFFFFFF9]  }
0x485: {  	s2 =	smul.u32 $0xC8, s2;
	s7 =	sshrl.u32 s7, $0x3;
	(v2sf) =	vpush v30, $0x0;
	s24 =	spop (v2sf)  }
0x486: {  	s21 =	smul.u32 $0x147B, s7;
	s0 =	sshrl.u32 s0, $0x11;
	v33 =	vshll.u32 v32, $0x10;
	(v2sf) =	vpush v3, $0x0;
	p6 =	seq.s32 s24, $0x1  }
0x487: {  	s8 =	sand.u32 $0xFFF8, s19;
	s13 =	smul.u32 $0xC8, s0;
	s0 =	sshrl.u32 s14, $0x3;
	v1 =	vand.u32 $0xFFFF0000, v32;
	(v2sf) =	vpush v16, $0x0;
	v34 =	vpsel p6, v46, v45  }
0x488: {  	s8 =	sshrl.u32 s8, $0x3;
	s9 =	sand.u32 $0xFFF8, s20;
	s15 =	smul.u32 $0x147B, s0;
	(v2sf) =	vpush v17, $0x0;
	v3 =	vpsel p6, v15, v14;
	v0 =	vadd.f32 v33, v34  }
0x489: {  	s29 =	sshrl.u32 s21, $0x11;
	s25 =	smul.u32 $0x147B, s8;
	s0 =	simm.s32 $0xC980;
	(v2sf) =	vpush v31, $0x0;
	v1 =	vadd.f32 v1, v3  }
0x48a: {  	s28 =	sshrl.u32 s9, $0x3;
	s9 =	smul.u32 $0xC8, s29;
	s3 =	sshrl.u32 s15, $0x11;
	[tilespmem:s0+$0x380] =	vst.add.f32.msk $0xffff, v0  }
0x48b: {  	s31 =	sor.u32 $0x50, s11;
	s2 =	ssub.s32 $0x183C, s2;
	s3 =	smul.u32 $0xC8, s3;
	[tilespmem:s0+$0x390] =	vst.add.f32.msk $0xffff, v1  }
0x48c: {  	s16 =	sshll.u32 s2, $0x6;
	s30 =	smul.u32 $0x147B, s28;
	s4 =	ssub.s32 $0x1838, s13;
	v0 =	vld [tilespmem:s31+$0x3280]  }
0x48d: {  	s13 =	sshrl.u32 s25, $0x11;
	s4 =	sshll.u32 s4, $0x6;
	s3 =	ssub.s32 $0x1839, s3  }
0x48e: {  	s15 =	ssub.s32 $0x183A, s9;
	s7 =	sand.u32 $0xFFC0, s4;
	s3 =	sshll.u32 s3, $0x6  }
0x48f: {  	s4 =	sshll.u32 s15, $0x6;
	v35 =	vld [tilespmem:s7+$0x3280];
	s8 =	sand.u32 $0xFFC0, s3;
	s3 =	smul.u32 $0xC8, s13  }
0x490: {  	s14 =	sshrl.u32 s30, $0x11;
	s9 =	sand.u32 $0xFFC0, s1;
	s10 =	sand.u32 $0xFFC0, s4;
	v36 =	vld [tilespmem:s8+$0x3280]  }
0x491: {  	s4 =	sand.u32 $0xFFC0, s16;
	s3 =	ssub.s32 $0x183D, s3;
	s17 =	spop (v2sf);
	v18 =	vpsel p6, v13, v11;
	v3 =	vld [tilespmem:s10+$0x3280];
	v17 =	vshll.u32 v0, $0x10  }
0x492: {  	s12 =	smul.u32 $0xC8, s14;
	v19 =	vld [tilespmem:s4+$0x3280];
	s18 =	sshll.u32 s3, $0x6;
	s19 =	spop (v2sf);
	v20 =	vpsel p6, v12, v10;
	v0 =	vand.u32 $0xFFFF0000, v0;
	v17 =	vadd.f32 v17, v18  }
0x493: {  	s30 =	sor.u32 $0x60, s11;
	v16 =	vld [tilespmem:s9+$0x3280];
	s3 =	sand.u32 $0xFFC0, s18;
	p0 =	seq.s32 s19, $0x1;
	v0 =	vadd.f32 v0, v20  }
0x494: {  	s24 =	ssub.s32 $0x183E, s12;
	s20 =	spop (v2sf);
	s13 =	simm.s32 @!p0 $0x0;
	[tilespmem:s0+$0x3A0] =	vst.add.f32.msk $0xffff, v17  }
0x495: {  	p3 =	seq.s32 s17, $0x1;
	s21 =	spop (v2sf);
	v41 =	vpsel p0, v46, v45;
	s13 =	simm.s32 @p0 $0x1;
	[tilespmem:s0+$0x3B0] =	vst.add.f32.msk $0xffff, v0  }
0x496: {  	s28 =	sshll.u32 s24, $0x6;
	s25 =	spop (v2sf);
	v40 =	vshll.u32 v3, $0x10;
	v18 =	vld [tilespmem:s3+$0x3280];
	v20 =	vpsel p3, v46, v45;
	v17 =	vshll.u32 v36, $0x10;
	[smem:$0x7E6] =	sst s13  }
0x497: {  	s2 =	sand.u32 $0xFFC0, s28;
	s29 =	spop (v2sf);
	v2 =	vadd.f32 v40, v41;
	v17 =	vadd.f32 v17, v20;
	v20 =	vld [tilespmem:s30+$0x3280]  }
0x498: {  	v37 =	vand.u32 $0xFFFF0000, v36;
	v48 =	vshll.u32 v16, $0x10;
	v38 =	vpsel p3, v15, v14;
	p4 =	seq.s32 s20, $0x1;
	s31 =	spop (v2sf);
	v39 =	vld [tilespmem:s2+$0x3280]  }
0x499: {  	v44 =	vand.u32 $0xFFFF0000, v3;
	v3 =	vpsel p4, v46, v45;
	v0 =	vadd.f32 v37, v38;
	p1 =	seq.s32 s31, $0x1;
	[tilespmem:s0+$0x100] =	vst.add.f32.msk $0xffff, v2  }
0x49a: {  	v2 =	vadd.f32 v48, v3;
	[tilespmem:s0+$0x80] =	vst.add.f32.msk $0xffff, v17;
	v17 =	vshll.u32 v35, $0x10;
	v42 =	vpsel p1, v46, v45  }
0x49b: {  	v1 =	vand.u32 $0xFFFF0000, v35;
	[tilespmem:s0+$0x90] =	vst.add.f32.msk $0xffff, v0;
	v43 =	vpsel p1, v15, v14;
	v17 =	vadd.f32 v17, v42  }
0x49c: {  	v47 =	vpsel p0, v15, v14;
	v0 =	vadd.f32 v1, v43;
	[tilespmem:s0+$0x180] =	vst.add.f32.msk $0xffff, v2  }
0x49d: {  	p5 =	seq.s32 s21, $0x1;
	v49 =	vpsel p4, v15, v14;
	v3 =	vand.u32 $0xFFFF0000, v16;
	v1 =	vadd.f32 v44, v47;
	[tilespmem:s0+$0x0] =	vst.add.f32.msk $0xffff, v17  }
0x49e: {  	v50 =	vpsel p5, v46, v45;
	[tilespmem:s0+$0x10] =	vst.add.f32.msk $0xffff, v0;
	v0 =	vadd.f32 v3, v49;
	v3 =	vshll.u32 v19, $0x10  }
0x49f: {  	p2 =	seq.s32 s25, $0x1;
	v16 =	vand.u32 $0xFFFF0000, v19;
	[tilespmem:s0+$0x110] =	vst.add.f32.msk $0xffff, v1;
	v1 =	vadd.f32 v3, v50;
	v3 =	vpsel p5, v15, v14  }
0x4a0: {  	v51 =	vshll.u32 v18, $0x10;
	v3 =	vadd.f32 v16, v3;
	v16 =	vpsel p2, v46, v45;
	[tilespmem:s0+$0x190] =	vst.add.f32.msk $0xffff, v0  }
0x4a1: {  	v54 =	vpsel p6, v9, v7;
	v53 =	vshll.u32 v20, $0x10;
	v52 =	vadd.f32 v51, v16;
	[tilespmem:s0+$0x200] =	vst.add.f32.msk $0xffff, v1  }
0x4a2: {  	v16 =	vpsel p6, v8, v6;
	v1 =	vadd.f32 v53, v54;
	[tilespmem:s0+$0x210] =	vst.add.f32.msk $0xffff, v3;
	v3 =	vand.u32 $0xFFFF0000, v20  }
0x4a3: {  	p0 =	seq.s32 s29, $0x1;
	[tilespmem:s0+$0x280] =	vst.add.f32.msk $0xffff, v52;
	v55 =	vadd.f32 v3, v16  }
0x4a4: {  	s1 =	simm.s32 @!p0 $0x0;
	[tilespmem:s0+$0x3C0] =	vst.add.f32.msk $0xffff, v1  }
0x4a5: {  	s1 =	simm.s32 @p0 $0x1;
	[tilespmem:s0+$0x3D0] =	vst.add.f32.msk $0xffff, v55  }
0x4a6: {  	s11 =	sor.u32 $0x70, s11;
	v57 =	vpsel p2, v15, v14;
	[smem:$0x7E7] =	sst s1  }
0x4a7: {  	v56 =	vand.u32 $0xFFFF0000, v18;
	v58 =	vshll.u32 v39, $0x10;
	v3 =	vpsel p0, v46, v45;
	v59 =	vld [tilespmem:s11+$0x3280]  }
0x4a8: {  	v1 =	vadd.f32 v56, v57;
	v0 =	vadd.f32 v58, v3;
	v3 =	vld [tilespmem:s7+$0x3290];
	_ =	sdelay $0x1  }
0x4a9: {  	v17 =	vpsel p0, v15, v14;
	v16 =	vand.u32 $0xFFFF0000, v39;
	[tilespmem:s0+$0x290] =	vst.add.f32.msk $0xffff, v1  }
0x4aa: {  	s12 =	sor.u32 $0x50, s8;
	v60 =	vadd.f32 v16, v17;
	[tilespmem:s0+$0x300] =	vst.add.f32.msk $0xffff, v0  }
0x4ab: {  	v16 =	vpsel p6, v5, v63;
	v61 =	vld [tilespmem:s12+$0x3280];
	v62 =	vand.u32 $0xFFFF0000, v59  }
0x4ac: {  	v17 =	vpsel p1, v13, v11;
	[tilespmem:s0+$0x310] =	vst.add.f32.msk $0xffff, v60;
	v1 =	vadd.f32 v62, v16;
	v16 =	vshll.u32 v3, $0x10  }
0x4ad: {  	v18 =	vld [tilespmem:s10+$0x3290];
	v3 =	vand.u32 $0xFFFF0000, v3;
	v16 =	vadd.f32 v16, v17;
	v17 =	vpsel p1, v12, v10  }
0x4ae: {  	[tilespmem:s0+$0x3F0] =	vst.add.f32.msk $0xffff, v1;
	v3 =	vadd.f32 v3, v17  }
0x4af: {  	[tilespmem:s0+$0x20] =	vst.add.f32.msk $0xffff, v16  }
0x4b0: {  	[tilespmem:s0+$0x30] =	vst.add.f32.msk $0xffff, v3  }
0x4b1: {  	s14 =	sld [smem:$0x7E6]  }
0x4b2: {  	s13 =	sor.u32 $0x50, s9  }
0x4b3: {  	s15 =	sor.u32 $0x50, s3;
	v21 =	vpsel p3, v13, v11;
	v19 =	vld [tilespmem:s13+$0x3280];
	v17 =	vshll.u32 v61, $0x10  }
0x4b4: {  	v22 =	vld [tilespmem:s15+$0x3280];
	v0 =	vand.u32 $0xFFFF0000, v61;
	v1 =	vadd.f32 v17, v21;
	v17 =	vpsel p3, v12, v10;
	p0 =	seq.s32 s14, $0x1  }
0x4b5: {  	v16 =	vld [tilespmem:s4+$0x3290];
	v0 =	vadd.f32 v0, v17;
	v17 =	vshll.u32 v18, $0x10;
	v3 =	vpsel p0, v13, v11  }
0x4b6: {  	[tilespmem:s0+$0xA0] =	vst.add.f32.msk $0xffff, v1;
	v3 =	vadd.f32 v17, v3  }
0x4b7: {  	v18 =	vand.u32 $0xFFFF0000, v18;
	[tilespmem:s0+$0xB0] =	vst.add.f32.msk $0xffff, v0;
	v17 =	vpsel p0, v12, v10  }
0x4b8: {  	v30 =	vpsel p4, v13, v11;
	v17 =	vadd.f32 v18, v17;
	v18 =	vshll.u32 v19, $0x10;
	[tilespmem:s0+$0x120] =	vst.add.f32.msk $0xffff, v3  }
0x4b9: {  	v19 =	vand.u32 $0xFFFF0000, v19;
	v3 =	vpsel p4, v12, v10;
	v0 =	vadd.f32 v18, v30;
	v18 =	vld [tilespmem:s2+$0x3290]  }
0x4ba: {  	v3 =	vadd.f32 v19, v3;
	v19 =	vpsel p5, v13, v11;
	[tilespmem:s0+$0x130] =	vst.add.f32.msk $0xffff, v17;
	v17 =	vshll.u32 v16, $0x10  }
0x4bb: {  	v31 =	vpsel p5, v12, v10;
	v16 =	vand.u32 $0xFFFF0000, v16;
	v17 =	vadd.f32 v17, v19;
	[tilespmem:s0+$0x1A0] =	vst.add.f32.msk $0xffff, v0  }
0x4bc: {  	v0 =	vadd.f32 v16, v31;
	[tilespmem:s0+$0x1B0] =	vst.add.f32.msk $0xffff, v3  }
0x4bd: {  	[tilespmem:s0+$0x220] =	vst.add.f32.msk $0xffff, v17  }
0x4be: {  	v16 =	vpsel p2, v13, v11;
	v3 =	vshll.u32 v22, $0x10;
	[tilespmem:s0+$0x230] =	vst.add.f32.msk $0xffff, v0  }
0x4bf: {  	v3 =	vadd.f32 v3, v16;
	s16 =	sld [smem:$0x7E7];
	_ =	sdelay $0x1  }
0x4c0: {  	[tilespmem:s0+$0x2A0] =	vst.add.f32.msk $0xffff, v3  }
0x4c1: {  	v1 =	vand.u32 $0xFFFF0000, v22;
	p0 =	por p2, p2;
	v16 =	vpsel p2, v12, v10;
	v3 =	vld [tilespmem:s7+$0x32A0];
	p2 =	seq.s32 s16, $0x1  }
0x4c2: {  	s17 =	sor.u32 $0x60, s8;
	v17 =	vshll.u32 v18, $0x10;
	v1 =	vadd.f32 v1, v16;
	v32 =	vpsel p2, v13, v11  }
0x4c3: {  	v34 =	vld [tilespmem:s17+$0x3280];
	v0 =	vadd.f32 v17, v32  }
0x4c4: {  	[tilespmem:s0+$0x2B0] =	vst.add.f32.msk $0xffff, v1;
	v16 =	vpsel p2, v12, v10;
	v17 =	vand.u32 $0xFFFF0000, v18  }
0x4c5: {  	v2 =	vshll.u32 v59, $0x10;
	v33 =	vadd.f32 v17, v16;
	v16 =	vpsel p6, v4, v23;
	[tilespmem:s0+$0x320] =	vst.add.f32.msk $0xffff, v0  }
0x4c6: {  	v35 =	vpsel p1, v9, v7;
	v17 =	vshll.u32 v3, $0x10;
	v2 =	vadd.f32 v2, v16;
	v16 =	vld [tilespmem:s10+$0x32A0]  }
0x4c7: {  	v3 =	vand.u32 $0xFFFF0000, v3;
	v1 =	vadd.f32 v17, v35;
	v17 =	vpsel p1, v8, v6;
	[tilespmem:s0+$0x330] =	vst.add.f32.msk $0xffff, v33  }
0x4c8: {  	v3 =	vadd.f32 v3, v17;
	[tilespmem:s0+$0x3E0] =	vst.add.f32.msk $0xffff, v2  }
0x4c9: {  	[tilespmem:s0+$0x40] =	vst.add.f32.msk $0xffff, v1  }
0x4ca: {  	s11 =	simm.s32 $0x3147;
	[tilespmem:s0+$0x50] =	vst.add.f32.msk $0xffff, v3  }
0x4cb: {  	v60 =	vld [tilespmem:s11+$0xFFFFFFFC];
	s19 =	sld [smem:$0x7E6]  }
0x4cc: {  	s18 =	sor.u32 $0x60, s9;
	v62 =	vld [tilespmem:s11+$0xFFFFFFFE]  }
0x4cd: {  	v36 =	vpsel p3, v9, v7;
	v18 =	vld [tilespmem:s18+$0x3280];
	v17 =	vshll.u32 v34, $0x10  }
0x4ce: {  	s20 =	sor.u32 $0x60, s3;
	v37 =	vld [tilespmem:s4+$0x32A0];
	v0 =	vand.u32 $0xFFFF0000, v34;
	v2 =	vadd.f32 v17, v36;
	v17 =	vpsel p3, v8, v6;
	p2 =	seq.s32 s19, $0x1  }
0x4cf: {  	v38 =	vld [tilespmem:s20+$0x3280];
	v0 =	vadd.f32 v0, v17;
	v17 =	vshll.u32 v16, $0x10;
	v3 =	vpsel p2, v9, v7  }
0x4d0: {  	[tilespmem:s0+$0xC0] =	vst.add.f32.msk $0xffff, v2;
	v3 =	vadd.f32 v17, v3  }
0x4d1: {  	v16 =	vand.u32 $0xFFFF0000, v16;
	[tilespmem:s0+$0xD0] =	vst.add.f32.msk $0xffff, v0;
	v17 =	vpsel p2, v8, v6  }
0x4d2: {  	v39 =	vpsel p4, v9, v7;
	v16 =	vadd.f32 v16, v17;
	v17 =	vshll.u32 v18, $0x10;
	[tilespmem:s0+$0x140] =	vst.add.f32.msk $0xffff, v3  }
0x4d3: {  	v18 =	vand.u32 $0xFFFF0000, v18;
	v3 =	vpsel p4, v8, v6;
	v0 =	vadd.f32 v17, v39;
	v17 =	vld [tilespmem:s2+$0x32A0]  }
0x4d4: {  	v3 =	vadd.f32 v18, v3;
	v18 =	vpsel p5, v9, v7;
	[tilespmem:s0+$0x150] =	vst.add.f32.msk $0xffff, v16;
	v16 =	vshll.u32 v37, $0x10  }
0x4d5: {  	v40 =	vpsel p5, v8, v6;
	v1 =	vand.u32 $0xFFFF0000, v37;
	v16 =	vadd.f32 v16, v18;
	[tilespmem:s0+$0x1C0] =	vst.add.f32.msk $0xffff, v0  }
0x4d6: {  	v0 =	vadd.f32 v1, v40;
	[tilespmem:s0+$0x1D0] =	vst.add.f32.msk $0xffff, v3  }
0x4d7: {  	[tilespmem:s0+$0x240] =	vst.add.f32.msk $0xffff, v16  }
0x4d8: {  	[tilespmem:s0+$0x250] =	vst.add.f32.msk $0xffff, v0  }
0x4d9: {  	s24 =	sor.u32 $0x70, s8;
	v61 =	vld [tilespmem:s11+$0xFFFFFFFD];
	s21 =	sld [smem:$0x7E7]  }
0x4da: {  	v41 =	vshll.u32 v38, $0x10;
	v43 =	vld [tilespmem:s24+$0x3280];
	v3 =	vpsel p0, v9, v7  }
0x4db: {  	s25 =	sor.u32 $0x70, s9;
	v2 =	vand.u32 $0xFFFF0000, v38;
	v1 =	vadd.f32 v41, v3;
	v3 =	vld [tilespmem:s7+$0x32B0];
	v16 =	vpsel p0, v8, v6  }
0x4dc: {  	v49 =	vld [tilespmem:s25+$0x3280];
	v2 =	vadd.f32 v2, v16;
	p6 =	seq.s32 s21, $0x1  }
0x4dd: {  	v16 =	vshll.u32 v17, $0x10;
	[tilespmem:s0+$0x2C0] =	vst.add.f32.msk $0xffff, v1;
	v42 =	vpsel p6, v9, v7  }
0x4de: {  	s3 =	sor.u32 $0x70, s3;
	v17 =	vand.u32 $0xFFFF0000, v17;
	[tilespmem:s0+$0x2D0] =	vst.add.f32.msk $0xffff, v2;
	v0 =	vadd.f32 v16, v42;
	v16 =	vpsel p6, v8, v6  }
0x4df: {  	v52 =	vld [tilespmem:s3+$0x3280];
	v16 =	vadd.f32 v17, v16  }
0x4e0: {  	v48 =	vpsel p1, v5, v63;
	v47 =	vshll.u32 v3, $0x10;
	v3 =	vand.u32 $0xFFFF0000, v3;
	v17 =	vld [tilespmem:s10+$0x32B0]  }
0x4e1: {  	v2 =	vadd.f32 v3, v48;
	v3 =	vshll.u32 v43, $0x10;
	[tilespmem:s0+$0x350] =	vst.add.f32.msk $0xffff, v16;
	v16 =	vpsel p3, v4, v23  }
0x4e2: {  	[tilespmem:s0+$0x340] =	vst.add.f32.msk $0xffff, v0;
	v3 =	vadd.f32 v3, v16  }
0x4e3: {  	s28 =	simm.s32 $0x1840;
	v44 =	vpsel p1, v4, v23;
	[tilespmem:s0+$0x70] =	vst.add.f32.msk $0xffff, v2  }
0x4e4: {  	s29 =	sand.u32 $0xFFF8, s28;
	v1 =	vand.u32 $0xFFFF0000, v43;
	v0 =	vadd.f32 v47, v44;
	v16 =	vpsel p3, v5, v63;
	[tilespmem:s0+$0xE0] =	vst.add.f32.msk $0xffff, v3  }
0x4e5: {  	s1 =	sshrl.u32 s29, $0x3;
	v50 =	vpsel p2, v4, v23;
	v1 =	vadd.f32 v1, v16;
	v16 =	vshll.u32 v17, $0x10;
	v3 =	vld [tilespmem:s4+$0x32B0]  }
0x4e6: {  	s9 =	simm.s32 $0x1845;
	s30 =	simm.s32 $0x1841;
	s1 =	smul.u32 $0x147B, s1;
	[tilespmem:s0+$0x60] =	vst.add.f32.msk $0xffff, v0;
	v17 =	vand.u32 $0xFFFF0000, v17;
	v2 =	vadd.f32 v16, v50;
	v16 =	vpsel p2, v5, v63  }
0x4e7: {  	v51 =	vpsel p4, v4, v23;
	s15 =	sand.u32 $0xFFF8, s9;
	s20 =	simm.s32 $0x1847;
	s10 =	simm.s32 $0x1846;
	[tilespmem:s0+$0xF0] =	vst.add.f32.msk $0xffff, v1;
	v16 =	vadd.f32 v17, v16;
	v17 =	vshll.u32 v49, $0x10  }
0x4e8: {  	s1 =	sshrl.u32 s1, $0x11;
	s9 =	sand.u32 $0xFFF8, s10;
	s10 =	sand.u32 $0xFFF8, s20;
	[tilespmem:s0+$0x160] =	vst.add.f32.msk $0xffff, v2;
	v1 =	vadd.f32 v17, v51  }
0x4e9: {  	s1 =	smul.u32 $0xC8, s1;
	s24 =	sshrl.u32 s10, $0x3;
	v0 =	vand.u32 $0xFFFF0000, v49;
	s4 =	sand.u32 $0xFFF8, s30;
	v17 =	vpsel p4, v5, v63;
	[tilespmem:s0+$0x170] =	vst.add.f32.msk $0xffff, v16  }
0x4ea: {  	s10 =	smul.u32 $0x147B, s24;
	s4 =	sshrl.u32 s4, $0x3;
	v16 =	vpsel p5, v4, v23;
	v0 =	vadd.f32 v0, v17;
	v17 =	vshll.u32 v3, $0x10;
	[tilespmem:s0+$0x1E0] =	vst.add.f32.msk $0xffff, v1  }
0x4eb: {  	s8 =	simm.s32 $0x1844;
	v53 =	vpsel p5, v5, v63;
	s31 =	smul.u32 $0x147B, s4;
	v3 =	vand.u32 $0xFFFF0000, v3;
	v16 =	vadd.f32 v17, v16;
	v17 =	vld [tilespmem:s2+$0x32B0]  }
0x4ec: {  	v54 =	vpsel p0, v4, v23;
	s7 =	simm.s32 $0x1843;
	s10 =	sshrl.u32 s10, $0x11;
	s4 =	simm.s32 $0x1842;
	v1 =	vadd.f32 v3, v53;
	[tilespmem:s0+$0x1F0] =	vst.add.f32.msk $0xffff, v0;
	v3 =	vshll.u32 v52, $0x10  }
0x4ed: {  	s30 =	smul.u32 $0xC8, s10;
	s3 =	sshrl.u32 s31, $0x11;
	s2 =	sand.u32 $0xFFF8, s4;
	v0 =	vadd.f32 v3, v54;
	v3 =	vld [tilespmem:s11+$0x0]  }
0x4ee: {  	s3 =	smul.u32 $0xC8, s3;
	s4 =	sand.u32 $0xFFF8, s7;
	s2 =	sshrl.u32 s2, $0x3;
	[tilespmem:s0+$0x260] =	vst.add.f32.msk $0xffff, v16  }
0x4ef: {  	s7 =	sand.u32 $0xFFF8, s8;
	s13 =	sshrl.u32 s4, $0x3;
	[tilespmem:s0+$0x270] =	vst.add.f32.msk $0xffff, v1;
	s12 =	smul.u32 $0x147B, s2  }
0x4f0: {  	s1 =	ssub.s32 $0x1840, s1;
	v55 =	vpsel p0, v5, v63;
	v2 =	vand.u32 $0xFFFF0000, v52;
	s14 =	sshrl.u32 s7, $0x3;
	s4 =	smul.u32 $0x147B, s13;
	v16 =	vld [tilespmem:s11+$0xFFFFFFFA]  }
0x4f1: {  	s7 =	sshrl.u32 s15, $0x3;
	s3 =	ssub.s32 $0x1841, s3;
	v1 =	vadd.f32 v2, v55;
	s16 =	smul.u32 $0x147B, s14;
	[tilespmem:s0+$0x2E0] =	vst.add.f32.msk $0xffff, v0  }
0x4f2: {  	s18 =	sshrl.u32 s9, $0x3;
	s17 =	smul.u32 $0x147B, s7;
	s3 =	sshll.u32 s3, $0x6;
	v57 =	vshll.u32 v17, $0x10;
	v59 =	vand.u32 $0xFFFF0000, v17;
	v17 =	vld [tilespmem:s11+$0xFFFFFFFB]  }
0x4f3: {  	s7 =	smul.u32 $0x147B, s18;
	s3 =	sand.u32 $0xFFC0, s3;
	[tilespmem:s0+$0x2F0] =	vst.add.f32.msk $0xffff, v1;
	s19 =	sshrl.u32 s12, $0x11  }
0x4f4: {  	s1 =	sshll.u32 s1, $0x6;
	s4 =	sshrl.u32 s4, $0x11;
	v27 =	vld [tilespmem:s3+$0x3280];
	s9 =	smul.u32 $0xC8, s19  }
0x4f5: {  	v56 =	vpsel p6, v4, v23;
	s2 =	sand.u32 $0xFFC0, s1;
	s8 =	sshrl.u32 s16, $0x11;
	s4 =	smul.u32 $0xC8, s4;
	(v2sf) =	vpush v3, $0x0;
	v3 =	vld [tilespmem:s11+$0xFFFFFFFF]  }
0x4f6: {  	v58 =	vpsel p6, v5, v63;
	s1 =	sshrl.u32 s17, $0x11;
	s7 =	sshrl.u32 s7, $0x11;
	s8 =	smul.u32 $0xC8, s8;
	v0 =	vadd.f32 v57, v56;
	(v2sf) =	vpush v16, $0x0;
	v16 =	vld [tilespmem:s2+$0x3280]  }
0x4f7: {  	s12 =	simm.s32 $0x8;
	s1 =	smul.u32 $0xC8, s1;
	v1 =	vadd.f32 v59, v58;
	s9 =	ssub.s32 $0x1842, s9;
	(v2sf) =	vpush v17, $0x0;
	v17 =	vld [tilespmem:s11+$0xFFFFFFF9]  }
0x4f8: {  	s21 =	smul.u32 $0xC8, s7;
	s4 =	ssub.s32 $0x1843, s4;
	[tilespmem:s0+$0x360] =	vst.add.f32.msk $0xffff, v0;
	s25 =	sshll.u32 s9, $0x6;
	(v2sf) =	vpush v60, $0x0  }
0x4f9: {  	s28 =	ssub.s32 $0x1844, s8;
	[tilespmem:s0+$0x370] =	vst.add.f32.msk $0xffff, v1;
	s4 =	sshll.u32 s4, $0x6;
	s7 =	sand.u32 $0xFFC0, s25;
	(v2sf) =	vpush v61, $0x0  }
0x4fa: {  	s1 =	ssub.s32 $0x1845, s1;
	s29 =	sshll.u32 s28, $0x6;
	s8 =	sand.u32 $0xFFC0, s4;
	v18 =	vld [tilespmem:s7+$0x3280];
	(v2sf) =	vpush v62, $0x0  }
0x4fb: {  	s31 =	ssub.s32 $0x1846, s21;
	s1 =	sshll.u32 s1, $0x6;
	s9 =	sand.u32 $0xFFC0, s29;
	v19 =	vld [tilespmem:s8+$0x3280];
	(v2sf) =	vpush v3, $0x0  }
0x4fc: {  	s10 =	sand.u32 $0xFFC0, s1;
	s4 =	sshll.u32 s31, $0x6;
	s1 =	ssub.s32 $0x1847, s30;
	(v2sf) =	vpush v17, $0x0;
	v17 =	vld [tilespmem:s9+$0x3280]  }
.LBB2_12:
0x4fd: {  	_ = 	snop  }
0x4fe: {  	s16 =	sadd.s32 $0x1840, s12  }
0x4ff: {  	s1 =	sshll.u32 s1, $0x6;
	s18 =	sand.u32 $0xFFF8, s16  }
0x500: {  	s15 =	sand.u32 $0xFFC0, s1;
	s19 =	sshrl.u32 s18, $0x3  }
0x501: {  	v2 =	vshll.u32 v16, $0x10;
	v3 =	vand.u32 $0xFFFF0000, v16;
	v16 =	vld [tilespmem:s15+$0x3280];
	s1 =	smul.u32 $0x147B, s19;
	_ =	sdelay $0x1  }
0x502: {  	v60 =	vld [tilespmem:$0x1FF40];
	s1 =	sshrl.u32 s1, $0x11  }
0x503: {  	s14 =	sand.u32 $0xFFC0, s4;
	s1 =	smul.u32 $0xC8, s1;
	s20 =	spop (v2sf)  }
0x504: {  	v20 =	vshll.u32 v27, $0x10;
	s0 =	sadd.s32 $0x400, s0;
	p0 =	seq.s32 s20, $0x1;
	s21 =	spop (v2sf)  }
0x505: {  	v21 =	vand.u32 $0xFFFF0000, v27;
	s30 =	sor.u32 $0x50, s15;
	v27 =	vshll.u32 v16, $0x10;
	s1 =	ssub.s32 s16, s1;
	v28 =	vpsel p0, v46, v45;
	s24 =	spop (v2sf)  }
0x506: {  	v0 =	vld [tilespmem:s10+$0x3280];
	v16 =	vand.u32 $0xFFFF0000, v16;
	s4 =	simm.s32 @!p0 $0x0;
	p3 =	seq.s32 s21, $0x1;
	v29 =	vpsel p0, v15, v14;
	v27 =	vadd.f32 v27, v28;
	s25 =	spop (v2sf)  }
0x507: {  	v1 =	vld [tilespmem:s14+$0x3280];
	v31 =	vpsel p0, v4, v60;
	s1 =	sshll.u32 s1, $0x6;
	s4 =	simm.s32 @p0 $0x1;
	v16 =	vadd.f32 v16, v29;
	p0 =	seq.s32 s25, $0x1  }
0x508: {  	p2 =	seq.s32 s24, $0x1;
	s28 =	spop (v2sf);
	s16 =	simm.s32 @!p0 $0x0;
	[tilespmem:s0+$0x380] =	vst.add.f32.msk $0xffff, v27  }
0x509: {  	v28 =	vpsel p3, v46, v45;
	[smem:$0x7E3] =	sst s4;
	s29 =	spop (v2sf);
	[tilespmem:s0+$0x390] =	vst.add.f32.msk $0xffff, v16;
	s16 =	simm.s32 @p0 $0x1  }
0x50a: {  	v22 =	vshll.u32 v18, $0x10;
	v30 =	vpsel p3, v15, v14;
	s4 =	sand.u32 $0xFFC0, s1;
	v20 =	vadd.f32 v20, v28;
	s17 =	spop (v2sf);
	v37 =	vld [tilespmem:s30+$0x3280];
	[smem:$0x7E2] =	sst s16  }
0x50b: {  	v18 =	vand.u32 $0xFFFF0000, v18;
	v32 =	vpsel p2, v15, v14;
	v21 =	vadd.f32 v21, v30;
	v16 =	vld [tilespmem:s4+$0x3280];
	s31 =	spop (v2sf);
	s16 =	sld [smem:$0x7E3]  }
0x50c: {  	v23 =	vshll.u32 v19, $0x10;
	v29 =	vpsel p2, v46, v45;
	v18 =	vadd.f32 v18, v32;
	[tilespmem:s0+$0x80] =	vst.add.f32.msk $0xffff, v20;
	p1 =	seq.s32 s31, $0x1  }
0x50d: {  	v19 =	vand.u32 $0xFFFF0000, v19;
	v20 =	vadd.f32 v22, v29;
	[tilespmem:s0+$0x90] =	vst.add.f32.msk $0xffff, v21;
	v40 =	vpsel p1, v15, v14  }
0x50e: {  	v33 =	vpsel p0, v46, v45;
	v27 =	vpsel p0, v15, v14;
	[tilespmem:s0+$0x110] =	vst.add.f32.msk $0xffff, v18;
	v3 =	vadd.f32 v3, v40;
	p0 =	seq.s32 s16, $0x1  }
0x50f: {  	v57 =	vadd.f32 v19, v27;
	[tilespmem:s0+$0x100] =	vst.add.f32.msk $0xffff, v20;
	v19 =	vshll.u32 v37, $0x10;
	v58 =	vpsel p0, v13, v11  }
0x510: {  	v59 =	vpsel p0, v12, v10;
	[tilespmem:s0+$0x10] =	vst.add.f32.msk $0xffff, v3;
	v3 =	vand.u32 $0xFFFF0000, v37;
	v19 =	vadd.f32 v19, v58  }
0x511: {  	p4 =	seq.s32 s28, $0x1;
	[tilespmem:s0+$0x190] =	vst.add.f32.msk $0xffff, v57;
	v3 =	vadd.f32 v3, v59  }
0x512: {  	v24 =	vshll.u32 v17, $0x10;
	v34 =	vpsel p4, v46, v45;
	[tilespmem:s0+$0x3A0] =	vst.add.f32.msk $0xffff, v19  }
0x513: {  	v17 =	vand.u32 $0xFFFF0000, v17;
	v35 =	vpsel p4, v15, v14;
	p6 =	seq.s32 s17, $0x1;
	v18 =	vadd.f32 v24, v34;
	s17 =	sor.u32 $0x60, s15;
	[tilespmem:s0+$0x3B0] =	vst.add.f32.msk $0xffff, v3  }
0x514: {  	v25 =	vshll.u32 v0, $0x10;
	v0 =	vand.u32 $0xFFFF0000, v0;
	p5 =	seq.s32 s29, $0x1;
	v17 =	vadd.f32 v17, v35;
	s18 =	sld [smem:$0x7E2];
	v62 =	vld [tilespmem:s17+$0x3280]  }
0x515: {  	v26 =	vshll.u32 v1, $0x10;
	s19 =	sld [smem:$0x7E3];
	v28 =	vpsel p5, v46, v45;
	v20 =	vadd.f32 v23, v33;
	[tilespmem:s0+$0x200] =	vst.add.f32.msk $0xffff, v18  }
0x516: {  	v1 =	vand.u32 $0xFFFF0000, v1;
	v36 =	vpsel p5, v15, v14;
	v61 =	vadd.f32 v25, v28;
	[tilespmem:s0+$0x210] =	vst.add.f32.msk $0xffff, v17  }
0x517: {  	v38 =	vpsel p6, v15, v14;
	v0 =	vadd.f32 v0, v36;
	v39 =	vpsel p1, v46, v45;
	[tilespmem:s0+$0x180] =	vst.add.f32.msk $0xffff, v20;
	p0 =	seq.s32 s18, $0x1  }
0x518: {  	v1 =	vadd.f32 v1, v38;
	[tilespmem:s0+$0x280] =	vst.add.f32.msk $0xffff, v61;
	v51 =	vpsel p0, v13, v11;
	v52 =	vpsel p0, v12, v10;
	p0 =	seq.s32 s19, $0x1  }
0x519: {  	v2 =	vadd.f32 v2, v39;
	[tilespmem:s0+$0x290] =	vst.add.f32.msk $0xffff, v0;
	v18 =	vpsel p0, v9, v7;
	v17 =	vshll.u32 v62, $0x10  }
0x51a: {  	[tilespmem:s0+$0x310] =	vst.add.f32.msk $0xffff, v1;
	v20 =	vpsel p0, v8, v6;
	v61 =	vand.u32 $0xFFFF0000, v62;
	v17 =	vadd.f32 v17, v18  }
0x51b: {  	[tilespmem:s0+$0x0] =	vst.add.f32.msk $0xffff, v2;
	v0 =	vadd.f32 v61, v20  }
0x51c: {  	[tilespmem:s0+$0x3C0] =	vst.add.f32.msk $0xffff, v17  }
0x51d: {  	s21 =	sor.u32 $0x70, s15;
	v29 =	vpsel p3, v4, v60;
	v22 =	vpsel p2, v5, v63;
	v21 =	vpsel p4, v4, v60;
	s20 =	sld [smem:$0x7E2];
	[tilespmem:s0+$0x3D0] =	vst.add.f32.msk $0xffff, v0  }
0x51e: {  	s24 =	sor.u32 $0x50, s3;
	v56 =	vpsel p6, v46, v45;
	v57 =	vpsel p6, v12, v10;
	v35 =	vpsel p6, v9, v7;
	v0 =	vld [tilespmem:s21+$0x3280]  }
0x51f: {  	s28 =	sld [smem:$0x7E3];
	v36 =	vpsel p6, v8, v6;
	v28 =	vpsel p3, v5, v63;
	v25 =	vpsel p4, v5, v63;
	v58 =	vld [tilespmem:s24+$0x3280]  }
0x520: {  	v27 =	vpsel p1, v4, v60;
	v30 =	vpsel p1, v5, v63;
	p0 =	seq.s32 s20, $0x1;
	v1 =	vld [tilespmem:s2+$0x3290];
	v19 =	vadd.f32 v26, v56  }
0x521: {  	v59 =	vld [tilespmem:s7+$0x3290];
	v56 =	vpsel p6, v13, v11;
	v26 =	vpsel p2, v4, v60;
	v23 =	vpsel p0, v4, v60  }
0x522: {  	s25 =	sor.u32 $0x50, s8;
	[tilespmem:s0+$0x300] =	vst.add.f32.msk $0xffff, v19;
	v19 =	vpsel p5, v4, v60;
	v18 =	vpsel p6, v5, v63;
	v17 =	vpsel p6, v4, v60;
	p6 =	seq.s32 s28, $0x1  }
0x523: {  	v60 =	vld [tilespmem:s25+$0x3280];
	v62 =	vpsel p6, v5, v63;
	v61 =	vshll.u32 v0, $0x10;
	v0 =	vand.u32 $0xFFFF0000, v0  }
0x524: {  	s29 =	sor.u32 $0x50, s10;
	v24 =	vpsel p0, v5, v63;
	v20 =	vpsel p5, v5, v63;
	v63 =	vld [tilespmem:s9+$0x3290];
	v0 =	vadd.f32 v0, v62  }
0x525: {  	v46 =	vpsel p1, v13, v11;
	v31 =	vadd.f32 v61, v31;
	v61 =	vshll.u32 v1, $0x10;
	v62 =	vld [tilespmem:s29+$0x3280]  }
0x526: {  	v47 =	vpsel p1, v12, v10;
	v1 =	vand.u32 $0xFFFF0000, v1;
	v46 =	vadd.f32 v61, v46;
	[tilespmem:s0+$0x3F0] =	vst.add.f32.msk $0xffff, v0  }
0x527: {  	v0 =	vadd.f32 v1, v47;
	v1 =	vshll.u32 v59, $0x10;
	v47 =	vand.u32 $0xFFFF0000, v59;
	v59 =	vld [tilespmem:s14+$0x3290]  }
0x528: {  	v48 =	vpsel p3, v13, v11;
	[tilespmem:s0+$0x3E0] =	vst.add.f32.msk $0xffff, v31  }
0x529: {  	v49 =	vpsel p3, v12, v10;
	v50 =	vpsel p2, v13, v11;
	v61 =	vshll.u32 v58, $0x10;
	[tilespmem:s0+$0x20] =	vst.add.f32.msk $0xffff, v46  }
0x52a: {  	v58 =	vand.u32 $0xFFFF0000, v58;
	v46 =	vadd.f32 v61, v48;
	v1 =	vadd.f32 v1, v50;
	[tilespmem:s0+$0x30] =	vst.add.f32.msk $0xffff, v0  }
0x52b: {  	v0 =	vadd.f32 v58, v49;
	v49 =	vshll.u32 v63, $0x10;
	v58 =	vand.u32 $0xFFFF0000, v63;
	v63 =	vld [tilespmem:$0x1FFC0]  }
0x52c: {  	[tilespmem:s0+$0xA0] =	vst.add.f32.msk $0xffff, v46  }
0x52d: {  	v2 =	vpsel p5, v13, v11;
	v3 =	vpsel p2, v12, v10;
	v48 =	vshll.u32 v60, $0x10;
	[tilespmem:s0+$0x120] =	vst.add.f32.msk $0xffff, v1  }
0x52e: {  	v46 =	vshll.u32 v62, $0x10;
	v50 =	vand.u32 $0xFFFF0000, v62;
	v62 =	vadd.f32 v47, v3;
	[tilespmem:s0+$0xB0] =	vst.add.f32.msk $0xffff, v0  }
0x52f: {  	v60 =	vand.u32 $0xFFFF0000, v60;
	v3 =	vadd.f32 v48, v51;
	v2 =	vadd.f32 v46, v2;
	v46 =	vld [tilespmem:$0x1FFE0]  }
0x530: {  	v53 =	vpsel p4, v13, v11;
	v1 =	vadd.f32 v60, v52;
	[tilespmem:s0+$0x130] =	vst.add.f32.msk $0xffff, v62  }
0x531: {  	v61 =	vadd.f32 v49, v53;
	[tilespmem:s0+$0x1A0] =	vst.add.f32.msk $0xffff, v3  }
0x532: {  	[tilespmem:s0+$0x1B0] =	vst.add.f32.msk $0xffff, v1  }
0x533: {  	s30 =	sor.u32 $0x60, s3;
	[tilespmem:s0+$0x220] =	vst.add.f32.msk $0xffff, v61  }
0x534: {  	v54 =	vpsel p4, v12, v10;
	v53 =	vld [tilespmem:s30+$0x3280]  }
0x535: {  	v55 =	vpsel p5, v12, v10;
	v52 =	vshll.u32 v59, $0x10;
	v62 =	vadd.f32 v58, v54;
	[tilespmem:s0+$0x2A0] =	vst.add.f32.msk $0xffff, v2  }
0x536: {  	v3 =	vadd.f32 v50, v55;
	v50 =	vadd.f32 v52, v56;
	v52 =	vld [tilespmem:s2+$0x32A0]  }
0x537: {  	v54 =	vld [tilespmem:s7+$0x32A0]  }
0x538: {  	[tilespmem:s0+$0x230] =	vst.add.f32.msk $0xffff, v62  }
0x539: {  	s31 =	sor.u32 $0x60, s8;
	v60 =	vand.u32 $0xFFFF0000, v59;
	[tilespmem:s0+$0x2B0] =	vst.add.f32.msk $0xffff, v3  }
0x53a: {  	v51 =	vadd.f32 v60, v57;
	v3 =	vld [tilespmem:s31+$0x3280]  }
0x53b: {  	[tilespmem:s0+$0x320] =	vst.add.f32.msk $0xffff, v50  }
0x53c: {  	[tilespmem:s0+$0x330] =	vst.add.f32.msk $0xffff, v51  }
0x53d: {  	v43 =	vpsel p3, v9, v7;
	s15 =	sor.u32 $0x60, s10;
	v55 =	vld [tilespmem:s9+$0x32A0];
	v58 =	vshll.u32 v53, $0x10  }
0x53e: {  	v39 =	vpsel p3, v8, v6;
	v57 =	vld [tilespmem:s15+$0x3280];
	v1 =	vand.u32 $0xFFFF0000, v53;
	v61 =	vadd.f32 v58, v43  }
0x53f: {  	v45 =	vpsel p1, v9, v7;
	v59 =	vld [tilespmem:s14+$0x32A0];
	v56 =	vshll.u32 v52, $0x10;
	v50 =	vadd.f32 v1, v39  }
0x540: {  	v44 =	vpsel p1, v8, v6;
	v0 =	vand.u32 $0xFFFF0000, v52;
	v45 =	vadd.f32 v56, v45;
	[tilespmem:s0+$0xC0] =	vst.add.f32.msk $0xffff, v61  }
0x541: {  	v0 =	vadd.f32 v0, v44;
	[tilespmem:s0+$0xD0] =	vst.add.f32.msk $0xffff, v50  }
0x542: {  	v33 =	vpsel p2, v9, v7;
	v60 =	vshll.u32 v54, $0x10;
	[tilespmem:s0+$0x40] =	vst.add.f32.msk $0xffff, v45  }
0x543: {  	v32 =	vpsel p2, v8, v6;
	v2 =	vand.u32 $0xFFFF0000, v54;
	v53 =	vadd.f32 v60, v33;
	[tilespmem:s0+$0x50] =	vst.add.f32.msk $0xffff, v0  }
0x544: {  	v56 =	vadd.f32 v2, v32;
	v45 =	vld [tilespmem:$0x1FFD0]  }
0x545: {  	v38 =	vpsel p0, v8, v6;
	v62 =	vshll.u32 v3, $0x10;
	v3 =	vand.u32 $0xFFFF0000, v3;
	[tilespmem:s0+$0x140] =	vst.add.f32.msk $0xffff, v53  }
0x546: {  	s18 =	sor.u32 $0x70, s3;
	v3 =	vadd.f32 v3, v38;
	[tilespmem:s0+$0x150] =	vst.add.f32.msk $0xffff, v56  }
0x547: {  	v40 =	vpsel p4, v9, v7;
	v39 =	vld [tilespmem:s18+$0x3280]  }
0x548: {  	v37 =	vpsel p0, v9, v7;
	v51 =	vshll.u32 v55, $0x10;
	v52 =	vand.u32 $0xFFFF0000, v55;
	[tilespmem:s0+$0x1D0] =	vst.add.f32.msk $0xffff, v3  }
0x549: {  	v54 =	vshll.u32 v57, $0x10;
	v55 =	vand.u32 $0xFFFF0000, v57;
	v57 =	vshll.u32 v59, $0x10;
	v38 =	vld [tilespmem:s2+$0x32B0]  }
0x54a: {  	s11 =	sadd.s32 $0x8, s11;
	v58 =	vand.u32 $0xFFFF0000, v59;
	v59 =	vadd.f32 v62, v37;
	v60 =	vadd.f32 v51, v40;
	v40 =	vld [tilespmem:s7+$0x32B0]  }
0x54b: {  	v41 =	vpsel p4, v8, v6;
	v2 =	vadd.f32 v57, v35;
	v57 =	vld [tilespmem:s11+$0x0]  }
0x54c: {  	v34 =	vpsel p5, v9, v7;
	v61 =	vadd.f32 v52, v41;
	[tilespmem:s0+$0x1C0] =	vst.add.f32.msk $0xffff, v59  }
0x54d: {  	v42 =	vpsel p5, v8, v6;
	v62 =	vadd.f32 v54, v34;
	[tilespmem:s0+$0x240] =	vst.add.f32.msk $0xffff, v60  }
0x54e: {  	s16 =	sadd.s32 $0x1841, s12;
	v37 =	vadd.f32 v55, v42;
	[tilespmem:s0+$0x250] =	vst.add.f32.msk $0xffff, v61  }
0x54f: {  	s17 =	sand.u32 $0xFFF8, s16;
	[tilespmem:s0+$0x2C0] =	vst.add.f32.msk $0xffff, v62  }
0x550: {  	s15 =	sshrl.u32 s17, $0x3;
	v3 =	vadd.f32 v58, v36;
	[tilespmem:s0+$0x2D0] =	vst.add.f32.msk $0xffff, v37  }
0x551: {  	s15 =	smul.u32 $0x147B, s15;
	[tilespmem:s0+$0x340] =	vst.add.f32.msk $0xffff, v2  }
0x552: {  	s21 =	sor.u32 $0x70, s8;
	[tilespmem:s0+$0x350] =	vst.add.f32.msk $0xffff, v3  }
0x553: {  	s19 =	sshrl.u32 s15, $0x11;
	v3 =	vld [tilespmem:s21+$0x3280]  }
0x554: {  	s24 =	sor.u32 $0x70, s10;
	s20 =	smul.u32 $0xC8, s19;
	v41 =	vld [tilespmem:s9+$0x32B0]  }
0x555: {  	v33 =	vld [tilespmem:s24+$0x3280]  }
0x556: {  	s1 =	ssub.s32 s16, s20;
	v60 =	vld [tilespmem:s11+$0xFFFFFFFE]  }
0x557: {  	s1 =	sshll.u32 s1, $0x6;
	v44 =	vld [tilespmem:s14+$0x32B0];
	v43 =	vshll.u32 v39, $0x10  }
0x558: {  	s3 =	sand.u32 $0xFFC0, s1;
	v61 =	vld [tilespmem:s11+$0xFFFFFFFF];
	v1 =	vand.u32 $0xFFFF0000, v39;
	v42 =	vshll.u32 v38, $0x10;
	v29 =	vadd.f32 v43, v29  }
0x559: {  	v49 =	vadd.f32 v1, v28;
	v32 =	vadd.f32 v42, v27;
	v27 =	vld [tilespmem:s3+$0x3280]  }
0x55a: {  	s25 =	sadd.s32 $0x1842, s12;
	v0 =	vand.u32 $0xFFFF0000, v38;
	[tilespmem:s0+$0xE0] =	vst.add.f32.msk $0xffff, v29  }
0x55b: {  	s30 =	sand.u32 $0xFFF8, s25;
	v47 =	vshll.u32 v40, $0x10;
	v0 =	vadd.f32 v0, v30;
	[tilespmem:s0+$0xF0] =	vst.add.f32.msk $0xffff, v49  }
0x55c: {  	s10 =	sshrl.u32 s30, $0x3;
	v2 =	vand.u32 $0xFFFF0000, v40;
	v26 =	vadd.f32 v47, v26;
	[tilespmem:s0+$0x60] =	vst.add.f32.msk $0xffff, v32  }
0x55d: {  	s13 =	smov.u32 s12;
	s10 =	smul.u32 $0x147B, s10;
	v52 =	vadd.f32 v2, v22;
	[tilespmem:s0+$0x70] =	vst.add.f32.msk $0xffff, v0  }
0x55e: {  	s13 =	sadd.s32 $0x1847, s13;
	s28 =	sadd.s32 $0x1843, s12;
	[tilespmem:s0+$0x160] =	vst.add.f32.msk $0xffff, v26  }
0x55f: {  	s29 =	sadd.s32 $0x1844, s12;
	s31 =	sadd.s32 $0x1845, s12;
	s10 =	sshrl.u32 s10, $0x11;
	v48 =	vshll.u32 v3, $0x10;
	[tilespmem:s0+$0x170] =	vst.add.f32.msk $0xffff, v52  }
0x560: {  	s10 =	smul.u32 $0xC8, s10;
	s20 =	sand.u32 $0xFFF8, s29;
	s18 =	sand.u32 $0xFFF8, s13;
	v3 =	vand.u32 $0xFFFF0000, v3;
	v53 =	vshll.u32 v44, $0x10;
	v23 =	vadd.f32 v48, v23;
	v58 =	vld [tilespmem:s11+$0xFFFFFFFA]  }
0x561: {  	s19 =	sand.u32 $0xFFF8, s28;
	s15 =	sshrl.u32 s20, $0x3;
	s18 =	sshrl.u32 s18, $0x3;
	v50 =	vshll.u32 v41, $0x10;
	v3 =	vadd.f32 v3, v24;
	v2 =	vadd.f32 v53, v17;
	v17 =	vld [tilespmem:s11+$0xFFFFFFFB]  }
0x562: {  	s7 =	ssub.s32 s25, s10;
	s1 =	sadd.s32 $0x1846, s12;
	s15 =	smul.u32 $0x147B, s15;
	v28 =	vand.u32 $0xFFFF0000, v41;
	v55 =	vadd.f32 v50, v21;
	[tilespmem:s0+$0x1E0] =	vst.add.f32.msk $0xffff, v23  }
0x563: {  	s25 =	smul.u32 $0x147B, s18;
	s21 =	sand.u32 $0xFFF8, s31;
	s14 =	sshrl.u32 s19, $0x3;
	v56 =	vadd.f32 v28, v25;
	[tilespmem:s0+$0x1F0] =	vst.add.f32.msk $0xffff, v3  }
0x564: {  	s24 =	sand.u32 $0xFFF8, s1;
	s16 =	sshrl.u32 s21, $0x3;
	s14 =	smul.u32 $0x147B, s14;
	[tilespmem:s0+$0x260] =	vst.add.f32.msk $0xffff, v55  }
0x565: {  	s17 =	sshrl.u32 s24, $0x3;
	s16 =	smul.u32 $0x147B, s16;
	v54 =	vand.u32 $0xFFFF0000, v44;
	[tilespmem:s0+$0x270] =	vst.add.f32.msk $0xffff, v56  }
0x566: {  	s15 =	sshrl.u32 s15, $0x11;
	s17 =	smul.u32 $0x147B, s17;
	v29 =	vshll.u32 v33, $0x10;
	v3 =	vadd.f32 v54, v18;
	v18 =	vld [tilespmem:s11+$0xFFFFFFFC]  }
0x567: {  	s2 =	smov.u32 s4;
	s15 =	smul.u32 $0xC8, s15;
	s14 =	sshrl.u32 s14, $0x11;
	v51 =	vand.u32 $0xFFFF0000, v33;
	v19 =	vadd.f32 v29, v19;
	v59 =	vld [tilespmem:s11+$0xFFFFFFFD]  }
0x568: {  	s12 =	sadd.s32 $0x8, s12;
	s7 =	sshll.u32 s7, $0x6;
	(v2sf) =	vpush v57, $0x0;
	s14 =	smul.u32 $0xC8, s14;
	v20 =	vadd.f32 v51, v20;
	v62 =	vld [tilespmem:s11+$0xFFFFFFF9]  }
0x569: {  	p0 =	slt.u32 s12, $0xC0;
	s16 =	sshrl.u32 s16, $0x11;
	s17 =	sshrl.u32 s17, $0x11;
	[tilespmem:s0+$0x2E0] =	vst.add.f32.msk $0xffff, v19;
	(v2sf) =	vpush v58, $0x0  }
0x56a: {  	s4 =	ssub.s32 s29, s15;
	s16 =	smul.u32 $0xC8, s16;
	s8 =	ssub.s32 s28, s14;
	[tilespmem:s0+$0x2F0] =	vst.add.f32.msk $0xffff, v20;
	(v2sf) =	vpush v17, $0x0  }
.Ltmp5:
0x56b: {  	s29 =	sshrl.u32 s25, $0x11;
	s8 =	sshll.u32 s8, $0x6;
	[tilespmem:s0+$0x360] =	vst.add.f32.msk $0xffff, v2;
	(v2sf) =	vpush v18, $0x0;
	(pc) =	sbr.rel @p0 .LBB2_12-.Ltmp5, $4  }
0x56c: {  	s17 =	smul.u32 $0xC8, s17;
	s4 =	sshll.u32 s4, $0x6;
	s8 =	sand.u32 $0xFFC0, s8;
	[tilespmem:s0+$0x370] =	vst.add.f32.msk $0xffff, v3;
	(v2sf) =	vpush v59, $0x0  }
0x56d: {  	s30 =	smul.u32 $0xC8, s29;
	s9 =	sand.u32 $0xFFC0, s4;
	s28 =	ssub.s32 s31, s16;
	v19 =	vld [tilespmem:s8+$0x3280];
	(v2sf) =	vpush v60, $0x0  }
0x56e: {  	s7 =	sand.u32 $0xFFC0, s7;
	s1 =	ssub.s32 s1, s17;
	s31 =	sshll.u32 s28, $0x6;
	v17 =	vld [tilespmem:s9+$0x3280];
	(v2sf) =	vpush v61, $0x0  }
0x56f: {  	s4 =	sshll.u32 s1, $0x6;
	s1 =	ssub.s32 s13, s30;
	s10 =	sand.u32 $0xFFC0, s31;
	v18 =	vld [tilespmem:s7+$0x3280];
	(v2sf) =	vpush v62, $0x0  }
0x570: {  	_ =	sdelay $0x1  }
0x571: {  	s1 =	sshll.u32 s1, $0x6  }
0x572: {  	s1 =	sand.u32 $0xFFC0, s1  }
0x573: {  	v0 =	vld [tilespmem:s1+$0x3280];
	_ =	sdelay $0x2  }
0x574: {  	s11 =	spop (v2sf)  }
0x575: {  	p1 =	seq.s32 s11, $0x1  }
0x576: {  	v1 =	vshll.u32 v0, $0x10;
	v2 =	vpsel p1, v46, v45  }
0x577: {  	v0 =	vand.u32 $0xFFFF0000, v0;
	v3 =	vpsel p1, v15, v14;
	v1 =	vadd.f32 v1, v2  }
0x578: {  	s0 =	sadd.s32 $0x400, s0;
	v0 =	vadd.f32 v0, v3  }
0x579: {  	[tilespmem:s0+$0x380] =	vst.add.f32.msk $0xffff, v1  }
0x57a: {  	s28 =	sor.u32 $0x50, s1;
	[tilespmem:s0+$0x390] =	vst.add.f32.msk $0xffff, v0  }
0x57b: {  	v0 =	vld [tilespmem:s28+$0x3280];
	_ =	sdelay $0x2  }
0x57c: {  	s29 =	spop (v2sf)  }
0x57d: {  	p2 =	seq.s32 s29, $0x1  }
0x57e: {  	v35 =	vpsel p1, v13, v11;
	s11 =	simm.s32 @!p2 $0x0;
	v34 =	vshll.u32 v0, $0x10  }
0x57f: {  	s12 =	spop (v2sf);
	v36 =	vpsel p1, v12, v10;
	s11 =	simm.s32 @p2 $0x1;
	v0 =	vand.u32 $0xFFFF0000, v0;
	v1 =	vadd.f32 v34, v35  }
0x580: {  	v37 =	vld [tilespmem:s10+$0x3280];
	s13 =	spop (v2sf);
	p0 =	seq.s32 s12, $0x1;
	[smem:$0x7E1] =	sst s11;
	v0 =	vadd.f32 v0, v36  }
0x581: {  	s14 =	spop (v2sf);
	s12 =	simm.s32 @!p0 $0x0;
	[tilespmem:s0+$0x3A0] =	vst.add.f32.msk $0xffff, v1  }
0x582: {  	s30 =	spop (v2sf);
	s12 =	simm.s32 @p0 $0x1;
	[tilespmem:s0+$0x3B0] =	vst.add.f32.msk $0xffff, v0  }
0x583: {  	v38 =	vshll.u32 v27, $0x10;
	v40 =	vand.u32 $0xFFFF0000, v27;
	s16 =	sor.u32 $0x60, s1;
	v39 =	vpsel p2, v46, v45;
	s15 =	spop (v2sf);
	[smem:$0x7E0] =	sst s12  }
0x584: {  	s4 =	sand.u32 $0xFFC0, s4;
	v42 =	vshll.u32 v16, $0x10;
	v20 =	vpsel p2, v15, v14;
	s31 =	spop (v2sf);
	v1 =	vadd.f32 v38, v39;
	v41 =	vld [tilespmem:s16+$0x3280]  }
0x585: {  	v22 =	vshll.u32 v18, $0x10;
	v23 =	vpsel p0, v46, v45;
	p6 =	seq.s32 s31, $0x1;
	v0 =	vadd.f32 v40, v20;
	v21 =	vld [tilespmem:s4+$0x3280]  }
0x586: {  	v44 =	vand.u32 $0xFFFF0000, v16;
	v43 =	vadd.f32 v22, v23;
	v24 =	vpsel p6, v46, v45;
	[tilespmem:s0+$0x80] =	vst.add.f32.msk $0xffff, v1  }
0x587: {  	v52 =	vand.u32 $0xFFFF0000, v19;
	p2 =	seq.s32 s13, $0x1;
	v47 =	vpsel p6, v15, v14;
	v20 =	vadd.f32 v42, v24;
	[tilespmem:s0+$0x90] =	vst.add.f32.msk $0xffff, v0  }
0x588: {  	v48 =	vand.u32 $0xFFFF0000, v18;
	v53 =	vpsel p2, v15, v14;
	p4 =	seq.s32 s30, $0x1;
	v16 =	vadd.f32 v44, v47;
	[tilespmem:s0+$0x100] =	vst.add.f32.msk $0xffff, v43  }
0x589: {  	v2 =	vand.u32 $0xFFFF0000, v37;
	v18 =	vadd.f32 v52, v53;
	v60 =	vpsel p4, v15, v14;
	[tilespmem:s0+$0x0] =	vst.add.f32.msk $0xffff, v20  }
0x58a: {  	v2 =	vadd.f32 v2, v60;
	[tilespmem:s0+$0x10] =	vst.add.f32.msk $0xffff, v16  }
0x58b: {  	[tilespmem:s0+$0x190] =	vst.add.f32.msk $0xffff, v18  }
0x58c: {  	v49 =	vpsel p0, v15, v14;
	[tilespmem:s0+$0x290] =	vst.add.f32.msk $0xffff, v2  }
0x58d: {  	v50 =	vshll.u32 v19, $0x10;
	v51 =	vpsel p2, v46, v45;
	p3 =	seq.s32 s14, $0x1;
	s12 =	sor.u32 $0x50, s3;
	v0 =	vadd.f32 v48, v49;
	v31 =	vld [tilespmem:s2+$0x3290]  }
0x58e: {  	v54 =	vshll.u32 v17, $0x10;
	v55 =	vpsel p3, v46, v45;
	v1 =	vadd.f32 v50, v51;
	v32 =	vld [tilespmem:s12+$0x3280]  }
0x58f: {  	v58 =	vshll.u32 v37, $0x10;
	v59 =	vpsel p4, v46, v45;
	v16 =	vadd.f32 v54, v55;
	[tilespmem:s0+$0x110] =	vst.add.f32.msk $0xffff, v0  }
0x590: {  	v56 =	vand.u32 $0xFFFF0000, v17;
	v57 =	vpsel p3, v15, v14;
	[tilespmem:s0+$0x180] =	vst.add.f32.msk $0xffff, v1;
	v1 =	vadd.f32 v58, v59  }
0x591: {  	v24 =	vpsel p1, v9, v7;
	v0 =	vadd.f32 v56, v57;
	[tilespmem:s0+$0x200] =	vst.add.f32.msk $0xffff, v16;
	v23 =	vshll.u32 v41, $0x10  }
0x592: {  	v26 =	vpsel p1, v8, v6;
	[tilespmem:s0+$0x280] =	vst.add.f32.msk $0xffff, v1;
	v25 =	vand.u32 $0xFFFF0000, v41;
	v1 =	vadd.f32 v23, v24  }
0x593: {  	[tilespmem:s0+$0x210] =	vst.add.f32.msk $0xffff, v0;
	v27 =	vadd.f32 v25, v26  }
0x594: {  	[tilespmem:s0+$0x3C0] =	vst.add.f32.msk $0xffff, v1  }
0x595: {  	s1 =	sor.u32 $0x70, s1;
	p5 =	seq.s32 s15, $0x1;
	[tilespmem:s0+$0x3D0] =	vst.add.f32.msk $0xffff, v27  }
0x596: {  	v62 =	vmovc v15;
	v19 =	vmov v14;
	s13 =	sor.u32 $0x50, s8;
	v20 =	vpsel p5, v46, v45;
	v61 =	vshll.u32 v21, $0x10;
	v0 =	vld [tilespmem:s1+$0x3280]  }
0x597: {  	s14 =	sor.u32 $0x50, s10;
	v29 =	vpsel p5, v62, v19;
	v35 =	vld [tilespmem:s13+$0x3280];
	v28 =	vand.u32 $0xFFFF0000, v21;
	v22 =	vadd.f32 v61, v20  }
0x598: {  	v42 =	vld [tilespmem:s14+$0x3280];
	v30 =	vadd.f32 v28, v29  }
0x599: {  	[tilespmem:s0+$0x300] =	vst.add.f32.msk $0xffff, v22  }
0x59a: {  	[tilespmem:s0+$0x310] =	vst.add.f32.msk $0xffff, v30  }
0x59b: {  	v36 =	vmov v13;
	v38 =	vpsel p1, v5, v63;
	v46 =	vld [tilespmem:s4+$0x3290];
	v37 =	vand.u32 $0xFFFF0000, v0  }
0x59c: {  	v34 =	vmovc v12;
	v40 =	vpsel p6, v36, v11;
	v39 =	vld [tilespmem:s9+$0x3290];
	v41 =	vshll.u32 v31, $0x10;
	v13 =	vadd.f32 v37, v38  }
0x59d: {  	v43 =	vpsel p6, v34, v10;
	v33 =	vld [tilespmem:s7+$0x3290];
	v14 =	vadd.f32 v41, v40;
	v1 =	vand.u32 $0xFFFF0000, v31  }
0x59e: {  	v53 =	vpsel p2, v36, v11;
	v54 =	vshll.u32 v35, $0x10;
	v1 =	vadd.f32 v1, v43;
	[tilespmem:s0+$0x3F0] =	vst.add.f32.msk $0xffff, v13  }
0x59f: {  	v16 =	vpsel p4, v36, v11;
	v58 =	vadd.f32 v54, v53;
	v19 =	vshll.u32 v42, $0x10;
	s15 =	sld [smem:$0x7E1];
	[tilespmem:s0+$0x20] =	vst.add.f32.msk $0xffff, v14  }
0x5a0: {  	v25 =	vpsel p5, v36, v11;
	v12 =	vadd.f32 v19, v16;
	v26 =	vshll.u32 v46, $0x10;
	s16 =	sld [smem:$0x7E0];
	[tilespmem:s0+$0x30] =	vst.add.f32.msk $0xffff, v1  }
0x5a1: {  	v61 =	vpsel p3, v34, v10;
	v62 =	vand.u32 $0xFFFF0000, v39;
	v30 =	vadd.f32 v26, v25;
	[tilespmem:s0+$0x1A0] =	vst.add.f32.msk $0xffff, v58  }
0x5a2: {  	v1 =	vadd.f32 v62, v61;
	[tilespmem:s0+$0x2A0] =	vst.add.f32.msk $0xffff, v12  }
0x5a3: {  	v27 =	vpsel p5, v34, v10;
	v28 =	vand.u32 $0xFFFF0000, v46;
	[tilespmem:s0+$0x320] =	vst.add.f32.msk $0xffff, v30  }
0x5a4: {  	p0 =	seq.s32 s15, $0x1;
	[tilespmem:s0+$0x230] =	vst.add.f32.msk $0xffff, v1;
	v1 =	vadd.f32 v28, v27  }
0x5a5: {  	v45 =	vshll.u32 v32, $0x10;
	v31 =	vld [tilespmem:s2+$0x32A0];
	v44 =	vpsel p0, v36, v11  }
0x5a6: {  	v2 =	vand.u32 $0xFFFF0000, v32;
	v47 =	vpsel p0, v34, v10;
	v13 =	vadd.f32 v45, v44;
	[tilespmem:s0+$0x330] =	vst.add.f32.msk $0xffff, v1  }
0x5a7: {  	v56 =	vpsel p2, v34, v10;
	v57 =	vand.u32 $0xFFFF0000, v35;
	p0 =	seq.s32 s16, $0x1;
	v50 =	vadd.f32 v2, v47;
	v40 =	vld [tilespmem:s4+$0x32A0]  }
0x5a8: {  	v49 =	vshll.u32 v33, $0x10;
	v48 =	vpsel p0, v36, v11;
	v2 =	vadd.f32 v57, v56;
	[tilespmem:s0+$0xA0] =	vst.add.f32.msk $0xffff, v13  }
0x5a9: {  	v3 =	vand.u32 $0xFFFF0000, v33;
	v51 =	vpsel p0, v34, v10;
	v52 =	vadd.f32 v49, v48;
	[tilespmem:s0+$0xB0] =	vst.add.f32.msk $0xffff, v50  }
0x5aa: {  	v55 =	vadd.f32 v3, v51;
	[tilespmem:s0+$0x1B0] =	vst.add.f32.msk $0xffff, v2  }
0x5ab: {  	[tilespmem:s0+$0x120] =	vst.add.f32.msk $0xffff, v52  }
0x5ac: {  	s17 =	sor.u32 $0x60, s3;
	v59 =	vpsel p3, v36, v11;
	v60 =	vshll.u32 v39, $0x10;
	[tilespmem:s0+$0x130] =	vst.add.f32.msk $0xffff, v55  }
0x5ad: {  	s18 =	sor.u32 $0x60, s8;
	v22 =	vpsel p4, v34, v10;
	v23 =	vand.u32 $0xFFFF0000, v42;
	v13 =	vadd.f32 v60, v59;
	v32 =	vld [tilespmem:s17+$0x3280]  }
0x5ae: {  	v2 =	vadd.f32 v23, v22;
	v34 =	vld [tilespmem:s18+$0x3280]  }
0x5af: {  	[tilespmem:s0+$0x220] =	vst.add.f32.msk $0xffff, v13  }
0x5b0: {  	[tilespmem:s0+$0x2B0] =	vst.add.f32.msk $0xffff, v2  }
0x5b1: {  	v24 =	vmov v9;
	v33 =	vld [tilespmem:s7+$0x32A0]  }
0x5b2: {  	v29 =	vmov v8;
	v37 =	vpsel p6, v24, v7;
	v38 =	vshll.u32 v31, $0x10;
	v18 =	vld [tilespmem:$0x1FF40]  }
0x5b3: {  	s19 =	sor.u32 $0x60, s10;
	v39 =	vpsel p6, v29, v6;
	v1 =	vand.u32 $0xFFFF0000, v31;
	v9 =	vadd.f32 v38, v37;
	v36 =	vld [tilespmem:s9+$0x32A0]  }
0x5b4: {  	v1 =	vadd.f32 v1, v39;
	v12 =	vld [tilespmem:s19+$0x3280]  }
0x5b5: {  	v20 =	vpsel p5, v24, v7;
	v53 =	vpsel p2, v29, v6;
	s20 =	sld [smem:$0x7E1];
	[tilespmem:s0+$0x40] =	vst.add.f32.msk $0xffff, v9;
	v21 =	vshll.u32 v40, $0x10  }
0x5b6: {  	v50 =	vpsel p2, v24, v7;
	[tilespmem:s0+$0x50] =	vst.add.f32.msk $0xffff, v1;
	v22 =	vadd.f32 v21, v20;
	v51 =	vshll.u32 v34, $0x10  }
0x5b7: {  	v0 =	vshll.u32 v0, $0x10;
	v26 =	vld [tilespmem:s2+$0x32B0];
	v54 =	vand.u32 $0xFFFF0000, v34;
	v55 =	vadd.f32 v51, v50  }
0x5b8: {  	v45 =	vpsel p0, v24, v7;
	v46 =	vshll.u32 v33, $0x10;
	v1 =	vadd.f32 v54, v53;
	[tilespmem:s0+$0x340] =	vst.add.f32.msk $0xffff, v22  }
0x5b9: {  	v47 =	vpsel p0, v29, v6;
	v48 =	vand.u32 $0xFFFF0000, v33;
	v49 =	vadd.f32 v46, v45;
	[tilespmem:s0+$0x1C0] =	vst.add.f32.msk $0xffff, v55  }
0x5ba: {  	v58 =	vpsel p3, v29, v6;
	v62 =	vpsel p4, v29, v6;
	v52 =	vadd.f32 v48, v47;
	[tilespmem:s0+$0x1D0] =	vst.add.f32.msk $0xffff, v1  }
0x5bb: {  	v56 =	vpsel p3, v24, v7;
	v60 =	vpsel p4, v24, v7;
	v35 =	vpsel p1, v4, v18;
	[tilespmem:s0+$0x140] =	vst.add.f32.msk $0xffff, v49  }
0x5bc: {  	s24 =	sor.u32 $0x70, s8;
	v23 =	vpsel p5, v29, v6;
	p1 =	seq.s32 s20, $0x1;
	v57 =	vshll.u32 v36, $0x10;
	v0 =	vadd.f32 v0, v35;
	[tilespmem:s0+$0x150] =	vst.add.f32.msk $0xffff, v52  }
0x5bd: {  	v61 =	vshll.u32 v12, $0x10;
	v43 =	vpsel p1, v29, v6;
	v8 =	vadd.f32 v57, v56;
	v29 =	vld [tilespmem:s24+$0x3280]  }
0x5be: {  	v10 =	vand.u32 $0xFFFF0000, v12;
	v3 =	vadd.f32 v61, v60;
	[tilespmem:s0+$0x3E0] =	vst.add.f32.msk $0xffff, v0  }
0x5bf: {  	v1 =	vadd.f32 v10, v62;
	[tilespmem:s0+$0x240] =	vst.add.f32.msk $0xffff, v8  }
0x5c0: {  	v42 =	vshll.u32 v32, $0x10;
	v41 =	vpsel p1, v24, v7;
	[tilespmem:s0+$0x2C0] =	vst.add.f32.msk $0xffff, v3  }
0x5c1: {  	v24 =	vand.u32 $0xFFFF0000, v40;
	v44 =	vadd.f32 v42, v41;
	[tilespmem:s0+$0x2D0] =	vst.add.f32.msk $0xffff, v1  }
0x5c2: {  	v25 =	vadd.f32 v24, v23;
	v28 =	vld [tilespmem:s7+$0x32B0]  }
0x5c3: {  	v31 =	vpsel p6, v4, v18;
	v33 =	vshll.u32 v26, $0x10;
	[tilespmem:s0+$0xC0] =	vst.add.f32.msk $0xffff, v44  }
0x5c4: {  	s25 =	sor.u32 $0x70, s10;
	v30 =	vmov v4;
	v2 =	vand.u32 $0xFFFF0000, v32;
	v4 =	vadd.f32 v33, v31;
	[tilespmem:s0+$0x350] =	vst.add.f32.msk $0xffff, v25  }
0x5c5: {  	v0 =	vadd.f32 v2, v43;
	v35 =	vld [tilespmem:s25+$0x3280]  }
0x5c6: {  	v59 =	vand.u32 $0xFFFF0000, v36;
	[tilespmem:s0+$0x60] =	vst.add.f32.msk $0xffff, v4  }
0x5c7: {  	s21 =	sor.u32 $0x70, s3;
	[tilespmem:s0+$0xD0] =	vst.add.f32.msk $0xffff, v0;
	v0 =	vadd.f32 v59, v58  }
0x5c8: {  	v19 =	vmov v5;
	v27 =	vld [tilespmem:s21+$0x3280]  }
0x5c9: {  	v34 =	vpsel p6, v19, v63;
	[tilespmem:s0+$0x250] =	vst.add.f32.msk $0xffff, v0;
	v0 =	vand.u32 $0xFFFF0000, v26  }
0x5ca: {  	v46 =	vpsel p2, v30, v18;
	v38 =	vld [tilespmem:s4+$0x32B0];
	v47 =	vshll.u32 v29, $0x10;
	v0 =	vadd.f32 v0, v34  }
0x5cb: {  	v41 =	vpsel p0, v30, v18;
	v32 =	vld [tilespmem:s9+$0x32B0];
	v42 =	vshll.u32 v28, $0x10;
	v51 =	vadd.f32 v47, v46  }
0x5cc: {  	v44 =	vpsel p0, v19, v63;
	v2 =	vand.u32 $0xFFFF0000, v28;
	v45 =	vadd.f32 v42, v41;
	[tilespmem:s0+$0x70] =	vst.add.f32.msk $0xffff, v0  }
0x5cd: {  	v56 =	vpsel p4, v30, v18;
	v48 =	vadd.f32 v2, v44;
	v57 =	vshll.u32 v35, $0x10;
	[tilespmem:s0+$0x1E0] =	vst.add.f32.msk $0xffff, v51  }
0x5ce: {  	v36 =	vpsel p1, v30, v18;
	v3 =	vadd.f32 v57, v56;
	v37 =	vshll.u32 v27, $0x10;
	[tilespmem:s0+$0x160] =	vst.add.f32.msk $0xffff, v45  }
0x5cf: {  	v39 =	vpsel p1, v19, v63;
	v1 =	vand.u32 $0xFFFF0000, v27;
	[tilespmem:s0+$0x170] =	vst.add.f32.msk $0xffff, v48;
	v40 =	vadd.f32 v37, v36  }
0x5d0: {  	v49 =	vpsel p2, v19, v63;
	v50 =	vand.u32 $0xFFFF0000, v29;
	v43 =	vadd.f32 v1, v39;
	[tilespmem:s0+$0x2E0] =	vst.add.f32.msk $0xffff, v3  }
0x5d1: {  	v52 =	vpsel p3, v30, v18;
	v1 =	vadd.f32 v50, v49;
	v53 =	vshll.u32 v32, $0x10;
	[tilespmem:s0+$0xE0] =	vst.add.f32.msk $0xffff, v40  }
0x5d2: {  	v54 =	vpsel p3, v19, v63;
	v55 =	vand.u32 $0xFFFF0000, v32;
	[tilespmem:s0+$0xF0] =	vst.add.f32.msk $0xffff, v43;
	v4 =	vadd.f32 v53, v52  }
0x5d3: {  	v58 =	vpsel p4, v19, v63;
	v59 =	vand.u32 $0xFFFF0000, v35;
	v0 =	vadd.f32 v55, v54;
	[tilespmem:s0+$0x1F0] =	vst.add.f32.msk $0xffff, v1  }
0x5d4: {  	v60 =	vpsel p5, v30, v18;
	v61 =	vshll.u32 v38, $0x10;
	v1 =	vadd.f32 v59, v58;
	[tilespmem:s0+$0x260] =	vst.add.f32.msk $0xffff, v4  }
0x5d5: {  	v62 =	vpsel p5, v19, v63;
	v63 =	vand.u32 $0xFFFF0000, v38;
	[tilespmem:s0+$0x270] =	vst.add.f32.msk $0xffff, v0;
	v4 =	vadd.f32 v61, v60  }
0x5d6: {  	v0 =	vadd.f32 v63, v62;
	[tilespmem:s0+$0x2F0] =	vst.add.f32.msk $0xffff, v1  }
0x5d7: {  	[tilespmem:s0+$0x360] =	vst.add.f32.msk $0xffff, v4  }
0x5d8: {  	[tilespmem:s0+$0x370] =	vst.add.f32.msk $0xffff, v0  }
0x5d9: {  	s28 =	simm.s32 $0x4;
	s0 =	rddreg [dreg:$0x9]  }
0x5da: {  	[hbm4b:s0+s6] =	stream.linear.scatter [tilespmem:s26], [sflag:$0x5], $0x6400, $0x38;
	[tilespmem:$0x19180] =	vst v63  }
0x5db: {  	_ =	swait.ge [sflag:s28], $0x6400  }
0x5dc: {  	[sflag:s28] =	ssyncset.done $0x0  }
0x5dd: {  	[sflag:s28] =	ssyncadd.s32 $0xFFFF9C00  }
0x5de: {  	_ =	swait.ge [sflag:s23], $0x6400  }
0x5df: {  	[sflag:s23] =	ssyncset.done $0x0  }
0x5e0: {  	s29 =	simm.s32 $0x6;
	[sflag:s23] =	ssyncadd.s32 $0xFFFF9C00  }
0x5e1: {  	_ =	swait.ge [sflag:s29], $0x6400  }
0x5e2: {  	s30 =	rddreg [dreg:$0xb]  }
0x5e3: {  	s31 =	rddreg [dreg:$0xa];
	s2 =	sadd.s32 $0x1, s30  }
0x5e4: {  	p0 =	sne.s32 s2, s31  }
.Ltmp6:
0x5e5: {  	_ = 	snop;
	(pc) =	sbr.rel @p0 .LBB2_1-.Ltmp6, $3  }
0x5e6: {  	_ =	sdelay $0x1  }
0x5e7: {  	[sflag:s29] =	ssyncset.done $0x0  }
0x5e8: {  	[sflag:s29] =	ssyncadd.s32 $0xFFFF9C00  }
0x5e9: {  	_ =	sfence.sel $0x180000  }
0x5ea: {  	[bflag:$0x0] =	sbarrier.arrive $0xFFFF  }
0x5eb: {  	_ =	strace $0x90000047  }
0x5ec: {  	s0 =	stileid.u32;
	[bflag:$0x2] =	sbarrier.arrive $0xFFFF  }
0x5ed: {  	p0 =	sne.s32 s0, $0x0;
	s0 =	rddreg [dreg:$0x4]  }
0x5ee: {  	s0 =	sadd.s32 @!p0 $0x100000, s0  }
0x5ef: {  	[sflag:s0] =	ssyncadd.tile.s32 @!p0 $0x1;
	_ =	shalt  }
.Lfunc_end2:
_tile_overlayer_lowered:
.L_overlay_start_2:
0x5f0: {  	(tag) =	ssettag $0x2  }
0x5f1: {  	s0 =	rddreg [dreg:$0x0];
	s2 =	stileid.u32  }
0x5f2: {  	s1 =	rddreg [dreg:$0x1];
	p0 =	sne.s32 s2, $0x0  }
0x5f3: {  	s3 =	rddreg [dreg:$0x2];
	[bflag:$0x3] =	sbarrier.arrive $0xFFFF;
	s2 =	simm.s32 @!p0 $0x1C07  }
0x5f4: {  	[timem:s3], [sflag:s2] =	dma.local @!p0 [hbm:s0], s1  }
0x5f5: {  	s0 =	simm.s32 @!p0 $0x7  }
0x5f6: {  	_ =	swait.ge @!p0 [sflag:s0], s1  }
0x5f7: {  	s1 =	ssub.s32 @!p0 $0x0, s1;
	[sflag:s0] =	ssyncset.done @!p0 $0x0  }
0x5f8: {  	[sflag:s0] =	ssyncadd.s32 @!p0 s1  }
0x5f9: {  	[bflag:$0x3] =	sbarrier.arrive $0xFFFF  }
0x5fa: {  	_ =	shalt  }

</sc_bundles>
